<compile_context>
chip_gen: v7x
topology: tpu7x:2x2x1
jax: 0.10.2.dev20260603
libtpu: 0.0.44.dev20260713+nightly
codegen_flags: <defaults>
</compile_context>

<pallas_src>
import functools

import jax
import jax.numpy as jnp
from jax import lax
from jax.experimental import pallas as pl
from jax.experimental.pallas import tpu as pltpu
from jax.experimental.pallas import tpu_sc as plsc

N_BASE = 4
NUM_ROWS = 256
NA = 5
N = 16
T = 1024
CS = 16
NCH = T // CS
NVEC = NUM_ROWS // 16

_LN_POLY = (-0.054862853, 0.43586186, -1.442481, 2.7922552, -1.7306317)
_LN2 = 0.6931471805599453


def _take16(v, idx):
    return lax.gather(
        v, idx[:, None],
        dimension_numbers=lax.GatherDimensionNumbers(
            offset_dims=(), collapsed_slice_dims=(0,), start_index_map=(0,)),
        slice_sizes=(1,),
        mode=lax.GatherScatterMode.PROMISE_IN_BOUNDS)


def _ln_1to8(acc):
    bits = lax.bitcast_convert_type(acc, jnp.int32)
    e = (bits >> 23) - 127
    m = lax.bitcast_convert_type((bits & 0x007FFFFF) | 0x3F800000,
                                 jnp.float32)
    c0, c1, c2, c3, c4 = (jnp.float32(c) for c in _LN_POLY)
    m2 = m * m
    hi = c0 * m2 + (c1 * m + c2)
    lo = c3 * m + c4
    return jnp.float32(_LN2) * e.astype(jnp.float32) + (hi * m2 + lo)


def _sc_body(scores_hbm, out_hbm, buf, outbuf, in_sem):
    wid = lax.axis_index("s") * 2 + lax.axis_index("c")

    @pl.when(wid < N)
    def _():
        n = wid
        zero = jnp.zeros((16,), jnp.float32)
        for k in range(NVEC):
            outbuf[0, pl.ds(16 * k, 16)] = zero
        pltpu.sync_copy(outbuf.at[0], out_hbm.at[0, n])

        iota16 = lax.iota(jnp.int32, 16)
        q4 = iota16 >> 2
        perms = [jnp.int32(4 * m) + q4 for m in range(4)]

        def start(c, b):
            pltpu.async_copy(scores_hbm.at[pl.ds(c * CS, CS), n],
                             buf.at[b], in_sem)

        def wait(b):
            pltpu.make_async_copy(scores_hbm.at[pl.ds(0, CS), n],
                                  buf.at[b], in_sem).wait()

        def run_chunk(c, b, alpha):
            def step(s, alpha):
                new = []
                for k in range(NVEC):
                    terms = [buf[b, s, 0, pl.ds(16 * k, 16)] + alpha[k]]
                    for i in range(N_BASE):
                        g = _take16(alpha[4 * i + k // 4], perms[k % 4])
                        terms.append(buf[b, s, 1 + i, pl.ds(16 * k, 16)] + g)
                    mx = jnp.maximum(jnp.maximum(terms[0], terms[1]),
                                     jnp.maximum(terms[2], terms[3]))
                    mx = jnp.maximum(mx, terms[4])
                    e = [jnp.exp(t - mx) for t in terms]
                    acc = (e[0] + e[1]) + ((e[2] + e[3]) + e[4])
                    out = mx + _ln_1to8(acc)
                    outbuf[s, pl.ds(16 * k, 16)] = out
                    new.append(out)
                return tuple(new)

            alpha = lax.fori_loop(0, CS, step, alpha)
            pltpu.sync_copy(outbuf, out_hbm.at[pl.ds(1 + c * CS, CS), n])
            return alpha

        start(0, 0)

        def chunk_pair(g, alpha):
            c0 = 2 * g
            wait(0)
            start(c0 + 1, 1)
            alpha = run_chunk(c0, 0, alpha)
            wait(1)

            @pl.when(c0 + 2 < NCH)
            def _next():
                start(c0 + 2, 0)

            return run_chunk(c0 + 1, 1, alpha)

        lax.fori_loop(0, NCH // 2, chunk_pair,
                      tuple(zero for _ in range(NVEC)))


@jax.jit
def kernel(scores):
    mt = scores.reshape(T, N, NUM_ROWS, NA).swapaxes(2, 3)
    run = functools.partial(
        pl.kernel,
        mesh=plsc.VectorSubcoreMesh(core_axis_name="c", subcore_axis_name="s"),
        out_type=jax.ShapeDtypeStruct((T + 1, N, NUM_ROWS), jnp.float32),
        scratch_types=[
            pltpu.VMEM((2, CS, NA, NUM_ROWS), jnp.float32),
            pltpu.VMEM((CS, NUM_ROWS), jnp.float32),
            pltpu.SemaphoreType.DMA,
        ],
    )(_sc_body)
    return run(mt)

# --- scband reference (transcript-rebuilt; emitter-appended) ---
"""Pipeline reference for scband-model-87943750353492 (READ-ONLY COPY).

The authoritative reference and input builder live on the scoring server;
editing this copy changes nothing except your own understanding.
"""

import jax, jax.numpy as jnp
import numpy as np

N_BASE = 4
STATE_LEN = 4
NUM_ROWS = N_BASE ** STATE_LEN  # 256
NA = N_BASE + 1  # 5


def _build_idx():
    # Faithful reconstruction of CTC_CRF.idx:
    # idx = cat([arange(NR)[:,None], arange(NR).repeat_interleave(n_base).reshape(n_base,-1).T], dim=1)
    # flat[k] = k // n_base; reshape(n_base, NR)[i, j] = (i*NR + j) // n_base; transpose -> idx[j, i+1]
    r = np.arange(NUM_ROWS)
    stay = r[:, None]
    prev = np.stack([(i * NUM_ROWS + r) // N_BASE for i in range(N_BASE)], axis=1)
    # local tooling tweak: keep as numpy (identical semantics; avoids device
    # array creation at import time which breaks mock-mode tooling)
    return np.concatenate([stay, prev], axis=1).astype(np.int32)  # [NUM_ROWS, NA]

IDX = _build_idx()


def setup_inputs(seed: int = 0) -> dict:
    key = jax.random.key(seed)
    scores = jax.random.normal(key, (1024, 16, NUM_ROWS * NA), dtype=jnp.float32)
    return {"scores": scores}


def reference(scores):
    # CTC_CRF.forward_scores with the Log semiring (fwd_scores_cu_sparse equivalent):
    # alpha[t][n, r] = logsumexp_j( Ms[t, n, r, j] + alpha[t-1][n, idx[r, j]] )
    T, N, C = scores.shape
    Ms = scores.reshape(T, N, NUM_ROWS, NA)
    alpha0 = jnp.zeros((N, NUM_ROWS), dtype=scores.dtype)  # Log.one == 0

    def step(alpha, M_t):
        gathered = jnp.take(alpha, IDX, axis=1)  # (N, NUM_ROWS, NA) gather over transition sources
        new = jax.nn.logsumexp(gathered + M_t, axis=-1)  # segment-style reduce over incoming transitions
        return new, new

    _, alphas = jax.lax.scan(step, alpha0, Ms)
    return jnp.concatenate([alpha0[None], alphas], axis=0)  # (T+1, N, NUM_ROWS)

if __name__ == "__main__":
    import jax
    _d = setup_inputs()
    print(jax.jit(kernel)(*tuple(_d.values())))

</pallas_src>

<mosaic_0001>
#map = affine_map<(d0, d1) -> (0, 0, 0, 0)>
#map1 = affine_map<(d0, d1) -> (0, 0, 0)>
module attributes {stable_mosaic.version = 14 : i64} {
  func.func @_sc_body(%arg0: i32, %arg1: i32, %arg2: memref<1024x16x5x256xf32, #tpu.memory_space<hbm>>, %arg3: memref<1025x16x256xf32, #tpu.memory_space<hbm>>, %arg4: memref<2x16x5x256xf32, #tpu.memory_space<vmem>>, %arg5: memref<16x256xf32, #tpu.memory_space<vmem>>, %arg6: memref<!tpu.dma_semaphore, #tpu.memory_space<semaphore_mem>>) attributes {dimension_semantics = [#tpu.dimension_semantics<core_parallel>, #tpu.dimension_semantics<subcore_parallel>], iteration_bounds = array<i64: 2, 16>, scalar_prefetch = 0 : i64, scratch_operands = 3 : i64, tpu.core_type = #tpu.core_type<sc_vector_subcore>, window_params = [{transform_indices = #map}, {transform_indices = #map1}]} {
    %mul3A = arith.constant 2 : i32
    %mul3A_0 = arith.muli %arg1, %mul3A : i32
    %add3A = arith.addi %mul3A_0, %arg0 : i32
    %lt3A = arith.constant 16 : i32
    %lt3A_1 = arith.cmpi slt, %add3A, %lt3A : i32
    %convert_element_type3A = arith.extui %lt3A_1 : i1 to i32
    %cond3A = arith.constant 0 : i32
    %cond3A_2 = arith.cmpi ne, %convert_element_type3A, %cond3A : i32
    scf.if %cond3A_2 {
      %broadcast_in_dim3A = arith.constant 0.000000e+00 : f32
      %broadcast_in_dim3A_3 = vector.broadcast %broadcast_in_dim3A : f32 to vector<16xf32>
      %swap3A = arith.constant 0 : i32
      %swap3A_4 = arith.index_cast %swap3A : i32 to index
      %swap3A_5 = arith.constant 0 : index
      %swap3A_6 = tpu.vector_load %arg5[%swap3A_4, %swap3A_5] {strides = array<i32>} : memref<16x256xf32, #tpu.memory_space<vmem>>, vector<1x16xf32>,
      %swap3A_7 = vector.shape_cast %swap3A_6 : vector<1x16xf32> to vector<16xf32>
      %swap3A_8 = vector.shape_cast %broadcast_in_dim3A_3 : vector<16xf32> to vector<1x16xf32>
      tpu.vector_store %arg5[%swap3A_4, %swap3A_5], %swap3A_8 {strides = array<i32>} : memref<16x256xf32, #tpu.memory_space<vmem>>, vector<1x16xf32>,
      %swap3A_9 = arith.constant 0 : i32
      %swap3A_10 = arith.index_cast %swap3A_9 : i32 to index
      %swap3A_11 = arith.constant 16 : index
      %swap3A_12 = tpu.vector_load %arg5[%swap3A_10, %swap3A_11] {strides = array<i32>} : memref<16x256xf32, #tpu.memory_space<vmem>>, vector<1x16xf32>,
      %swap3A_13 = vector.shape_cast %swap3A_12 : vector<1x16xf32> to vector<16xf32>
      %swap3A_14 = vector.shape_cast %broadcast_in_dim3A_3 : vector<16xf32> to vector<1x16xf32>
      tpu.vector_store %arg5[%swap3A_10, %swap3A_11], %swap3A_14 {strides = array<i32>} : memref<16x256xf32, #tpu.memory_space<vmem>>, vector<1x16xf32>,
      %swap3A_15 = arith.constant 0 : i32
      %swap3A_16 = arith.index_cast %swap3A_15 : i32 to index
      %swap3A_17 = arith.constant 32 : index
      %swap3A_18 = tpu.vector_load %arg5[%swap3A_16, %swap3A_17] {strides = array<i32>} : memref<16x256xf32, #tpu.memory_space<vmem>>, vector<1x16xf32>,
      %swap3A_19 = vector.shape_cast %swap3A_18 : vector<1x16xf32> to vector<16xf32>
      %swap3A_20 = vector.shape_cast %broadcast_in_dim3A_3 : vector<16xf32> to vector<1x16xf32>
      tpu.vector_store %arg5[%swap3A_16, %swap3A_17], %swap3A_20 {strides = array<i32>} : memref<16x256xf32, #tpu.memory_space<vmem>>, vector<1x16xf32>,
      %swap3A_21 = arith.constant 0 : i32
      %swap3A_22 = arith.index_cast %swap3A_21 : i32 to index
      %swap3A_23 = arith.constant 48 : index
      %swap3A_24 = tpu.vector_load %arg5[%swap3A_22, %swap3A_23] {strides = array<i32>} : memref<16x256xf32, #tpu.memory_space<vmem>>, vector<1x16xf32>,
      %swap3A_25 = vector.shape_cast %swap3A_24 : vector<1x16xf32> to vector<16xf32>
      %swap3A_26 = vector.shape_cast %broadcast_in_dim3A_3 : vector<16xf32> to vector<1x16xf32>
      tpu.vector_store %arg5[%swap3A_22, %swap3A_23], %swap3A_26 {strides = array<i32>} : memref<16x256xf32, #tpu.memory_space<vmem>>, vector<1x16xf32>,
      %swap3A_27 = arith.constant 0 : i32
      %swap3A_28 = arith.index_cast %swap3A_27 : i32 to index
      %swap3A_29 = arith.constant 64 : index
      %swap3A_30 = tpu.vector_load %arg5[%swap3A_28, %swap3A_29] {strides = array<i32>} : memref<16x256xf32, #tpu.memory_space<vmem>>, vector<1x16xf32>,
      %swap3A_31 = vector.shape_cast %swap3A_30 : vector<1x16xf32> to vector<16xf32>
      %swap3A_32 = vector.shape_cast %broadcast_in_dim3A_3 : vector<16xf32> to vector<1x16xf32>
      tpu.vector_store %arg5[%swap3A_28, %swap3A_29], %swap3A_32 {strides = array<i32>} : memref<16x256xf32, #tpu.memory_space<vmem>>, vector<1x16xf32>,
      %swap3A_33 = arith.constant 0 : i32
      %swap3A_34 = arith.index_cast %swap3A_33 : i32 to index
      %swap3A_35 = arith.constant 80 : index
      %swap3A_36 = tpu.vector_load %arg5[%swap3A_34, %swap3A_35] {strides = array<i32>} : memref<16x256xf32, #tpu.memory_space<vmem>>, vector<1x16xf32>,
      %swap3A_37 = vector.shape_cast %swap3A_36 : vector<1x16xf32> to vector<16xf32>
      %swap3A_38 = vector.shape_cast %broadcast_in_dim3A_3 : vector<16xf32> to vector<1x16xf32>
      tpu.vector_store %arg5[%swap3A_34, %swap3A_35], %swap3A_38 {strides = array<i32>} : memref<16x256xf32, #tpu.memory_space<vmem>>, vector<1x16xf32>,
      %swap3A_39 = arith.constant 0 : i32
      %swap3A_40 = arith.index_cast %swap3A_39 : i32 to index
      %swap3A_41 = arith.constant 96 : index
      %swap3A_42 = tpu.vector_load %arg5[%swap3A_40, %swap3A_41] {strides = array<i32>} : memref<16x256xf32, #tpu.memory_space<vmem>>, vector<1x16xf32>,
      %swap3A_43 = vector.shape_cast %swap3A_42 : vector<1x16xf32> to vector<16xf32>
      %swap3A_44 = vector.shape_cast %broadcast_in_dim3A_3 : vector<16xf32> to vector<1x16xf32>
      tpu.vector_store %arg5[%swap3A_40, %swap3A_41], %swap3A_44 {strides = array<i32>} : memref<16x256xf32, #tpu.memory_space<vmem>>, vector<1x16xf32>,
      %swap3A_45 = arith.constant 0 : i32
      %swap3A_46 = arith.index_cast %swap3A_45 : i32 to index
      %swap3A_47 = arith.constant 112 : index
      %swap3A_48 = tpu.vector_load %arg5[%swap3A_46, %swap3A_47] {strides = array<i32>} : memref<16x256xf32, #tpu.memory_space<vmem>>, vector<1x16xf32>,
      %swap3A_49 = vector.shape_cast %swap3A_48 : vector<1x16xf32> to vector<16xf32>
      %swap3A_50 = vector.shape_cast %broadcast_in_dim3A_3 : vector<16xf32> to vector<1x16xf32>
      tpu.vector_store %arg5[%swap3A_46, %swap3A_47], %swap3A_50 {strides = array<i32>} : memref<16x256xf32, #tpu.memory_space<vmem>>, vector<1x16xf32>,
      %swap3A_51 = arith.constant 0 : i32
      %swap3A_52 = arith.index_cast %swap3A_51 : i32 to index
      %swap3A_53 = arith.constant 128 : index
      %swap3A_54 = tpu.vector_load %arg5[%swap3A_52, %swap3A_53] {strides = array<i32>} : memref<16x256xf32, #tpu.memory_space<vmem>>, vector<1x16xf32>,
      %swap3A_55 = vector.shape_cast %swap3A_54 : vector<1x16xf32> to vector<16xf32>
      %swap3A_56 = vector.shape_cast %broadcast_in_dim3A_3 : vector<16xf32> to vector<1x16xf32>
      tpu.vector_store %arg5[%swap3A_52, %swap3A_53], %swap3A_56 {strides = array<i32>} : memref<16x256xf32, #tpu.memory_space<vmem>>, vector<1x16xf32>,
      %swap3A_57 = arith.constant 0 : i32
      %swap3A_58 = arith.index_cast %swap3A_57 : i32 to index
      %swap3A_59 = arith.constant 144 : index
      %swap3A_60 = tpu.vector_load %arg5[%swap3A_58, %swap3A_59] {strides = array<i32>} : memref<16x256xf32, #tpu.memory_space<vmem>>, vector<1x16xf32>,
      %swap3A_61 = vector.shape_cast %swap3A_60 : vector<1x16xf32> to vector<16xf32>
      %swap3A_62 = vector.shape_cast %broadcast_in_dim3A_3 : vector<16xf32> to vector<1x16xf32>
      tpu.vector_store %arg5[%swap3A_58, %swap3A_59], %swap3A_62 {strides = array<i32>} : memref<16x256xf32, #tpu.memory_space<vmem>>, vector<1x16xf32>,
      %swap3A_63 = arith.constant 0 : i32
      %swap3A_64 = arith.index_cast %swap3A_63 : i32 to index
      %swap3A_65 = arith.constant 160 : index
      %swap3A_66 = tpu.vector_load %arg5[%swap3A_64, %swap3A_65] {strides = array<i32>} : memref<16x256xf32, #tpu.memory_space<vmem>>, vector<1x16xf32>,
      %swap3A_67 = vector.shape_cast %swap3A_66 : vector<1x16xf32> to vector<16xf32>
      %swap3A_68 = vector.shape_cast %broadcast_in_dim3A_3 : vector<16xf32> to vector<1x16xf32>
      tpu.vector_store %arg5[%swap3A_64, %swap3A_65], %swap3A_68 {strides = array<i32>} : memref<16x256xf32, #tpu.memory_space<vmem>>, vector<1x16xf32>,
      %swap3A_69 = arith.constant 0 : i32
      %swap3A_70 = arith.index_cast %swap3A_69 : i32 to index
      %swap3A_71 = arith.constant 176 : index
      %swap3A_72 = tpu.vector_load %arg5[%swap3A_70, %swap3A_71] {strides = array<i32>} : memref<16x256xf32, #tpu.memory_space<vmem>>, vector<1x16xf32>,
      %swap3A_73 = vector.shape_cast %swap3A_72 : vector<1x16xf32> to vector<16xf32>
      %swap3A_74 = vector.shape_cast %broadcast_in_dim3A_3 : vector<16xf32> to vector<1x16xf32>
      tpu.vector_store %arg5[%swap3A_70, %swap3A_71], %swap3A_74 {strides = array<i32>} : memref<16x256xf32, #tpu.memory_space<vmem>>, vector<1x16xf32>,
      %swap3A_75 = arith.constant 0 : i32
      %swap3A_76 = arith.index_cast %swap3A_75 : i32 to index
      %swap3A_77 = arith.constant 192 : index
      %swap3A_78 = tpu.vector_load %arg5[%swap3A_76, %swap3A_77] {strides = array<i32>} : memref<16x256xf32, #tpu.memory_space<vmem>>, vector<1x16xf32>,
      %swap3A_79 = vector.shape_cast %swap3A_78 : vector<1x16xf32> to vector<16xf32>
      %swap3A_80 = vector.shape_cast %broadcast_in_dim3A_3 : vector<16xf32> to vector<1x16xf32>
      tpu.vector_store %arg5[%swap3A_76, %swap3A_77], %swap3A_80 {strides = array<i32>} : memref<16x256xf32, #tpu.memory_space<vmem>>, vector<1x16xf32>,
      %swap3A_81 = arith.constant 0 : i32
      %swap3A_82 = arith.index_cast %swap3A_81 : i32 to index
      %swap3A_83 = arith.constant 208 : index
      %swap3A_84 = tpu.vector_load %arg5[%swap3A_82, %swap3A_83] {strides = array<i32>} : memref<16x256xf32, #tpu.memory_space<vmem>>, vector<1x16xf32>,
      %swap3A_85 = vector.shape_cast %swap3A_84 : vector<1x16xf32> to vector<16xf32>
      %swap3A_86 = vector.shape_cast %broadcast_in_dim3A_3 : vector<16xf32> to vector<1x16xf32>
      tpu.vector_store %arg5[%swap3A_82, %swap3A_83], %swap3A_86 {strides = array<i32>} : memref<16x256xf32, #tpu.memory_space<vmem>>, vector<1x16xf32>,
      %swap3A_87 = arith.constant 0 : i32
      %swap3A_88 = arith.index_cast %swap3A_87 : i32 to index
      %swap3A_89 = arith.constant 224 : index
      %swap3A_90 = tpu.vector_load %arg5[%swap3A_88, %swap3A_89] {strides = array<i32>} : memref<16x256xf32, #tpu.memory_space<vmem>>, vector<1x16xf32>,
      %swap3A_91 = vector.shape_cast %swap3A_90 : vector<1x16xf32> to vector<16xf32>
      %swap3A_92 = vector.shape_cast %broadcast_in_dim3A_3 : vector<16xf32> to vector<1x16xf32>
      tpu.vector_store %arg5[%swap3A_88, %swap3A_89], %swap3A_92 {strides = array<i32>} : memref<16x256xf32, #tpu.memory_space<vmem>>, vector<1x16xf32>,
      %swap3A_93 = arith.constant 0 : i32
      %swap3A_94 = arith.index_cast %swap3A_93 : i32 to index
      %swap3A_95 = arith.constant 240 : index
      %swap3A_96 = tpu.vector_load %arg5[%swap3A_94, %swap3A_95] {strides = array<i32>} : memref<16x256xf32, #tpu.memory_space<vmem>>, vector<1x16xf32>,
      %swap3A_97 = vector.shape_cast %swap3A_96 : vector<1x16xf32> to vector<16xf32>
      %swap3A_98 = vector.shape_cast %broadcast_in_dim3A_3 : vector<16xf32> to vector<1x16xf32>
      tpu.vector_store %arg5[%swap3A_94, %swap3A_95], %swap3A_98 {strides = array<i32>} : memref<16x256xf32, #tpu.memory_space<vmem>>, vector<1x16xf32>,
      %run_scoped3A = arith.constant 0 : i32
      %run_scoped3A_99 = arith.constant 0 : i32
      "tpu.region"() ({
        %run_scoped3A_139 = tpu.sem_alloc : memref<!tpu.dma_semaphore, #tpu.memory_space<semaphore_mem>>
        %dma_start3A_140 = arith.constant 0 : i32
        %dma_start3A_141 = tpu.memref_slice %arg5[%run_scoped3A, %dma_start3A_140] : memref<16x256xf32, #tpu.memory_space<vmem>> -> memref<1x256xf32, #tpu.memory_space<vmem>>
        %dma_start3A_142 = tpu.memref_squeeze %dma_start3A_141 : memref<1x256xf32, #tpu.memory_space<vmem>> -> memref<256xf32, #tpu.memory_space<vmem>>
        %dma_start3A_143 = arith.constant 0 : i32
        %dma_start3A_144 = tpu.memref_slice %arg3[%run_scoped3A_99, %add3A, %dma_start3A_143] : memref<1025x16x256xf32, #tpu.memory_space<hbm>> -> memref<1x1x256xf32, #tpu.memory_space<hbm>>
        %dma_start3A_145 = tpu.memref_squeeze %dma_start3A_144 : memref<1x1x256xf32, #tpu.memory_space<hbm>> -> memref<256xf32, #tpu.memory_space<hbm>>
        %dma_start3A_146 = arith.constant 0 : i32
        %dma_start3A_147 = tpu.memref_slice %arg3[%run_scoped3A_99, %add3A, %dma_start3A_146] : memref<1025x16x256xf32, #tpu.memory_space<hbm>> -> memref<1x1x256xf32, #tpu.memory_space<hbm>>
        %dma_start3A_148 = tpu.memref_squeeze %dma_start3A_147 : memref<1x1x256xf32, #tpu.memory_space<hbm>> -> memref<256xf32, #tpu.memory_space<hbm>>
        %dma_start3A_149 = arith.constant 0 : i32
        %dma_start3A_150 = tpu.memref_slice %arg5[%run_scoped3A, %dma_start3A_149] : memref<16x256xf32, #tpu.memory_space<vmem>> -> memref<1x256xf32, #tpu.memory_space<vmem>>
        %dma_start3A_151 = tpu.memref_squeeze %dma_start3A_150 : memref<1x256xf32, #tpu.memory_space<vmem>> -> memref<256xf32, #tpu.memory_space<vmem>>
        tpu.enqueue_dma source(%dma_start3A_151 : memref<256xf32, #tpu.memory_space<vmem>>) target(%dma_start3A_148 : memref<256xf32, #tpu.memory_space<hbm>>) target_semaphore(%run_scoped3A_139 : memref<!tpu.dma_semaphore, #tpu.memory_space<semaphore_mem>>)
        %dma_wait3A = arith.constant 0 : i32
        %dma_wait3A_152 = tpu.memref_slice %arg5[%run_scoped3A, %dma_wait3A] : memref<16x256xf32, #tpu.memory_space<vmem>> -> memref<1x256xf32, #tpu.memory_space<vmem>>
        %dma_wait3A_153 = tpu.memref_squeeze %dma_wait3A_152 : memref<1x256xf32, #tpu.memory_space<vmem>> -> memref<256xf32, #tpu.memory_space<vmem>>
        %dma_wait3A_154 = arith.constant 0 : i32
        %dma_wait3A_155 = tpu.memref_slice %arg3[%run_scoped3A_99, %add3A, %dma_wait3A_154] : memref<1025x16x256xf32, #tpu.memory_space<hbm>> -> memref<1x1x256xf32, #tpu.memory_space<hbm>>
        %dma_wait3A_156 = tpu.memref_squeeze %dma_wait3A_155 : memref<1x1x256xf32, #tpu.memory_space<hbm>> -> memref<256xf32, #tpu.memory_space<hbm>>
        %dma_wait3A_157 = arith.constant 0 : i32
        %dma_wait3A_158 = tpu.memref_slice %arg3[%run_scoped3A_99, %add3A, %dma_wait3A_157] : memref<1025x16x256xf32, #tpu.memory_space<hbm>> -> memref<1x1x256xf32, #tpu.memory_space<hbm>>
        %dma_wait3A_159 = tpu.memref_squeeze %dma_wait3A_158 : memref<1x1x256xf32, #tpu.memory_space<hbm>> -> memref<256xf32, #tpu.memory_space<hbm>>
        %dma_wait3A_160 = arith.constant 0 : i32
        %dma_wait3A_161 = tpu.memref_slice %arg5[%run_scoped3A, %dma_wait3A_160] : memref<16x256xf32, #tpu.memory_space<vmem>> -> memref<1x256xf32, #tpu.memory_space<vmem>>
        %dma_wait3A_162 = tpu.memref_squeeze %dma_wait3A_161 : memref<1x256xf32, #tpu.memory_space<vmem>> -> memref<256xf32, #tpu.memory_space<vmem>>
        tpu.wait_dma2 semaphore(%run_scoped3A_139 : memref<!tpu.dma_semaphore, #tpu.memory_space<semaphore_mem>>) src(%dma_wait3A_162 : memref<256xf32, #tpu.memory_space<vmem>>) dst(%dma_wait3A_159 : memref<256xf32, #tpu.memory_space<hbm>>)
        tpu.yield
      }) : () -> ()
      %iota3A = tpu.iota {dimensions = array<i32: 0>} : vector<16xi32>
      %shift_right_arithmetic3A = arith.constant 2 : i32
      %shift_right_arithmetic3A_100 = vector.broadcast %shift_right_arithmetic3A : i32 to vector<16xi32>
      %shift_right_arithmetic3A_101 = arith.shrsi %iota3A, %shift_right_arithmetic3A_100 : vector<16xi32>
      %add3A_102 = arith.constant 0 : i32
      %add3A_103 = vector.broadcast %add3A_102 : i32 to vector<16xi32>
      %add3A_104 = arith.addi %add3A_103, %shift_right_arithmetic3A_101 : vector<16xi32>
      %add3A_105 = arith.constant 4 : i32
      %add3A_106 = vector.broadcast %add3A_105 : i32 to vector<16xi32>
      %add3A_107 = arith.addi %add3A_106, %shift_right_arithmetic3A_101 : vector<16xi32>
      %add3A_108 = arith.constant 8 : i32
      %add3A_109 = vector.broadcast %add3A_108 : i32 to vector<16xi32>
      %add3A_110 = arith.addi %add3A_109, %shift_right_arithmetic3A_101 : vector<16xi32>
      %add3A_111 = arith.constant 12 : i32
      %add3A_112 = vector.broadcast %add3A_111 : i32 to vector<16xi32>
      %add3A_113 = arith.addi %add3A_112, %shift_right_arithmetic3A_101 : vector<16xi32>
      %dma_start3A = arith.constant 0 : i32
      %dma_start3A_114 = arith.constant 0 : i32
      %dma_start3A_115 = arith.constant 0 : i32
      %dma_start3A_116 = arith.constant 0 : i32
      %dma_start3A_117 = tpu.memref_slice %arg4[%dma_start3A, %dma_start3A_114, %dma_start3A_115, %dma_start3A_116] : memref<2x16x5x256xf32, #tpu.memory_space<vmem>> -> memref<1x16x5x256xf32, #tpu.memory_space<vmem>>
      %dma_start3A_118 = tpu.memref_squeeze %dma_start3A_117 : memref<1x16x5x256xf32, #tpu.memory_space<vmem>> -> memref<16x5x256xf32, #tpu.memory_space<vmem>>
      %dma_start3A_119 = arith.constant 0 : i32
      %dma_start3A_120 = arith.constant 0 : i32
      %dma_start3A_121 = arith.constant 0 : i32
      %dma_start3A_122 = tpu.memref_slice %arg2[%dma_start3A_119, %add3A, %dma_start3A_120, %dma_start3A_121] : memref<1024x16x5x256xf32, #tpu.memory_space<hbm>> -> memref<16x1x5x256xf32, #tpu.memory_space<hbm>>
      %dma_start3A_123 = tpu.memref_squeeze %dma_start3A_122 : memref<16x1x5x256xf32, #tpu.memory_space<hbm>> -> memref<16x5x256xf32, #tpu.memory_space<hbm>>
      %dma_start3A_124 = arith.constant 0 : i32
      %dma_start3A_125 = arith.constant 0 : i32
      %dma_start3A_126 = arith.constant 0 : i32
      %dma_start3A_127 = tpu.memref_slice %arg4[%dma_start3A, %dma_start3A_124, %dma_start3A_125, %dma_start3A_126] : memref<2x16x5x256xf32, #tpu.memory_space<vmem>> -> memref<1x16x5x256xf32, #tpu.memory_space<vmem>>
      %dma_start3A_128 = tpu.memref_squeeze %dma_start3A_127 : memref<1x16x5x256xf32, #tpu.memory_space<vmem>> -> memref<16x5x256xf32, #tpu.memory_space<vmem>>
      %dma_start3A_129 = arith.constant 0 : i32
      %dma_start3A_130 = arith.constant 0 : i32
      %dma_start3A_131 = arith.constant 0 : i32
      %dma_start3A_132 = tpu.memref_slice %arg2[%dma_start3A_129, %add3A, %dma_start3A_130, %dma_start3A_131] : memref<1024x16x5x256xf32, #tpu.memory_space<hbm>> -> memref<16x1x5x256xf32, #tpu.memory_space<hbm>>
      %dma_start3A_133 = tpu.memref_squeeze %dma_start3A_132 : memref<16x1x5x256xf32, #tpu.memory_space<hbm>> -> memref<16x5x256xf32, #tpu.memory_space<hbm>>
      tpu.enqueue_dma source(%dma_start3A_133 : memref<16x5x256xf32, #tpu.memory_space<hbm>>) target(%dma_start3A_128 : memref<16x5x256xf32, #tpu.memory_space<vmem>>) target_semaphore(%arg6 : memref<!tpu.dma_semaphore, #tpu.memory_space<semaphore_mem>>)
      %scan3A = arith.constant 0 : i32
      %scan3A_134 = arith.constant 32 : i32
      %scan3A_135 = arith.addi %scan3A, %scan3A_134 : i32
      %scan3A_136 = arith.constant 1 : i32
      %scan3A_137:16 = scf.for %scan3A_139 = %scan3A to %scan3A_135 step %scan3A_136 iter_args(%scan3A_140 = %broadcast_in_dim3A_3, %scan3A_141 = %broadcast_in_dim3A_3, %scan3A_142 = %broadcast_in_dim3A_3, %scan3A_143 = %broadcast_in_dim3A_3, %scan3A_144 = %broadcast_in_dim3A_3, %scan3A_145 = %broadcast_in_dim3A_3, %scan3A_146 = %broadcast_in_dim3A_3, %scan3A_147 = %broadcast_in_dim3A_3, %scan3A_148 = %broadcast_in_dim3A_3, %scan3A_149 = %broadcast_in_dim3A_3, %scan3A_150 = %broadcast_in_dim3A_3, %scan3A_151 = %broadcast_in_dim3A_3, %scan3A_152 = %broadcast_in_dim3A_3, %scan3A_153 = %broadcast_in_dim3A_3, %scan3A_154 = %broadcast_in_dim3A_3, %scan3A_155 = %broadcast_in_dim3A_3) -> (vector<16xf32>, vector<16xf32>, vector<16xf32>, vector<16xf32>, vector<16xf32>, vector<16xf32>, vector<16xf32>, vector<16xf32>, vector<16xf32>, vector<16xf32>, vector<16xf32>, vector<16xf32>, vector<16xf32>, vector<16xf32>, vector<16xf32>, vector<16xf32>)  : i32 {
        %mul3A_156 = arith.constant 2 : i32
        %mul3A_157 = arith.muli %mul3A_156, %scan3A_139 : i32
        %dma_wait3A = arith.constant 0 : i32
        %dma_wait3A_158 = arith.constant 0 : i32
        %dma_wait3A_159 = arith.constant 0 : i32
        %dma_wait3A_160 = arith.constant 0 : i32
        %dma_wait3A_161 = tpu.memref_slice %arg4[%dma_wait3A, %dma_wait3A_158, %dma_wait3A_159, %dma_wait3A_160] : memref<2x16x5x256xf32, #tpu.memory_space<vmem>> -> memref<1x16x5x256xf32, #tpu.memory_space<vmem>>
        %dma_wait3A_162 = tpu.memref_squeeze %dma_wait3A_161 : memref<1x16x5x256xf32, #tpu.memory_space<vmem>> -> memref<16x5x256xf32, #tpu.memory_space<vmem>>
        %dma_wait3A_163 = arith.constant 0 : i32
        %dma_wait3A_164 = arith.constant 0 : i32
        %dma_wait3A_165 = arith.constant 0 : i32
        %dma_wait3A_166 = tpu.memref_slice %arg2[%dma_wait3A_163, %add3A, %dma_wait3A_164, %dma_wait3A_165] : memref<1024x16x5x256xf32, #tpu.memory_space<hbm>> -> memref<16x1x5x256xf32, #tpu.memory_space<hbm>>
        %dma_wait3A_167 = tpu.memref_squeeze %dma_wait3A_166 : memref<16x1x5x256xf32, #tpu.memory_space<hbm>> -> memref<16x5x256xf32, #tpu.memory_space<hbm>>
        %dma_wait3A_168 = arith.constant 0 : i32
        %dma_wait3A_169 = arith.constant 0 : i32
        %dma_wait3A_170 = arith.constant 0 : i32
        %dma_wait3A_171 = tpu.memref_slice %arg4[%dma_wait3A, %dma_wait3A_168, %dma_wait3A_169, %dma_wait3A_170] : memref<2x16x5x256xf32, #tpu.memory_space<vmem>> -> memref<1x16x5x256xf32, #tpu.memory_space<vmem>>
        %dma_wait3A_172 = tpu.memref_squeeze %dma_wait3A_171 : memref<1x16x5x256xf32, #tpu.memory_space<vmem>> -> memref<16x5x256xf32, #tpu.memory_space<vmem>>
        %dma_wait3A_173 = arith.constant 0 : i32
        %dma_wait3A_174 = arith.constant 0 : i32
        %dma_wait3A_175 = arith.constant 0 : i32
        %dma_wait3A_176 = tpu.memref_slice %arg2[%dma_wait3A_173, %add3A, %dma_wait3A_174, %dma_wait3A_175] : memref<1024x16x5x256xf32, #tpu.memory_space<hbm>> -> memref<16x1x5x256xf32, #tpu.memory_space<hbm>>
        %dma_wait3A_177 = tpu.memref_squeeze %dma_wait3A_176 : memref<16x1x5x256xf32, #tpu.memory_space<hbm>> -> memref<16x5x256xf32, #tpu.memory_space<hbm>>
        tpu.wait_dma2 semaphore(%arg6 : memref<!tpu.dma_semaphore, #tpu.memory_space<semaphore_mem>>) src(%dma_wait3A_177 : memref<16x5x256xf32, #tpu.memory_space<hbm>>) dst(%dma_wait3A_172 : memref<16x5x256xf32, #tpu.memory_space<vmem>>)
        %add3A_178 = arith.constant 1 : i32
        %add3A_179 = arith.addi %mul3A_157, %add3A_178 : i32
        %mul3A_180 = arith.constant 16 : i32
        %mul3A_181 = arith.muli %add3A_179, %mul3A_180 : i32
        %dma_start3A_182 = arith.constant 1 : i32
        %dma_start3A_183 = arith.constant 0 : i32
        %dma_start3A_184 = arith.constant 0 : i32
        %dma_start3A_185 = arith.constant 0 : i32
        %dma_start3A_186 = tpu.memref_slice %arg4[%dma_start3A_182, %dma_start3A_183, %dma_start3A_184, %dma_start3A_185] : memref<2x16x5x256xf32, #tpu.memory_space<vmem>> -> memref<1x16x5x256xf32, #tpu.memory_space<vmem>>
        %dma_start3A_187 = tpu.memref_squeeze %dma_start3A_186 : memref<1x16x5x256xf32, #tpu.memory_space<vmem>> -> memref<16x5x256xf32, #tpu.memory_space<vmem>>
        %dma_start3A_188 = arith.constant 0 : i32
        %dma_start3A_189 = arith.constant 0 : i32
        %dma_start3A_190 = tpu.memref_slice %arg2[%mul3A_181, %add3A, %dma_start3A_188, %dma_start3A_189] : memref<1024x16x5x256xf32, #tpu.memory_space<hbm>> -> memref<16x1x5x256xf32, #tpu.memory_space<hbm>>
        %dma_start3A_191 = tpu.memref_squeeze %dma_start3A_190 : memref<16x1x5x256xf32, #tpu.memory_space<hbm>> -> memref<16x5x256xf32, #tpu.memory_space<hbm>>
        %dma_start3A_192 = arith.constant 0 : i32
        %dma_start3A_193 = arith.constant 0 : i32
        %dma_start3A_194 = arith.constant 0 : i32
        %dma_start3A_195 = tpu.memref_slice %arg4[%dma_start3A_182, %dma_start3A_192, %dma_start3A_193, %dma_start3A_194] : memref<2x16x5x256xf32, #tpu.memory_space<vmem>> -> memref<1x16x5x256xf32, #tpu.memory_space<vmem>>
        %dma_start3A_196 = tpu.memref_squeeze %dma_start3A_195 : memref<1x16x5x256xf32, #tpu.memory_space<vmem>> -> memref<16x5x256xf32, #tpu.memory_space<vmem>>
        %dma_start3A_197 = arith.constant 0 : i32
        %dma_start3A_198 = arith.constant 0 : i32
        %dma_start3A_199 = tpu.memref_slice %arg2[%mul3A_181, %add3A, %dma_start3A_197, %dma_start3A_198] : memref<1024x16x5x256xf32, #tpu.memory_space<hbm>> -> memref<16x1x5x256xf32, #tpu.memory_space<hbm>>
        %dma_start3A_200 = tpu.memref_squeeze %dma_start3A_199 : memref<16x1x5x256xf32, #tpu.memory_space<hbm>> -> memref<16x5x256xf32, #tpu.memory_space<hbm>>
        tpu.enqueue_dma source(%dma_start3A_200 : memref<16x5x256xf32, #tpu.memory_space<hbm>>) target(%dma_start3A_196 : memref<16x5x256xf32, #tpu.memory_space<vmem>>) target_semaphore(%arg6 : memref<!tpu.dma_semaphore, #tpu.memory_space<semaphore_mem>>)
        %scan3A_201 = arith.constant 0 : i32
        %scan3A_202 = arith.constant 16 : i32
        %scan3A_203 = arith.addi %scan3A_201, %scan3A_202 : i32
        %scan3A_204 = arith.constant 1 : i32
        %scan3A_205:16 = scf.for %scan3A_251 = %scan3A_201 to %scan3A_203 step %scan3A_204 iter_args(%scan3A_252 = %scan3A_140, %scan3A_253 = %scan3A_141, %scan3A_254 = %scan3A_142, %scan3A_255 = %scan3A_143, %scan3A_256 = %scan3A_144, %scan3A_257 = %scan3A_145, %scan3A_258 = %scan3A_146, %scan3A_259 = %scan3A_147, %scan3A_260 = %scan3A_148, %scan3A_261 = %scan3A_149, %scan3A_262 = %scan3A_150, %scan3A_263 = %scan3A_151, %scan3A_264 = %scan3A_152, %scan3A_265 = %scan3A_153, %scan3A_266 = %scan3A_154, %scan3A_267 = %scan3A_155) -> (vector<16xf32>, vector<16xf32>, vector<16xf32>, vector<16xf32>, vector<16xf32>, vector<16xf32>, vector<16xf32>, vector<16xf32>, vector<16xf32>, vector<16xf32>, vector<16xf32>, vector<16xf32>, vector<16xf32>, vector<16xf32>, vector<16xf32>, vector<16xf32>)  : i32 {
          %get3A = arith.constant 0 : i32
          %get3A_268 = arith.constant 0 : i32
          %get3A_269 = arith.index_cast %get3A : i32 to index
          %get3A_270 = arith.index_cast %scan3A_251 : i32 to index
          %get3A_271 = arith.index_cast %get3A_268 : i32 to index
          %get3A_272 = arith.constant 0 : index
          %get3A_273 = tpu.vector_load %arg4[%get3A_269, %get3A_270, %get3A_271, %get3A_272] {strides = array<i32>} : memref<2x16x5x256xf32, #tpu.memory_space<vmem>>, vector<1x1x1x16xf32>,
          %get3A_274 = vector.shape_cast %get3A_273 : vector<1x1x1x16xf32> to vector<16xf32>
          %add3A_275 = arith.addf %get3A_274, %scan3A_252 : vector<16xf32>
          %broadcast_in_dim3A_276 = vector.shape_cast %add3A_104 : vector<16xi32> to vector<16x1xi32>
          %gather3A = vector.shape_cast %broadcast_in_dim3A_276 : vector<16x1xi32> to vector<16xi32>
          %gather3A_277 = tpu.dynamic_gather %scan3A_252[%gather3A] in [0] : vector<16xf32>, vector<16xi32> -> vector<16xf32>
          %get3A_278 = arith.constant 0 : i32
          %get3A_279 = arith.constant 1 : i32
          %get3A_280 = arith.index_cast %get3A_278 : i32 to index
          %get3A_281 = arith.index_cast %scan3A_251 : i32 to index
          %get3A_282 = arith.index_cast %get3A_279 : i32 to index
          %get3A_283 = arith.constant 0 : index
          %get3A_284 = tpu.vector_load %arg4[%get3A_280, %get3A_281, %get3A_282, %get3A_283] {strides = array<i32>} : memref<2x16x5x256xf32, #tpu.memory_space<vmem>>, vector<1x1x1x16xf32>,
          %get3A_285 = vector.shape_cast %get3A_284 : vector<1x1x1x16xf32> to vector<16xf32>
          %add3A_286 = arith.addf %get3A_285, %gather3A_277 : vector<16xf32>
          %broadcast_in_dim3A_287 = vector.shape_cast %add3A_104 : vector<16xi32> to vector<16x1xi32>
          %gather3A_288 = vector.shape_cast %broadcast_in_dim3A_287 : vector<16x1xi32> to vector<16xi32>
          %gather3A_289 = tpu.dynamic_gather %scan3A_256[%gather3A_288] in [0] : vector<16xf32>, vector<16xi32> -> vector<16xf32>
          %get3A_290 = arith.constant 0 : i32
          %get3A_291 = arith.constant 2 : i32
          %get3A_292 = arith.index_cast %get3A_290 : i32 to index
          %get3A_293 = arith.index_cast %scan3A_251 : i32 to index
          %get3A_294 = arith.index_cast %get3A_291 : i32 to index
          %get3A_295 = arith.constant 0 : index
          %get3A_296 = tpu.vector_load %arg4[%get3A_292, %get3A_293, %get3A_294, %get3A_295] {strides = array<i32>} : memref<2x16x5x256xf32, #tpu.memory_space<vmem>>, vector<1x1x1x16xf32>,
          %get3A_297 = vector.shape_cast %get3A_296 : vector<1x1x1x16xf32> to vector<16xf32>
          %add3A_298 = arith.addf %get3A_297, %gather3A_289 : vector<16xf32>
          %broadcast_in_dim3A_299 = vector.shape_cast %add3A_104 : vector<16xi32> to vector<16x1xi32>
          %gather3A_300 = vector.shape_cast %broadcast_in_dim3A_299 : vector<16x1xi32> to vector<16xi32>
          %gather3A_301 = tpu.dynamic_gather %scan3A_260[%gather3A_300] in [0] : vector<16xf32>, vector<16xi32> -> vector<16xf32>
          %get3A_302 = arith.constant 0 : i32
          %get3A_303 = arith.constant 3 : i32
          %get3A_304 = arith.index_cast %get3A_302 : i32 to index
          %get3A_305 = arith.index_cast %scan3A_251 : i32 to index
          %get3A_306 = arith.index_cast %get3A_303 : i32 to index
          %get3A_307 = arith.constant 0 : index
          %get3A_308 = tpu.vector_load %arg4[%get3A_304, %get3A_305, %get3A_306, %get3A_307] {strides = array<i32>} : memref<2x16x5x256xf32, #tpu.memory_space<vmem>>, vector<1x1x1x16xf32>,
          %get3A_309 = vector.shape_cast %get3A_308 : vector<1x1x1x16xf32> to vector<16xf32>
          %add3A_310 = arith.addf %get3A_309, %gather3A_301 : vector<16xf32>
          %broadcast_in_dim3A_311 = vector.shape_cast %add3A_104 : vector<16xi32> to vector<16x1xi32>
          %gather3A_312 = vector.shape_cast %broadcast_in_dim3A_311 : vector<16x1xi32> to vector<16xi32>
          %gather3A_313 = tpu.dynamic_gather %scan3A_264[%gather3A_312] in [0] : vector<16xf32>, vector<16xi32> -> vector<16xf32>
          %get3A_314 = arith.constant 0 : i32
          %get3A_315 = arith.constant 4 : i32
          %get3A_316 = arith.index_cast %get3A_314 : i32 to index
          %get3A_317 = arith.index_cast %scan3A_251 : i32 to index
          %get3A_318 = arith.index_cast %get3A_315 : i32 to index
          %get3A_319 = arith.constant 0 : index
          %get3A_320 = tpu.vector_load %arg4[%get3A_316, %get3A_317, %get3A_318, %get3A_319] {strides = array<i32>} : memref<2x16x5x256xf32, #tpu.memory_space<vmem>>, vector<1x1x1x16xf32>,
          %get3A_321 = vector.shape_cast %get3A_320 : vector<1x1x1x16xf32> to vector<16xf32>
          %add3A_322 = arith.addf %get3A_321, %gather3A_313 : vector<16xf32>
          %max3A = arith.maximumf %add3A_275, %add3A_286 : vector<16xf32>
          %max3A_323 = arith.maximumf %add3A_298, %add3A_310 : vector<16xf32>
          %max3A_324 = arith.maximumf %max3A, %max3A_323 : vector<16xf32>
          %max3A_325 = arith.maximumf %max3A_324, %add3A_322 : vector<16xf32>
          %sub3A = arith.subf %add3A_275, %max3A_325 : vector<16xf32>
          %exp3A = math.exp %sub3A : vector<16xf32>
          %sub3A_326 = arith.subf %add3A_286, %max3A_325 : vector<16xf32>
          %exp3A_327 = math.exp %sub3A_326 : vector<16xf32>
          %sub3A_328 = arith.subf %add3A_298, %max3A_325 : vector<16xf32>
          %exp3A_329 = math.exp %sub3A_328 : vector<16xf32>
          %sub3A_330 = arith.subf %add3A_310, %max3A_325 : vector<16xf32>
          %exp3A_331 = math.exp %sub3A_330 : vector<16xf32>
          %sub3A_332 = arith.subf %add3A_322, %max3A_325 : vector<16xf32>
          %exp3A_333 = math.exp %sub3A_332 : vector<16xf32>
          %add3A_334 = arith.addf %exp3A, %exp3A_327 : vector<16xf32>
          %add3A_335 = arith.addf %exp3A_329, %exp3A_331 : vector<16xf32>
          %add3A_336 = arith.addf %add3A_335, %exp3A_333 : vector<16xf32>
          %add3A_337 = arith.addf %add3A_334, %add3A_336 : vector<16xf32>
          %bitcast_convert_type3A = tpu.bitcast %add3A_337 : vector<16xf32> -> vector<16xi32>
          %shift_right_arithmetic3A_338 = arith.constant 23 : i32
          %shift_right_arithmetic3A_339 = vector.broadcast %shift_right_arithmetic3A_338 : i32 to vector<16xi32>
          %shift_right_arithmetic3A_340 = arith.shrsi %bitcast_convert_type3A, %shift_right_arithmetic3A_339 : vector<16xi32>
          %sub3A_341 = arith.constant 127 : i32
          %sub3A_342 = vector.broadcast %sub3A_341 : i32 to vector<16xi32>
          %sub3A_343 = arith.subi %shift_right_arithmetic3A_340, %sub3A_342 : vector<16xi32>
          %and3A = arith.constant 8388607 : i32
          %and3A_344 = vector.broadcast %and3A : i32 to vector<16xi32>
          %and3A_345 = arith.andi %bitcast_convert_type3A, %and3A_344 : vector<16xi32>
          %or3A = arith.constant 1065353216 : i32
          %or3A_346 = vector.broadcast %or3A : i32 to vector<16xi32>
          %or3A_347 = arith.ori %and3A_345, %or3A_346 : vector<16xi32>
          %bitcast_convert_type3A_348 = tpu.bitcast %or3A_347 : vector<16xi32> -> vector<16xf32>
          %mul3A_349 = arith.mulf %bitcast_convert_type3A_348, %bitcast_convert_type3A_348 : vector<16xf32>
          %mul3A_350 = arith.constant -0.0548628531 : f32
          %mul3A_351 = vector.broadcast %mul3A_350 : f32 to vector<16xf32>
          %mul3A_352 = arith.mulf %mul3A_351, %mul3A_349 : vector<16xf32>
          %mul3A_353 = arith.constant 0.435861856 : f32
          %mul3A_354 = vector.broadcast %mul3A_353 : f32 to vector<16xf32>
          %mul3A_355 = arith.mulf %mul3A_354, %bitcast_convert_type3A_348 : vector<16xf32>
          %add3A_356 = arith.constant -1.44248104 : f32
          %add3A_357 = vector.broadcast %add3A_356 : f32 to vector<16xf32>
          %add3A_358 = arith.addf %mul3A_355, %add3A_357 : vector<16xf32>
          %add3A_359 = arith.addf %mul3A_352, %add3A_358 : vector<16xf32>
          %mul3A_360 = arith.constant 2.79225516 : f32
          %mul3A_361 = vector.broadcast %mul3A_360 : f32 to vector<16xf32>
          %mul3A_362 = arith.mulf %mul3A_361, %bitcast_convert_type3A_348 : vector<16xf32>
          %add3A_363 = arith.constant -1.73063171 : f32
          %add3A_364 = vector.broadcast %add3A_363 : f32 to vector<16xf32>
          %add3A_365 = arith.addf %mul3A_362, %add3A_364 : vector<16xf32>
          %convert_element_type3A_366 = arith.sitofp %sub3A_343 : vector<16xi32> to vector<16xf32>
          %mul3A_367 = arith.constant 0.693147182 : f32
          %mul3A_368 = vector.broadcast %mul3A_367 : f32 to vector<16xf32>
          %mul3A_369 = arith.mulf %mul3A_368, %convert_element_type3A_366 : vector<16xf32>
          %mul3A_370 = arith.mulf %add3A_359, %mul3A_349 : vector<16xf32>
          %add3A_371 = arith.addf %mul3A_370, %add3A_365 : vector<16xf32>
          %add3A_372 = arith.addf %mul3A_369, %add3A_371 : vector<16xf32>
          %add3A_373 = arith.addf %max3A_325, %add3A_372 : vector<16xf32>
          %swap3A_374 = arith.index_cast %scan3A_251 : i32 to index
          %swap3A_375 = arith.constant 0 : index
          %swap3A_376 = tpu.vector_load %arg5[%swap3A_374, %swap3A_375] {strides = array<i32>} : memref<16x256xf32, #tpu.memory_space<vmem>>, vector<1x16xf32>,
          %swap3A_377 = vector.shape_cast %swap3A_376 : vector<1x16xf32> to vector<16xf32>
          %swap3A_378 = vector.shape_cast %add3A_373 : vector<16xf32> to vector<1x16xf32>
          tpu.vector_store %arg5[%swap3A_374, %swap3A_375], %swap3A_378 {strides = array<i32>} : memref<16x256xf32, #tpu.memory_space<vmem>>, vector<1x16xf32>,
          %get3A_379 = arith.constant 0 : i32
          %get3A_380 = arith.constant 0 : i32
          %get3A_381 = arith.index_cast %get3A_379 : i32 to index
          %get3A_382 = arith.index_cast %scan3A_251 : i32 to index
          %get3A_383 = arith.index_cast %get3A_380 : i32 to index
          %get3A_384 = arith.constant 16 : index
          %get3A_385 = tpu.vector_load %arg4[%get3A_381, %get3A_382, %get3A_383, %get3A_384] {strides = array<i32>} : memref<2x16x5x256xf32, #tpu.memory_space<vmem>>, vector<1x1x1x16xf32>,
          %get3A_386 = vector.shape_cast %get3A_385 : vector<1x1x1x16xf32> to vector<16xf32>
          %add3A_387 = arith.addf %get3A_386, %scan3A_253 : vector<16xf32>
          %broadcast_in_dim3A_388 = vector.shape_cast %add3A_107 : vector<16xi32> to vector<16x1xi32>
          %gather3A_389 = vector.shape_cast %broadcast_in_dim3A_388 : vector<16x1xi32> to vector<16xi32>
          %gather3A_390 = tpu.dynamic_gather %scan3A_252[%gather3A_389] in [0] : vector<16xf32>, vector<16xi32> -> vector<16xf32>
          %get3A_391 = arith.constant 0 : i32
          %get3A_392 = arith.constant 1 : i32
          %get3A_393 = arith.index_cast %get3A_391 : i32 to index
          %get3A_394 = arith.index_cast %scan3A_251 : i32 to index
          %get3A_395 = arith.index_cast %get3A_392 : i32 to index
          %get3A_396 = arith.constant 16 : index
          %get3A_397 = tpu.vector_load %arg4[%get3A_393, %get3A_394, %get3A_395, %get3A_396] {strides = array<i32>} : memref<2x16x5x256xf32, #tpu.memory_space<vmem>>, vector<1x1x1x16xf32>,
          %get3A_398 = vector.shape_cast %get3A_397 : vector<1x1x1x16xf32> to vector<16xf32>
          %add3A_399 = arith.addf %get3A_398, %gather3A_390 : vector<16xf32>
          %broadcast_in_dim3A_400 = vector.shape_cast %add3A_107 : vector<16xi32> to vector<16x1xi32>
          %gather3A_401 = vector.shape_cast %broadcast_in_dim3A_400 : vector<16x1xi32> to vector<16xi32>
          %gather3A_402 = tpu.dynamic_gather %scan3A_256[%gather3A_401] in [0] : vector<16xf32>, vector<16xi32> -> vector<16xf32>
          %get3A_403 = arith.constant 0 : i32
          %get3A_404 = arith.constant 2 : i32
          %get3A_405 = arith.index_cast %get3A_403 : i32 to index
          %get3A_406 = arith.index_cast %scan3A_251 : i32 to index
          %get3A_407 = arith.index_cast %get3A_404 : i32 to index
          %get3A_408 = arith.constant 16 : index
          %get3A_409 = tpu.vector_load %arg4[%get3A_405, %get3A_406, %get3A_407, %get3A_408] {strides = array<i32>} : memref<2x16x5x256xf32, #tpu.memory_space<vmem>>, vector<1x1x1x16xf32>,
          %get3A_410 = vector.shape_cast %get3A_409 : vector<1x1x1x16xf32> to vector<16xf32>
          %add3A_411 = arith.addf %get3A_410, %gather3A_402 : vector<16xf32>
          %broadcast_in_dim3A_412 = vector.shape_cast %add3A_107 : vector<16xi32> to vector<16x1xi32>
          %gather3A_413 = vector.shape_cast %broadcast_in_dim3A_412 : vector<16x1xi32> to vector<16xi32>
          %gather3A_414 = tpu.dynamic_gather %scan3A_260[%gather3A_413] in [0] : vector<16xf32>, vector<16xi32> -> vector<16xf32>
          %get3A_415 = arith.constant 0 : i32
          %get3A_416 = arith.constant 3 : i32
          %get3A_417 = arith.index_cast %get3A_415 : i32 to index
          %get3A_418 = arith.index_cast %scan3A_251 : i32 to index
          %get3A_419 = arith.index_cast %get3A_416 : i32 to index
          %get3A_420 = arith.constant 16 : index
          %get3A_421 = tpu.vector_load %arg4[%get3A_417, %get3A_418, %get3A_419, %get3A_420] {strides = array<i32>} : memref<2x16x5x256xf32, #tpu.memory_space<vmem>>, vector<1x1x1x16xf32>,
          %get3A_422 = vector.shape_cast %get3A_421 : vector<1x1x1x16xf32> to vector<16xf32>
          %add3A_423 = arith.addf %get3A_422, %gather3A_414 : vector<16xf32>
          %broadcast_in_dim3A_424 = vector.shape_cast %add3A_107 : vector<16xi32> to vector<16x1xi32>
          %gather3A_425 = vector.shape_cast %broadcast_in_dim3A_424 : vector<16x1xi32> to vector<16xi32>
          %gather3A_426 = tpu.dynamic_gather %scan3A_264[%gather3A_425] in [0] : vector<16xf32>, vector<16xi32> -> vector<16xf32>
          %get3A_427 = arith.constant 0 : i32
          %get3A_428 = arith.constant 4 : i32
          %get3A_429 = arith.index_cast %get3A_427 : i32 to index
          %get3A_430 = arith.index_cast %scan3A_251 : i32 to index
          %get3A_431 = arith.index_cast %get3A_428 : i32 to index
          %get3A_432 = arith.constant 16 : index
          %get3A_433 = tpu.vector_load %arg4[%get3A_429, %get3A_430, %get3A_431, %get3A_432] {strides = array<i32>} : memref<2x16x5x256xf32, #tpu.memory_space<vmem>>, vector<1x1x1x16xf32>,
          %get3A_434 = vector.shape_cast %get3A_433 : vector<1x1x1x16xf32> to vector<16xf32>
          %add3A_435 = arith.addf %get3A_434, %gather3A_426 : vector<16xf32>
          %max3A_436 = arith.maximumf %add3A_387, %add3A_399 : vector<16xf32>
          %max3A_437 = arith.maximumf %add3A_411, %add3A_423 : vector<16xf32>
          %max3A_438 = arith.maximumf %max3A_436, %max3A_437 : vector<16xf32>
          %max3A_439 = arith.maximumf %max3A_438, %add3A_435 : vector<16xf32>
          %sub3A_440 = arith.subf %add3A_387, %max3A_439 : vector<16xf32>
          %exp3A_441 = math.exp %sub3A_440 : vector<16xf32>
          %sub3A_442 = arith.subf %add3A_399, %max3A_439 : vector<16xf32>
          %exp3A_443 = math.exp %sub3A_442 : vector<16xf32>
          %sub3A_444 = arith.subf %add3A_411, %max3A_439 : vector<16xf32>
          %exp3A_445 = math.exp %sub3A_444 : vector<16xf32>
          %sub3A_446 = arith.subf %add3A_423, %max3A_439 : vector<16xf32>
          %exp3A_447 = math.exp %sub3A_446 : vector<16xf32>
          %sub3A_448 = arith.subf %add3A_435, %max3A_439 : vector<16xf32>
          %exp3A_449 = math.exp %sub3A_448 : vector<16xf32>
          %add3A_450 = arith.addf %exp3A_441, %exp3A_443 : vector<16xf32>
          %add3A_451 = arith.addf %exp3A_445, %exp3A_447 : vector<16xf32>
          %add3A_452 = arith.addf %add3A_451, %exp3A_449 : vector<16xf32>
          %add3A_453 = arith.addf %add3A_450, %add3A_452 : vector<16xf32>
          %bitcast_convert_type3A_454 = tpu.bitcast %add3A_453 : vector<16xf32> -> vector<16xi32>
          %shift_right_arithmetic3A_455 = arith.constant 23 : i32
          %shift_right_arithmetic3A_456 = vector.broadcast %shift_right_arithmetic3A_455 : i32 to vector<16xi32>
          %shift_right_arithmetic3A_457 = arith.shrsi %bitcast_convert_type3A_454, %shift_right_arithmetic3A_456 : vector<16xi32>
          %sub3A_458 = arith.constant 127 : i32
          %sub3A_459 = vector.broadcast %sub3A_458 : i32 to vector<16xi32>
          %sub3A_460 = arith.subi %shift_right_arithmetic3A_457, %sub3A_459 : vector<16xi32>
          %and3A_461 = arith.constant 8388607 : i32
          %and3A_462 = vector.broadcast %and3A_461 : i32 to vector<16xi32>
          %and3A_463 = arith.andi %bitcast_convert_type3A_454, %and3A_462 : vector<16xi32>
          %or3A_464 = arith.constant 1065353216 : i32
          %or3A_465 = vector.broadcast %or3A_464 : i32 to vector<16xi32>
          %or3A_466 = arith.ori %and3A_463, %or3A_465 : vector<16xi32>
          %bitcast_convert_type3A_467 = tpu.bitcast %or3A_466 : vector<16xi32> -> vector<16xf32>
          %mul3A_468 = arith.mulf %bitcast_convert_type3A_467, %bitcast_convert_type3A_467 : vector<16xf32>
          %mul3A_469 = arith.constant -0.0548628531 : f32
          %mul3A_470 = vector.broadcast %mul3A_469 : f32 to vector<16xf32>
          %mul3A_471 = arith.mulf %mul3A_470, %mul3A_468 : vector<16xf32>
          %mul3A_472 = arith.constant 0.435861856 : f32
          %mul3A_473 = vector.broadcast %mul3A_472 : f32 to vector<16xf32>
          %mul3A_474 = arith.mulf %mul3A_473, %bitcast_convert_type3A_467 : vector<16xf32>
          %add3A_475 = arith.constant -1.44248104 : f32
          %add3A_476 = vector.broadcast %add3A_475 : f32 to vector<16xf32>
          %add3A_477 = arith.addf %mul3A_474, %add3A_476 : vector<16xf32>
          %add3A_478 = arith.addf %mul3A_471, %add3A_477 : vector<16xf32>
          %mul3A_479 = arith.constant 2.79225516 : f32
          %mul3A_480 = vector.broadcast %mul3A_479 : f32 to vector<16xf32>
          %mul3A_481 = arith.mulf %mul3A_480, %bitcast_convert_type3A_467 : vector<16xf32>
          %add3A_482 = arith.constant -1.73063171 : f32
          %add3A_483 = vector.broadcast %add3A_482 : f32 to vector<16xf32>
          %add3A_484 = arith.addf %mul3A_481, %add3A_483 : vector<16xf32>
          %convert_element_type3A_485 = arith.sitofp %sub3A_460 : vector<16xi32> to vector<16xf32>
          %mul3A_486 = arith.constant 0.693147182 : f32
          %mul3A_487 = vector.broadcast %mul3A_486 : f32 to vector<16xf32>
          %mul3A_488 = arith.mulf %mul3A_487, %convert_element_type3A_485 : vector<16xf32>
          %mul3A_489 = arith.mulf %add3A_478, %mul3A_468 : vector<16xf32>
          %add3A_490 = arith.addf %mul3A_489, %add3A_484 : vector<16xf32>
          %add3A_491 = arith.addf %mul3A_488, %add3A_490 : vector<16xf32>
          %add3A_492 = arith.addf %max3A_439, %add3A_491 : vector<16xf32>
          %swap3A_493 = arith.index_cast %scan3A_251 : i32 to index
          %swap3A_494 = arith.constant 16 : index
          %swap3A_495 = tpu.vector_load %arg5[%swap3A_493, %swap3A_494] {strides = array<i32>} : memref<16x256xf32, #tpu.memory_space<vmem>>, vector<1x16xf32>,
          %swap3A_496 = vector.shape_cast %swap3A_495 : vector<1x16xf32> to vector<16xf32>
          %swap3A_497 = vector.shape_cast %add3A_492 : vector<16xf32> to vector<1x16xf32>
          tpu.vector_store %arg5[%swap3A_493, %swap3A_494], %swap3A_497 {strides = array<i32>} : memref<16x256xf32, #tpu.memory_space<vmem>>, vector<1x16xf32>,
          %get3A_498 = arith.constant 0 : i32
          %get3A_499 = arith.constant 0 : i32
          %get3A_500 = arith.index_cast %get3A_498 : i32 to index
          %get3A_501 = arith.index_cast %scan3A_251 : i32 to index
          %get3A_502 = arith.index_cast %get3A_499 : i32 to index
          %get3A_503 = arith.constant 32 : index
          %get3A_504 = tpu.vector_load %arg4[%get3A_500, %get3A_501, %get3A_502, %get3A_503] {strides = array<i32>} : memref<2x16x5x256xf32, #tpu.memory_space<vmem>>, vector<1x1x1x16xf32>,
          %get3A_505 = vector.shape_cast %get3A_504 : vector<1x1x1x16xf32> to vector<16xf32>
          %add3A_506 = arith.addf %get3A_505, %scan3A_254 : vector<16xf32>
          %broadcast_in_dim3A_507 = vector.shape_cast %add3A_110 : vector<16xi32> to vector<16x1xi32>
          %gather3A_508 = vector.shape_cast %broadcast_in_dim3A_507 : vector<16x1xi32> to vector<16xi32>
          %gather3A_509 = tpu.dynamic_gather %scan3A_252[%gather3A_508] in [0] : vector<16xf32>, vector<16xi32> -> vector<16xf32>
          %get3A_510 = arith.constant 0 : i32
          %get3A_511 = arith.constant 1 : i32
          %get3A_512 = arith.index_cast %get3A_510 : i32 to index
          %get3A_513 = arith.index_cast %scan3A_251 : i32 to index
          %get3A_514 = arith.index_cast %get3A_511 : i32 to index
          %get3A_515 = arith.constant 32 : index
          %get3A_516 = tpu.vector_load %arg4[%get3A_512, %get3A_513, %get3A_514, %get3A_515] {strides = array<i32>} : memref<2x16x5x256xf32, #tpu.memory_space<vmem>>, vector<1x1x1x16xf32>,
          %get3A_517 = vector.shape_cast %get3A_516 : vector<1x1x1x16xf32> to vector<16xf32>
          %add3A_518 = arith.addf %get3A_517, %gather3A_509 : vector<16xf32>
          %broadcast_in_dim3A_519 = vector.shape_cast %add3A_110 : vector<16xi32> to vector<16x1xi32>
          %gather3A_520 = vector.shape_cast %broadcast_in_dim3A_519 : vector<16x1xi32> to vector<16xi32>
          %gather3A_521 = tpu.dynamic_gather %scan3A_256[%gather3A_520] in [0] : vector<16xf32>, vector<16xi32> -> vector<16xf32>
          %get3A_522 = arith.constant 0 : i32
          %get3A_523 = arith.constant 2 : i32
          %get3A_524 = arith.index_cast %get3A_522 : i32 to index
          %get3A_525 = arith.index_cast %scan3A_251 : i32 to index
          %get3A_526 = arith.index_cast %get3A_523 : i32 to index
          %get3A_527 = arith.constant 32 : index
          %get3A_528 = tpu.vector_load %arg4[%get3A_524, %get3A_525, %get3A_526, %get3A_527] {strides = array<i32>} : memref<2x16x5x256xf32, #tpu.memory_space<vmem>>, vector<1x1x1x16xf32>,
          %get3A_529 = vector.shape_cast %get3A_528 : vector<1x1x1x16xf32> to vector<16xf32>
          %add3A_530 = arith.addf %get3A_529, %gather3A_521 : vector<16xf32>
          %broadcast_in_dim3A_531 = vector.shape_cast %add3A_110 : vector<16xi32> to vector<16x1xi32>
          %gather3A_532 = vector.shape_cast %broadcast_in_dim3A_531 : vector<16x1xi32> to vector<16xi32>
          %gather3A_533 = tpu.dynamic_gather %scan3A_260[%gather3A_532] in [0] : vector<16xf32>, vector<16xi32> -> vector<16xf32>
          %get3A_534 = arith.constant 0 : i32
          %get3A_535 = arith.constant 3 : i32
          %get3A_536 = arith.index_cast %get3A_534 : i32 to index
          %get3A_537 = arith.index_cast %scan3A_251 : i32 to index
          %get3A_538 = arith.index_cast %get3A_535 : i32 to index
          %get3A_539 = arith.constant 32 : index
          %get3A_540 = tpu.vector_load %arg4[%get3A_536, %get3A_537, %get3A_538, %get3A_539] {strides = array<i32>} : memref<2x16x5x256xf32, #tpu.memory_space<vmem>>, vector<1x1x1x16xf32>,
          %get3A_541 = vector.shape_cast %get3A_540 : vector<1x1x1x16xf32> to vector<16xf32>
          %add3A_542 = arith.addf %get3A_541, %gather3A_533 : vector<16xf32>
          %broadcast_in_dim3A_543 = vector.shape_cast %add3A_110 : vector<16xi32> to vector<16x1xi32>
          %gather3A_544 = vector.shape_cast %broadcast_in_dim3A_543 : vector<16x1xi32> to vector<16xi32>
          %gather3A_545 = tpu.dynamic_gather %scan3A_264[%gather3A_544] in [0] : vector<16xf32>, vector<16xi32> -> vector<16xf32>
          %get3A_546 = arith.constant 0 : i32
          %get3A_547 = arith.constant 4 : i32
          %get3A_548 = arith.index_cast %get3A_546 : i32 to index
          %get3A_549 = arith.index_cast %scan3A_251 : i32 to index
          %get3A_550 = arith.index_cast %get3A_547 : i32 to index
          %get3A_551 = arith.constant 32 : index
          %get3A_552 = tpu.vector_load %arg4[%get3A_548, %get3A_549, %get3A_550, %get3A_551] {strides = array<i32>} : memref<2x16x5x256xf32, #tpu.memory_space<vmem>>, vector<1x1x1x16xf32>,
          %get3A_553 = vector.shape_cast %get3A_552 : vector<1x1x1x16xf32> to vector<16xf32>
          %add3A_554 = arith.addf %get3A_553, %gather3A_545 : vector<16xf32>
          %max3A_555 = arith.maximumf %add3A_506, %add3A_518 : vector<16xf32>
          %max3A_556 = arith.maximumf %add3A_530, %add3A_542 : vector<16xf32>
          %max3A_557 = arith.maximumf %max3A_555, %max3A_556 : vector<16xf32>
          %max3A_558 = arith.maximumf %max3A_557, %add3A_554 : vector<16xf32>
          %sub3A_559 = arith.subf %add3A_506, %max3A_558 : vector<16xf32>
          %exp3A_560 = math.exp %sub3A_559 : vector<16xf32>
          %sub3A_561 = arith.subf %add3A_518, %max3A_558 : vector<16xf32>
          %exp3A_562 = math.exp %sub3A_561 : vector<16xf32>
          %sub3A_563 = arith.subf %add3A_530, %max3A_558 : vector<16xf32>
          %exp3A_564 = math.exp %sub3A_563 : vector<16xf32>
          %sub3A_565 = arith.subf %add3A_542, %max3A_558 : vector<16xf32>
          %exp3A_566 = math.exp %sub3A_565 : vector<16xf32>
          %sub3A_567 = arith.subf %add3A_554, %max3A_558 : vector<16xf32>
          %exp3A_568 = math.exp %sub3A_567 : vector<16xf32>
          %add3A_569 = arith.addf %exp3A_560, %exp3A_562 : vector<16xf32>
          %add3A_570 = arith.addf %exp3A_564, %exp3A_566 : vector<16xf32>
          %add3A_571 = arith.addf %add3A_570, %exp3A_568 : vector<16xf32>
          %add3A_572 = arith.addf %add3A_569, %add3A_571 : vector<16xf32>
          %bitcast_convert_type3A_573 = tpu.bitcast %add3A_572 : vector<16xf32> -> vector<16xi32>
          %shift_right_arithmetic3A_574 = arith.constant 23 : i32
          %shift_right_arithmetic3A_575 = vector.broadcast %shift_right_arithmetic3A_574 : i32 to vector<16xi32>
          %shift_right_arithmetic3A_576 = arith.shrsi %bitcast_convert_type3A_573, %shift_right_arithmetic3A_575 : vector<16xi32>
          %sub3A_577 = arith.constant 127 : i32
          %sub3A_578 = vector.broadcast %sub3A_577 : i32 to vector<16xi32>
          %sub3A_579 = arith.subi %shift_right_arithmetic3A_576, %sub3A_578 : vector<16xi32>
          %and3A_580 = arith.constant 8388607 : i32
          %and3A_581 = vector.broadcast %and3A_580 : i32 to vector<16xi32>
          %and3A_582 = arith.andi %bitcast_convert_type3A_573, %and3A_581 : vector<16xi32>
          %or3A_583 = arith.constant 1065353216 : i32
          %or3A_584 = vector.broadcast %or3A_583 : i32 to vector<16xi32>
          %or3A_585 = arith.ori %and3A_582, %or3A_584 : vector<16xi32>
          %bitcast_convert_type3A_586 = tpu.bitcast %or3A_585 : vector<16xi32> -> vector<16xf32>
          %mul3A_587 = arith.mulf %bitcast_convert_type3A_586, %bitcast_convert_type3A_586 : vector<16xf32>
          %mul3A_588 = arith.constant -0.0548628531 : f32
          %mul3A_589 = vector.broadcast %mul3A_588 : f32 to vector<16xf32>
          %mul3A_590 = arith.mulf %mul3A_589, %mul3A_587 : vector<16xf32>
          %mul3A_591 = arith.constant 0.435861856 : f32
          %mul3A_592 = vector.broadcast %mul3A_591 : f32 to vector<16xf32>
          %mul3A_593 = arith.mulf %mul3A_592, %bitcast_convert_type3A_586 : vector<16xf32>
          %add3A_594 = arith.constant -1.44248104 : f32
          %add3A_595 = vector.broadcast %add3A_594 : f32 to vector<16xf32>
          %add3A_596 = arith.addf %mul3A_593, %add3A_595 : vector<16xf32>
          %add3A_597 = arith.addf %mul3A_590, %add3A_596 : vector<16xf32>
          %mul3A_598 = arith.constant 2.79225516 : f32
          %mul3A_599 = vector.broadcast %mul3A_598 : f32 to vector<16xf32>
          %mul3A_600 = arith.mulf %mul3A_599, %bitcast_convert_type3A_586 : vector<16xf32>
          %add3A_601 = arith.constant -1.73063171 : f32
          %add3A_602 = vector.broadcast %add3A_601 : f32 to vector<16xf32>
          %add3A_603 = arith.addf %mul3A_600, %add3A_602 : vector<16xf32>
          %convert_element_type3A_604 = arith.sitofp %sub3A_579 : vector<16xi32> to vector<16xf32>
          %mul3A_605 = arith.constant 0.693147182 : f32
          %mul3A_606 = vector.broadcast %mul3A_605 : f32 to vector<16xf32>
          %mul3A_607 = arith.mulf %mul3A_606, %convert_element_type3A_604 : vector<16xf32>
          %mul3A_608 = arith.mulf %add3A_597, %mul3A_587 : vector<16xf32>
          %add3A_609 = arith.addf %mul3A_608, %add3A_603 : vector<16xf32>
          %add3A_610 = arith.addf %mul3A_607, %add3A_609 : vector<16xf32>
          %add3A_611 = arith.addf %max3A_558, %add3A_610 : vector<16xf32>
          %swap3A_612 = arith.index_cast %scan3A_251 : i32 to index
          %swap3A_613 = arith.constant 32 : index
          %swap3A_614 = tpu.vector_load %arg5[%swap3A_612, %swap3A_613] {strides = array<i32>} : memref<16x256xf32, #tpu.memory_space<vmem>>, vector<1x16xf32>,
          %swap3A_615 = vector.shape_cast %swap3A_614 : vector<1x16xf32> to vector<16xf32>
          %swap3A_616 = vector.shape_cast %add3A_611 : vector<16xf32> to vector<1x16xf32>
          tpu.vector_store %arg5[%swap3A_612, %swap3A_613], %swap3A_616 {strides = array<i32>} : memref<16x256xf32, #tpu.memory_space<vmem>>, vector<1x16xf32>,
          %get3A_617 = arith.constant 0 : i32
          %get3A_618 = arith.constant 0 : i32
          %get3A_619 = arith.index_cast %get3A_617 : i32 to index
          %get3A_620 = arith.index_cast %scan3A_251 : i32 to index
          %get3A_621 = arith.index_cast %get3A_618 : i32 to index
          %get3A_622 = arith.constant 48 : index
          %get3A_623 = tpu.vector_load %arg4[%get3A_619, %get3A_620, %get3A_621, %get3A_622] {strides = array<i32>} : memref<2x16x5x256xf32, #tpu.memory_space<vmem>>, vector<1x1x1x16xf32>,
          %get3A_624 = vector.shape_cast %get3A_623 : vector<1x1x1x16xf32> to vector<16xf32>
          %add3A_625 = arith.addf %get3A_624, %scan3A_255 : vector<16xf32>
          %broadcast_in_dim3A_626 = vector.shape_cast %add3A_113 : vector<16xi32> to vector<16x1xi32>
          %gather3A_627 = vector.shape_cast %broadcast_in_dim3A_626 : vector<16x1xi32> to vector<16xi32>
          %gather3A_628 = tpu.dynamic_gather %scan3A_252[%gather3A_627] in [0] : vector<16xf32>, vector<16xi32> -> vector<16xf32>
          %get3A_629 = arith.constant 0 : i32
          %get3A_630 = arith.constant 1 : i32
          %get3A_631 = arith.index_cast %get3A_629 : i32 to index
          %get3A_632 = arith.index_cast %scan3A_251 : i32 to index
          %get3A_633 = arith.index_cast %get3A_630 : i32 to index
          %get3A_634 = arith.constant 48 : index
          %get3A_635 = tpu.vector_load %arg4[%get3A_631, %get3A_632, %get3A_633, %get3A_634] {strides = array<i32>} : memref<2x16x5x256xf32, #tpu.memory_space<vmem>>, vector<1x1x1x16xf32>,
          %get3A_636 = vector.shape_cast %get3A_635 : vector<1x1x1x16xf32> to vector<16xf32>
          %add3A_637 = arith.addf %get3A_636, %gather3A_628 : vector<16xf32>
          %broadcast_in_dim3A_638 = vector.shape_cast %add3A_113 : vector<16xi32> to vector<16x1xi32>
          %gather3A_639 = vector.shape_cast %broadcast_in_dim3A_638 : vector<16x1xi32> to vector<16xi32>
          %gather3A_640 = tpu.dynamic_gather %scan3A_256[%gather3A_639] in [0] : vector<16xf32>, vector<16xi32> -> vector<16xf32>
          %get3A_641 = arith.constant 0 : i32
          %get3A_642 = arith.constant 2 : i32
          %get3A_643 = arith.index_cast %get3A_641 : i32 to index
          %get3A_644 = arith.index_cast %scan3A_251 : i32 to index
          %get3A_645 = arith.index_cast %get3A_642 : i32 to index
          %get3A_646 = arith.constant 48 : index
          %get3A_647 = tpu.vector_load %arg4[%get3A_643, %get3A_644, %get3A_645, %get3A_646] {strides = array<i32>} : memref<2x16x5x256xf32, #tpu.memory_space<vmem>>, vector<1x1x1x16xf32>,
          %get3A_648 = vector.shape_cast %get3A_647 : vector<1x1x1x16xf32> to vector<16xf32>
          %add3A_649 = arith.addf %get3A_648, %gather3A_640 : vector<16xf32>
          %broadcast_in_dim3A_650 = vector.shape_cast %add3A_113 : vector<16xi32> to vector<16x1xi32>
          %gather3A_651 = vector.shape_cast %broadcast_in_dim3A_650 : vector<16x1xi32> to vector<16xi32>
          %gather3A_652 = tpu.dynamic_gather %scan3A_260[%gather3A_651] in [0] : vector<16xf32>, vector<16xi32> -> vector<16xf32>
          %get3A_653 = arith.constant 0 : i32
          %get3A_654 = arith.constant 3 : i32
          %get3A_655 = arith.index_cast %get3A_653 : i32 to index
          %get3A_656 = arith.index_cast %scan3A_251 : i32 to index
          %get3A_657 = arith.index_cast %get3A_654 : i32 to index
          %get3A_658 = arith.constant 48 : index
          %get3A_659 = tpu.vector_load %arg4[%get3A_655, %get3A_656, %get3A_657, %get3A_658] {strides = array<i32>} : memref<2x16x5x256xf32, #tpu.memory_space<vmem>>, vector<1x1x1x16xf32>,
          %get3A_660 = vector.shape_cast %get3A_659 : vector<1x1x1x16xf32> to vector<16xf32>
          %add3A_661 = arith.addf %get3A_660, %gather3A_652 : vector<16xf32>
          %broadcast_in_dim3A_662 = vector.shape_cast %add3A_113 : vector<16xi32> to vector<16x1xi32>
          %gather3A_663 = vector.shape_cast %broadcast_in_dim3A_662 : vector<16x1xi32> to vector<16xi32>
          %gather3A_664 = tpu.dynamic_gather %scan3A_264[%gather3A_663] in [0] : vector<16xf32>, vector<16xi32> -> vector<16xf32>
          %get3A_665 = arith.constant 0 : i32
          %get3A_666 = arith.constant 4 : i32
          %get3A_667 = arith.index_cast %get3A_665 : i32 to index
          %get3A_668 = arith.index_cast %scan3A_251 : i32 to index
          %get3A_669 = arith.index_cast %get3A_666 : i32 to index
          %get3A_670 = arith.constant 48 : index
          %get3A_671 = tpu.vector_load %arg4[%get3A_667, %get3A_668, %get3A_669, %get3A_670] {strides = array<i32>} : memref<2x16x5x256xf32, #tpu.memory_space<vmem>>, vector<1x1x1x16xf32>,
          %get3A_672 = vector.shape_cast %get3A_671 : vector<1x1x1x16xf32> to vector<16xf32>
          %add3A_673 = arith.addf %get3A_672, %gather3A_664 : vector<16xf32>
          %max3A_674 = arith.maximumf %add3A_625, %add3A_637 : vector<16xf32>
          %max3A_675 = arith.maximumf %add3A_649, %add3A_661 : vector<16xf32>
          %max3A_676 = arith.maximumf %max3A_674, %max3A_675 : vector<16xf32>
          %max3A_677 = arith.maximumf %max3A_676, %add3A_673 : vector<16xf32>
          %sub3A_678 = arith.subf %add3A_625, %max3A_677 : vector<16xf32>
          %exp3A_679 = math.exp %sub3A_678 : vector<16xf32>
          %sub3A_680 = arith.subf %add3A_637, %max3A_677 : vector<16xf32>
          %exp3A_681 = math.exp %sub3A_680 : vector<16xf32>
          %sub3A_682 = arith.subf %add3A_649, %max3A_677 : vector<16xf32>
          %exp3A_683 = math.exp %sub3A_682 : vector<16xf32>
          %sub3A_684 = arith.subf %add3A_661, %max3A_677 : vector<16xf32>
          %exp3A_685 = math.exp %sub3A_684 : vector<16xf32>
          %sub3A_686 = arith.subf %add3A_673, %max3A_677 : vector<16xf32>
          %exp3A_687 = math.exp %sub3A_686 : vector<16xf32>
          %add3A_688 = arith.addf %exp3A_679, %exp3A_681 : vector<16xf32>
          %add3A_689 = arith.addf %exp3A_683, %exp3A_685 : vector<16xf32>
          %add3A_690 = arith.addf %add3A_689, %exp3A_687 : vector<16xf32>
          %add3A_691 = arith.addf %add3A_688, %add3A_690 : vector<16xf32>
          %bitcast_convert_type3A_692 = tpu.bitcast %add3A_691 : vector<16xf32> -> vector<16xi32>
          %shift_right_arithmetic3A_693 = arith.constant 23 : i32
          %shift_right_arithmetic3A_694 = vector.broadcast %shift_right_arithmetic3A_693 : i32 to vector<16xi32>
          %shift_right_arithmetic3A_695 = arith.shrsi %bitcast_convert_type3A_692, %shift_right_arithmetic3A_694 : vector<16xi32>
          %sub3A_696 = arith.constant 127 : i32
          %sub3A_697 = vector.broadcast %sub3A_696 : i32 to vector<16xi32>
          %sub3A_698 = arith.subi %shift_right_arithmetic3A_695, %sub3A_697 : vector<16xi32>
          %and3A_699 = arith.constant 8388607 : i32
          %and3A_700 = vector.broadcast %and3A_699 : i32 to vector<16xi32>
          %and3A_701 = arith.andi %bitcast_convert_type3A_692, %and3A_700 : vector<16xi32>
          %or3A_702 = arith.constant 1065353216 : i32
          %or3A_703 = vector.broadcast %or3A_702 : i32 to vector<16xi32>
          %or3A_704 = arith.ori %and3A_701, %or3A_703 : vector<16xi32>
          %bitcast_convert_type3A_705 = tpu.bitcast %or3A_704 : vector<16xi32> -> vector<16xf32>
          %mul3A_706 = arith.mulf %bitcast_convert_type3A_705, %bitcast_convert_type3A_705 : vector<16xf32>
          %mul3A_707 = arith.constant -0.0548628531 : f32
          %mul3A_708 = vector.broadcast %mul3A_707 : f32 to vector<16xf32>
          %mul3A_709 = arith.mulf %mul3A_708, %mul3A_706 : vector<16xf32>
          %mul3A_710 = arith.constant 0.435861856 : f32
          %mul3A_711 = vector.broadcast %mul3A_710 : f32 to vector<16xf32>
          %mul3A_712 = arith.mulf %mul3A_711, %bitcast_convert_type3A_705 : vector<16xf32>
          %add3A_713 = arith.constant -1.44248104 : f32
          %add3A_714 = vector.broadcast %add3A_713 : f32 to vector<16xf32>
          %add3A_715 = arith.addf %mul3A_712, %add3A_714 : vector<16xf32>
          %add3A_716 = arith.addf %mul3A_709, %add3A_715 : vector<16xf32>
          %mul3A_717 = arith.constant 2.79225516 : f32
          %mul3A_718 = vector.broadcast %mul3A_717 : f32 to vector<16xf32>
          %mul3A_719 = arith.mulf %mul3A_718, %bitcast_convert_type3A_705 : vector<16xf32>
          %add3A_720 = arith.constant -1.73063171 : f32
          %add3A_721 = vector.broadcast %add3A_720 : f32 to vector<16xf32>
          %add3A_722 = arith.addf %mul3A_719, %add3A_721 : vector<16xf32>
          %convert_element_type3A_723 = arith.sitofp %sub3A_698 : vector<16xi32> to vector<16xf32>
          %mul3A_724 = arith.constant 0.693147182 : f32
          %mul3A_725 = vector.broadcast %mul3A_724 : f32 to vector<16xf32>
          %mul3A_726 = arith.mulf %mul3A_725, %convert_element_type3A_723 : vector<16xf32>
          %mul3A_727 = arith.mulf %add3A_716, %mul3A_706 : vector<16xf32>
          %add3A_728 = arith.addf %mul3A_727, %add3A_722 : vector<16xf32>
          %add3A_729 = arith.addf %mul3A_726, %add3A_728 : vector<16xf32>
          %add3A_730 = arith.addf %max3A_677, %add3A_729 : vector<16xf32>
          %swap3A_731 = arith.index_cast %scan3A_251 : i32 to index
          %swap3A_732 = arith.constant 48 : index
          %swap3A_733 = tpu.vector_load %arg5[%swap3A_731, %swap3A_732] {strides = array<i32>} : memref<16x256xf32, #tpu.memory_space<vmem>>, vector<1x16xf32>,
          %swap3A_734 = vector.shape_cast %swap3A_733 : vector<1x16xf32> to vector<16xf32>
          %swap3A_735 = vector.shape_cast %add3A_730 : vector<16xf32> to vector<1x16xf32>
          tpu.vector_store %arg5[%swap3A_731, %swap3A_732], %swap3A_735 {strides = array<i32>} : memref<16x256xf32, #tpu.memory_space<vmem>>, vector<1x16xf32>,
          %get3A_736 = arith.constant 0 : i32
          %get3A_737 = arith.constant 0 : i32
          %get3A_738 = arith.index_cast %get3A_736 : i32 to index
          %get3A_739 = arith.index_cast %scan3A_251 : i32 to index
          %get3A_740 = arith.index_cast %get3A_737 : i32 to index
          %get3A_741 = arith.constant 64 : index
          %get3A_742 = tpu.vector_load %arg4[%get3A_738, %get3A_739, %get3A_740, %get3A_741] {strides = array<i32>} : memref<2x16x5x256xf32, #tpu.memory_space<vmem>>, vector<1x1x1x16xf32>,
          %get3A_743 = vector.shape_cast %get3A_742 : vector<1x1x1x16xf32> to vector<16xf32>
          %add3A_744 = arith.addf %get3A_743, %scan3A_256 : vector<16xf32>
          %broadcast_in_dim3A_745 = vector.shape_cast %add3A_104 : vector<16xi32> to vector<16x1xi32>
          %gather3A_746 = vector.shape_cast %broadcast_in_dim3A_745 : vector<16x1xi32> to vector<16xi32>
          %gather3A_747 = tpu.dynamic_gather %scan3A_253[%gather3A_746] in [0] : vector<16xf32>, vector<16xi32> -> vector<16xf32>
          %get3A_748 = arith.constant 0 : i32
          %get3A_749 = arith.constant 1 : i32
          %get3A_750 = arith.index_cast %get3A_748 : i32 to index
          %get3A_751 = arith.index_cast %scan3A_251 : i32 to index
          %get3A_752 = arith.index_cast %get3A_749 : i32 to index
          %get3A_753 = arith.constant 64 : index
          %get3A_754 = tpu.vector_load %arg4[%get3A_750, %get3A_751, %get3A_752, %get3A_753] {strides = array<i32>} : memref<2x16x5x256xf32, #tpu.memory_space<vmem>>, vector<1x1x1x16xf32>,
          %get3A_755 = vector.shape_cast %get3A_754 : vector<1x1x1x16xf32> to vector<16xf32>
          %add3A_756 = arith.addf %get3A_755, %gather3A_747 : vector<16xf32>
          %broadcast_in_dim3A_757 = vector.shape_cast %add3A_104 : vector<16xi32> to vector<16x1xi32>
          %gather3A_758 = vector.shape_cast %broadcast_in_dim3A_757 : vector<16x1xi32> to vector<16xi32>
          %gather3A_759 = tpu.dynamic_gather %scan3A_257[%gather3A_758] in [0] : vector<16xf32>, vector<16xi32> -> vector<16xf32>
          %get3A_760 = arith.constant 0 : i32
          %get3A_761 = arith.constant 2 : i32
          %get3A_762 = arith.index_cast %get3A_760 : i32 to index
          %get3A_763 = arith.index_cast %scan3A_251 : i32 to index
          %get3A_764 = arith.index_cast %get3A_761 : i32 to index
          %get3A_765 = arith.constant 64 : index
          %get3A_766 = tpu.vector_load %arg4[%get3A_762, %get3A_763, %get3A_764, %get3A_765] {strides = array<i32>} : memref<2x16x5x256xf32, #tpu.memory_space<vmem>>, vector<1x1x1x16xf32>,
          %get3A_767 = vector.shape_cast %get3A_766 : vector<1x1x1x16xf32> to vector<16xf32>
          %add3A_768 = arith.addf %get3A_767, %gather3A_759 : vector<16xf32>
          %broadcast_in_dim3A_769 = vector.shape_cast %add3A_104 : vector<16xi32> to vector<16x1xi32>
          %gather3A_770 = vector.shape_cast %broadcast_in_dim3A_769 : vector<16x1xi32> to vector<16xi32>
          %gather3A_771 = tpu.dynamic_gather %scan3A_261[%gather3A_770] in [0] : vector<16xf32>, vector<16xi32> -> vector<16xf32>
          %get3A_772 = arith.constant 0 : i32
          %get3A_773 = arith.constant 3 : i32
          %get3A_774 = arith.index_cast %get3A_772 : i32 to index
          %get3A_775 = arith.index_cast %scan3A_251 : i32 to index
          %get3A_776 = arith.index_cast %get3A_773 : i32 to index
          %get3A_777 = arith.constant 64 : index
          %get3A_778 = tpu.vector_load %arg4[%get3A_774, %get3A_775, %get3A_776, %get3A_777] {strides = array<i32>} : memref<2x16x5x256xf32, #tpu.memory_space<vmem>>, vector<1x1x1x16xf32>,
          %get3A_779 = vector.shape_cast %get3A_778 : vector<1x1x1x16xf32> to vector<16xf32>
          %add3A_780 = arith.addf %get3A_779, %gather3A_771 : vector<16xf32>
          %broadcast_in_dim3A_781 = vector.shape_cast %add3A_104 : vector<16xi32> to vector<16x1xi32>
          %gather3A_782 = vector.shape_cast %broadcast_in_dim3A_781 : vector<16x1xi32> to vector<16xi32>
          %gather3A_783 = tpu.dynamic_gather %scan3A_265[%gather3A_782] in [0] : vector<16xf32>, vector<16xi32> -> vector<16xf32>
          %get3A_784 = arith.constant 0 : i32
          %get3A_785 = arith.constant 4 : i32
          %get3A_786 = arith.index_cast %get3A_784 : i32 to index
          %get3A_787 = arith.index_cast %scan3A_251 : i32 to index
          %get3A_788 = arith.index_cast %get3A_785 : i32 to index
          %get3A_789 = arith.constant 64 : index
          %get3A_790 = tpu.vector_load %arg4[%get3A_786, %get3A_787, %get3A_788, %get3A_789] {strides = array<i32>} : memref<2x16x5x256xf32, #tpu.memory_space<vmem>>, vector<1x1x1x16xf32>,
          %get3A_791 = vector.shape_cast %get3A_790 : vector<1x1x1x16xf32> to vector<16xf32>
          %add3A_792 = arith.addf %get3A_791, %gather3A_783 : vector<16xf32>
          %max3A_793 = arith.maximumf %add3A_744, %add3A_756 : vector<16xf32>
          %max3A_794 = arith.maximumf %add3A_768, %add3A_780 : vector<16xf32>
          %max3A_795 = arith.maximumf %max3A_793, %max3A_794 : vector<16xf32>
          %max3A_796 = arith.maximumf %max3A_795, %add3A_792 : vector<16xf32>
          %sub3A_797 = arith.subf %add3A_744, %max3A_796 : vector<16xf32>
          %exp3A_798 = math.exp %sub3A_797 : vector<16xf32>
          %sub3A_799 = arith.subf %add3A_756, %max3A_796 : vector<16xf32>
          %exp3A_800 = math.exp %sub3A_799 : vector<16xf32>
          %sub3A_801 = arith.subf %add3A_768, %max3A_796 : vector<16xf32>
          %exp3A_802 = math.exp %sub3A_801 : vector<16xf32>
          %sub3A_803 = arith.subf %add3A_780, %max3A_796 : vector<16xf32>
          %exp3A_804 = math.exp %sub3A_803 : vector<16xf32>
          %sub3A_805 = arith.subf %add3A_792, %max3A_796 : vector<16xf32>
          %exp3A_806 = math.exp %sub3A_805 : vector<16xf32>
          %add3A_807 = arith.addf %exp3A_798, %exp3A_800 : vector<16xf32>
          %add3A_808 = arith.addf %exp3A_802, %exp3A_804 : vector<16xf32>
          %add3A_809 = arith.addf %add3A_808, %exp3A_806 : vector<16xf32>
          %add3A_810 = arith.addf %add3A_807, %add3A_809 : vector<16xf32>
          %bitcast_convert_type3A_811 = tpu.bitcast %add3A_810 : vector<16xf32> -> vector<16xi32>
          %shift_right_arithmetic3A_812 = arith.constant 23 : i32
          %shift_right_arithmetic3A_813 = vector.broadcast %shift_right_arithmetic3A_812 : i32 to vector<16xi32>
          %shift_right_arithmetic3A_814 = arith.shrsi %bitcast_convert_type3A_811, %shift_right_arithmetic3A_813 : vector<16xi32>
          %sub3A_815 = arith.constant 127 : i32
          %sub3A_816 = vector.broadcast %sub3A_815 : i32 to vector<16xi32>
          %sub3A_817 = arith.subi %shift_right_arithmetic3A_814, %sub3A_816 : vector<16xi32>
          %and3A_818 = arith.constant 8388607 : i32
          %and3A_819 = vector.broadcast %and3A_818 : i32 to vector<16xi32>
          %and3A_820 = arith.andi %bitcast_convert_type3A_811, %and3A_819 : vector<16xi32>
          %or3A_821 = arith.constant 1065353216 : i32
          %or3A_822 = vector.broadcast %or3A_821 : i32 to vector<16xi32>
          %or3A_823 = arith.ori %and3A_820, %or3A_822 : vector<16xi32>
          %bitcast_convert_type3A_824 = tpu.bitcast %or3A_823 : vector<16xi32> -> vector<16xf32>
          %mul3A_825 = arith.mulf %bitcast_convert_type3A_824, %bitcast_convert_type3A_824 : vector<16xf32>
          %mul3A_826 = arith.constant -0.0548628531 : f32
          %mul3A_827 = vector.broadcast %mul3A_826 : f32 to vector<16xf32>
          %mul3A_828 = arith.mulf %mul3A_827, %mul3A_825 : vector<16xf32>
          %mul3A_829 = arith.constant 0.435861856 : f32
          %mul3A_830 = vector.broadcast %mul3A_829 : f32 to vector<16xf32>
          %mul3A_831 = arith.mulf %mul3A_830, %bitcast_convert_type3A_824 : vector<16xf32>
          %add3A_832 = arith.constant -1.44248104 : f32
          %add3A_833 = vector.broadcast %add3A_832 : f32 to vector<16xf32>
          %add3A_834 = arith.addf %mul3A_831, %add3A_833 : vector<16xf32>
          %add3A_835 = arith.addf %mul3A_828, %add3A_834 : vector<16xf32>
          %mul3A_836 = arith.constant 2.79225516 : f32
          %mul3A_837 = vector.broadcast %mul3A_836 : f32 to vector<16xf32>
          %mul3A_838 = arith.mulf %mul3A_837, %bitcast_convert_type3A_824 : vector<16xf32>
          %add3A_839 = arith.constant -1.73063171 : f32
          %add3A_840 = vector.broadcast %add3A_839 : f32 to vector<16xf32>
          %add3A_841 = arith.addf %mul3A_838, %add3A_840 : vector<16xf32>
          %convert_element_type3A_842 = arith.sitofp %sub3A_817 : vector<16xi32> to vector<16xf32>
          %mul3A_843 = arith.constant 0.693147182 : f32
          %mul3A_844 = vector.broadcast %mul3A_843 : f32 to vector<16xf32>
          %mul3A_845 = arith.mulf %mul3A_844, %convert_element_type3A_842 : vector<16xf32>
          %mul3A_846 = arith.mulf %add3A_835, %mul3A_825 : vector<16xf32>
          %add3A_847 = arith.addf %mul3A_846, %add3A_841 : vector<16xf32>
          %add3A_848 = arith.addf %mul3A_845, %add3A_847 : vector<16xf32>
          %add3A_849 = arith.addf %max3A_796, %add3A_848 : vector<16xf32>
          %swap3A_850 = arith.index_cast %scan3A_251 : i32 to index
          %swap3A_851 = arith.constant 64 : index
          %swap3A_852 = tpu.vector_load %arg5[%swap3A_850, %swap3A_851] {strides = array<i32>} : memref<16x256xf32, #tpu.memory_space<vmem>>, vector<1x16xf32>,
          %swap3A_853 = vector.shape_cast %swap3A_852 : vector<1x16xf32> to vector<16xf32>
          %swap3A_854 = vector.shape_cast %add3A_849 : vector<16xf32> to vector<1x16xf32>
          tpu.vector_store %arg5[%swap3A_850, %swap3A_851], %swap3A_854 {strides = array<i32>} : memref<16x256xf32, #tpu.memory_space<vmem>>, vector<1x16xf32>,
          %get3A_855 = arith.constant 0 : i32
          %get3A_856 = arith.constant 0 : i32
          %get3A_857 = arith.index_cast %get3A_855 : i32 to index
          %get3A_858 = arith.index_cast %scan3A_251 : i32 to index
          %get3A_859 = arith.index_cast %get3A_856 : i32 to index
          %get3A_860 = arith.constant 80 : index
          %get3A_861 = tpu.vector_load %arg4[%get3A_857, %get3A_858, %get3A_859, %get3A_860] {strides = array<i32>} : memref<2x16x5x256xf32, #tpu.memory_space<vmem>>, vector<1x1x1x16xf32>,
          %get3A_862 = vector.shape_cast %get3A_861 : vector<1x1x1x16xf32> to vector<16xf32>
          %add3A_863 = arith.addf %get3A_862, %scan3A_257 : vector<16xf32>
          %broadcast_in_dim3A_864 = vector.shape_cast %add3A_107 : vector<16xi32> to vector<16x1xi32>
          %gather3A_865 = vector.shape_cast %broadcast_in_dim3A_864 : vector<16x1xi32> to vector<16xi32>
          %gather3A_866 = tpu.dynamic_gather %scan3A_253[%gather3A_865] in [0] : vector<16xf32>, vector<16xi32> -> vector<16xf32>
          %get3A_867 = arith.constant 0 : i32
          %get3A_868 = arith.constant 1 : i32
          %get3A_869 = arith.index_cast %get3A_867 : i32 to index
          %get3A_870 = arith.index_cast %scan3A_251 : i32 to index
          %get3A_871 = arith.index_cast %get3A_868 : i32 to index
          %get3A_872 = arith.constant 80 : index
          %get3A_873 = tpu.vector_load %arg4[%get3A_869, %get3A_870, %get3A_871, %get3A_872] {strides = array<i32>} : memref<2x16x5x256xf32, #tpu.memory_space<vmem>>, vector<1x1x1x16xf32>,
          %get3A_874 = vector.shape_cast %get3A_873 : vector<1x1x1x16xf32> to vector<16xf32>
          %add3A_875 = arith.addf %get3A_874, %gather3A_866 : vector<16xf32>
          %broadcast_in_dim3A_876 = vector.shape_cast %add3A_107 : vector<16xi32> to vector<16x1xi32>
          %gather3A_877 = vector.shape_cast %broadcast_in_dim3A_876 : vector<16x1xi32> to vector<16xi32>
          %gather3A_878 = tpu.dynamic_gather %scan3A_257[%gather3A_877] in [0] : vector<16xf32>, vector<16xi32> -> vector<16xf32>
          %get3A_879 = arith.constant 0 : i32
          %get3A_880 = arith.constant 2 : i32
          %get3A_881 = arith.index_cast %get3A_879 : i32 to index
          %get3A_882 = arith.index_cast %scan3A_251 : i32 to index
          %get3A_883 = arith.index_cast %get3A_880 : i32 to index
          %get3A_884 = arith.constant 80 : index
          %get3A_885 = tpu.vector_load %arg4[%get3A_881, %get3A_882, %get3A_883, %get3A_884] {strides = array<i32>} : memref<2x16x5x256xf32, #tpu.memory_space<vmem>>, vector<1x1x1x16xf32>,
          %get3A_886 = vector.shape_cast %get3A_885 : vector<1x1x1x16xf32> to vector<16xf32>
          %add3A_887 = arith.addf %get3A_886, %gather3A_878 : vector<16xf32>
          %broadcast_in_dim3A_888 = vector.shape_cast %add3A_107 : vector<16xi32> to vector<16x1xi32>
          %gather3A_889 = vector.shape_cast %broadcast_in_dim3A_888 : vector<16x1xi32> to vector<16xi32>
          %gather3A_890 = tpu.dynamic_gather %scan3A_261[%gather3A_889] in [0] : vector<16xf32>, vector<16xi32> -> vector<16xf32>
          %get3A_891 = arith.constant 0 : i32
          %get3A_892 = arith.constant 3 : i32
          %get3A_893 = arith.index_cast %get3A_891 : i32 to index
          %get3A_894 = arith.index_cast %scan3A_251 : i32 to index
          %get3A_895 = arith.index_cast %get3A_892 : i32 to index
          %get3A_896 = arith.constant 80 : index
          %get3A_897 = tpu.vector_load %arg4[%get3A_893, %get3A_894, %get3A_895, %get3A_896] {strides = array<i32>} : memref<2x16x5x256xf32, #tpu.memory_space<vmem>>, vector<1x1x1x16xf32>,
          %get3A_898 = vector.shape_cast %get3A_897 : vector<1x1x1x16xf32> to vector<16xf32>
          %add3A_899 = arith.addf %get3A_898, %gather3A_890 : vector<16xf32>
          %broadcast_in_dim3A_900 = vector.shape_cast %add3A_107 : vector<16xi32> to vector<16x1xi32>
          %gather3A_901 = vector.shape_cast %broadcast_in_dim3A_900 : vector<16x1xi32> to vector<16xi32>
          %gather3A_902 = tpu.dynamic_gather %scan3A_265[%gather3A_901] in [0] : vector<16xf32>, vector<16xi32> -> vector<16xf32>
          %get3A_903 = arith.constant 0 : i32
          %get3A_904 = arith.constant 4 : i32
          %get3A_905 = arith.index_cast %get3A_903 : i32 to index
          %get3A_906 = arith.index_cast %scan3A_251 : i32 to index
          %get3A_907 = arith.index_cast %get3A_904 : i32 to index
          %get3A_908 = arith.constant 80 : index
          %get3A_909 = tpu.vector_load %arg4[%get3A_905, %get3A_906, %get3A_907, %get3A_908] {strides = array<i32>} : memref<2x16x5x256xf32, #tpu.memory_space<vmem>>, vector<1x1x1x16xf32>,
          %get3A_910 = vector.shape_cast %get3A_909 : vector<1x1x1x16xf32> to vector<16xf32>
          %add3A_911 = arith.addf %get3A_910, %gather3A_902 : vector<16xf32>
          %max3A_912 = arith.maximumf %add3A_863, %add3A_875 : vector<16xf32>
          %max3A_913 = arith.maximumf %add3A_887, %add3A_899 : vector<16xf32>
          %max3A_914 = arith.maximumf %max3A_912, %max3A_913 : vector<16xf32>
          %max3A_915 = arith.maximumf %max3A_914, %add3A_911 : vector<16xf32>
          %sub3A_916 = arith.subf %add3A_863, %max3A_915 : vector<16xf32>
          %exp3A_917 = math.exp %sub3A_916 : vector<16xf32>
          %sub3A_918 = arith.subf %add3A_875, %max3A_915 : vector<16xf32>
          %exp3A_919 = math.exp %sub3A_918 : vector<16xf32>
          %sub3A_920 = arith.subf %add3A_887, %max3A_915 : vector<16xf32>
          %exp3A_921 = math.exp %sub3A_920 : vector<16xf32>
          %sub3A_922 = arith.subf %add3A_899, %max3A_915 : vector<16xf32>
          %exp3A_923 = math.exp %sub3A_922 : vector<16xf32>
          %sub3A_924 = arith.subf %add3A_911, %max3A_915 : vector<16xf32>
          %exp3A_925 = math.exp %sub3A_924 : vector<16xf32>
          %add3A_926 = arith.addf %exp3A_917, %exp3A_919 : vector<16xf32>
          %add3A_927 = arith.addf %exp3A_921, %exp3A_923 : vector<16xf32>
          %add3A_928 = arith.addf %add3A_927, %exp3A_925 : vector<16xf32>
          %add3A_929 = arith.addf %add3A_926, %add3A_928 : vector<16xf32>
          %bitcast_convert_type3A_930 = tpu.bitcast %add3A_929 : vector<16xf32> -> vector<16xi32>
          %shift_right_arithmetic3A_931 = arith.constant 23 : i32
          %shift_right_arithmetic3A_932 = vector.broadcast %shift_right_arithmetic3A_931 : i32 to vector<16xi32>
          %shift_right_arithmetic3A_933 = arith.shrsi %bitcast_convert_type3A_930, %shift_right_arithmetic3A_932 : vector<16xi32>
          %sub3A_934 = arith.constant 127 : i32
          %sub3A_935 = vector.broadcast %sub3A_934 : i32 to vector<16xi32>
          %sub3A_936 = arith.subi %shift_right_arithmetic3A_933, %sub3A_935 : vector<16xi32>
          %and3A_937 = arith.constant 8388607 : i32
          %and3A_938 = vector.broadcast %and3A_937 : i32 to vector<16xi32>
          %and3A_939 = arith.andi %bitcast_convert_type3A_930, %and3A_938 : vector<16xi32>
          %or3A_940 = arith.constant 1065353216 : i32
          %or3A_941 = vector.broadcast %or3A_940 : i32 to vector<16xi32>
          %or3A_942 = arith.ori %and3A_939, %or3A_941 : vector<16xi32>
          %bitcast_convert_type3A_943 = tpu.bitcast %or3A_942 : vector<16xi32> -> vector<16xf32>
          %mul3A_944 = arith.mulf %bitcast_convert_type3A_943, %bitcast_convert_type3A_943 : vector<16xf32>
          %mul3A_945 = arith.constant -0.0548628531 : f32
          %mul3A_946 = vector.broadcast %mul3A_945 : f32 to vector<16xf32>
          %mul3A_947 = arith.mulf %mul3A_946, %mul3A_944 : vector<16xf32>
          %mul3A_948 = arith.constant 0.435861856 : f32
          %mul3A_949 = vector.broadcast %mul3A_948 : f32 to vector<16xf32>
          %mul3A_950 = arith.mulf %mul3A_949, %bitcast_convert_type3A_943 : vector<16xf32>
          %add3A_951 = arith.constant -1.44248104 : f32
          %add3A_952 = vector.broadcast %add3A_951 : f32 to vector<16xf32>
          %add3A_953 = arith.addf %mul3A_950, %add3A_952 : vector<16xf32>
          %add3A_954 = arith.addf %mul3A_947, %add3A_953 : vector<16xf32>
          %mul3A_955 = arith.constant 2.79225516 : f32
          %mul3A_956 = vector.broadcast %mul3A_955 : f32 to vector<16xf32>
          %mul3A_957 = arith.mulf %mul3A_956, %bitcast_convert_type3A_943 : vector<16xf32>
          %add3A_958 = arith.constant -1.73063171 : f32
          %add3A_959 = vector.broadcast %add3A_958 : f32 to vector<16xf32>
          %add3A_960 = arith.addf %mul3A_957, %add3A_959 : vector<16xf32>
          %convert_element_type3A_961 = arith.sitofp %sub3A_936 : vector<16xi32> to vector<16xf32>
          %mul3A_962 = arith.constant 0.693147182 : f32
          %mul3A_963 = vector.broadcast %mul3A_962 : f32 to vector<16xf32>
          %mul3A_964 = arith.mulf %mul3A_963, %convert_element_type3A_961 : vector<16xf32>
          %mul3A_965 = arith.mulf %add3A_954, %mul3A_944 : vector<16xf32>
          %add3A_966 = arith.addf %mul3A_965, %add3A_960 : vector<16xf32>
          %add3A_967 = arith.addf %mul3A_964, %add3A_966 : vector<16xf32>
          %add3A_968 = arith.addf %max3A_915, %add3A_967 : vector<16xf32>
          %swap3A_969 = arith.index_cast %scan3A_251 : i32 to index
          %swap3A_970 = arith.constant 80 : index
          %swap3A_971 = tpu.vector_load %arg5[%swap3A_969, %swap3A_970] {strides = array<i32>} : memref<16x256xf32, #tpu.memory_space<vmem>>, vector<1x16xf32>,
          %swap3A_972 = vector.shape_cast %swap3A_971 : vector<1x16xf32> to vector<16xf32>
          %swap3A_973 = vector.shape_cast %add3A_968 : vector<16xf32> to vector<1x16xf32>
          tpu.vector_store %arg5[%swap3A_969, %swap3A_970], %swap3A_973 {strides = array<i32>} : memref<16x256xf32, #tpu.memory_space<vmem>>, vector<1x16xf32>,
          %get3A_974 = arith.constant 0 : i32
          %get3A_975 = arith.constant 0 : i32
          %get3A_976 = arith.index_cast %get3A_974 : i32 to index
          %get3A_977 = arith.index_cast %scan3A_251 : i32 to index
          %get3A_978 = arith.index_cast %get3A_975 : i32 to index
          %get3A_979 = arith.constant 96 : index
          %get3A_980 = tpu.vector_load %arg4[%get3A_976, %get3A_977, %get3A_978, %get3A_979] {strides = array<i32>} : memref<2x16x5x256xf32, #tpu.memory_space<vmem>>, vector<1x1x1x16xf32>,
          %get3A_981 = vector.shape_cast %get3A_980 : vector<1x1x1x16xf32> to vector<16xf32>
          %add3A_982 = arith.addf %get3A_981, %scan3A_258 : vector<16xf32>
          %broadcast_in_dim3A_983 = vector.shape_cast %add3A_110 : vector<16xi32> to vector<16x1xi32>
          %gather3A_984 = vector.shape_cast %broadcast_in_dim3A_983 : vector<16x1xi32> to vector<16xi32>
          %gather3A_985 = tpu.dynamic_gather %scan3A_253[%gather3A_984] in [0] : vector<16xf32>, vector<16xi32> -> vector<16xf32>
          %get3A_986 = arith.constant 0 : i32
          %get3A_987 = arith.constant 1 : i32
          %get3A_988 = arith.index_cast %get3A_986 : i32 to index
          %get3A_989 = arith.index_cast %scan3A_251 : i32 to index
          %get3A_990 = arith.index_cast %get3A_987 : i32 to index
          %get3A_991 = arith.constant 96 : index
          %get3A_992 = tpu.vector_load %arg4[%get3A_988, %get3A_989, %get3A_990, %get3A_991] {strides = array<i32>} : memref<2x16x5x256xf32, #tpu.memory_space<vmem>>, vector<1x1x1x16xf32>,
          %get3A_993 = vector.shape_cast %get3A_992 : vector<1x1x1x16xf32> to vector<16xf32>
          %add3A_994 = arith.addf %get3A_993, %gather3A_985 : vector<16xf32>
          %broadcast_in_dim3A_995 = vector.shape_cast %add3A_110 : vector<16xi32> to vector<16x1xi32>
          %gather3A_996 = vector.shape_cast %broadcast_in_dim3A_995 : vector<16x1xi32> to vector<16xi32>
          %gather3A_997 = tpu.dynamic_gather %scan3A_257[%gather3A_996] in [0] : vector<16xf32>, vector<16xi32> -> vector<16xf32>
          %get3A_998 = arith.constant 0 : i32
          %get3A_999 = arith.constant 2 : i32
          %get3A_1000 = arith.index_cast %get3A_998 : i32 to index
          %get3A_1001 = arith.index_cast %scan3A_251 : i32 to index
          %get3A_1002 = arith.index_cast %get3A_999 : i32 to index
          %get3A_1003 = arith.constant 96 : index
          %get3A_1004 = tpu.vector_load %arg4[%get3A_1000, %get3A_1001, %get3A_1002, %get3A_1003] {strides = array<i32>} : memref<2x16x5x256xf32, #tpu.memory_space<vmem>>, vector<1x1x1x16xf32>,
          %get3A_1005 = vector.shape_cast %get3A_1004 : vector<1x1x1x16xf32> to vector<16xf32>
          %add3A_1006 = arith.addf %get3A_1005, %gather3A_997 : vector<16xf32>
          %broadcast_in_dim3A_1007 = vector.shape_cast %add3A_110 : vector<16xi32> to vector<16x1xi32>
          %gather3A_1008 = vector.shape_cast %broadcast_in_dim3A_1007 : vector<16x1xi32> to vector<16xi32>
          %gather3A_1009 = tpu.dynamic_gather %scan3A_261[%gather3A_1008] in [0] : vector<16xf32>, vector<16xi32> -> vector<16xf32>
          %get3A_1010 = arith.constant 0 : i32
          %get3A_1011 = arith.constant 3 : i32
          %get3A_1012 = arith.index_cast %get3A_1010 : i32 to index
          %get3A_1013 = arith.index_cast %scan3A_251 : i32 to index
          %get3A_1014 = arith.index_cast %get3A_1011 : i32 to index
          %get3A_1015 = arith.constant 96 : index
          %get3A_1016 = tpu.vector_load %arg4[%get3A_1012, %get3A_1013, %get3A_1014, %get3A_1015] {strides = array<i32>} : memref<2x16x5x256xf32, #tpu.memory_space<vmem>>, vector<1x1x1x16xf32>,
          %get3A_1017 = vector.shape_cast %get3A_1016 : vector<1x1x1x16xf32> to vector<16xf32>
          %add3A_1018 = arith.addf %get3A_1017, %gather3A_1009 : vector<16xf32>
          %broadcast_in_dim3A_1019 = vector.shape_cast %add3A_110 : vector<16xi32> to vector<16x1xi32>
          %gather3A_1020 = vector.shape_cast %broadcast_in_dim3A_1019 : vector<16x1xi32> to vector<16xi32>
          %gather3A_1021 = tpu.dynamic_gather %scan3A_265[%gather3A_1020] in [0] : vector<16xf32>, vector<16xi32> -> vector<16xf32>
          %get3A_1022 = arith.constant 0 : i32
          %get3A_1023 = arith.constant 4 : i32
          %get3A_1024 = arith.index_cast %get3A_1022 : i32 to index
          %get3A_1025 = arith.index_cast %scan3A_251 : i32 to index
          %get3A_1026 = arith.index_cast %get3A_1023 : i32 to index
          %get3A_1027 = arith.constant 96 : index
          %get3A_1028 = tpu.vector_load %arg4[%get3A_1024, %get3A_1025, %get3A_1026, %get3A_1027] {strides = array<i32>} : memref<2x16x5x256xf32, #tpu.memory_space<vmem>>, vector<1x1x1x16xf32>,
          %get3A_1029 = vector.shape_cast %get3A_1028 : vector<1x1x1x16xf32> to vector<16xf32>
          %add3A_1030 = arith.addf %get3A_1029, %gather3A_1021 : vector<16xf32>
          %max3A_1031 = arith.maximumf %add3A_982, %add3A_994 : vector<16xf32>
          %max3A_1032 = arith.maximumf %add3A_1006, %add3A_1018 : vector<16xf32>
          %max3A_1033 = arith.maximumf %max3A_1031, %max3A_1032 : vector<16xf32>
          %max3A_1034 = arith.maximumf %max3A_1033, %add3A_1030 : vector<16xf32>
          %sub3A_1035 = arith.subf %add3A_982, %max3A_1034 : vector<16xf32>
          %exp3A_1036 = math.exp %sub3A_1035 : vector<16xf32>
          %sub3A_1037 = arith.subf %add3A_994, %max3A_1034 : vector<16xf32>
          %exp3A_1038 = math.exp %sub3A_1037 : vector<16xf32>
          %sub3A_1039 = arith.subf %add3A_1006, %max3A_1034 : vector<16xf32>
          %exp3A_1040 = math.exp %sub3A_1039 : vector<16xf32>
          %sub3A_1041 = arith.subf %add3A_1018, %max3A_1034 : vector<16xf32>
          %exp3A_1042 = math.exp %sub3A_1041 : vector<16xf32>
          %sub3A_1043 = arith.subf %add3A_1030, %max3A_1034 : vector<16xf32>
          %exp3A_1044 = math.exp %sub3A_1043 : vector<16xf32>
          %add3A_1045 = arith.addf %exp3A_1036, %exp3A_1038 : vector<16xf32>
          %add3A_1046 = arith.addf %exp3A_1040, %exp3A_1042 : vector<16xf32>
          %add3A_1047 = arith.addf %add3A_1046, %exp3A_1044 : vector<16xf32>
          %add3A_1048 = arith.addf %add3A_1045, %add3A_1047 : vector<16xf32>
          %bitcast_convert_type3A_1049 = tpu.bitcast %add3A_1048 : vector<16xf32> -> vector<16xi32>
          %shift_right_arithmetic3A_1050 = arith.constant 23 : i32
          %shift_right_arithmetic3A_1051 = vector.broadcast %shift_right_arithmetic3A_1050 : i32 to vector<16xi32>
          %shift_right_arithmetic3A_1052 = arith.shrsi %bitcast_convert_type3A_1049, %shift_right_arithmetic3A_1051 : vector<16xi32>
          %sub3A_1053 = arith.constant 127 : i32
          %sub3A_1054 = vector.broadcast %sub3A_1053 : i32 to vector<16xi32>
          %sub3A_1055 = arith.subi %shift_right_arithmetic3A_1052, %sub3A_1054 : vector<16xi32>
          %and3A_1056 = arith.constant 8388607 : i32
          %and3A_1057 = vector.broadcast %and3A_1056 : i32 to vector<16xi32>
          %and3A_1058 = arith.andi %bitcast_convert_type3A_1049, %and3A_1057 : vector<16xi32>
          %or3A_1059 = arith.constant 1065353216 : i32
          %or3A_1060 = vector.broadcast %or3A_1059 : i32 to vector<16xi32>
          %or3A_1061 = arith.ori %and3A_1058, %or3A_1060 : vector<16xi32>
          %bitcast_convert_type3A_1062 = tpu.bitcast %or3A_1061 : vector<16xi32> -> vector<16xf32>
          %mul3A_1063 = arith.mulf %bitcast_convert_type3A_1062, %bitcast_convert_type3A_1062 : vector<16xf32>
          %mul3A_1064 = arith.constant -0.0548628531 : f32
          %mul3A_1065 = vector.broadcast %mul3A_1064 : f32 to vector<16xf32>
          %mul3A_1066 = arith.mulf %mul3A_1065, %mul3A_1063 : vector<16xf32>
          %mul3A_1067 = arith.constant 0.435861856 : f32
          %mul3A_1068 = vector.broadcast %mul3A_1067 : f32 to vector<16xf32>
          %mul3A_1069 = arith.mulf %mul3A_1068, %bitcast_convert_type3A_1062 : vector<16xf32>
          %add3A_1070 = arith.constant -1.44248104 : f32
          %add3A_1071 = vector.broadcast %add3A_1070 : f32 to vector<16xf32>
          %add3A_1072 = arith.addf %mul3A_1069, %add3A_1071 : vector<16xf32>
          %add3A_1073 = arith.addf %mul3A_1066, %add3A_1072 : vector<16xf32>
          %mul3A_1074 = arith.constant 2.79225516 : f32
          %mul3A_1075 = vector.broadcast %mul3A_1074 : f32 to vector<16xf32>
          %mul3A_1076 = arith.mulf %mul3A_1075, %bitcast_convert_type3A_1062 : vector<16xf32>
          %add3A_1077 = arith.constant -1.73063171 : f32
          %add3A_1078 = vector.broadcast %add3A_1077 : f32 to vector<16xf32>
          %add3A_1079 = arith.addf %mul3A_1076, %add3A_1078 : vector<16xf32>
          %convert_element_type3A_1080 = arith.sitofp %sub3A_1055 : vector<16xi32> to vector<16xf32>
          %mul3A_1081 = arith.constant 0.693147182 : f32
          %mul3A_1082 = vector.broadcast %mul3A_1081 : f32 to vector<16xf32>
          %mul3A_1083 = arith.mulf %mul3A_1082, %convert_element_type3A_1080 : vector<16xf32>
          %mul3A_1084 = arith.mulf %add3A_1073, %mul3A_1063 : vector<16xf32>
          %add3A_1085 = arith.addf %mul3A_1084, %add3A_1079 : vector<16xf32>
          %add3A_1086 = arith.addf %mul3A_1083, %add3A_1085 : vector<16xf32>
          %add3A_1087 = arith.addf %max3A_1034, %add3A_1086 : vector<16xf32>
          %swap3A_1088 = arith.index_cast %scan3A_251 : i32 to index
          %swap3A_1089 = arith.constant 96 : index
          %swap3A_1090 = tpu.vector_load %arg5[%swap3A_1088, %swap3A_1089] {strides = array<i32>} : memref<16x256xf32, #tpu.memory_space<vmem>>, vector<1x16xf32>,
          %swap3A_1091 = vector.shape_cast %swap3A_1090 : vector<1x16xf32> to vector<16xf32>
          %swap3A_1092 = vector.shape_cast %add3A_1087 : vector<16xf32> to vector<1x16xf32>
          tpu.vector_store %arg5[%swap3A_1088, %swap3A_1089], %swap3A_1092 {strides = array<i32>} : memref<16x256xf32, #tpu.memory_space<vmem>>, vector<1x16xf32>,
          %get3A_1093 = arith.constant 0 : i32
          %get3A_1094 = arith.constant 0 : i32
          %get3A_1095 = arith.index_cast %get3A_1093 : i32 to index
          %get3A_1096 = arith.index_cast %scan3A_251 : i32 to index
          %get3A_1097 = arith.index_cast %get3A_1094 : i32 to index
          %get3A_1098 = arith.constant 112 : index
          %get3A_1099 = tpu.vector_load %arg4[%get3A_1095, %get3A_1096, %get3A_1097, %get3A_1098] {strides = array<i32>} : memref<2x16x5x256xf32, #tpu.memory_space<vmem>>, vector<1x1x1x16xf32>,
          %get3A_1100 = vector.shape_cast %get3A_1099 : vector<1x1x1x16xf32> to vector<16xf32>
          %add3A_1101 = arith.addf %get3A_1100, %scan3A_259 : vector<16xf32>
          %broadcast_in_dim3A_1102 = vector.shape_cast %add3A_113 : vector<16xi32> to vector<16x1xi32>
          %gather3A_1103 = vector.shape_cast %broadcast_in_dim3A_1102 : vector<16x1xi32> to vector<16xi32>
          %gather3A_1104 = tpu.dynamic_gather %scan3A_253[%gather3A_1103] in [0] : vector<16xf32>, vector<16xi32> -> vector<16xf32>
          %get3A_1105 = arith.constant 0 : i32
          %get3A_1106 = arith.constant 1 : i32
          %get3A_1107 = arith.index_cast %get3A_1105 : i32 to index
          %get3A_1108 = arith.index_cast %scan3A_251 : i32 to index
          %get3A_1109 = arith.index_cast %get3A_1106 : i32 to index
          %get3A_1110 = arith.constant 112 : index
          %get3A_1111 = tpu.vector_load %arg4[%get3A_1107, %get3A_1108, %get3A_1109, %get3A_1110] {strides = array<i32>} : memref<2x16x5x256xf32, #tpu.memory_space<vmem>>, vector<1x1x1x16xf32>,
          %get3A_1112 = vector.shape_cast %get3A_1111 : vector<1x1x1x16xf32> to vector<16xf32>
          %add3A_1113 = arith.addf %get3A_1112, %gather3A_1104 : vector<16xf32>
          %broadcast_in_dim3A_1114 = vector.shape_cast %add3A_113 : vector<16xi32> to vector<16x1xi32>
          %gather3A_1115 = vector.shape_cast %broadcast_in_dim3A_1114 : vector<16x1xi32> to vector<16xi32>
          %gather3A_1116 = tpu.dynamic_gather %scan3A_257[%gather3A_1115] in [0] : vector<16xf32>, vector<16xi32> -> vector<16xf32>
          %get3A_1117 = arith.constant 0 : i32
          %get3A_1118 = arith.constant 2 : i32
          %get3A_1119 = arith.index_cast %get3A_1117 : i32 to index
          %get3A_1120 = arith.index_cast %scan3A_251 : i32 to index
          %get3A_1121 = arith.index_cast %get3A_1118 : i32 to index
          %get3A_1122 = arith.constant 112 : index
          %get3A_1123 = tpu.vector_load %arg4[%get3A_1119, %get3A_1120, %get3A_1121, %get3A_1122] {strides = array<i32>} : memref<2x16x5x256xf32, #tpu.memory_space<vmem>>, vector<1x1x1x16xf32>,
          %get3A_1124 = vector.shape_cast %get3A_1123 : vector<1x1x1x16xf32> to vector<16xf32>
          %add3A_1125 = arith.addf %get3A_1124, %gather3A_1116 : vector<16xf32>
          %broadcast_in_dim3A_1126 = vector.shape_cast %add3A_113 : vector<16xi32> to vector<16x1xi32>
          %gather3A_1127 = vector.shape_cast %broadcast_in_dim3A_1126 : vector<16x1xi32> to vector<16xi32>
          %gather3A_1128 = tpu.dynamic_gather %scan3A_261[%gather3A_1127] in [0] : vector<16xf32>, vector<16xi32> -> vector<16xf32>
          %get3A_1129 = arith.constant 0 : i32
          %get3A_1130 = arith.constant 3 : i32
          %get3A_1131 = arith.index_cast %get3A_1129 : i32 to index
          %get3A_1132 = arith.index_cast %scan3A_251 : i32 to index
          %get3A_1133 = arith.index_cast %get3A_1130 : i32 to index
          %get3A_1134 = arith.constant 112 : index
          %get3A_1135 = tpu.vector_load %arg4[%get3A_1131, %get3A_1132, %get3A_1133, %get3A_1134] {strides = array<i32>} : memref<2x16x5x256xf32, #tpu.memory_space<vmem>>, vector<1x1x1x16xf32>,
          %get3A_1136 = vector.shape_cast %get3A_1135 : vector<1x1x1x16xf32> to vector<16xf32>
          %add3A_1137 = arith.addf %get3A_1136, %gather3A_1128 : vector<16xf32>
          %broadcast_in_dim3A_1138 = vector.shape_cast %add3A_113 : vector<16xi32> to vector<16x1xi32>
          %gather3A_1139 = vector.shape_cast %broadcast_in_dim3A_1138 : vector<16x1xi32> to vector<16xi32>
          %gather3A_1140 = tpu.dynamic_gather %scan3A_265[%gather3A_1139] in [0] : vector<16xf32>, vector<16xi32> -> vector<16xf32>
          %get3A_1141 = arith.constant 0 : i32
          %get3A_1142 = arith.constant 4 : i32
          %get3A_1143 = arith.index_cast %get3A_1141 : i32 to index
          %get3A_1144 = arith.index_cast %scan3A_251 : i32 to index
          %get3A_1145 = arith.index_cast %get3A_1142 : i32 to index
          %get3A_1146 = arith.constant 112 : index
          %get3A_1147 = tpu.vector_load %arg4[%get3A_1143, %get3A_1144, %get3A_1145, %get3A_1146] {strides = array<i32>} : memref<2x16x5x256xf32, #tpu.memory_space<vmem>>, vector<1x1x1x16xf32>,
          %get3A_1148 = vector.shape_cast %get3A_1147 : vector<1x1x1x16xf32> to vector<16xf32>
          %add3A_1149 = arith.addf %get3A_1148, %gather3A_1140 : vector<16xf32>
          %max3A_1150 = arith.maximumf %add3A_1101, %add3A_1113 : vector<16xf32>
          %max3A_1151 = arith.maximumf %add3A_1125, %add3A_1137 : vector<16xf32>
          %max3A_1152 = arith.maximumf %max3A_1150, %max3A_1151 : vector<16xf32>
          %max3A_1153 = arith.maximumf %max3A_1152, %add3A_1149 : vector<16xf32>
          %sub3A_1154 = arith.subf %add3A_1101, %max3A_1153 : vector<16xf32>
          %exp3A_1155 = math.exp %sub3A_1154 : vector<16xf32>
          %sub3A_1156 = arith.subf %add3A_1113, %max3A_1153 : vector<16xf32>
          %exp3A_1157 = math.exp %sub3A_1156 : vector<16xf32>
          %sub3A_1158 = arith.subf %add3A_1125, %max3A_1153 : vector<16xf32>
          %exp3A_1159 = math.exp %sub3A_1158 : vector<16xf32>
          %sub3A_1160 = arith.subf %add3A_1137, %max3A_1153 : vector<16xf32>
          %exp3A_1161 = math.exp %sub3A_1160 : vector<16xf32>
          %sub3A_1162 = arith.subf %add3A_1149, %max3A_1153 : vector<16xf32>
          %exp3A_1163 = math.exp %sub3A_1162 : vector<16xf32>
          %add3A_1164 = arith.addf %exp3A_1155, %exp3A_1157 : vector<16xf32>
          %add3A_1165 = arith.addf %exp3A_1159, %exp3A_1161 : vector<16xf32>
          %add3A_1166 = arith.addf %add3A_1165, %exp3A_1163 : vector<16xf32>
          %add3A_1167 = arith.addf %add3A_1164, %add3A_1166 : vector<16xf32>
          %bitcast_convert_type3A_1168 = tpu.bitcast %add3A_1167 : vector<16xf32> -> vector<16xi32>
          %shift_right_arithmetic3A_1169 = arith.constant 23 : i32
          %shift_right_arithmetic3A_1170 = vector.broadcast %shift_right_arithmetic3A_1169 : i32 to vector<16xi32>
          %shift_right_arithmetic3A_1171 = arith.shrsi %bitcast_convert_type3A_1168, %shift_right_arithmetic3A_1170 : vector<16xi32>
          %sub3A_1172 = arith.constant 127 : i32
          %sub3A_1173 = vector.broadcast %sub3A_1172 : i32 to vector<16xi32>
          %sub3A_1174 = arith.subi %shift_right_arithmetic3A_1171, %sub3A_1173 : vector<16xi32>
          %and3A_1175 = arith.constant 8388607 : i32
          %and3A_1176 = vector.broadcast %and3A_1175 : i32 to vector<16xi32>
          %and3A_1177 = arith.andi %bitcast_convert_type3A_1168, %and3A_1176 : vector<16xi32>
          %or3A_1178 = arith.constant 1065353216 : i32
          %or3A_1179 = vector.broadcast %or3A_1178 : i32 to vector<16xi32>
          %or3A_1180 = arith.ori %and3A_1177, %or3A_1179 : vector<16xi32>
          %bitcast_convert_type3A_1181 = tpu.bitcast %or3A_1180 : vector<16xi32> -> vector<16xf32>
          %mul3A_1182 = arith.mulf %bitcast_convert_type3A_1181, %bitcast_convert_type3A_1181 : vector<16xf32>
          %mul3A_1183 = arith.constant -0.0548628531 : f32
          %mul3A_1184 = vector.broadcast %mul3A_1183 : f32 to vector<16xf32>
          %mul3A_1185 = arith.mulf %mul3A_1184, %mul3A_1182 : vector<16xf32>
          %mul3A_1186 = arith.constant 0.435861856 : f32
          %mul3A_1187 = vector.broadcast %mul3A_1186 : f32 to vector<16xf32>
          %mul3A_1188 = arith.mulf %mul3A_1187, %bitcast_convert_type3A_1181 : vector<16xf32>
          %add3A_1189 = arith.constant -1.44248104 : f32
          %add3A_1190 = vector.broadcast %add3A_1189 : f32 to vector<16xf32>
          %add3A_1191 = arith.addf %mul3A_1188, %add3A_1190 : vector<16xf32>
          %add3A_1192 = arith.addf %mul3A_1185, %add3A_1191 : vector<16xf32>
          %mul3A_1193 = arith.constant 2.79225516 : f32
          %mul3A_1194 = vector.broadcast %mul3A_1193 : f32 to vector<16xf32>
          %mul3A_1195 = arith.mulf %mul3A_1194, %bitcast_convert_type3A_1181 : vector<16xf32>
          %add3A_1196 = arith.constant -1.73063171 : f32
          %add3A_1197 = vector.broadcast %add3A_1196 : f32 to vector<16xf32>
          %add3A_1198 = arith.addf %mul3A_1195, %add3A_1197 : vector<16xf32>
          %convert_element_type3A_1199 = arith.sitofp %sub3A_1174 : vector<16xi32> to vector<16xf32>
          %mul3A_1200 = arith.constant 0.693147182 : f32
          %mul3A_1201 = vector.broadcast %mul3A_1200 : f32 to vector<16xf32>
          %mul3A_1202 = arith.mulf %mul3A_1201, %convert_element_type3A_1199 : vector<16xf32>
          %mul3A_1203 = arith.mulf %add3A_1192, %mul3A_1182 : vector<16xf32>
          %add3A_1204 = arith.addf %mul3A_1203, %add3A_1198 : vector<16xf32>
          %add3A_1205 = arith.addf %mul3A_1202, %add3A_1204 : vector<16xf32>
          %add3A_1206 = arith.addf %max3A_1153, %add3A_1205 : vector<16xf32>
          %swap3A_1207 = arith.index_cast %scan3A_251 : i32 to index
          %swap3A_1208 = arith.constant 112 : index
          %swap3A_1209 = tpu.vector_load %arg5[%swap3A_1207, %swap3A_1208] {strides = array<i32>} : memref<16x256xf32, #tpu.memory_space<vmem>>, vector<1x16xf32>,
          %swap3A_1210 = vector.shape_cast %swap3A_1209 : vector<1x16xf32> to vector<16xf32>
          %swap3A_1211 = vector.shape_cast %add3A_1206 : vector<16xf32> to vector<1x16xf32>
          tpu.vector_store %arg5[%swap3A_1207, %swap3A_1208], %swap3A_1211 {strides = array<i32>} : memref<16x256xf32, #tpu.memory_space<vmem>>, vector<1x16xf32>,
          %get3A_1212 = arith.constant 0 : i32
          %get3A_1213 = arith.constant 0 : i32
          %get3A_1214 = arith.index_cast %get3A_1212 : i32 to index
          %get3A_1215 = arith.index_cast %scan3A_251 : i32 to index
          %get3A_1216 = arith.index_cast %get3A_1213 : i32 to index
          %get3A_1217 = arith.constant 128 : index
          %get3A_1218 = tpu.vector_load %arg4[%get3A_1214, %get3A_1215, %get3A_1216, %get3A_1217] {strides = array<i32>} : memref<2x16x5x256xf32, #tpu.memory_space<vmem>>, vector<1x1x1x16xf32>,
          %get3A_1219 = vector.shape_cast %get3A_1218 : vector<1x1x1x16xf32> to vector<16xf32>
          %add3A_1220 = arith.addf %get3A_1219, %scan3A_260 : vector<16xf32>
          %broadcast_in_dim3A_1221 = vector.shape_cast %add3A_104 : vector<16xi32> to vector<16x1xi32>
          %gather3A_1222 = vector.shape_cast %broadcast_in_dim3A_1221 : vector<16x1xi32> to vector<16xi32>
          %gather3A_1223 = tpu.dynamic_gather %scan3A_254[%gather3A_1222] in [0] : vector<16xf32>, vector<16xi32> -> vector<16xf32>
          %get3A_1224 = arith.constant 0 : i32
          %get3A_1225 = arith.constant 1 : i32
          %get3A_1226 = arith.index_cast %get3A_1224 : i32 to index
          %get3A_1227 = arith.index_cast %scan3A_251 : i32 to index
          %get3A_1228 = arith.index_cast %get3A_1225 : i32 to index
          %get3A_1229 = arith.constant 128 : index
          %get3A_1230 = tpu.vector_load %arg4[%get3A_1226, %get3A_1227, %get3A_1228, %get3A_1229] {strides = array<i32>} : memref<2x16x5x256xf32, #tpu.memory_space<vmem>>, vector<1x1x1x16xf32>,
          %get3A_1231 = vector.shape_cast %get3A_1230 : vector<1x1x1x16xf32> to vector<16xf32>
          %add3A_1232 = arith.addf %get3A_1231, %gather3A_1223 : vector<16xf32>
          %broadcast_in_dim3A_1233 = vector.shape_cast %add3A_104 : vector<16xi32> to vector<16x1xi32>
          %gather3A_1234 = vector.shape_cast %broadcast_in_dim3A_1233 : vector<16x1xi32> to vector<16xi32>
          %gather3A_1235 = tpu.dynamic_gather %scan3A_258[%gather3A_1234] in [0] : vector<16xf32>, vector<16xi32> -> vector<16xf32>
          %get3A_1236 = arith.constant 0 : i32
          %get3A_1237 = arith.constant 2 : i32
          %get3A_1238 = arith.index_cast %get3A_1236 : i32 to index
          %get3A_1239 = arith.index_cast %scan3A_251 : i32 to index
          %get3A_1240 = arith.index_cast %get3A_1237 : i32 to index
          %get3A_1241 = arith.constant 128 : index
          %get3A_1242 = tpu.vector_load %arg4[%get3A_1238, %get3A_1239, %get3A_1240, %get3A_1241] {strides = array<i32>} : memref<2x16x5x256xf32, #tpu.memory_space<vmem>>, vector<1x1x1x16xf32>,
          %get3A_1243 = vector.shape_cast %get3A_1242 : vector<1x1x1x16xf32> to vector<16xf32>
          %add3A_1244 = arith.addf %get3A_1243, %gather3A_1235 : vector<16xf32>
          %broadcast_in_dim3A_1245 = vector.shape_cast %add3A_104 : vector<16xi32> to vector<16x1xi32>
          %gather3A_1246 = vector.shape_cast %broadcast_in_dim3A_1245 : vector<16x1xi32> to vector<16xi32>
          %gather3A_1247 = tpu.dynamic_gather %scan3A_262[%gather3A_1246] in [0] : vector<16xf32>, vector<16xi32> -> vector<16xf32>
          %get3A_1248 = arith.constant 0 : i32
          %get3A_1249 = arith.constant 3 : i32
          %get3A_1250 = arith.index_cast %get3A_1248 : i32 to index
          %get3A_1251 = arith.index_cast %scan3A_251 : i32 to index
          %get3A_1252 = arith.index_cast %get3A_1249 : i32 to index
          %get3A_1253 = arith.constant 128 : index
          %get3A_1254 = tpu.vector_load %arg4[%get3A_1250, %get3A_1251, %get3A_1252, %get3A_1253] {strides = array<i32>} : memref<2x16x5x256xf32, #tpu.memory_space<vmem>>, vector<1x1x1x16xf32>,
          %get3A_1255 = vector.shape_cast %get3A_1254 : vector<1x1x1x16xf32> to vector<16xf32>
          %add3A_1256 = arith.addf %get3A_1255, %gather3A_1247 : vector<16xf32>
          %broadcast_in_dim3A_1257 = vector.shape_cast %add3A_104 : vector<16xi32> to vector<16x1xi32>
          %gather3A_1258 = vector.shape_cast %broadcast_in_dim3A_1257 : vector<16x1xi32> to vector<16xi32>
          %gather3A_1259 = tpu.dynamic_gather %scan3A_266[%gather3A_1258] in [0] : vector<16xf32>, vector<16xi32> -> vector<16xf32>
          %get3A_1260 = arith.constant 0 : i32
          %get3A_1261 = arith.constant 4 : i32
          %get3A_1262 = arith.index_cast %get3A_1260 : i32 to index
          %get3A_1263 = arith.index_cast %scan3A_251 : i32 to index
          %get3A_1264 = arith.index_cast %get3A_1261 : i32 to index
          %get3A_1265 = arith.constant 128 : index
          %get3A_1266 = tpu.vector_load %arg4[%get3A_1262, %get3A_1263, %get3A_1264, %get3A_1265] {strides = array<i32>} : memref<2x16x5x256xf32, #tpu.memory_space<vmem>>, vector<1x1x1x16xf32>,
          %get3A_1267 = vector.shape_cast %get3A_1266 : vector<1x1x1x16xf32> to vector<16xf32>
          %add3A_1268 = arith.addf %get3A_1267, %gather3A_1259 : vector<16xf32>
          %max3A_1269 = arith.maximumf %add3A_1220, %add3A_1232 : vector<16xf32>
          %max3A_1270 = arith.maximumf %add3A_1244, %add3A_1256 : vector<16xf32>
          %max3A_1271 = arith.maximumf %max3A_1269, %max3A_1270 : vector<16xf32>
          %max3A_1272 = arith.maximumf %max3A_1271, %add3A_1268 : vector<16xf32>
          %sub3A_1273 = arith.subf %add3A_1220, %max3A_1272 : vector<16xf32>
          %exp3A_1274 = math.exp %sub3A_1273 : vector<16xf32>
          %sub3A_1275 = arith.subf %add3A_1232, %max3A_1272 : vector<16xf32>
          %exp3A_1276 = math.exp %sub3A_1275 : vector<16xf32>
          %sub3A_1277 = arith.subf %add3A_1244, %max3A_1272 : vector<16xf32>
          %exp3A_1278 = math.exp %sub3A_1277 : vector<16xf32>
          %sub3A_1279 = arith.subf %add3A_1256, %max3A_1272 : vector<16xf32>
          %exp3A_1280 = math.exp %sub3A_1279 : vector<16xf32>
          %sub3A_1281 = arith.subf %add3A_1268, %max3A_1272 : vector<16xf32>
          %exp3A_1282 = math.exp %sub3A_1281 : vector<16xf32>
          %add3A_1283 = arith.addf %exp3A_1274, %exp3A_1276 : vector<16xf32>
          %add3A_1284 = arith.addf %exp3A_1278, %exp3A_1280 : vector<16xf32>
          %add3A_1285 = arith.addf %add3A_1284, %exp3A_1282 : vector<16xf32>
          %add3A_1286 = arith.addf %add3A_1283, %add3A_1285 : vector<16xf32>
          %bitcast_convert_type3A_1287 = tpu.bitcast %add3A_1286 : vector<16xf32> -> vector<16xi32>
          %shift_right_arithmetic3A_1288 = arith.constant 23 : i32
          %shift_right_arithmetic3A_1289 = vector.broadcast %shift_right_arithmetic3A_1288 : i32 to vector<16xi32>
          %shift_right_arithmetic3A_1290 = arith.shrsi %bitcast_convert_type3A_1287, %shift_right_arithmetic3A_1289 : vector<16xi32>
          %sub3A_1291 = arith.constant 127 : i32
          %sub3A_1292 = vector.broadcast %sub3A_1291 : i32 to vector<16xi32>
          %sub3A_1293 = arith.subi %shift_right_arithmetic3A_1290, %sub3A_1292 : vector<16xi32>
          %and3A_1294 = arith.constant 8388607 : i32
          %and3A_1295 = vector.broadcast %and3A_1294 : i32 to vector<16xi32>
          %and3A_1296 = arith.andi %bitcast_convert_type3A_1287, %and3A_1295 : vector<16xi32>
          %or3A_1297 = arith.constant 1065353216 : i32
          %or3A_1298 = vector.broadcast %or3A_1297 : i32 to vector<16xi32>
          %or3A_1299 = arith.ori %and3A_1296, %or3A_1298 : vector<16xi32>
          %bitcast_convert_type3A_1300 = tpu.bitcast %or3A_1299 : vector<16xi32> -> vector<16xf32>
          %mul3A_1301 = arith.mulf %bitcast_convert_type3A_1300, %bitcast_convert_type3A_1300 : vector<16xf32>
          %mul3A_1302 = arith.constant -0.0548628531 : f32
          %mul3A_1303 = vector.broadcast %mul3A_1302 : f32 to vector<16xf32>
          %mul3A_1304 = arith.mulf %mul3A_1303, %mul3A_1301 : vector<16xf32>
          %mul3A_1305 = arith.constant 0.435861856 : f32
          %mul3A_1306 = vector.broadcast %mul3A_1305 : f32 to vector<16xf32>
          %mul3A_1307 = arith.mulf %mul3A_1306, %bitcast_convert_type3A_1300 : vector<16xf32>
          %add3A_1308 = arith.constant -1.44248104 : f32
          %add3A_1309 = vector.broadcast %add3A_1308 : f32 to vector<16xf32>
          %add3A_1310 = arith.addf %mul3A_1307, %add3A_1309 : vector<16xf32>
          %add3A_1311 = arith.addf %mul3A_1304, %add3A_1310 : vector<16xf32>
          %mul3A_1312 = arith.constant 2.79225516 : f32
          %mul3A_1313 = vector.broadcast %mul3A_1312 : f32 to vector<16xf32>
          %mul3A_1314 = arith.mulf %mul3A_1313, %bitcast_convert_type3A_1300 : vector<16xf32>
          %add3A_1315 = arith.constant -1.73063171 : f32
          %add3A_1316 = vector.broadcast %add3A_1315 : f32 to vector<16xf32>
          %add3A_1317 = arith.addf %mul3A_1314, %add3A_1316 : vector<16xf32>
          %convert_element_type3A_1318 = arith.sitofp %sub3A_1293 : vector<16xi32> to vector<16xf32>
          %mul3A_1319 = arith.constant 0.693147182 : f32
          %mul3A_1320 = vector.broadcast %mul3A_1319 : f32 to vector<16xf32>
          %mul3A_1321 = arith.mulf %mul3A_1320, %convert_element_type3A_1318 : vector<16xf32>
          %mul3A_1322 = arith.mulf %add3A_1311, %mul3A_1301 : vector<16xf32>
          %add3A_1323 = arith.addf %mul3A_1322, %add3A_1317 : vector<16xf32>
          %add3A_1324 = arith.addf %mul3A_1321, %add3A_1323 : vector<16xf32>
          %add3A_1325 = arith.addf %max3A_1272, %add3A_1324 : vector<16xf32>
          %swap3A_1326 = arith.index_cast %scan3A_251 : i32 to index
          %swap3A_1327 = arith.constant 128 : index
          %swap3A_1328 = tpu.vector_load %arg5[%swap3A_1326, %swap3A_1327] {strides = array<i32>} : memref<16x256xf32, #tpu.memory_space<vmem>>, vector<1x16xf32>,
          %swap3A_1329 = vector.shape_cast %swap3A_1328 : vector<1x16xf32> to vector<16xf32>
          %swap3A_1330 = vector.shape_cast %add3A_1325 : vector<16xf32> to vector<1x16xf32>
          tpu.vector_store %arg5[%swap3A_1326, %swap3A_1327], %swap3A_1330 {strides = array<i32>} : memref<16x256xf32, #tpu.memory_space<vmem>>, vector<1x16xf32>,
          %get3A_1331 = arith.constant 0 : i32
          %get3A_1332 = arith.constant 0 : i32
          %get3A_1333 = arith.index_cast %get3A_1331 : i32 to index
          %get3A_1334 = arith.index_cast %scan3A_251 : i32 to index
          %get3A_1335 = arith.index_cast %get3A_1332 : i32 to index
          %get3A_1336 = arith.constant 144 : index
          %get3A_1337 = tpu.vector_load %arg4[%get3A_1333, %get3A_1334, %get3A_1335, %get3A_1336] {strides = array<i32>} : memref<2x16x5x256xf32, #tpu.memory_space<vmem>>, vector<1x1x1x16xf32>,
          %get3A_1338 = vector.shape_cast %get3A_1337 : vector<1x1x1x16xf32> to vector<16xf32>
          %add3A_1339 = arith.addf %get3A_1338, %scan3A_261 : vector<16xf32>
          %broadcast_in_dim3A_1340 = vector.shape_cast %add3A_107 : vector<16xi32> to vector<16x1xi32>
          %gather3A_1341 = vector.shape_cast %broadcast_in_dim3A_1340 : vector<16x1xi32> to vector<16xi32>
          %gather3A_1342 = tpu.dynamic_gather %scan3A_254[%gather3A_1341] in [0] : vector<16xf32>, vector<16xi32> -> vector<16xf32>
          %get3A_1343 = arith.constant 0 : i32
          %get3A_1344 = arith.constant 1 : i32
          %get3A_1345 = arith.index_cast %get3A_1343 : i32 to index
          %get3A_1346 = arith.index_cast %scan3A_251 : i32 to index
          %get3A_1347 = arith.index_cast %get3A_1344 : i32 to index
          %get3A_1348 = arith.constant 144 : index
          %get3A_1349 = tpu.vector_load %arg4[%get3A_1345, %get3A_1346, %get3A_1347, %get3A_1348] {strides = array<i32>} : memref<2x16x5x256xf32, #tpu.memory_space<vmem>>, vector<1x1x1x16xf32>,
          %get3A_1350 = vector.shape_cast %get3A_1349 : vector<1x1x1x16xf32> to vector<16xf32>
          %add3A_1351 = arith.addf %get3A_1350, %gather3A_1342 : vector<16xf32>
          %broadcast_in_dim3A_1352 = vector.shape_cast %add3A_107 : vector<16xi32> to vector<16x1xi32>
          %gather3A_1353 = vector.shape_cast %broadcast_in_dim3A_1352 : vector<16x1xi32> to vector<16xi32>
          %gather3A_1354 = tpu.dynamic_gather %scan3A_258[%gather3A_1353] in [0] : vector<16xf32>, vector<16xi32> -> vector<16xf32>
          %get3A_1355 = arith.constant 0 : i32
          %get3A_1356 = arith.constant 2 : i32
          %get3A_1357 = arith.index_cast %get3A_1355 : i32 to index
          %get3A_1358 = arith.index_cast %scan3A_251 : i32 to index
          %get3A_1359 = arith.index_cast %get3A_1356 : i32 to index
          %get3A_1360 = arith.constant 144 : index
          %get3A_1361 = tpu.vector_load %arg4[%get3A_1357, %get3A_1358, %get3A_1359, %get3A_1360] {strides = array<i32>} : memref<2x16x5x256xf32, #tpu.memory_space<vmem>>, vector<1x1x1x16xf32>,
          %get3A_1362 = vector.shape_cast %get3A_1361 : vector<1x1x1x16xf32> to vector<16xf32>
          %add3A_1363 = arith.addf %get3A_1362, %gather3A_1354 : vector<16xf32>
          %broadcast_in_dim3A_1364 = vector.shape_cast %add3A_107 : vector<16xi32> to vector<16x1xi32>
          %gather3A_1365 = vector.shape_cast %broadcast_in_dim3A_1364 : vector<16x1xi32> to vector<16xi32>
          %gather3A_1366 = tpu.dynamic_gather %scan3A_262[%gather3A_1365] in [0] : vector<16xf32>, vector<16xi32> -> vector<16xf32>
          %get3A_1367 = arith.constant 0 : i32
          %get3A_1368 = arith.constant 3 : i32
          %get3A_1369 = arith.index_cast %get3A_1367 : i32 to index
          %get3A_1370 = arith.index_cast %scan3A_251 : i32 to index
          %get3A_1371 = arith.index_cast %get3A_1368 : i32 to index
          %get3A_1372 = arith.constant 144 : index
          %get3A_1373 = tpu.vector_load %arg4[%get3A_1369, %get3A_1370, %get3A_1371, %get3A_1372] {strides = array<i32>} : memref<2x16x5x256xf32, #tpu.memory_space<vmem>>, vector<1x1x1x16xf32>,
          %get3A_1374 = vector.shape_cast %get3A_1373 : vector<1x1x1x16xf32> to vector<16xf32>
          %add3A_1375 = arith.addf %get3A_1374, %gather3A_1366 : vector<16xf32>
          %broadcast_in_dim3A_1376 = vector.shape_cast %add3A_107 : vector<16xi32> to vector<16x1xi32>
          %gather3A_1377 = vector.shape_cast %broadcast_in_dim3A_1376 : vector<16x1xi32> to vector<16xi32>
          %gather3A_1378 = tpu.dynamic_gather %scan3A_266[%gather3A_1377] in [0] : vector<16xf32>, vector<16xi32> -> vector<16xf32>
          %get3A_1379 = arith.constant 0 : i32
          %get3A_1380 = arith.constant 4 : i32
          %get3A_1381 = arith.index_cast %get3A_1379 : i32 to index
          %get3A_1382 = arith.index_cast %scan3A_251 : i32 to index
          %get3A_1383 = arith.index_cast %get3A_1380 : i32 to index
          %get3A_1384 = arith.constant 144 : index
          %get3A_1385 = tpu.vector_load %arg4[%get3A_1381, %get3A_1382, %get3A_1383, %get3A_1384] {strides = array<i32>} : memref<2x16x5x256xf32, #tpu.memory_space<vmem>>, vector<1x1x1x16xf32>,
          %get3A_1386 = vector.shape_cast %get3A_1385 : vector<1x1x1x16xf32> to vector<16xf32>
          %add3A_1387 = arith.addf %get3A_1386, %gather3A_1378 : vector<16xf32>
          %max3A_1388 = arith.maximumf %add3A_1339, %add3A_1351 : vector<16xf32>
          %max3A_1389 = arith.maximumf %add3A_1363, %add3A_1375 : vector<16xf32>
          %max3A_1390 = arith.maximumf %max3A_1388, %max3A_1389 : vector<16xf32>
          %max3A_1391 = arith.maximumf %max3A_1390, %add3A_1387 : vector<16xf32>
          %sub3A_1392 = arith.subf %add3A_1339, %max3A_1391 : vector<16xf32>
          %exp3A_1393 = math.exp %sub3A_1392 : vector<16xf32>
          %sub3A_1394 = arith.subf %add3A_1351, %max3A_1391 : vector<16xf32>
          %exp3A_1395 = math.exp %sub3A_1394 : vector<16xf32>
          %sub3A_1396 = arith.subf %add3A_1363, %max3A_1391 : vector<16xf32>
          %exp3A_1397 = math.exp %sub3A_1396 : vector<16xf32>
          %sub3A_1398 = arith.subf %add3A_1375, %max3A_1391 : vector<16xf32>
          %exp3A_1399 = math.exp %sub3A_1398 : vector<16xf32>
          %sub3A_1400 = arith.subf %add3A_1387, %max3A_1391 : vector<16xf32>
          %exp3A_1401 = math.exp %sub3A_1400 : vector<16xf32>
          %add3A_1402 = arith.addf %exp3A_1393, %exp3A_1395 : vector<16xf32>
          %add3A_1403 = arith.addf %exp3A_1397, %exp3A_1399 : vector<16xf32>
          %add3A_1404 = arith.addf %add3A_1403, %exp3A_1401 : vector<16xf32>
          %add3A_1405 = arith.addf %add3A_1402, %add3A_1404 : vector<16xf32>
          %bitcast_convert_type3A_1406 = tpu.bitcast %add3A_1405 : vector<16xf32> -> vector<16xi32>
          %shift_right_arithmetic3A_1407 = arith.constant 23 : i32
          %shift_right_arithmetic3A_1408 = vector.broadcast %shift_right_arithmetic3A_1407 : i32 to vector<16xi32>
          %shift_right_arithmetic3A_1409 = arith.shrsi %bitcast_convert_type3A_1406, %shift_right_arithmetic3A_1408 : vector<16xi32>
          %sub3A_1410 = arith.constant 127 : i32
          %sub3A_1411 = vector.broadcast %sub3A_1410 : i32 to vector<16xi32>
          %sub3A_1412 = arith.subi %shift_right_arithmetic3A_1409, %sub3A_1411 : vector<16xi32>
          %and3A_1413 = arith.constant 8388607 : i32
          %and3A_1414 = vector.broadcast %and3A_1413 : i32 to vector<16xi32>
          %and3A_1415 = arith.andi %bitcast_convert_type3A_1406, %and3A_1414 : vector<16xi32>
          %or3A_1416 = arith.constant 1065353216 : i32
          %or3A_1417 = vector.broadcast %or3A_1416 : i32 to vector<16xi32>
          %or3A_1418 = arith.ori %and3A_1415, %or3A_1417 : vector<16xi32>
          %bitcast_convert_type3A_1419 = tpu.bitcast %or3A_1418 : vector<16xi32> -> vector<16xf32>
          %mul3A_1420 = arith.mulf %bitcast_convert_type3A_1419, %bitcast_convert_type3A_1419 : vector<16xf32>
          %mul3A_1421 = arith.constant -0.0548628531 : f32
          %mul3A_1422 = vector.broadcast %mul3A_1421 : f32 to vector<16xf32>
          %mul3A_1423 = arith.mulf %mul3A_1422, %mul3A_1420 : vector<16xf32>
          %mul3A_1424 = arith.constant 0.435861856 : f32
          %mul3A_1425 = vector.broadcast %mul3A_1424 : f32 to vector<16xf32>
          %mul3A_1426 = arith.mulf %mul3A_1425, %bitcast_convert_type3A_1419 : vector<16xf32>
          %add3A_1427 = arith.constant -1.44248104 : f32
          %add3A_1428 = vector.broadcast %add3A_1427 : f32 to vector<16xf32>
          %add3A_1429 = arith.addf %mul3A_1426, %add3A_1428 : vector<16xf32>
          %add3A_1430 = arith.addf %mul3A_1423, %add3A_1429 : vector<16xf32>
          %mul3A_1431 = arith.constant 2.79225516 : f32
          %mul3A_1432 = vector.broadcast %mul3A_1431 : f32 to vector<16xf32>
          %mul3A_1433 = arith.mulf %mul3A_1432, %bitcast_convert_type3A_1419 : vector<16xf32>
          %add3A_1434 = arith.constant -1.73063171 : f32
          %add3A_1435 = vector.broadcast %add3A_1434 : f32 to vector<16xf32>
          %add3A_1436 = arith.addf %mul3A_1433, %add3A_1435 : vector<16xf32>
          %convert_element_type3A_1437 = arith.sitofp %sub3A_1412 : vector<16xi32> to vector<16xf32>
          %mul3A_1438 = arith.constant 0.693147182 : f32
          %mul3A_1439 = vector.broadcast %mul3A_1438 : f32 to vector<16xf32>
          %mul3A_1440 = arith.mulf %mul3A_1439, %convert_element_type3A_1437 : vector<16xf32>
          %mul3A_1441 = arith.mulf %add3A_1430, %mul3A_1420 : vector<16xf32>
          %add3A_1442 = arith.addf %mul3A_1441, %add3A_1436 : vector<16xf32>
          %add3A_1443 = arith.addf %mul3A_1440, %add3A_1442 : vector<16xf32>
          %add3A_1444 = arith.addf %max3A_1391, %add3A_1443 : vector<16xf32>
          %swap3A_1445 = arith.index_cast %scan3A_251 : i32 to index
          %swap3A_1446 = arith.constant 144 : index
          %swap3A_1447 = tpu.vector_load %arg5[%swap3A_1445, %swap3A_1446] {strides = array<i32>} : memref<16x256xf32, #tpu.memory_space<vmem>>, vector<1x16xf32>,
          %swap3A_1448 = vector.shape_cast %swap3A_1447 : vector<1x16xf32> to vector<16xf32>
          %swap3A_1449 = vector.shape_cast %add3A_1444 : vector<16xf32> to vector<1x16xf32>
          tpu.vector_store %arg5[%swap3A_1445, %swap3A_1446], %swap3A_1449 {strides = array<i32>} : memref<16x256xf32, #tpu.memory_space<vmem>>, vector<1x16xf32>,
          %get3A_1450 = arith.constant 0 : i32
          %get3A_1451 = arith.constant 0 : i32
          %get3A_1452 = arith.index_cast %get3A_1450 : i32 to index
          %get3A_1453 = arith.index_cast %scan3A_251 : i32 to index
          %get3A_1454 = arith.index_cast %get3A_1451 : i32 to index
          %get3A_1455 = arith.constant 160 : index
          %get3A_1456 = tpu.vector_load %arg4[%get3A_1452, %get3A_1453, %get3A_1454, %get3A_1455] {strides = array<i32>} : memref<2x16x5x256xf32, #tpu.memory_space<vmem>>, vector<1x1x1x16xf32>,
          %get3A_1457 = vector.shape_cast %get3A_1456 : vector<1x1x1x16xf32> to vector<16xf32>
          %add3A_1458 = arith.addf %get3A_1457, %scan3A_262 : vector<16xf32>
          %broadcast_in_dim3A_1459 = vector.shape_cast %add3A_110 : vector<16xi32> to vector<16x1xi32>
          %gather3A_1460 = vector.shape_cast %broadcast_in_dim3A_1459 : vector<16x1xi32> to vector<16xi32>
          %gather3A_1461 = tpu.dynamic_gather %scan3A_254[%gather3A_1460] in [0] : vector<16xf32>, vector<16xi32> -> vector<16xf32>
          %get3A_1462 = arith.constant 0 : i32
          %get3A_1463 = arith.constant 1 : i32
          %get3A_1464 = arith.index_cast %get3A_1462 : i32 to index
          %get3A_1465 = arith.index_cast %scan3A_251 : i32 to index
          %get3A_1466 = arith.index_cast %get3A_1463 : i32 to index
          %get3A_1467 = arith.constant 160 : index
          %get3A_1468 = tpu.vector_load %arg4[%get3A_1464, %get3A_1465, %get3A_1466, %get3A_1467] {strides = array<i32>} : memref<2x16x5x256xf32, #tpu.memory_space<vmem>>, vector<1x1x1x16xf32>,
          %get3A_1469 = vector.shape_cast %get3A_1468 : vector<1x1x1x16xf32> to vector<16xf32>
          %add3A_1470 = arith.addf %get3A_1469, %gather3A_1461 : vector<16xf32>
          %broadcast_in_dim3A_1471 = vector.shape_cast %add3A_110 : vector<16xi32> to vector<16x1xi32>
          %gather3A_1472 = vector.shape_cast %broadcast_in_dim3A_1471 : vector<16x1xi32> to vector<16xi32>
          %gather3A_1473 = tpu.dynamic_gather %scan3A_258[%gather3A_1472] in [0] : vector<16xf32>, vector<16xi32> -> vector<16xf32>
          %get3A_1474 = arith.constant 0 : i32
          %get3A_1475 = arith.constant 2 : i32
          %get3A_1476 = arith.index_cast %get3A_1474 : i32 to index
          %get3A_1477 = arith.index_cast %scan3A_251 : i32 to index
          %get3A_1478 = arith.index_cast %get3A_1475 : i32 to index
          %get3A_1479 = arith.constant 160 : index
          %get3A_1480 = tpu.vector_load %arg4[%get3A_1476, %get3A_1477, %get3A_1478, %get3A_1479] {strides = array<i32>} : memref<2x16x5x256xf32, #tpu.memory_space<vmem>>, vector<1x1x1x16xf32>,
          %get3A_1481 = vector.shape_cast %get3A_1480 : vector<1x1x1x16xf32> to vector<16xf32>
          %add3A_1482 = arith.addf %get3A_1481, %gather3A_1473 : vector<16xf32>
          %broadcast_in_dim3A_1483 = vector.shape_cast %add3A_110 : vector<16xi32> to vector<16x1xi32>
          %gather3A_1484 = vector.shape_cast %broadcast_in_dim3A_1483 : vector<16x1xi32> to vector<16xi32>
          %gather3A_1485 = tpu.dynamic_gather %scan3A_262[%gather3A_1484] in [0] : vector<16xf32>, vector<16xi32> -> vector<16xf32>
          %get3A_1486 = arith.constant 0 : i32
          %get3A_1487 = arith.constant 3 : i32
          %get3A_1488 = arith.index_cast %get3A_1486 : i32 to index
          %get3A_1489 = arith.index_cast %scan3A_251 : i32 to index
          %get3A_1490 = arith.index_cast %get3A_1487 : i32 to index
          %get3A_1491 = arith.constant 160 : index
          %get3A_1492 = tpu.vector_load %arg4[%get3A_1488, %get3A_1489, %get3A_1490, %get3A_1491] {strides = array<i32>} : memref<2x16x5x256xf32, #tpu.memory_space<vmem>>, vector<1x1x1x16xf32>,
          %get3A_1493 = vector.shape_cast %get3A_1492 : vector<1x1x1x16xf32> to vector<16xf32>
          %add3A_1494 = arith.addf %get3A_1493, %gather3A_1485 : vector<16xf32>
          %broadcast_in_dim3A_1495 = vector.shape_cast %add3A_110 : vector<16xi32> to vector<16x1xi32>
          %gather3A_1496 = vector.shape_cast %broadcast_in_dim3A_1495 : vector<16x1xi32> to vector<16xi32>
          %gather3A_1497 = tpu.dynamic_gather %scan3A_266[%gather3A_1496] in [0] : vector<16xf32>, vector<16xi32> -> vector<16xf32>
          %get3A_1498 = arith.constant 0 : i32
          %get3A_1499 = arith.constant 4 : i32
          %get3A_1500 = arith.index_cast %get3A_1498 : i32 to index
          %get3A_1501 = arith.index_cast %scan3A_251 : i32 to index
          %get3A_1502 = arith.index_cast %get3A_1499 : i32 to index
          %get3A_1503 = arith.constant 160 : index
          %get3A_1504 = tpu.vector_load %arg4[%get3A_1500, %get3A_1501, %get3A_1502, %get3A_1503] {strides = array<i32>} : memref<2x16x5x256xf32, #tpu.memory_space<vmem>>, vector<1x1x1x16xf32>,
          %get3A_1505 = vector.shape_cast %get3A_1504 : vector<1x1x1x16xf32> to vector<16xf32>
          %add3A_1506 = arith.addf %get3A_1505, %gather3A_1497 : vector<16xf32>
          %max3A_1507 = arith.maximumf %add3A_1458, %add3A_1470 : vector<16xf32>
          %max3A_1508 = arith.maximumf %add3A_1482, %add3A_1494 : vector<16xf32>
          %max3A_1509 = arith.maximumf %max3A_1507, %max3A_1508 : vector<16xf32>
          %max3A_1510 = arith.maximumf %max3A_1509, %add3A_1506 : vector<16xf32>
          %sub3A_1511 = arith.subf %add3A_1458, %max3A_1510 : vector<16xf32>
          %exp3A_1512 = math.exp %sub3A_1511 : vector<16xf32>
          %sub3A_1513 = arith.subf %add3A_1470, %max3A_1510 : vector<16xf32>
          %exp3A_1514 = math.exp %sub3A_1513 : vector<16xf32>
          %sub3A_1515 = arith.subf %add3A_1482, %max3A_1510 : vector<16xf32>
          %exp3A_1516 = math.exp %sub3A_1515 : vector<16xf32>
          %sub3A_1517 = arith.subf %add3A_1494, %max3A_1510 : vector<16xf32>
          %exp3A_1518 = math.exp %sub3A_1517 : vector<16xf32>
          %sub3A_1519 = arith.subf %add3A_1506, %max3A_1510 : vector<16xf32>
          %exp3A_1520 = math.exp %sub3A_1519 : vector<16xf32>
          %add3A_1521 = arith.addf %exp3A_1512, %exp3A_1514 : vector<16xf32>
          %add3A_1522 = arith.addf %exp3A_1516, %exp3A_1518 : vector<16xf32>
          %add3A_1523 = arith.addf %add3A_1522, %exp3A_1520 : vector<16xf32>
          %add3A_1524 = arith.addf %add3A_1521, %add3A_1523 : vector<16xf32>
          %bitcast_convert_type3A_1525 = tpu.bitcast %add3A_1524 : vector<16xf32> -> vector<16xi32>
          %shift_right_arithmetic3A_1526 = arith.constant 23 : i32
          %shift_right_arithmetic3A_1527 = vector.broadcast %shift_right_arithmetic3A_1526 : i32 to vector<16xi32>
          %shift_right_arithmetic3A_1528 = arith.shrsi %bitcast_convert_type3A_1525, %shift_right_arithmetic3A_1527 : vector<16xi32>
          %sub3A_1529 = arith.constant 127 : i32
          %sub3A_1530 = vector.broadcast %sub3A_1529 : i32 to vector<16xi32>
          %sub3A_1531 = arith.subi %shift_right_arithmetic3A_1528, %sub3A_1530 : vector<16xi32>
          %and3A_1532 = arith.constant 8388607 : i32
          %and3A_1533 = vector.broadcast %and3A_1532 : i32 to vector<16xi32>
          %and3A_1534 = arith.andi %bitcast_convert_type3A_1525, %and3A_1533 : vector<16xi32>
          %or3A_1535 = arith.constant 1065353216 : i32
          %or3A_1536 = vector.broadcast %or3A_1535 : i32 to vector<16xi32>
          %or3A_1537 = arith.ori %and3A_1534, %or3A_1536 : vector<16xi32>
          %bitcast_convert_type3A_1538 = tpu.bitcast %or3A_1537 : vector<16xi32> -> vector<16xf32>
          %mul3A_1539 = arith.mulf %bitcast_convert_type3A_1538, %bitcast_convert_type3A_1538 : vector<16xf32>
          %mul3A_1540 = arith.constant -0.0548628531 : f32
          %mul3A_1541 = vector.broadcast %mul3A_1540 : f32 to vector<16xf32>
          %mul3A_1542 = arith.mulf %mul3A_1541, %mul3A_1539 : vector<16xf32>
          %mul3A_1543 = arith.constant 0.435861856 : f32
          %mul3A_1544 = vector.broadcast %mul3A_1543 : f32 to vector<16xf32>
          %mul3A_1545 = arith.mulf %mul3A_1544, %bitcast_convert_type3A_1538 : vector<16xf32>
          %add3A_1546 = arith.constant -1.44248104 : f32
          %add3A_1547 = vector.broadcast %add3A_1546 : f32 to vector<16xf32>
          %add3A_1548 = arith.addf %mul3A_1545, %add3A_1547 : vector<16xf32>
          %add3A_1549 = arith.addf %mul3A_1542, %add3A_1548 : vector<16xf32>
          %mul3A_1550 = arith.constant 2.79225516 : f32
          %mul3A_1551 = vector.broadcast %mul3A_1550 : f32 to vector<16xf32>
          %mul3A_1552 = arith.mulf %mul3A_1551, %bitcast_convert_type3A_1538 : vector<16xf32>
          %add3A_1553 = arith.constant -1.73063171 : f32
          %add3A_1554 = vector.broadcast %add3A_1553 : f32 to vector<16xf32>
          %add3A_1555 = arith.addf %mul3A_1552, %add3A_1554 : vector<16xf32>
          %convert_element_type3A_1556 = arith.sitofp %sub3A_1531 : vector<16xi32> to vector<16xf32>
          %mul3A_1557 = arith.constant 0.693147182 : f32
          %mul3A_1558 = vector.broadcast %mul3A_1557 : f32 to vector<16xf32>
          %mul3A_1559 = arith.mulf %mul3A_1558, %convert_element_type3A_1556 : vector<16xf32>
          %mul3A_1560 = arith.mulf %add3A_1549, %mul3A_1539 : vector<16xf32>
          %add3A_1561 = arith.addf %mul3A_1560, %add3A_1555 : vector<16xf32>
          %add3A_1562 = arith.addf %mul3A_1559, %add3A_1561 : vector<16xf32>
          %add3A_1563 = arith.addf %max3A_1510, %add3A_1562 : vector<16xf32>
          %swap3A_1564 = arith.index_cast %scan3A_251 : i32 to index
          %swap3A_1565 = arith.constant 160 : index
          %swap3A_1566 = tpu.vector_load %arg5[%swap3A_1564, %swap3A_1565] {strides = array<i32>} : memref<16x256xf32, #tpu.memory_space<vmem>>, vector<1x16xf32>,
          %swap3A_1567 = vector.shape_cast %swap3A_1566 : vector<1x16xf32> to vector<16xf32>
          %swap3A_1568 = vector.shape_cast %add3A_1563 : vector<16xf32> to vector<1x16xf32>
          tpu.vector_store %arg5[%swap3A_1564, %swap3A_1565], %swap3A_1568 {strides = array<i32>} : memref<16x256xf32, #tpu.memory_space<vmem>>, vector<1x16xf32>,
          %get3A_1569 = arith.constant 0 : i32
          %get3A_1570 = arith.constant 0 : i32
          %get3A_1571 = arith.index_cast %get3A_1569 : i32 to index
          %get3A_1572 = arith.index_cast %scan3A_251 : i32 to index
          %get3A_1573 = arith.index_cast %get3A_1570 : i32 to index
          %get3A_1574 = arith.constant 176 : index
          %get3A_1575 = tpu.vector_load %arg4[%get3A_1571, %get3A_1572, %get3A_1573, %get3A_1574] {strides = array<i32>} : memref<2x16x5x256xf32, #tpu.memory_space<vmem>>, vector<1x1x1x16xf32>,
          %get3A_1576 = vector.shape_cast %get3A_1575 : vector<1x1x1x16xf32> to vector<16xf32>
          %add3A_1577 = arith.addf %get3A_1576, %scan3A_263 : vector<16xf32>
          %broadcast_in_dim3A_1578 = vector.shape_cast %add3A_113 : vector<16xi32> to vector<16x1xi32>
          %gather3A_1579 = vector.shape_cast %broadcast_in_dim3A_1578 : vector<16x1xi32> to vector<16xi32>
          %gather3A_1580 = tpu.dynamic_gather %scan3A_254[%gather3A_1579] in [0] : vector<16xf32>, vector<16xi32> -> vector<16xf32>
          %get3A_1581 = arith.constant 0 : i32
          %get3A_1582 = arith.constant 1 : i32
          %get3A_1583 = arith.index_cast %get3A_1581 : i32 to index
          %get3A_1584 = arith.index_cast %scan3A_251 : i32 to index
          %get3A_1585 = arith.index_cast %get3A_1582 : i32 to index
          %get3A_1586 = arith.constant 176 : index
          %get3A_1587 = tpu.vector_load %arg4[%get3A_1583, %get3A_1584, %get3A_1585, %get3A_1586] {strides = array<i32>} : memref<2x16x5x256xf32, #tpu.memory_space<vmem>>, vector<1x1x1x16xf32>,
          %get3A_1588 = vector.shape_cast %get3A_1587 : vector<1x1x1x16xf32> to vector<16xf32>
          %add3A_1589 = arith.addf %get3A_1588, %gather3A_1580 : vector<16xf32>
          %broadcast_in_dim3A_1590 = vector.shape_cast %add3A_113 : vector<16xi32> to vector<16x1xi32>
          %gather3A_1591 = vector.shape_cast %broadcast_in_dim3A_1590 : vector<16x1xi32> to vector<16xi32>
          %gather3A_1592 = tpu.dynamic_gather %scan3A_258[%gather3A_1591] in [0] : vector<16xf32>, vector<16xi32> -> vector<16xf32>
          %get3A_1593 = arith.constant 0 : i32
          %get3A_1594 = arith.constant 2 : i32
          %get3A_1595 = arith.index_cast %get3A_1593 : i32 to index
          %get3A_1596 = arith.index_cast %scan3A_251 : i32 to index
          %get3A_1597 = arith.index_cast %get3A_1594 : i32 to index
          %get3A_1598 = arith.constant 176 : index
          %get3A_1599 = tpu.vector_load %arg4[%get3A_1595, %get3A_1596, %get3A_1597, %get3A_1598] {strides = array<i32>} : memref<2x16x5x256xf32, #tpu.memory_space<vmem>>, vector<1x1x1x16xf32>,
          %get3A_1600 = vector.shape_cast %get3A_1599 : vector<1x1x1x16xf32> to vector<16xf32>
          %add3A_1601 = arith.addf %get3A_1600, %gather3A_1592 : vector<16xf32>
          %broadcast_in_dim3A_1602 = vector.shape_cast %add3A_113 : vector<16xi32> to vector<16x1xi32>
          %gather3A_1603 = vector.shape_cast %broadcast_in_dim3A_1602 : vector<16x1xi32> to vector<16xi32>
          %gather3A_1604 = tpu.dynamic_gather %scan3A_262[%gather3A_1603] in [0] : vector<16xf32>, vector<16xi32> -> vector<16xf32>
          %get3A_1605 = arith.constant 0 : i32
          %get3A_1606 = arith.constant 3 : i32
          %get3A_1607 = arith.index_cast %get3A_1605 : i32 to index
          %get3A_1608 = arith.index_cast %scan3A_251 : i32 to index
          %get3A_1609 = arith.index_cast %get3A_1606 : i32 to index
          %get3A_1610 = arith.constant 176 : index
          %get3A_1611 = tpu.vector_load %arg4[%get3A_1607, %get3A_1608, %get3A_1609, %get3A_1610] {strides = array<i32>} : memref<2x16x5x256xf32, #tpu.memory_space<vmem>>, vector<1x1x1x16xf32>,
          %get3A_1612 = vector.shape_cast %get3A_1611 : vector<1x1x1x16xf32> to vector<16xf32>
          %add3A_1613 = arith.addf %get3A_1612, %gather3A_1604 : vector<16xf32>
          %broadcast_in_dim3A_1614 = vector.shape_cast %add3A_113 : vector<16xi32> to vector<16x1xi32>
          %gather3A_1615 = vector.shape_cast %broadcast_in_dim3A_1614 : vector<16x1xi32> to vector<16xi32>
          %gather3A_1616 = tpu.dynamic_gather %scan3A_266[%gather3A_1615] in [0] : vector<16xf32>, vector<16xi32> -> vector<16xf32>
          %get3A_1617 = arith.constant 0 : i32
          %get3A_1618 = arith.constant 4 : i32
          %get3A_1619 = arith.index_cast %get3A_1617 : i32 to index
          %get3A_1620 = arith.index_cast %scan3A_251 : i32 to index
          %get3A_1621 = arith.index_cast %get3A_1618 : i32 to index
          %get3A_1622 = arith.constant 176 : index
          %get3A_1623 = tpu.vector_load %arg4[%get3A_1619, %get3A_1620, %get3A_1621, %get3A_1622] {strides = array<i32>} : memref<2x16x5x256xf32, #tpu.memory_space<vmem>>, vector<1x1x1x16xf32>,
          %get3A_1624 = vector.shape_cast %get3A_1623 : vector<1x1x1x16xf32> to vector<16xf32>
          %add3A_1625 = arith.addf %get3A_1624, %gather3A_1616 : vector<16xf32>
          %max3A_1626 = arith.maximumf %add3A_1577, %add3A_1589 : vector<16xf32>
          %max3A_1627 = arith.maximumf %add3A_1601, %add3A_1613 : vector<16xf32>
          %max3A_1628 = arith.maximumf %max3A_1626, %max3A_1627 : vector<16xf32>
          %max3A_1629 = arith.maximumf %max3A_1628, %add3A_1625 : vector<16xf32>
          %sub3A_1630 = arith.subf %add3A_1577, %max3A_1629 : vector<16xf32>
          %exp3A_1631 = math.exp %sub3A_1630 : vector<16xf32>
          %sub3A_1632 = arith.subf %add3A_1589, %max3A_1629 : vector<16xf32>
          %exp3A_1633 = math.exp %sub3A_1632 : vector<16xf32>
          %sub3A_1634 = arith.subf %add3A_1601, %max3A_1629 : vector<16xf32>
          %exp3A_1635 = math.exp %sub3A_1634 : vector<16xf32>
          %sub3A_1636 = arith.subf %add3A_1613, %max3A_1629 : vector<16xf32>
          %exp3A_1637 = math.exp %sub3A_1636 : vector<16xf32>
          %sub3A_1638 = arith.subf %add3A_1625, %max3A_1629 : vector<16xf32>
          %exp3A_1639 = math.exp %sub3A_1638 : vector<16xf32>
          %add3A_1640 = arith.addf %exp3A_1631, %exp3A_1633 : vector<16xf32>
          %add3A_1641 = arith.addf %exp3A_1635, %exp3A_1637 : vector<16xf32>
          %add3A_1642 = arith.addf %add3A_1641, %exp3A_1639 : vector<16xf32>
          %add3A_1643 = arith.addf %add3A_1640, %add3A_1642 : vector<16xf32>
          %bitcast_convert_type3A_1644 = tpu.bitcast %add3A_1643 : vector<16xf32> -> vector<16xi32>
          %shift_right_arithmetic3A_1645 = arith.constant 23 : i32
          %shift_right_arithmetic3A_1646 = vector.broadcast %shift_right_arithmetic3A_1645 : i32 to vector<16xi32>
          %shift_right_arithmetic3A_1647 = arith.shrsi %bitcast_convert_type3A_1644, %shift_right_arithmetic3A_1646 : vector<16xi32>
          %sub3A_1648 = arith.constant 127 : i32
          %sub3A_1649 = vector.broadcast %sub3A_1648 : i32 to vector<16xi32>
          %sub3A_1650 = arith.subi %shift_right_arithmetic3A_1647, %sub3A_1649 : vector<16xi32>
          %and3A_1651 = arith.constant 8388607 : i32
          %and3A_1652 = vector.broadcast %and3A_1651 : i32 to vector<16xi32>
          %and3A_1653 = arith.andi %bitcast_convert_type3A_1644, %and3A_1652 : vector<16xi32>
          %or3A_1654 = arith.constant 1065353216 : i32
          %or3A_1655 = vector.broadcast %or3A_1654 : i32 to vector<16xi32>
          %or3A_1656 = arith.ori %and3A_1653, %or3A_1655 : vector<16xi32>
          %bitcast_convert_type3A_1657 = tpu.bitcast %or3A_1656 : vector<16xi32> -> vector<16xf32>
          %mul3A_1658 = arith.mulf %bitcast_convert_type3A_1657, %bitcast_convert_type3A_1657 : vector<16xf32>
          %mul3A_1659 = arith.constant -0.0548628531 : f32
          %mul3A_1660 = vector.broadcast %mul3A_1659 : f32 to vector<16xf32>
          %mul3A_1661 = arith.mulf %mul3A_1660, %mul3A_1658 : vector<16xf32>
          %mul3A_1662 = arith.constant 0.435861856 : f32
          %mul3A_1663 = vector.broadcast %mul3A_1662 : f32 to vector<16xf32>
          %mul3A_1664 = arith.mulf %mul3A_1663, %bitcast_convert_type3A_1657 : vector<16xf32>
          %add3A_1665 = arith.constant -1.44248104 : f32
          %add3A_1666 = vector.broadcast %add3A_1665 : f32 to vector<16xf32>
          %add3A_1667 = arith.addf %mul3A_1664, %add3A_1666 : vector<16xf32>
          %add3A_1668 = arith.addf %mul3A_1661, %add3A_1667 : vector<16xf32>
          %mul3A_1669 = arith.constant 2.79225516 : f32
          %mul3A_1670 = vector.broadcast %mul3A_1669 : f32 to vector<16xf32>
          %mul3A_1671 = arith.mulf %mul3A_1670, %bitcast_convert_type3A_1657 : vector<16xf32>
          %add3A_1672 = arith.constant -1.73063171 : f32
          %add3A_1673 = vector.broadcast %add3A_1672 : f32 to vector<16xf32>
          %add3A_1674 = arith.addf %mul3A_1671, %add3A_1673 : vector<16xf32>
          %convert_element_type3A_1675 = arith.sitofp %sub3A_1650 : vector<16xi32> to vector<16xf32>
          %mul3A_1676 = arith.constant 0.693147182 : f32
          %mul3A_1677 = vector.broadcast %mul3A_1676 : f32 to vector<16xf32>
          %mul3A_1678 = arith.mulf %mul3A_1677, %convert_element_type3A_1675 : vector<16xf32>
          %mul3A_1679 = arith.mulf %add3A_1668, %mul3A_1658 : vector<16xf32>
          %add3A_1680 = arith.addf %mul3A_1679, %add3A_1674 : vector<16xf32>
          %add3A_1681 = arith.addf %mul3A_1678, %add3A_1680 : vector<16xf32>
          %add3A_1682 = arith.addf %max3A_1629, %add3A_1681 : vector<16xf32>
          %swap3A_1683 = arith.index_cast %scan3A_251 : i32 to index
          %swap3A_1684 = arith.constant 176 : index
          %swap3A_1685 = tpu.vector_load %arg5[%swap3A_1683, %swap3A_1684] {strides = array<i32>} : memref<16x256xf32, #tpu.memory_space<vmem>>, vector<1x16xf32>,
          %swap3A_1686 = vector.shape_cast %swap3A_1685 : vector<1x16xf32> to vector<16xf32>
          %swap3A_1687 = vector.shape_cast %add3A_1682 : vector<16xf32> to vector<1x16xf32>
          tpu.vector_store %arg5[%swap3A_1683, %swap3A_1684], %swap3A_1687 {strides = array<i32>} : memref<16x256xf32, #tpu.memory_space<vmem>>, vector<1x16xf32>,
          %get3A_1688 = arith.constant 0 : i32
          %get3A_1689 = arith.constant 0 : i32
          %get3A_1690 = arith.index_cast %get3A_1688 : i32 to index
          %get3A_1691 = arith.index_cast %scan3A_251 : i32 to index
          %get3A_1692 = arith.index_cast %get3A_1689 : i32 to index
          %get3A_1693 = arith.constant 192 : index
          %get3A_1694 = tpu.vector_load %arg4[%get3A_1690, %get3A_1691, %get3A_1692, %get3A_1693] {strides = array<i32>} : memref<2x16x5x256xf32, #tpu.memory_space<vmem>>, vector<1x1x1x16xf32>,
          %get3A_1695 = vector.shape_cast %get3A_1694 : vector<1x1x1x16xf32> to vector<16xf32>
          %add3A_1696 = arith.addf %get3A_1695, %scan3A_264 : vector<16xf32>
          %broadcast_in_dim3A_1697 = vector.shape_cast %add3A_104 : vector<16xi32> to vector<16x1xi32>
          %gather3A_1698 = vector.shape_cast %broadcast_in_dim3A_1697 : vector<16x1xi32> to vector<16xi32>
          %gather3A_1699 = tpu.dynamic_gather %scan3A_255[%gather3A_1698] in [0] : vector<16xf32>, vector<16xi32> -> vector<16xf32>
          %get3A_1700 = arith.constant 0 : i32
          %get3A_1701 = arith.constant 1 : i32
          %get3A_1702 = arith.index_cast %get3A_1700 : i32 to index
          %get3A_1703 = arith.index_cast %scan3A_251 : i32 to index
          %get3A_1704 = arith.index_cast %get3A_1701 : i32 to index
          %get3A_1705 = arith.constant 192 : index
          %get3A_1706 = tpu.vector_load %arg4[%get3A_1702, %get3A_1703, %get3A_1704, %get3A_1705] {strides = array<i32>} : memref<2x16x5x256xf32, #tpu.memory_space<vmem>>, vector<1x1x1x16xf32>,
          %get3A_1707 = vector.shape_cast %get3A_1706 : vector<1x1x1x16xf32> to vector<16xf32>
          %add3A_1708 = arith.addf %get3A_1707, %gather3A_1699 : vector<16xf32>
          %broadcast_in_dim3A_1709 = vector.shape_cast %add3A_104 : vector<16xi32> to vector<16x1xi32>
          %gather3A_1710 = vector.shape_cast %broadcast_in_dim3A_1709 : vector<16x1xi32> to vector<16xi32>
          %gather3A_1711 = tpu.dynamic_gather %scan3A_259[%gather3A_1710] in [0] : vector<16xf32>, vector<16xi32> -> vector<16xf32>
          %get3A_1712 = arith.constant 0 : i32
          %get3A_1713 = arith.constant 2 : i32
          %get3A_1714 = arith.index_cast %get3A_1712 : i32 to index
          %get3A_1715 = arith.index_cast %scan3A_251 : i32 to index
          %get3A_1716 = arith.index_cast %get3A_1713 : i32 to index
          %get3A_1717 = arith.constant 192 : index
          %get3A_1718 = tpu.vector_load %arg4[%get3A_1714, %get3A_1715, %get3A_1716, %get3A_1717] {strides = array<i32>} : memref<2x16x5x256xf32, #tpu.memory_space<vmem>>, vector<1x1x1x16xf32>,
          %get3A_1719 = vector.shape_cast %get3A_1718 : vector<1x1x1x16xf32> to vector<16xf32>
          %add3A_1720 = arith.addf %get3A_1719, %gather3A_1711 : vector<16xf32>
          %broadcast_in_dim3A_1721 = vector.shape_cast %add3A_104 : vector<16xi32> to vector<16x1xi32>
          %gather3A_1722 = vector.shape_cast %broadcast_in_dim3A_1721 : vector<16x1xi32> to vector<16xi32>
          %gather3A_1723 = tpu.dynamic_gather %scan3A_263[%gather3A_1722] in [0] : vector<16xf32>, vector<16xi32> -> vector<16xf32>
          %get3A_1724 = arith.constant 0 : i32
          %get3A_1725 = arith.constant 3 : i32
          %get3A_1726 = arith.index_cast %get3A_1724 : i32 to index
          %get3A_1727 = arith.index_cast %scan3A_251 : i32 to index
          %get3A_1728 = arith.index_cast %get3A_1725 : i32 to index
          %get3A_1729 = arith.constant 192 : index
          %get3A_1730 = tpu.vector_load %arg4[%get3A_1726, %get3A_1727, %get3A_1728, %get3A_1729] {strides = array<i32>} : memref<2x16x5x256xf32, #tpu.memory_space<vmem>>, vector<1x1x1x16xf32>,
          %get3A_1731 = vector.shape_cast %get3A_1730 : vector<1x1x1x16xf32> to vector<16xf32>
          %add3A_1732 = arith.addf %get3A_1731, %gather3A_1723 : vector<16xf32>
          %broadcast_in_dim3A_1733 = vector.shape_cast %add3A_104 : vector<16xi32> to vector<16x1xi32>
          %gather3A_1734 = vector.shape_cast %broadcast_in_dim3A_1733 : vector<16x1xi32> to vector<16xi32>
          %gather3A_1735 = tpu.dynamic_gather %scan3A_267[%gather3A_1734] in [0] : vector<16xf32>, vector<16xi32> -> vector<16xf32>
          %get3A_1736 = arith.constant 0 : i32
          %get3A_1737 = arith.constant 4 : i32
          %get3A_1738 = arith.index_cast %get3A_1736 : i32 to index
          %get3A_1739 = arith.index_cast %scan3A_251 : i32 to index
          %get3A_1740 = arith.index_cast %get3A_1737 : i32 to index
          %get3A_1741 = arith.constant 192 : index
          %get3A_1742 = tpu.vector_load %arg4[%get3A_1738, %get3A_1739, %get3A_1740, %get3A_1741] {strides = array<i32>} : memref<2x16x5x256xf32, #tpu.memory_space<vmem>>, vector<1x1x1x16xf32>,
          %get3A_1743 = vector.shape_cast %get3A_1742 : vector<1x1x1x16xf32> to vector<16xf32>
          %add3A_1744 = arith.addf %get3A_1743, %gather3A_1735 : vector<16xf32>
          %max3A_1745 = arith.maximumf %add3A_1696, %add3A_1708 : vector<16xf32>
          %max3A_1746 = arith.maximumf %add3A_1720, %add3A_1732 : vector<16xf32>
          %max3A_1747 = arith.maximumf %max3A_1745, %max3A_1746 : vector<16xf32>
          %max3A_1748 = arith.maximumf %max3A_1747, %add3A_1744 : vector<16xf32>
          %sub3A_1749 = arith.subf %add3A_1696, %max3A_1748 : vector<16xf32>
          %exp3A_1750 = math.exp %sub3A_1749 : vector<16xf32>
          %sub3A_1751 = arith.subf %add3A_1708, %max3A_1748 : vector<16xf32>
          %exp3A_1752 = math.exp %sub3A_1751 : vector<16xf32>
          %sub3A_1753 = arith.subf %add3A_1720, %max3A_1748 : vector<16xf32>
          %exp3A_1754 = math.exp %sub3A_1753 : vector<16xf32>
          %sub3A_1755 = arith.subf %add3A_1732, %max3A_1748 : vector<16xf32>
          %exp3A_1756 = math.exp %sub3A_1755 : vector<16xf32>
          %sub3A_1757 = arith.subf %add3A_1744, %max3A_1748 : vector<16xf32>
          %exp3A_1758 = math.exp %sub3A_1757 : vector<16xf32>
          %add3A_1759 = arith.addf %exp3A_1750, %exp3A_1752 : vector<16xf32>
          %add3A_1760 = arith.addf %exp3A_1754, %exp3A_1756 : vector<16xf32>
          %add3A_1761 = arith.addf %add3A_1760, %exp3A_1758 : vector<16xf32>
          %add3A_1762 = arith.addf %add3A_1759, %add3A_1761 : vector<16xf32>
          %bitcast_convert_type3A_1763 = tpu.bitcast %add3A_1762 : vector<16xf32> -> vector<16xi32>
          %shift_right_arithmetic3A_1764 = arith.constant 23 : i32
          %shift_right_arithmetic3A_1765 = vector.broadcast %shift_right_arithmetic3A_1764 : i32 to vector<16xi32>
          %shift_right_arithmetic3A_1766 = arith.shrsi %bitcast_convert_type3A_1763, %shift_right_arithmetic3A_1765 : vector<16xi32>
          %sub3A_1767 = arith.constant 127 : i32
          %sub3A_1768 = vector.broadcast %sub3A_1767 : i32 to vector<16xi32>
          %sub3A_1769 = arith.subi %shift_right_arithmetic3A_1766, %sub3A_1768 : vector<16xi32>
          %and3A_1770 = arith.constant 8388607 : i32
          %and3A_1771 = vector.broadcast %and3A_1770 : i32 to vector<16xi32>
          %and3A_1772 = arith.andi %bitcast_convert_type3A_1763, %and3A_1771 : vector<16xi32>
          %or3A_1773 = arith.constant 1065353216 : i32
          %or3A_1774 = vector.broadcast %or3A_1773 : i32 to vector<16xi32>
          %or3A_1775 = arith.ori %and3A_1772, %or3A_1774 : vector<16xi32>
          %bitcast_convert_type3A_1776 = tpu.bitcast %or3A_1775 : vector<16xi32> -> vector<16xf32>
          %mul3A_1777 = arith.mulf %bitcast_convert_type3A_1776, %bitcast_convert_type3A_1776 : vector<16xf32>
          %mul3A_1778 = arith.constant -0.0548628531 : f32
          %mul3A_1779 = vector.broadcast %mul3A_1778 : f32 to vector<16xf32>
          %mul3A_1780 = arith.mulf %mul3A_1779, %mul3A_1777 : vector<16xf32>
          %mul3A_1781 = arith.constant 0.435861856 : f32
          %mul3A_1782 = vector.broadcast %mul3A_1781 : f32 to vector<16xf32>
          %mul3A_1783 = arith.mulf %mul3A_1782, %bitcast_convert_type3A_1776 : vector<16xf32>
          %add3A_1784 = arith.constant -1.44248104 : f32
          %add3A_1785 = vector.broadcast %add3A_1784 : f32 to vector<16xf32>
          %add3A_1786 = arith.addf %mul3A_1783, %add3A_1785 : vector<16xf32>
          %add3A_1787 = arith.addf %mul3A_1780, %add3A_1786 : vector<16xf32>
          %mul3A_1788 = arith.constant 2.79225516 : f32
          %mul3A_1789 = vector.broadcast %mul3A_1788 : f32 to vector<16xf32>
          %mul3A_1790 = arith.mulf %mul3A_1789, %bitcast_convert_type3A_1776 : vector<16xf32>
          %add3A_1791 = arith.constant -1.73063171 : f32
          %add3A_1792 = vector.broadcast %add3A_1791 : f32 to vector<16xf32>
          %add3A_1793 = arith.addf %mul3A_1790, %add3A_1792 : vector<16xf32>
          %convert_element_type3A_1794 = arith.sitofp %sub3A_1769 : vector<16xi32> to vector<16xf32>
          %mul3A_1795 = arith.constant 0.693147182 : f32
          %mul3A_1796 = vector.broadcast %mul3A_1795 : f32 to vector<16xf32>
          %mul3A_1797 = arith.mulf %mul3A_1796, %convert_element_type3A_1794 : vector<16xf32>
          %mul3A_1798 = arith.mulf %add3A_1787, %mul3A_1777 : vector<16xf32>
          %add3A_1799 = arith.addf %mul3A_1798, %add3A_1793 : vector<16xf32>
          %add3A_1800 = arith.addf %mul3A_1797, %add3A_1799 : vector<16xf32>
          %add3A_1801 = arith.addf %max3A_1748, %add3A_1800 : vector<16xf32>
          %swap3A_1802 = arith.index_cast %scan3A_251 : i32 to index
          %swap3A_1803 = arith.constant 192 : index
          %swap3A_1804 = tpu.vector_load %arg5[%swap3A_1802, %swap3A_1803] {strides = array<i32>} : memref<16x256xf32, #tpu.memory_space<vmem>>, vector<1x16xf32>,
          %swap3A_1805 = vector.shape_cast %swap3A_1804 : vector<1x16xf32> to vector<16xf32>
          %swap3A_1806 = vector.shape_cast %add3A_1801 : vector<16xf32> to vector<1x16xf32>
          tpu.vector_store %arg5[%swap3A_1802, %swap3A_1803], %swap3A_1806 {strides = array<i32>} : memref<16x256xf32, #tpu.memory_space<vmem>>, vector<1x16xf32>,
          %get3A_1807 = arith.constant 0 : i32
          %get3A_1808 = arith.constant 0 : i32
          %get3A_1809 = arith.index_cast %get3A_1807 : i32 to index
          %get3A_1810 = arith.index_cast %scan3A_251 : i32 to index
          %get3A_1811 = arith.index_cast %get3A_1808 : i32 to index
          %get3A_1812 = arith.constant 208 : index
          %get3A_1813 = tpu.vector_load %arg4[%get3A_1809, %get3A_1810, %get3A_1811, %get3A_1812] {strides = array<i32>} : memref<2x16x5x256xf32, #tpu.memory_space<vmem>>, vector<1x1x1x16xf32>,
          %get3A_1814 = vector.shape_cast %get3A_1813 : vector<1x1x1x16xf32> to vector<16xf32>
          %add3A_1815 = arith.addf %get3A_1814, %scan3A_265 : vector<16xf32>
          %broadcast_in_dim3A_1816 = vector.shape_cast %add3A_107 : vector<16xi32> to vector<16x1xi32>
          %gather3A_1817 = vector.shape_cast %broadcast_in_dim3A_1816 : vector<16x1xi32> to vector<16xi32>
          %gather3A_1818 = tpu.dynamic_gather %scan3A_255[%gather3A_1817] in [0] : vector<16xf32>, vector<16xi32> -> vector<16xf32>
          %get3A_1819 = arith.constant 0 : i32
          %get3A_1820 = arith.constant 1 : i32
          %get3A_1821 = arith.index_cast %get3A_1819 : i32 to index
          %get3A_1822 = arith.index_cast %scan3A_251 : i32 to index
          %get3A_1823 = arith.index_cast %get3A_1820 : i32 to index
          %get3A_1824 = arith.constant 208 : index
          %get3A_1825 = tpu.vector_load %arg4[%get3A_1821, %get3A_1822, %get3A_1823, %get3A_1824] {strides = array<i32>} : memref<2x16x5x256xf32, #tpu.memory_space<vmem>>, vector<1x1x1x16xf32>,
          %get3A_1826 = vector.shape_cast %get3A_1825 : vector<1x1x1x16xf32> to vector<16xf32>
          %add3A_1827 = arith.addf %get3A_1826, %gather3A_1818 : vector<16xf32>
          %broadcast_in_dim3A_1828 = vector.shape_cast %add3A_107 : vector<16xi32> to vector<16x1xi32>
          %gather3A_1829 = vector.shape_cast %broadcast_in_dim3A_1828 : vector<16x1xi32> to vector<16xi32>
          %gather3A_1830 = tpu.dynamic_gather %scan3A_259[%gather3A_1829] in [0] : vector<16xf32>, vector<16xi32> -> vector<16xf32>
          %get3A_1831 = arith.constant 0 : i32
          %get3A_1832 = arith.constant 2 : i32
          %get3A_1833 = arith.index_cast %get3A_1831 : i32 to index
          %get3A_1834 = arith.index_cast %scan3A_251 : i32 to index
          %get3A_1835 = arith.index_cast %get3A_1832 : i32 to index
          %get3A_1836 = arith.constant 208 : index
          %get3A_1837 = tpu.vector_load %arg4[%get3A_1833, %get3A_1834, %get3A_1835, %get3A_1836] {strides = array<i32>} : memref<2x16x5x256xf32, #tpu.memory_space<vmem>>, vector<1x1x1x16xf32>,
          %get3A_1838 = vector.shape_cast %get3A_1837 : vector<1x1x1x16xf32> to vector<16xf32>
          %add3A_1839 = arith.addf %get3A_1838, %gather3A_1830 : vector<16xf32>
          %broadcast_in_dim3A_1840 = vector.shape_cast %add3A_107 : vector<16xi32> to vector<16x1xi32>
          %gather3A_1841 = vector.shape_cast %broadcast_in_dim3A_1840 : vector<16x1xi32> to vector<16xi32>
          %gather3A_1842 = tpu.dynamic_gather %scan3A_263[%gather3A_1841] in [0] : vector<16xf32>, vector<16xi32> -> vector<16xf32>
          %get3A_1843 = arith.constant 0 : i32
          %get3A_1844 = arith.constant 3 : i32
          %get3A_1845 = arith.index_cast %get3A_1843 : i32 to index
          %get3A_1846 = arith.index_cast %scan3A_251 : i32 to index
          %get3A_1847 = arith.index_cast %get3A_1844 : i32 to index
          %get3A_1848 = arith.constant 208 : index
          %get3A_1849 = tpu.vector_load %arg4[%get3A_1845, %get3A_1846, %get3A_1847, %get3A_1848] {strides = array<i32>} : memref<2x16x5x256xf32, #tpu.memory_space<vmem>>, vector<1x1x1x16xf32>,
          %get3A_1850 = vector.shape_cast %get3A_1849 : vector<1x1x1x16xf32> to vector<16xf32>
          %add3A_1851 = arith.addf %get3A_1850, %gather3A_1842 : vector<16xf32>
          %broadcast_in_dim3A_1852 = vector.shape_cast %add3A_107 : vector<16xi32> to vector<16x1xi32>
          %gather3A_1853 = vector.shape_cast %broadcast_in_dim3A_1852 : vector<16x1xi32> to vector<16xi32>
          %gather3A_1854 = tpu.dynamic_gather %scan3A_267[%gather3A_1853] in [0] : vector<16xf32>, vector<16xi32> -> vector<16xf32>
          %get3A_1855 = arith.constant 0 : i32
          %get3A_1856 = arith.constant 4 : i32
          %get3A_1857 = arith.index_cast %get3A_1855 : i32 to index
          %get3A_1858 = arith.index_cast %scan3A_251 : i32 to index
          %get3A_1859 = arith.index_cast %get3A_1856 : i32 to index
          %get3A_1860 = arith.constant 208 : index
          %get3A_1861 = tpu.vector_load %arg4[%get3A_1857, %get3A_1858, %get3A_1859, %get3A_1860] {strides = array<i32>} : memref<2x16x5x256xf32, #tpu.memory_space<vmem>>, vector<1x1x1x16xf32>,
          %get3A_1862 = vector.shape_cast %get3A_1861 : vector<1x1x1x16xf32> to vector<16xf32>
          %add3A_1863 = arith.addf %get3A_1862, %gather3A_1854 : vector<16xf32>
          %max3A_1864 = arith.maximumf %add3A_1815, %add3A_1827 : vector<16xf32>
          %max3A_1865 = arith.maximumf %add3A_1839, %add3A_1851 : vector<16xf32>
          %max3A_1866 = arith.maximumf %max3A_1864, %max3A_1865 : vector<16xf32>
          %max3A_1867 = arith.maximumf %max3A_1866, %add3A_1863 : vector<16xf32>
          %sub3A_1868 = arith.subf %add3A_1815, %max3A_1867 : vector<16xf32>
          %exp3A_1869 = math.exp %sub3A_1868 : vector<16xf32>
          %sub3A_1870 = arith.subf %add3A_1827, %max3A_1867 : vector<16xf32>
          %exp3A_1871 = math.exp %sub3A_1870 : vector<16xf32>
          %sub3A_1872 = arith.subf %add3A_1839, %max3A_1867 : vector<16xf32>
          %exp3A_1873 = math.exp %sub3A_1872 : vector<16xf32>
          %sub3A_1874 = arith.subf %add3A_1851, %max3A_1867 : vector<16xf32>
          %exp3A_1875 = math.exp %sub3A_1874 : vector<16xf32>
          %sub3A_1876 = arith.subf %add3A_1863, %max3A_1867 : vector<16xf32>
          %exp3A_1877 = math.exp %sub3A_1876 : vector<16xf32>
          %add3A_1878 = arith.addf %exp3A_1869, %exp3A_1871 : vector<16xf32>
          %add3A_1879 = arith.addf %exp3A_1873, %exp3A_1875 : vector<16xf32>
          %add3A_1880 = arith.addf %add3A_1879, %exp3A_1877 : vector<16xf32>
          %add3A_1881 = arith.addf %add3A_1878, %add3A_1880 : vector<16xf32>
          %bitcast_convert_type3A_1882 = tpu.bitcast %add3A_1881 : vector<16xf32> -> vector<16xi32>
          %shift_right_arithmetic3A_1883 = arith.constant 23 : i32
          %shift_right_arithmetic3A_1884 = vector.broadcast %shift_right_arithmetic3A_1883 : i32 to vector<16xi32>
          %shift_right_arithmetic3A_1885 = arith.shrsi %bitcast_convert_type3A_1882, %shift_right_arithmetic3A_1884 : vector<16xi32>
          %sub3A_1886 = arith.constant 127 : i32
          %sub3A_1887 = vector.broadcast %sub3A_1886 : i32 to vector<16xi32>
          %sub3A_1888 = arith.subi %shift_right_arithmetic3A_1885, %sub3A_1887 : vector<16xi32>
          %and3A_1889 = arith.constant 8388607 : i32
          %and3A_1890 = vector.broadcast %and3A_1889 : i32 to vector<16xi32>
          %and3A_1891 = arith.andi %bitcast_convert_type3A_1882, %and3A_1890 : vector<16xi32>
          %or3A_1892 = arith.constant 1065353216 : i32
          %or3A_1893 = vector.broadcast %or3A_1892 : i32 to vector<16xi32>
          %or3A_1894 = arith.ori %and3A_1891, %or3A_1893 : vector<16xi32>
          %bitcast_convert_type3A_1895 = tpu.bitcast %or3A_1894 : vector<16xi32> -> vector<16xf32>
          %mul3A_1896 = arith.mulf %bitcast_convert_type3A_1895, %bitcast_convert_type3A_1895 : vector<16xf32>
          %mul3A_1897 = arith.constant -0.0548628531 : f32
          %mul3A_1898 = vector.broadcast %mul3A_1897 : f32 to vector<16xf32>
          %mul3A_1899 = arith.mulf %mul3A_1898, %mul3A_1896 : vector<16xf32>
          %mul3A_1900 = arith.constant 0.435861856 : f32
          %mul3A_1901 = vector.broadcast %mul3A_1900 : f32 to vector<16xf32>
          %mul3A_1902 = arith.mulf %mul3A_1901, %bitcast_convert_type3A_1895 : vector<16xf32>
          %add3A_1903 = arith.constant -1.44248104 : f32
          %add3A_1904 = vector.broadcast %add3A_1903 : f32 to vector<16xf32>
          %add3A_1905 = arith.addf %mul3A_1902, %add3A_1904 : vector<16xf32>
          %add3A_1906 = arith.addf %mul3A_1899, %add3A_1905 : vector<16xf32>
          %mul3A_1907 = arith.constant 2.79225516 : f32
          %mul3A_1908 = vector.broadcast %mul3A_1907 : f32 to vector<16xf32>
          %mul3A_1909 = arith.mulf %mul3A_1908, %bitcast_convert_type3A_1895 : vector<16xf32>
          %add3A_1910 = arith.constant -1.73063171 : f32
          %add3A_1911 = vector.broadcast %add3A_1910 : f32 to vector<16xf32>
          %add3A_1912 = arith.addf %mul3A_1909, %add3A_1911 : vector<16xf32>
          %convert_element_type3A_1913 = arith.sitofp %sub3A_1888 : vector<16xi32> to vector<16xf32>
          %mul3A_1914 = arith.constant 0.693147182 : f32
          %mul3A_1915 = vector.broadcast %mul3A_1914 : f32 to vector<16xf32>
          %mul3A_1916 = arith.mulf %mul3A_1915, %convert_element_type3A_1913 : vector<16xf32>
          %mul3A_1917 = arith.mulf %add3A_1906, %mul3A_1896 : vector<16xf32>
          %add3A_1918 = arith.addf %mul3A_1917, %add3A_1912 : vector<16xf32>
          %add3A_1919 = arith.addf %mul3A_1916, %add3A_1918 : vector<16xf32>
          %add3A_1920 = arith.addf %max3A_1867, %add3A_1919 : vector<16xf32>
          %swap3A_1921 = arith.index_cast %scan3A_251 : i32 to index
          %swap3A_1922 = arith.constant 208 : index
          %swap3A_1923 = tpu.vector_load %arg5[%swap3A_1921, %swap3A_1922] {strides = array<i32>} : memref<16x256xf32, #tpu.memory_space<vmem>>, vector<1x16xf32>,
          %swap3A_1924 = vector.shape_cast %swap3A_1923 : vector<1x16xf32> to vector<16xf32>
          %swap3A_1925 = vector.shape_cast %add3A_1920 : vector<16xf32> to vector<1x16xf32>
          tpu.vector_store %arg5[%swap3A_1921, %swap3A_1922], %swap3A_1925 {strides = array<i32>} : memref<16x256xf32, #tpu.memory_space<vmem>>, vector<1x16xf32>,
          %get3A_1926 = arith.constant 0 : i32
          %get3A_1927 = arith.constant 0 : i32
          %get3A_1928 = arith.index_cast %get3A_1926 : i32 to index
          %get3A_1929 = arith.index_cast %scan3A_251 : i32 to index
          %get3A_1930 = arith.index_cast %get3A_1927 : i32 to index
          %get3A_1931 = arith.constant 224 : index
          %get3A_1932 = tpu.vector_load %arg4[%get3A_1928, %get3A_1929, %get3A_1930, %get3A_1931] {strides = array<i32>} : memref<2x16x5x256xf32, #tpu.memory_space<vmem>>, vector<1x1x1x16xf32>,
          %get3A_1933 = vector.shape_cast %get3A_1932 : vector<1x1x1x16xf32> to vector<16xf32>
          %add3A_1934 = arith.addf %get3A_1933, %scan3A_266 : vector<16xf32>
          %broadcast_in_dim3A_1935 = vector.shape_cast %add3A_110 : vector<16xi32> to vector<16x1xi32>
          %gather3A_1936 = vector.shape_cast %broadcast_in_dim3A_1935 : vector<16x1xi32> to vector<16xi32>
          %gather3A_1937 = tpu.dynamic_gather %scan3A_255[%gather3A_1936] in [0] : vector<16xf32>, vector<16xi32> -> vector<16xf32>
          %get3A_1938 = arith.constant 0 : i32
          %get3A_1939 = arith.constant 1 : i32
          %get3A_1940 = arith.index_cast %get3A_1938 : i32 to index
          %get3A_1941 = arith.index_cast %scan3A_251 : i32 to index
          %get3A_1942 = arith.index_cast %get3A_1939 : i32 to index
          %get3A_1943 = arith.constant 224 : index
          %get3A_1944 = tpu.vector_load %arg4[%get3A_1940, %get3A_1941, %get3A_1942, %get3A_1943] {strides = array<i32>} : memref<2x16x5x256xf32, #tpu.memory_space<vmem>>, vector<1x1x1x16xf32>,
          %get3A_1945 = vector.shape_cast %get3A_1944 : vector<1x1x1x16xf32> to vector<16xf32>
          %add3A_1946 = arith.addf %get3A_1945, %gather3A_1937 : vector<16xf32>
          %broadcast_in_dim3A_1947 = vector.shape_cast %add3A_110 : vector<16xi32> to vector<16x1xi32>
          %gather3A_1948 = vector.shape_cast %broadcast_in_dim3A_1947 : vector<16x1xi32> to vector<16xi32>
          %gather3A_1949 = tpu.dynamic_gather %scan3A_259[%gather3A_1948] in [0] : vector<16xf32>, vector<16xi32> -> vector<16xf32>
          %get3A_1950 = arith.constant 0 : i32
          %get3A_1951 = arith.constant 2 : i32
          %get3A_1952 = arith.index_cast %get3A_1950 : i32 to index
          %get3A_1953 = arith.index_cast %scan3A_251 : i32 to index
          %get3A_1954 = arith.index_cast %get3A_1951 : i32 to index
          %get3A_1955 = arith.constant 224 : index
          %get3A_1956 = tpu.vector_load %arg4[%get3A_1952, %get3A_1953, %get3A_1954, %get3A_1955] {strides = array<i32>} : memref<2x16x5x256xf32, #tpu.memory_space<vmem>>, vector<1x1x1x16xf32>,
          %get3A_1957 = vector.shape_cast %get3A_1956 : vector<1x1x1x16xf32> to vector<16xf32>
          %add3A_1958 = arith.addf %get3A_1957, %gather3A_1949 : vector<16xf32>
          %broadcast_in_dim3A_1959 = vector.shape_cast %add3A_110 : vector<16xi32> to vector<16x1xi32>
          %gather3A_1960 = vector.shape_cast %broadcast_in_dim3A_1959 : vector<16x1xi32> to vector<16xi32>
          %gather3A_1961 = tpu.dynamic_gather %scan3A_263[%gather3A_1960] in [0] : vector<16xf32>, vector<16xi32> -> vector<16xf32>
          %get3A_1962 = arith.constant 0 : i32
          %get3A_1963 = arith.constant 3 : i32
          %get3A_1964 = arith.index_cast %get3A_1962 : i32 to index
          %get3A_1965 = arith.index_cast %scan3A_251 : i32 to index
          %get3A_1966 = arith.index_cast %get3A_1963 : i32 to index
          %get3A_1967 = arith.constant 224 : index
          %get3A_1968 = tpu.vector_load %arg4[%get3A_1964, %get3A_1965, %get3A_1966, %get3A_1967] {strides = array<i32>} : memref<2x16x5x256xf32, #tpu.memory_space<vmem>>, vector<1x1x1x16xf32>,
          %get3A_1969 = vector.shape_cast %get3A_1968 : vector<1x1x1x16xf32> to vector<16xf32>
          %add3A_1970 = arith.addf %get3A_1969, %gather3A_1961 : vector<16xf32>
          %broadcast_in_dim3A_1971 = vector.shape_cast %add3A_110 : vector<16xi32> to vector<16x1xi32>
          %gather3A_1972 = vector.shape_cast %broadcast_in_dim3A_1971 : vector<16x1xi32> to vector<16xi32>
          %gather3A_1973 = tpu.dynamic_gather %scan3A_267[%gather3A_1972] in [0] : vector<16xf32>, vector<16xi32> -> vector<16xf32>
          %get3A_1974 = arith.constant 0 : i32
          %get3A_1975 = arith.constant 4 : i32
          %get3A_1976 = arith.index_cast %get3A_1974 : i32 to index
          %get3A_1977 = arith.index_cast %scan3A_251 : i32 to index
          %get3A_1978 = arith.index_cast %get3A_1975 : i32 to index
          %get3A_1979 = arith.constant 224 : index
          %get3A_1980 = tpu.vector_load %arg4[%get3A_1976, %get3A_1977, %get3A_1978, %get3A_1979] {strides = array<i32>} : memref<2x16x5x256xf32, #tpu.memory_space<vmem>>, vector<1x1x1x16xf32>,
          %get3A_1981 = vector.shape_cast %get3A_1980 : vector<1x1x1x16xf32> to vector<16xf32>
          %add3A_1982 = arith.addf %get3A_1981, %gather3A_1973 : vector<16xf32>
          %max3A_1983 = arith.maximumf %add3A_1934, %add3A_1946 : vector<16xf32>
          %max3A_1984 = arith.maximumf %add3A_1958, %add3A_1970 : vector<16xf32>
          %max3A_1985 = arith.maximumf %max3A_1983, %max3A_1984 : vector<16xf32>
          %max3A_1986 = arith.maximumf %max3A_1985, %add3A_1982 : vector<16xf32>
          %sub3A_1987 = arith.subf %add3A_1934, %max3A_1986 : vector<16xf32>
          %exp3A_1988 = math.exp %sub3A_1987 : vector<16xf32>
          %sub3A_1989 = arith.subf %add3A_1946, %max3A_1986 : vector<16xf32>
          %exp3A_1990 = math.exp %sub3A_1989 : vector<16xf32>
          %sub3A_1991 = arith.subf %add3A_1958, %max3A_1986 : vector<16xf32>
          %exp3A_1992 = math.exp %sub3A_1991 : vector<16xf32>
          %sub3A_1993 = arith.subf %add3A_1970, %max3A_1986 : vector<16xf32>
          %exp3A_1994 = math.exp %sub3A_1993 : vector<16xf32>
          %sub3A_1995 = arith.subf %add3A_1982, %max3A_1986 : vector<16xf32>
          %exp3A_1996 = math.exp %sub3A_1995 : vector<16xf32>
          %add3A_1997 = arith.addf %exp3A_1988, %exp3A_1990 : vector<16xf32>
          %add3A_1998 = arith.addf %exp3A_1992, %exp3A_1994 : vector<16xf32>
          %add3A_1999 = arith.addf %add3A_1998, %exp3A_1996 : vector<16xf32>
          %add3A_2000 = arith.addf %add3A_1997, %add3A_1999 : vector<16xf32>
          %bitcast_convert_type3A_2001 = tpu.bitcast %add3A_2000 : vector<16xf32> -> vector<16xi32>
          %shift_right_arithmetic3A_2002 = arith.constant 23 : i32
          %shift_right_arithmetic3A_2003 = vector.broadcast %shift_right_arithmetic3A_2002 : i32 to vector<16xi32>
          %shift_right_arithmetic3A_2004 = arith.shrsi %bitcast_convert_type3A_2001, %shift_right_arithmetic3A_2003 : vector<16xi32>
          %sub3A_2005 = arith.constant 127 : i32
          %sub3A_2006 = vector.broadcast %sub3A_2005 : i32 to vector<16xi32>
          %sub3A_2007 = arith.subi %shift_right_arithmetic3A_2004, %sub3A_2006 : vector<16xi32>
          %and3A_2008 = arith.constant 8388607 : i32
          %and3A_2009 = vector.broadcast %and3A_2008 : i32 to vector<16xi32>
          %and3A_2010 = arith.andi %bitcast_convert_type3A_2001, %and3A_2009 : vector<16xi32>
          %or3A_2011 = arith.constant 1065353216 : i32
          %or3A_2012 = vector.broadcast %or3A_2011 : i32 to vector<16xi32>
          %or3A_2013 = arith.ori %and3A_2010, %or3A_2012 : vector<16xi32>
          %bitcast_convert_type3A_2014 = tpu.bitcast %or3A_2013 : vector<16xi32> -> vector<16xf32>
          %mul3A_2015 = arith.mulf %bitcast_convert_type3A_2014, %bitcast_convert_type3A_2014 : vector<16xf32>
          %mul3A_2016 = arith.constant -0.0548628531 : f32
          %mul3A_2017 = vector.broadcast %mul3A_2016 : f32 to vector<16xf32>
          %mul3A_2018 = arith.mulf %mul3A_2017, %mul3A_2015 : vector<16xf32>
          %mul3A_2019 = arith.constant 0.435861856 : f32
          %mul3A_2020 = vector.broadcast %mul3A_2019 : f32 to vector<16xf32>
          %mul3A_2021 = arith.mulf %mul3A_2020, %bitcast_convert_type3A_2014 : vector<16xf32>
          %add3A_2022 = arith.constant -1.44248104 : f32
          %add3A_2023 = vector.broadcast %add3A_2022 : f32 to vector<16xf32>
          %add3A_2024 = arith.addf %mul3A_2021, %add3A_2023 : vector<16xf32>
          %add3A_2025 = arith.addf %mul3A_2018, %add3A_2024 : vector<16xf32>
          %mul3A_2026 = arith.constant 2.79225516 : f32
          %mul3A_2027 = vector.broadcast %mul3A_2026 : f32 to vector<16xf32>
          %mul3A_2028 = arith.mulf %mul3A_2027, %bitcast_convert_type3A_2014 : vector<16xf32>
          %add3A_2029 = arith.constant -1.73063171 : f32
          %add3A_2030 = vector.broadcast %add3A_2029 : f32 to vector<16xf32>
          %add3A_2031 = arith.addf %mul3A_2028, %add3A_2030 : vector<16xf32>
          %convert_element_type3A_2032 = arith.sitofp %sub3A_2007 : vector<16xi32> to vector<16xf32>
          %mul3A_2033 = arith.constant 0.693147182 : f32
          %mul3A_2034 = vector.broadcast %mul3A_2033 : f32 to vector<16xf32>
          %mul3A_2035 = arith.mulf %mul3A_2034, %convert_element_type3A_2032 : vector<16xf32>
          %mul3A_2036 = arith.mulf %add3A_2025, %mul3A_2015 : vector<16xf32>
          %add3A_2037 = arith.addf %mul3A_2036, %add3A_2031 : vector<16xf32>
          %add3A_2038 = arith.addf %mul3A_2035, %add3A_2037 : vector<16xf32>
          %add3A_2039 = arith.addf %max3A_1986, %add3A_2038 : vector<16xf32>
          %swap3A_2040 = arith.index_cast %scan3A_251 : i32 to index
          %swap3A_2041 = arith.constant 224 : index
          %swap3A_2042 = tpu.vector_load %arg5[%swap3A_2040, %swap3A_2041] {strides = array<i32>} : memref<16x256xf32, #tpu.memory_space<vmem>>, vector<1x16xf32>,
          %swap3A_2043 = vector.shape_cast %swap3A_2042 : vector<1x16xf32> to vector<16xf32>
          %swap3A_2044 = vector.shape_cast %add3A_2039 : vector<16xf32> to vector<1x16xf32>
          tpu.vector_store %arg5[%swap3A_2040, %swap3A_2041], %swap3A_2044 {strides = array<i32>} : memref<16x256xf32, #tpu.memory_space<vmem>>, vector<1x16xf32>,
          %get3A_2045 = arith.constant 0 : i32
          %get3A_2046 = arith.constant 0 : i32
          %get3A_2047 = arith.index_cast %get3A_2045 : i32 to index
          %get3A_2048 = arith.index_cast %scan3A_251 : i32 to index
          %get3A_2049 = arith.index_cast %get3A_2046 : i32 to index
          %get3A_2050 = arith.constant 240 : index
          %get3A_2051 = tpu.vector_load %arg4[%get3A_2047, %get3A_2048, %get3A_2049, %get3A_2050] {strides = array<i32>} : memref<2x16x5x256xf32, #tpu.memory_space<vmem>>, vector<1x1x1x16xf32>,
          %get3A_2052 = vector.shape_cast %get3A_2051 : vector<1x1x1x16xf32> to vector<16xf32>
          %add3A_2053 = arith.addf %get3A_2052, %scan3A_267 : vector<16xf32>
          %broadcast_in_dim3A_2054 = vector.shape_cast %add3A_113 : vector<16xi32> to vector<16x1xi32>
          %gather3A_2055 = vector.shape_cast %broadcast_in_dim3A_2054 : vector<16x1xi32> to vector<16xi32>
          %gather3A_2056 = tpu.dynamic_gather %scan3A_255[%gather3A_2055] in [0] : vector<16xf32>, vector<16xi32> -> vector<16xf32>
          %get3A_2057 = arith.constant 0 : i32
          %get3A_2058 = arith.constant 1 : i32
          %get3A_2059 = arith.index_cast %get3A_2057 : i32 to index
          %get3A_2060 = arith.index_cast %scan3A_251 : i32 to index
          %get3A_2061 = arith.index_cast %get3A_2058 : i32 to index
          %get3A_2062 = arith.constant 240 : index
          %get3A_2063 = tpu.vector_load %arg4[%get3A_2059, %get3A_2060, %get3A_2061, %get3A_2062] {strides = array<i32>} : memref<2x16x5x256xf32, #tpu.memory_space<vmem>>, vector<1x1x1x16xf32>,
          %get3A_2064 = vector.shape_cast %get3A_2063 : vector<1x1x1x16xf32> to vector<16xf32>
          %add3A_2065 = arith.addf %get3A_2064, %gather3A_2056 : vector<16xf32>
          %broadcast_in_dim3A_2066 = vector.shape_cast %add3A_113 : vector<16xi32> to vector<16x1xi32>
          %gather3A_2067 = vector.shape_cast %broadcast_in_dim3A_2066 : vector<16x1xi32> to vector<16xi32>
          %gather3A_2068 = tpu.dynamic_gather %scan3A_259[%gather3A_2067] in [0] : vector<16xf32>, vector<16xi32> -> vector<16xf32>
          %get3A_2069 = arith.constant 0 : i32
          %get3A_2070 = arith.constant 2 : i32
          %get3A_2071 = arith.index_cast %get3A_2069 : i32 to index
          %get3A_2072 = arith.index_cast %scan3A_251 : i32 to index
          %get3A_2073 = arith.index_cast %get3A_2070 : i32 to index
          %get3A_2074 = arith.constant 240 : index
          %get3A_2075 = tpu.vector_load %arg4[%get3A_2071, %get3A_2072, %get3A_2073, %get3A_2074] {strides = array<i32>} : memref<2x16x5x256xf32, #tpu.memory_space<vmem>>, vector<1x1x1x16xf32>,
          %get3A_2076 = vector.shape_cast %get3A_2075 : vector<1x1x1x16xf32> to vector<16xf32>
          %add3A_2077 = arith.addf %get3A_2076, %gather3A_2068 : vector<16xf32>
          %broadcast_in_dim3A_2078 = vector.shape_cast %add3A_113 : vector<16xi32> to vector<16x1xi32>
          %gather3A_2079 = vector.shape_cast %broadcast_in_dim3A_2078 : vector<16x1xi32> to vector<16xi32>
          %gather3A_2080 = tpu.dynamic_gather %scan3A_263[%gather3A_2079] in [0] : vector<16xf32>, vector<16xi32> -> vector<16xf32>
          %get3A_2081 = arith.constant 0 : i32
          %get3A_2082 = arith.constant 3 : i32
          %get3A_2083 = arith.index_cast %get3A_2081 : i32 to index
          %get3A_2084 = arith.index_cast %scan3A_251 : i32 to index
          %get3A_2085 = arith.index_cast %get3A_2082 : i32 to index
          %get3A_2086 = arith.constant 240 : index
          %get3A_2087 = tpu.vector_load %arg4[%get3A_2083, %get3A_2084, %get3A_2085, %get3A_2086] {strides = array<i32>} : memref<2x16x5x256xf32, #tpu.memory_space<vmem>>, vector<1x1x1x16xf32>,
          %get3A_2088 = vector.shape_cast %get3A_2087 : vector<1x1x1x16xf32> to vector<16xf32>
          %add3A_2089 = arith.addf %get3A_2088, %gather3A_2080 : vector<16xf32>
          %broadcast_in_dim3A_2090 = vector.shape_cast %add3A_113 : vector<16xi32> to vector<16x1xi32>
          %gather3A_2091 = vector.shape_cast %broadcast_in_dim3A_2090 : vector<16x1xi32> to vector<16xi32>
          %gather3A_2092 = tpu.dynamic_gather %scan3A_267[%gather3A_2091] in [0] : vector<16xf32>, vector<16xi32> -> vector<16xf32>
          %get3A_2093 = arith.constant 0 : i32
          %get3A_2094 = arith.constant 4 : i32
          %get3A_2095 = arith.index_cast %get3A_2093 : i32 to index
          %get3A_2096 = arith.index_cast %scan3A_251 : i32 to index
          %get3A_2097 = arith.index_cast %get3A_2094 : i32 to index
          %get3A_2098 = arith.constant 240 : index
          %get3A_2099 = tpu.vector_load %arg4[%get3A_2095, %get3A_2096, %get3A_2097, %get3A_2098] {strides = array<i32>} : memref<2x16x5x256xf32, #tpu.memory_space<vmem>>, vector<1x1x1x16xf32>,
          %get3A_2100 = vector.shape_cast %get3A_2099 : vector<1x1x1x16xf32> to vector<16xf32>
          %add3A_2101 = arith.addf %get3A_2100, %gather3A_2092 : vector<16xf32>
          %max3A_2102 = arith.maximumf %add3A_2053, %add3A_2065 : vector<16xf32>
          %max3A_2103 = arith.maximumf %add3A_2077, %add3A_2089 : vector<16xf32>
          %max3A_2104 = arith.maximumf %max3A_2102, %max3A_2103 : vector<16xf32>
          %max3A_2105 = arith.maximumf %max3A_2104, %add3A_2101 : vector<16xf32>
          %sub3A_2106 = arith.subf %add3A_2053, %max3A_2105 : vector<16xf32>
          %exp3A_2107 = math.exp %sub3A_2106 : vector<16xf32>
          %sub3A_2108 = arith.subf %add3A_2065, %max3A_2105 : vector<16xf32>
          %exp3A_2109 = math.exp %sub3A_2108 : vector<16xf32>
          %sub3A_2110 = arith.subf %add3A_2077, %max3A_2105 : vector<16xf32>
          %exp3A_2111 = math.exp %sub3A_2110 : vector<16xf32>
          %sub3A_2112 = arith.subf %add3A_2089, %max3A_2105 : vector<16xf32>
          %exp3A_2113 = math.exp %sub3A_2112 : vector<16xf32>
          %sub3A_2114 = arith.subf %add3A_2101, %max3A_2105 : vector<16xf32>
          %exp3A_2115 = math.exp %sub3A_2114 : vector<16xf32>
          %add3A_2116 = arith.addf %exp3A_2107, %exp3A_2109 : vector<16xf32>
          %add3A_2117 = arith.addf %exp3A_2111, %exp3A_2113 : vector<16xf32>
          %add3A_2118 = arith.addf %add3A_2117, %exp3A_2115 : vector<16xf32>
          %add3A_2119 = arith.addf %add3A_2116, %add3A_2118 : vector<16xf32>
          %bitcast_convert_type3A_2120 = tpu.bitcast %add3A_2119 : vector<16xf32> -> vector<16xi32>
          %shift_right_arithmetic3A_2121 = arith.constant 23 : i32
          %shift_right_arithmetic3A_2122 = vector.broadcast %shift_right_arithmetic3A_2121 : i32 to vector<16xi32>
          %shift_right_arithmetic3A_2123 = arith.shrsi %bitcast_convert_type3A_2120, %shift_right_arithmetic3A_2122 : vector<16xi32>
          %sub3A_2124 = arith.constant 127 : i32
          %sub3A_2125 = vector.broadcast %sub3A_2124 : i32 to vector<16xi32>
          %sub3A_2126 = arith.subi %shift_right_arithmetic3A_2123, %sub3A_2125 : vector<16xi32>
          %and3A_2127 = arith.constant 8388607 : i32
          %and3A_2128 = vector.broadcast %and3A_2127 : i32 to vector<16xi32>
          %and3A_2129 = arith.andi %bitcast_convert_type3A_2120, %and3A_2128 : vector<16xi32>
          %or3A_2130 = arith.constant 1065353216 : i32
          %or3A_2131 = vector.broadcast %or3A_2130 : i32 to vector<16xi32>
          %or3A_2132 = arith.ori %and3A_2129, %or3A_2131 : vector<16xi32>
          %bitcast_convert_type3A_2133 = tpu.bitcast %or3A_2132 : vector<16xi32> -> vector<16xf32>
          %mul3A_2134 = arith.mulf %bitcast_convert_type3A_2133, %bitcast_convert_type3A_2133 : vector<16xf32>
          %mul3A_2135 = arith.constant -0.0548628531 : f32
          %mul3A_2136 = vector.broadcast %mul3A_2135 : f32 to vector<16xf32>
          %mul3A_2137 = arith.mulf %mul3A_2136, %mul3A_2134 : vector<16xf32>
          %mul3A_2138 = arith.constant 0.435861856 : f32
          %mul3A_2139 = vector.broadcast %mul3A_2138 : f32 to vector<16xf32>
          %mul3A_2140 = arith.mulf %mul3A_2139, %bitcast_convert_type3A_2133 : vector<16xf32>
          %add3A_2141 = arith.constant -1.44248104 : f32
          %add3A_2142 = vector.broadcast %add3A_2141 : f32 to vector<16xf32>
          %add3A_2143 = arith.addf %mul3A_2140, %add3A_2142 : vector<16xf32>
          %add3A_2144 = arith.addf %mul3A_2137, %add3A_2143 : vector<16xf32>
          %mul3A_2145 = arith.constant 2.79225516 : f32
          %mul3A_2146 = vector.broadcast %mul3A_2145 : f32 to vector<16xf32>
          %mul3A_2147 = arith.mulf %mul3A_2146, %bitcast_convert_type3A_2133 : vector<16xf32>
          %add3A_2148 = arith.constant -1.73063171 : f32
          %add3A_2149 = vector.broadcast %add3A_2148 : f32 to vector<16xf32>
          %add3A_2150 = arith.addf %mul3A_2147, %add3A_2149 : vector<16xf32>
          %convert_element_type3A_2151 = arith.sitofp %sub3A_2126 : vector<16xi32> to vector<16xf32>
          %mul3A_2152 = arith.constant 0.693147182 : f32
          %mul3A_2153 = vector.broadcast %mul3A_2152 : f32 to vector<16xf32>
          %mul3A_2154 = arith.mulf %mul3A_2153, %convert_element_type3A_2151 : vector<16xf32>
          %mul3A_2155 = arith.mulf %add3A_2144, %mul3A_2134 : vector<16xf32>
          %add3A_2156 = arith.addf %mul3A_2155, %add3A_2150 : vector<16xf32>
          %add3A_2157 = arith.addf %mul3A_2154, %add3A_2156 : vector<16xf32>
          %add3A_2158 = arith.addf %max3A_2105, %add3A_2157 : vector<16xf32>
          %swap3A_2159 = arith.index_cast %scan3A_251 : i32 to index
          %swap3A_2160 = arith.constant 240 : index
          %swap3A_2161 = tpu.vector_load %arg5[%swap3A_2159, %swap3A_2160] {strides = array<i32>} : memref<16x256xf32, #tpu.memory_space<vmem>>, vector<1x16xf32>,
          %swap3A_2162 = vector.shape_cast %swap3A_2161 : vector<1x16xf32> to vector<16xf32>
          %swap3A_2163 = vector.shape_cast %add3A_2158 : vector<16xf32> to vector<1x16xf32>
          tpu.vector_store %arg5[%swap3A_2159, %swap3A_2160], %swap3A_2163 {strides = array<i32>} : memref<16x256xf32, #tpu.memory_space<vmem>>, vector<1x16xf32>,
          scf.yield %add3A_373, %add3A_492, %add3A_611, %add3A_730, %add3A_849, %add3A_968, %add3A_1087, %add3A_1206, %add3A_1325, %add3A_1444, %add3A_1563, %add3A_1682, %add3A_1801, %add3A_1920, %add3A_2039, %add3A_2158 : vector<16xf32>, vector<16xf32>, vector<16xf32>, vector<16xf32>, vector<16xf32>, vector<16xf32>, vector<16xf32>, vector<16xf32>, vector<16xf32>, vector<16xf32>, vector<16xf32>, vector<16xf32>, vector<16xf32>, vector<16xf32>, vector<16xf32>, vector<16xf32>
        }
        %scan3A_206 = arith.constant 16 : i32
        %mul3A_207 = arith.constant 16 : i32
        %mul3A_208 = arith.muli %mul3A_157, %mul3A_207 : i32
        %add3A_209 = arith.constant 1 : i32
        %add3A_210 = arith.addi %add3A_209, %mul3A_208 : i32
        "tpu.region"() ({
          %run_scoped3A_251 = tpu.sem_alloc : memref<!tpu.dma_semaphore, #tpu.memory_space<semaphore_mem>>
          %dma_start3A_252 = arith.constant 0 : i32
          %dma_start3A_253 = tpu.memref_slice %arg3[%add3A_210, %add3A, %dma_start3A_252] : memref<1025x16x256xf32, #tpu.memory_space<hbm>> -> memref<16x1x256xf32, #tpu.memory_space<hbm>>
          %dma_start3A_254 = tpu.memref_squeeze %dma_start3A_253 : memref<16x1x256xf32, #tpu.memory_space<hbm>> -> memref<16x256xf32, #tpu.memory_space<hbm>>
          %dma_start3A_255 = arith.constant 0 : i32
          %dma_start3A_256 = tpu.memref_slice %arg3[%add3A_210, %add3A, %dma_start3A_255] : memref<1025x16x256xf32, #tpu.memory_space<hbm>> -> memref<16x1x256xf32, #tpu.memory_space<hbm>>
          %dma_start3A_257 = tpu.memref_squeeze %dma_start3A_256 : memref<16x1x256xf32, #tpu.memory_space<hbm>> -> memref<16x256xf32, #tpu.memory_space<hbm>>
          tpu.enqueue_dma source(%arg5 : memref<16x256xf32, #tpu.memory_space<vmem>>) target(%dma_start3A_257 : memref<16x256xf32, #tpu.memory_space<hbm>>) target_semaphore(%run_scoped3A_251 : memref<!tpu.dma_semaphore, #tpu.memory_space<semaphore_mem>>)
          %dma_wait3A_258 = arith.constant 0 : i32
          %dma_wait3A_259 = tpu.memref_slice %arg3[%add3A_210, %add3A, %dma_wait3A_258] : memref<1025x16x256xf32, #tpu.memory_space<hbm>> -> memref<16x1x256xf32, #tpu.memory_space<hbm>>
          %dma_wait3A_260 = tpu.memref_squeeze %dma_wait3A_259 : memref<16x1x256xf32, #tpu.memory_space<hbm>> -> memref<16x256xf32, #tpu.memory_space<hbm>>
          %dma_wait3A_261 = arith.constant 0 : i32
          %dma_wait3A_262 = tpu.memref_slice %arg3[%add3A_210, %add3A, %dma_wait3A_261] : memref<1025x16x256xf32, #tpu.memory_space<hbm>> -> memref<16x1x256xf32, #tpu.memory_space<hbm>>
          %dma_wait3A_263 = tpu.memref_squeeze %dma_wait3A_262 : memref<16x1x256xf32, #tpu.memory_space<hbm>> -> memref<16x256xf32, #tpu.memory_space<hbm>>
          tpu.wait_dma2 semaphore(%run_scoped3A_251 : memref<!tpu.dma_semaphore, #tpu.memory_space<semaphore_mem>>) src(%arg5 : memref<16x256xf32, #tpu.memory_space<vmem>>) dst(%dma_wait3A_263 : memref<16x256xf32, #tpu.memory_space<hbm>>)
          tpu.yield
        }) : () -> ()
        %dma_wait3A_211 = arith.constant 1 : i32
        %dma_wait3A_212 = arith.constant 0 : i32
        %dma_wait3A_213 = arith.constant 0 : i32
        %dma_wait3A_214 = arith.constant 0 : i32
        %dma_wait3A_215 = tpu.memref_slice %arg4[%dma_wait3A_211, %dma_wait3A_212, %dma_wait3A_213, %dma_wait3A_214] : memref<2x16x5x256xf32, #tpu.memory_space<vmem>> -> memref<1x16x5x256xf32, #tpu.memory_space<vmem>>
        %dma_wait3A_216 = tpu.memref_squeeze %dma_wait3A_215 : memref<1x16x5x256xf32, #tpu.memory_space<vmem>> -> memref<16x5x256xf32, #tpu.memory_space<vmem>>
        %dma_wait3A_217 = arith.constant 0 : i32
        %dma_wait3A_218 = arith.constant 0 : i32
        %dma_wait3A_219 = arith.constant 0 : i32
        %dma_wait3A_220 = tpu.memref_slice %arg2[%dma_wait3A_217, %add3A, %dma_wait3A_218, %dma_wait3A_219] : memref<1024x16x5x256xf32, #tpu.memory_space<hbm>> -> memref<16x1x5x256xf32, #tpu.memory_space<hbm>>
        %dma_wait3A_221 = tpu.memref_squeeze %dma_wait3A_220 : memref<16x1x5x256xf32, #tpu.memory_space<hbm>> -> memref<16x5x256xf32, #tpu.memory_space<hbm>>
        %dma_wait3A_222 = arith.constant 0 : i32
        %dma_wait3A_223 = arith.constant 0 : i32
        %dma_wait3A_224 = arith.constant 0 : i32
        %dma_wait3A_225 = tpu.memref_slice %arg4[%dma_wait3A_211, %dma_wait3A_222, %dma_wait3A_223, %dma_wait3A_224] : memref<2x16x5x256xf32, #tpu.memory_space<vmem>> -> memref<1x16x5x256xf32, #tpu.memory_space<vmem>>
        %dma_wait3A_226 = tpu.memref_squeeze %dma_wait3A_225 : memref<1x16x5x256xf32, #tpu.memory_space<vmem>> -> memref<16x5x256xf32, #tpu.memory_space<vmem>>
        %dma_wait3A_227 = arith.constant 0 : i32
        %dma_wait3A_228 = arith.constant 0 : i32
        %dma_wait3A_229 = arith.constant 0 : i32
        %dma_wait3A_230 = tpu.memref_slice %arg2[%dma_wait3A_227, %add3A, %dma_wait3A_228, %dma_wait3A_229] : memref<1024x16x5x256xf32, #tpu.memory_space<hbm>> -> memref<16x1x5x256xf32, #tpu.memory_space<hbm>>
        %dma_wait3A_231 = tpu.memref_squeeze %dma_wait3A_230 : memref<16x1x5x256xf32, #tpu.memory_space<hbm>> -> memref<16x5x256xf32, #tpu.memory_space<hbm>>
        tpu.wait_dma2 semaphore(%arg6 : memref<!tpu.dma_semaphore, #tpu.memory_space<semaphore_mem>>) src(%dma_wait3A_231 : memref<16x5x256xf32, #tpu.memory_space<hbm>>) dst(%dma_wait3A_226 : memref<16x5x256xf32, #tpu.memory_space<vmem>>)
        %add3A_232 = arith.constant 2 : i32
        %add3A_233 = arith.addi %mul3A_157, %add3A_232 : i32
        %lt3A_234 = arith.constant 64 : i32
        %lt3A_235 = arith.cmpi slt, %add3A_233, %lt3A_234 : i32
        %convert_element_type3A_236 = arith.extui %lt3A_235 : i1 to i32
        %cond3A_237 = arith.constant 0 : i32
        %cond3A_238 = arith.cmpi ne, %convert_element_type3A_236, %cond3A_237 : i32
        scf.if %cond3A_238 {
          %add3A_251 = arith.constant 2 : i32
          %add3A_252 = arith.addi %mul3A_157, %add3A_251 : i32
          %mul3A_253 = arith.constant 16 : i32
          %mul3A_254 = arith.muli %add3A_252, %mul3A_253 : i32
          %dma_start3A_255 = arith.constant 0 : i32
          %dma_start3A_256 = arith.constant 0 : i32
          %dma_start3A_257 = arith.constant 0 : i32
          %dma_start3A_258 = arith.constant 0 : i32
          %dma_start3A_259 = tpu.memref_slice %arg4[%dma_start3A_255, %dma_start3A_256, %dma_start3A_257, %dma_start3A_258] : memref<2x16x5x256xf32, #tpu.memory_space<vmem>> -> memref<1x16x5x256xf32, #tpu.memory_space<vmem>>
          %dma_start3A_260 = tpu.memref_squeeze %dma_start3A_259 : memref<1x16x5x256xf32, #tpu.memory_space<vmem>> -> memref<16x5x256xf32, #tpu.memory_space<vmem>>
          %dma_start3A_261 = arith.constant 0 : i32
          %dma_start3A_262 = arith.constant 0 : i32
          %dma_start3A_263 = tpu.memref_slice %arg2[%mul3A_254, %add3A, %dma_start3A_261, %dma_start3A_262] : memref<1024x16x5x256xf32, #tpu.memory_space<hbm>> -> memref<16x1x5x256xf32, #tpu.memory_space<hbm>>
          %dma_start3A_264 = tpu.memref_squeeze %dma_start3A_263 : memref<16x1x5x256xf32, #tpu.memory_space<hbm>> -> memref<16x5x256xf32, #tpu.memory_space<hbm>>
          %dma_start3A_265 = arith.constant 0 : i32
          %dma_start3A_266 = arith.constant 0 : i32
          %dma_start3A_267 = arith.constant 0 : i32
          %dma_start3A_268 = tpu.memref_slice %arg4[%dma_start3A_255, %dma_start3A_265, %dma_start3A_266, %dma_start3A_267] : memref<2x16x5x256xf32, #tpu.memory_space<vmem>> -> memref<1x16x5x256xf32, #tpu.memory_space<vmem>>
          %dma_start3A_269 = tpu.memref_squeeze %dma_start3A_268 : memref<1x16x5x256xf32, #tpu.memory_space<vmem>> -> memref<16x5x256xf32, #tpu.memory_space<vmem>>
          %dma_start3A_270 = arith.constant 0 : i32
          %dma_start3A_271 = arith.constant 0 : i32
          %dma_start3A_272 = tpu.memref_slice %arg2[%mul3A_254, %add3A, %dma_start3A_270, %dma_start3A_271] : memref<1024x16x5x256xf32, #tpu.memory_space<hbm>> -> memref<16x1x5x256xf32, #tpu.memory_space<hbm>>
          %dma_start3A_273 = tpu.memref_squeeze %dma_start3A_272 : memref<16x1x5x256xf32, #tpu.memory_space<hbm>> -> memref<16x5x256xf32, #tpu.memory_space<hbm>>
          tpu.enqueue_dma source(%dma_start3A_273 : memref<16x5x256xf32, #tpu.memory_space<hbm>>) target(%dma_start3A_269 : memref<16x5x256xf32, #tpu.memory_space<vmem>>) target_semaphore(%arg6 : memref<!tpu.dma_semaphore, #tpu.memory_space<semaphore_mem>>)
        } else {
        }
        %add3A_239 = arith.constant 1 : i32
        %add3A_240 = arith.addi %mul3A_157, %add3A_239 : i32
        %scan3A_241 = arith.constant 0 : i32
        %scan3A_242 = arith.constant 16 : i32
        %scan3A_243 = arith.addi %scan3A_241, %scan3A_242 : i32
        %scan3A_244 = arith.constant 1 : i32
        %scan3A_245:16 = scf.for %scan3A_251 = %scan3A_241 to %scan3A_243 step %scan3A_244 iter_args(%scan3A_252 = %scan3A_205#0, %scan3A_253 = %scan3A_205#1, %scan3A_254 = %scan3A_205#2, %scan3A_255 = %scan3A_205#3, %scan3A_256 = %scan3A_205#4, %scan3A_257 = %scan3A_205#5, %scan3A_258 = %scan3A_205#6, %scan3A_259 = %scan3A_205#7, %scan3A_260 = %scan3A_205#8, %scan3A_261 = %scan3A_205#9, %scan3A_262 = %scan3A_205#10, %scan3A_263 = %scan3A_205#11, %scan3A_264 = %scan3A_205#12, %scan3A_265 = %scan3A_205#13, %scan3A_266 = %scan3A_205#14, %scan3A_267 = %scan3A_205#15) -> (vector<16xf32>, vector<16xf32>, vector<16xf32>, vector<16xf32>, vector<16xf32>, vector<16xf32>, vector<16xf32>, vector<16xf32>, vector<16xf32>, vector<16xf32>, vector<16xf32>, vector<16xf32>, vector<16xf32>, vector<16xf32>, vector<16xf32>, vector<16xf32>)  : i32 {
          %get3A = arith.constant 1 : i32
          %get3A_268 = arith.constant 0 : i32
          %get3A_269 = arith.index_cast %get3A : i32 to index
          %get3A_270 = arith.index_cast %scan3A_251 : i32 to index
          %get3A_271 = arith.index_cast %get3A_268 : i32 to index
          %get3A_272 = arith.constant 0 : index
          %get3A_273 = tpu.vector_load %arg4[%get3A_269, %get3A_270, %get3A_271, %get3A_272] {strides = array<i32>} : memref<2x16x5x256xf32, #tpu.memory_space<vmem>>, vector<1x1x1x16xf32>,
          %get3A_274 = vector.shape_cast %get3A_273 : vector<1x1x1x16xf32> to vector<16xf32>
          %add3A_275 = arith.addf %get3A_274, %scan3A_252 : vector<16xf32>
          %broadcast_in_dim3A_276 = vector.shape_cast %add3A_104 : vector<16xi32> to vector<16x1xi32>
          %gather3A = vector.shape_cast %broadcast_in_dim3A_276 : vector<16x1xi32> to vector<16xi32>
          %gather3A_277 = tpu.dynamic_gather %scan3A_252[%gather3A] in [0] : vector<16xf32>, vector<16xi32> -> vector<16xf32>
          %get3A_278 = arith.constant 1 : i32
          %get3A_279 = arith.constant 1 : i32
          %get3A_280 = arith.index_cast %get3A_278 : i32 to index
          %get3A_281 = arith.index_cast %scan3A_251 : i32 to index
          %get3A_282 = arith.index_cast %get3A_279 : i32 to index
          %get3A_283 = arith.constant 0 : index
          %get3A_284 = tpu.vector_load %arg4[%get3A_280, %get3A_281, %get3A_282, %get3A_283] {strides = array<i32>} : memref<2x16x5x256xf32, #tpu.memory_space<vmem>>, vector<1x1x1x16xf32>,
          %get3A_285 = vector.shape_cast %get3A_284 : vector<1x1x1x16xf32> to vector<16xf32>
          %add3A_286 = arith.addf %get3A_285, %gather3A_277 : vector<16xf32>
          %broadcast_in_dim3A_287 = vector.shape_cast %add3A_104 : vector<16xi32> to vector<16x1xi32>
          %gather3A_288 = vector.shape_cast %broadcast_in_dim3A_287 : vector<16x1xi32> to vector<16xi32>
          %gather3A_289 = tpu.dynamic_gather %scan3A_256[%gather3A_288] in [0] : vector<16xf32>, vector<16xi32> -> vector<16xf32>
          %get3A_290 = arith.constant 1 : i32
          %get3A_291 = arith.constant 2 : i32
          %get3A_292 = arith.index_cast %get3A_290 : i32 to index
          %get3A_293 = arith.index_cast %scan3A_251 : i32 to index
          %get3A_294 = arith.index_cast %get3A_291 : i32 to index
          %get3A_295 = arith.constant 0 : index
          %get3A_296 = tpu.vector_load %arg4[%get3A_292, %get3A_293, %get3A_294, %get3A_295] {strides = array<i32>} : memref<2x16x5x256xf32, #tpu.memory_space<vmem>>, vector<1x1x1x16xf32>,
          %get3A_297 = vector.shape_cast %get3A_296 : vector<1x1x1x16xf32> to vector<16xf32>
          %add3A_298 = arith.addf %get3A_297, %gather3A_289 : vector<16xf32>
          %broadcast_in_dim3A_299 = vector.shape_cast %add3A_104 : vector<16xi32> to vector<16x1xi32>
          %gather3A_300 = vector.shape_cast %broadcast_in_dim3A_299 : vector<16x1xi32> to vector<16xi32>
          %gather3A_301 = tpu.dynamic_gather %scan3A_260[%gather3A_300] in [0] : vector<16xf32>, vector<16xi32> -> vector<16xf32>
          %get3A_302 = arith.constant 1 : i32
          %get3A_303 = arith.constant 3 : i32
          %get3A_304 = arith.index_cast %get3A_302 : i32 to index
          %get3A_305 = arith.index_cast %scan3A_251 : i32 to index
          %get3A_306 = arith.index_cast %get3A_303 : i32 to index
          %get3A_307 = arith.constant 0 : index
          %get3A_308 = tpu.vector_load %arg4[%get3A_304, %get3A_305, %get3A_306, %get3A_307] {strides = array<i32>} : memref<2x16x5x256xf32, #tpu.memory_space<vmem>>, vector<1x1x1x16xf32>,
          %get3A_309 = vector.shape_cast %get3A_308 : vector<1x1x1x16xf32> to vector<16xf32>
          %add3A_310 = arith.addf %get3A_309, %gather3A_301 : vector<16xf32>
          %broadcast_in_dim3A_311 = vector.shape_cast %add3A_104 : vector<16xi32> to vector<16x1xi32>
          %gather3A_312 = vector.shape_cast %broadcast_in_dim3A_311 : vector<16x1xi32> to vector<16xi32>
          %gather3A_313 = tpu.dynamic_gather %scan3A_264[%gather3A_312] in [0] : vector<16xf32>, vector<16xi32> -> vector<16xf32>
          %get3A_314 = arith.constant 1 : i32
          %get3A_315 = arith.constant 4 : i32
          %get3A_316 = arith.index_cast %get3A_314 : i32 to index
          %get3A_317 = arith.index_cast %scan3A_251 : i32 to index
          %get3A_318 = arith.index_cast %get3A_315 : i32 to index
          %get3A_319 = arith.constant 0 : index
          %get3A_320 = tpu.vector_load %arg4[%get3A_316, %get3A_317, %get3A_318, %get3A_319] {strides = array<i32>} : memref<2x16x5x256xf32, #tpu.memory_space<vmem>>, vector<1x1x1x16xf32>,
          %get3A_321 = vector.shape_cast %get3A_320 : vector<1x1x1x16xf32> to vector<16xf32>
          %add3A_322 = arith.addf %get3A_321, %gather3A_313 : vector<16xf32>
          %max3A = arith.maximumf %add3A_275, %add3A_286 : vector<16xf32>
          %max3A_323 = arith.maximumf %add3A_298, %add3A_310 : vector<16xf32>
          %max3A_324 = arith.maximumf %max3A, %max3A_323 : vector<16xf32>
          %max3A_325 = arith.maximumf %max3A_324, %add3A_322 : vector<16xf32>
          %sub3A = arith.subf %add3A_275, %max3A_325 : vector<16xf32>
          %exp3A = math.exp %sub3A : vector<16xf32>
          %sub3A_326 = arith.subf %add3A_286, %max3A_325 : vector<16xf32>
          %exp3A_327 = math.exp %sub3A_326 : vector<16xf32>
          %sub3A_328 = arith.subf %add3A_298, %max3A_325 : vector<16xf32>
          %exp3A_329 = math.exp %sub3A_328 : vector<16xf32>
          %sub3A_330 = arith.subf %add3A_310, %max3A_325 : vector<16xf32>
          %exp3A_331 = math.exp %sub3A_330 : vector<16xf32>
          %sub3A_332 = arith.subf %add3A_322, %max3A_325 : vector<16xf32>
          %exp3A_333 = math.exp %sub3A_332 : vector<16xf32>
          %add3A_334 = arith.addf %exp3A, %exp3A_327 : vector<16xf32>
          %add3A_335 = arith.addf %exp3A_329, %exp3A_331 : vector<16xf32>
          %add3A_336 = arith.addf %add3A_335, %exp3A_333 : vector<16xf32>
          %add3A_337 = arith.addf %add3A_334, %add3A_336 : vector<16xf32>
          %bitcast_convert_type3A = tpu.bitcast %add3A_337 : vector<16xf32> -> vector<16xi32>
          %shift_right_arithmetic3A_338 = arith.constant 23 : i32
          %shift_right_arithmetic3A_339 = vector.broadcast %shift_right_arithmetic3A_338 : i32 to vector<16xi32>
          %shift_right_arithmetic3A_340 = arith.shrsi %bitcast_convert_type3A, %shift_right_arithmetic3A_339 : vector<16xi32>
          %sub3A_341 = arith.constant 127 : i32
          %sub3A_342 = vector.broadcast %sub3A_341 : i32 to vector<16xi32>
          %sub3A_343 = arith.subi %shift_right_arithmetic3A_340, %sub3A_342 : vector<16xi32>
          %and3A = arith.constant 8388607 : i32
          %and3A_344 = vector.broadcast %and3A : i32 to vector<16xi32>
          %and3A_345 = arith.andi %bitcast_convert_type3A, %and3A_344 : vector<16xi32>
          %or3A = arith.constant 1065353216 : i32
          %or3A_346 = vector.broadcast %or3A : i32 to vector<16xi32>
          %or3A_347 = arith.ori %and3A_345, %or3A_346 : vector<16xi32>
          %bitcast_convert_type3A_348 = tpu.bitcast %or3A_347 : vector<16xi32> -> vector<16xf32>
          %mul3A_349 = arith.mulf %bitcast_convert_type3A_348, %bitcast_convert_type3A_348 : vector<16xf32>
          %mul3A_350 = arith.constant -0.0548628531 : f32
          %mul3A_351 = vector.broadcast %mul3A_350 : f32 to vector<16xf32>
          %mul3A_352 = arith.mulf %mul3A_351, %mul3A_349 : vector<16xf32>
          %mul3A_353 = arith.constant 0.435861856 : f32
          %mul3A_354 = vector.broadcast %mul3A_353 : f32 to vector<16xf32>
          %mul3A_355 = arith.mulf %mul3A_354, %bitcast_convert_type3A_348 : vector<16xf32>
          %add3A_356 = arith.constant -1.44248104 : f32
          %add3A_357 = vector.broadcast %add3A_356 : f32 to vector<16xf32>
          %add3A_358 = arith.addf %mul3A_355, %add3A_357 : vector<16xf32>
          %add3A_359 = arith.addf %mul3A_352, %add3A_358 : vector<16xf32>
          %mul3A_360 = arith.constant 2.79225516 : f32
          %mul3A_361 = vector.broadcast %mul3A_360 : f32 to vector<16xf32>
          %mul3A_362 = arith.mulf %mul3A_361, %bitcast_convert_type3A_348 : vector<16xf32>
          %add3A_363 = arith.constant -1.73063171 : f32
          %add3A_364 = vector.broadcast %add3A_363 : f32 to vector<16xf32>
          %add3A_365 = arith.addf %mul3A_362, %add3A_364 : vector<16xf32>
          %convert_element_type3A_366 = arith.sitofp %sub3A_343 : vector<16xi32> to vector<16xf32>
          %mul3A_367 = arith.constant 0.693147182 : f32
          %mul3A_368 = vector.broadcast %mul3A_367 : f32 to vector<16xf32>
          %mul3A_369 = arith.mulf %mul3A_368, %convert_element_type3A_366 : vector<16xf32>
          %mul3A_370 = arith.mulf %add3A_359, %mul3A_349 : vector<16xf32>
          %add3A_371 = arith.addf %mul3A_370, %add3A_365 : vector<16xf32>
          %add3A_372 = arith.addf %mul3A_369, %add3A_371 : vector<16xf32>
          %add3A_373 = arith.addf %max3A_325, %add3A_372 : vector<16xf32>
          %swap3A_374 = arith.index_cast %scan3A_251 : i32 to index
          %swap3A_375 = arith.constant 0 : index
          %swap3A_376 = tpu.vector_load %arg5[%swap3A_374, %swap3A_375] {strides = array<i32>} : memref<16x256xf32, #tpu.memory_space<vmem>>, vector<1x16xf32>,
          %swap3A_377 = vector.shape_cast %swap3A_376 : vector<1x16xf32> to vector<16xf32>
          %swap3A_378 = vector.shape_cast %add3A_373 : vector<16xf32> to vector<1x16xf32>
          tpu.vector_store %arg5[%swap3A_374, %swap3A_375], %swap3A_378 {strides = array<i32>} : memref<16x256xf32, #tpu.memory_space<vmem>>, vector<1x16xf32>,
          %get3A_379 = arith.constant 1 : i32
          %get3A_380 = arith.constant 0 : i32
          %get3A_381 = arith.index_cast %get3A_379 : i32 to index
          %get3A_382 = arith.index_cast %scan3A_251 : i32 to index
          %get3A_383 = arith.index_cast %get3A_380 : i32 to index
          %get3A_384 = arith.constant 16 : index
          %get3A_385 = tpu.vector_load %arg4[%get3A_381, %get3A_382, %get3A_383, %get3A_384] {strides = array<i32>} : memref<2x16x5x256xf32, #tpu.memory_space<vmem>>, vector<1x1x1x16xf32>,
          %get3A_386 = vector.shape_cast %get3A_385 : vector<1x1x1x16xf32> to vector<16xf32>
          %add3A_387 = arith.addf %get3A_386, %scan3A_253 : vector<16xf32>
          %broadcast_in_dim3A_388 = vector.shape_cast %add3A_107 : vector<16xi32> to vector<16x1xi32>
          %gather3A_389 = vector.shape_cast %broadcast_in_dim3A_388 : vector<16x1xi32> to vector<16xi32>
          %gather3A_390 = tpu.dynamic_gather %scan3A_252[%gather3A_389] in [0] : vector<16xf32>, vector<16xi32> -> vector<16xf32>
          %get3A_391 = arith.constant 1 : i32
          %get3A_392 = arith.constant 1 : i32
          %get3A_393 = arith.index_cast %get3A_391 : i32 to index
          %get3A_394 = arith.index_cast %scan3A_251 : i32 to index
          %get3A_395 = arith.index_cast %get3A_392 : i32 to index
          %get3A_396 = arith.constant 16 : index
          %get3A_397 = tpu.vector_load %arg4[%get3A_393, %get3A_394, %get3A_395, %get3A_396] {strides = array<i32>} : memref<2x16x5x256xf32, #tpu.memory_space<vmem>>, vector<1x1x1x16xf32>,
          %get3A_398 = vector.shape_cast %get3A_397 : vector<1x1x1x16xf32> to vector<16xf32>
          %add3A_399 = arith.addf %get3A_398, %gather3A_390 : vector<16xf32>
          %broadcast_in_dim3A_400 = vector.shape_cast %add3A_107 : vector<16xi32> to vector<16x1xi32>
          %gather3A_401 = vector.shape_cast %broadcast_in_dim3A_400 : vector<16x1xi32> to vector<16xi32>
          %gather3A_402 = tpu.dynamic_gather %scan3A_256[%gather3A_401] in [0] : vector<16xf32>, vector<16xi32> -> vector<16xf32>
          %get3A_403 = arith.constant 1 : i32
          %get3A_404 = arith.constant 2 : i32
          %get3A_405 = arith.index_cast %get3A_403 : i32 to index
          %get3A_406 = arith.index_cast %scan3A_251 : i32 to index
          %get3A_407 = arith.index_cast %get3A_404 : i32 to index
          %get3A_408 = arith.constant 16 : index
          %get3A_409 = tpu.vector_load %arg4[%get3A_405, %get3A_406, %get3A_407, %get3A_408] {strides = array<i32>} : memref<2x16x5x256xf32, #tpu.memory_space<vmem>>, vector<1x1x1x16xf32>,
          %get3A_410 = vector.shape_cast %get3A_409 : vector<1x1x1x16xf32> to vector<16xf32>
          %add3A_411 = arith.addf %get3A_410, %gather3A_402 : vector<16xf32>
          %broadcast_in_dim3A_412 = vector.shape_cast %add3A_107 : vector<16xi32> to vector<16x1xi32>
          %gather3A_413 = vector.shape_cast %broadcast_in_dim3A_412 : vector<16x1xi32> to vector<16xi32>
          %gather3A_414 = tpu.dynamic_gather %scan3A_260[%gather3A_413] in [0] : vector<16xf32>, vector<16xi32> -> vector<16xf32>
          %get3A_415 = arith.constant 1 : i32
          %get3A_416 = arith.constant 3 : i32
          %get3A_417 = arith.index_cast %get3A_415 : i32 to index
          %get3A_418 = arith.index_cast %scan3A_251 : i32 to index
          %get3A_419 = arith.index_cast %get3A_416 : i32 to index
          %get3A_420 = arith.constant 16 : index
          %get3A_421 = tpu.vector_load %arg4[%get3A_417, %get3A_418, %get3A_419, %get3A_420] {strides = array<i32>} : memref<2x16x5x256xf32, #tpu.memory_space<vmem>>, vector<1x1x1x16xf32>,
          %get3A_422 = vector.shape_cast %get3A_421 : vector<1x1x1x16xf32> to vector<16xf32>
          %add3A_423 = arith.addf %get3A_422, %gather3A_414 : vector<16xf32>
          %broadcast_in_dim3A_424 = vector.shape_cast %add3A_107 : vector<16xi32> to vector<16x1xi32>
          %gather3A_425 = vector.shape_cast %broadcast_in_dim3A_424 : vector<16x1xi32> to vector<16xi32>
          %gather3A_426 = tpu.dynamic_gather %scan3A_264[%gather3A_425] in [0] : vector<16xf32>, vector<16xi32> -> vector<16xf32>
          %get3A_427 = arith.constant 1 : i32
          %get3A_428 = arith.constant 4 : i32
          %get3A_429 = arith.index_cast %get3A_427 : i32 to index
          %get3A_430 = arith.index_cast %scan3A_251 : i32 to index
          %get3A_431 = arith.index_cast %get3A_428 : i32 to index
          %get3A_432 = arith.constant 16 : index
          %get3A_433 = tpu.vector_load %arg4[%get3A_429, %get3A_430, %get3A_431, %get3A_432] {strides = array<i32>} : memref<2x16x5x256xf32, #tpu.memory_space<vmem>>, vector<1x1x1x16xf32>,
          %get3A_434 = vector.shape_cast %get3A_433 : vector<1x1x1x16xf32> to vector<16xf32>
          %add3A_435 = arith.addf %get3A_434, %gather3A_426 : vector<16xf32>
          %max3A_436 = arith.maximumf %add3A_387, %add3A_399 : vector<16xf32>
          %max3A_437 = arith.maximumf %add3A_411, %add3A_423 : vector<16xf32>
          %max3A_438 = arith.maximumf %max3A_436, %max3A_437 : vector<16xf32>
          %max3A_439 = arith.maximumf %max3A_438, %add3A_435 : vector<16xf32>
          %sub3A_440 = arith.subf %add3A_387, %max3A_439 : vector<16xf32>
          %exp3A_441 = math.exp %sub3A_440 : vector<16xf32>
          %sub3A_442 = arith.subf %add3A_399, %max3A_439 : vector<16xf32>
          %exp3A_443 = math.exp %sub3A_442 : vector<16xf32>
          %sub3A_444 = arith.subf %add3A_411, %max3A_439 : vector<16xf32>
          %exp3A_445 = math.exp %sub3A_444 : vector<16xf32>
          %sub3A_446 = arith.subf %add3A_423, %max3A_439 : vector<16xf32>
          %exp3A_447 = math.exp %sub3A_446 : vector<16xf32>
          %sub3A_448 = arith.subf %add3A_435, %max3A_439 : vector<16xf32>
          %exp3A_449 = math.exp %sub3A_448 : vector<16xf32>
          %add3A_450 = arith.addf %exp3A_441, %exp3A_443 : vector<16xf32>
          %add3A_451 = arith.addf %exp3A_445, %exp3A_447 : vector<16xf32>
          %add3A_452 = arith.addf %add3A_451, %exp3A_449 : vector<16xf32>
          %add3A_453 = arith.addf %add3A_450, %add3A_452 : vector<16xf32>
          %bitcast_convert_type3A_454 = tpu.bitcast %add3A_453 : vector<16xf32> -> vector<16xi32>
          %shift_right_arithmetic3A_455 = arith.constant 23 : i32
          %shift_right_arithmetic3A_456 = vector.broadcast %shift_right_arithmetic3A_455 : i32 to vector<16xi32>
          %shift_right_arithmetic3A_457 = arith.shrsi %bitcast_convert_type3A_454, %shift_right_arithmetic3A_456 : vector<16xi32>
          %sub3A_458 = arith.constant 127 : i32
          %sub3A_459 = vector.broadcast %sub3A_458 : i32 to vector<16xi32>
          %sub3A_460 = arith.subi %shift_right_arithmetic3A_457, %sub3A_459 : vector<16xi32>
          %and3A_461 = arith.constant 8388607 : i32
          %and3A_462 = vector.broadcast %and3A_461 : i32 to vector<16xi32>
          %and3A_463 = arith.andi %bitcast_convert_type3A_454, %and3A_462 : vector<16xi32>
          %or3A_464 = arith.constant 1065353216 : i32
          %or3A_465 = vector.broadcast %or3A_464 : i32 to vector<16xi32>
          %or3A_466 = arith.ori %and3A_463, %or3A_465 : vector<16xi32>
          %bitcast_convert_type3A_467 = tpu.bitcast %or3A_466 : vector<16xi32> -> vector<16xf32>
          %mul3A_468 = arith.mulf %bitcast_convert_type3A_467, %bitcast_convert_type3A_467 : vector<16xf32>
          %mul3A_469 = arith.constant -0.0548628531 : f32
          %mul3A_470 = vector.broadcast %mul3A_469 : f32 to vector<16xf32>
          %mul3A_471 = arith.mulf %mul3A_470, %mul3A_468 : vector<16xf32>
          %mul3A_472 = arith.constant 0.435861856 : f32
          %mul3A_473 = vector.broadcast %mul3A_472 : f32 to vector<16xf32>
          %mul3A_474 = arith.mulf %mul3A_473, %bitcast_convert_type3A_467 : vector<16xf32>
          %add3A_475 = arith.constant -1.44248104 : f32
          %add3A_476 = vector.broadcast %add3A_475 : f32 to vector<16xf32>
          %add3A_477 = arith.addf %mul3A_474, %add3A_476 : vector<16xf32>
          %add3A_478 = arith.addf %mul3A_471, %add3A_477 : vector<16xf32>
          %mul3A_479 = arith.constant 2.79225516 : f32
          %mul3A_480 = vector.broadcast %mul3A_479 : f32 to vector<16xf32>
          %mul3A_481 = arith.mulf %mul3A_480, %bitcast_convert_type3A_467 : vector<16xf32>
          %add3A_482 = arith.constant -1.73063171 : f32
          %add3A_483 = vector.broadcast %add3A_482 : f32 to vector<16xf32>
          %add3A_484 = arith.addf %mul3A_481, %add3A_483 : vector<16xf32>
          %convert_element_type3A_485 = arith.sitofp %sub3A_460 : vector<16xi32> to vector<16xf32>
          %mul3A_486 = arith.constant 0.693147182 : f32
          %mul3A_487 = vector.broadcast %mul3A_486 : f32 to vector<16xf32>
          %mul3A_488 = arith.mulf %mul3A_487, %convert_element_type3A_485 : vector<16xf32>
          %mul3A_489 = arith.mulf %add3A_478, %mul3A_468 : vector<16xf32>
          %add3A_490 = arith.addf %mul3A_489, %add3A_484 : vector<16xf32>
          %add3A_491 = arith.addf %mul3A_488, %add3A_490 : vector<16xf32>
          %add3A_492 = arith.addf %max3A_439, %add3A_491 : vector<16xf32>
          %swap3A_493 = arith.index_cast %scan3A_251 : i32 to index
          %swap3A_494 = arith.constant 16 : index
          %swap3A_495 = tpu.vector_load %arg5[%swap3A_493, %swap3A_494] {strides = array<i32>} : memref<16x256xf32, #tpu.memory_space<vmem>>, vector<1x16xf32>,
          %swap3A_496 = vector.shape_cast %swap3A_495 : vector<1x16xf32> to vector<16xf32>
          %swap3A_497 = vector.shape_cast %add3A_492 : vector<16xf32> to vector<1x16xf32>
          tpu.vector_store %arg5[%swap3A_493, %swap3A_494], %swap3A_497 {strides = array<i32>} : memref<16x256xf32, #tpu.memory_space<vmem>>, vector<1x16xf32>,
          %get3A_498 = arith.constant 1 : i32
          %get3A_499 = arith.constant 0 : i32
          %get3A_500 = arith.index_cast %get3A_498 : i32 to index
          %get3A_501 = arith.index_cast %scan3A_251 : i32 to index
          %get3A_502 = arith.index_cast %get3A_499 : i32 to index
          %get3A_503 = arith.constant 32 : index
          %get3A_504 = tpu.vector_load %arg4[%get3A_500, %get3A_501, %get3A_502, %get3A_503] {strides = array<i32>} : memref<2x16x5x256xf32, #tpu.memory_space<vmem>>, vector<1x1x1x16xf32>,
          %get3A_505 = vector.shape_cast %get3A_504 : vector<1x1x1x16xf32> to vector<16xf32>
          %add3A_506 = arith.addf %get3A_505, %scan3A_254 : vector<16xf32>
          %broadcast_in_dim3A_507 = vector.shape_cast %add3A_110 : vector<16xi32> to vector<16x1xi32>
          %gather3A_508 = vector.shape_cast %broadcast_in_dim3A_507 : vector<16x1xi32> to vector<16xi32>
          %gather3A_509 = tpu.dynamic_gather %scan3A_252[%gather3A_508] in [0] : vector<16xf32>, vector<16xi32> -> vector<16xf32>
          %get3A_510 = arith.constant 1 : i32
          %get3A_511 = arith.constant 1 : i32
          %get3A_512 = arith.index_cast %get3A_510 : i32 to index
          %get3A_513 = arith.index_cast %scan3A_251 : i32 to index
          %get3A_514 = arith.index_cast %get3A_511 : i32 to index
          %get3A_515 = arith.constant 32 : index
          %get3A_516 = tpu.vector_load %arg4[%get3A_512, %get3A_513, %get3A_514, %get3A_515] {strides = array<i32>} : memref<2x16x5x256xf32, #tpu.memory_space<vmem>>, vector<1x1x1x16xf32>,
          %get3A_517 = vector.shape_cast %get3A_516 : vector<1x1x1x16xf32> to vector<16xf32>
          %add3A_518 = arith.addf %get3A_517, %gather3A_509 : vector<16xf32>
          %broadcast_in_dim3A_519 = vector.shape_cast %add3A_110 : vector<16xi32> to vector<16x1xi32>
          %gather3A_520 = vector.shape_cast %broadcast_in_dim3A_519 : vector<16x1xi32> to vector<16xi32>
          %gather3A_521 = tpu.dynamic_gather %scan3A_256[%gather3A_520] in [0] : vector<16xf32>, vector<16xi32> -> vector<16xf32>
          %get3A_522 = arith.constant 1 : i32
          %get3A_523 = arith.constant 2 : i32
          %get3A_524 = arith.index_cast %get3A_522 : i32 to index
          %get3A_525 = arith.index_cast %scan3A_251 : i32 to index
          %get3A_526 = arith.index_cast %get3A_523 : i32 to index
          %get3A_527 = arith.constant 32 : index
          %get3A_528 = tpu.vector_load %arg4[%get3A_524, %get3A_525, %get3A_526, %get3A_527] {strides = array<i32>} : memref<2x16x5x256xf32, #tpu.memory_space<vmem>>, vector<1x1x1x16xf32>,
          %get3A_529 = vector.shape_cast %get3A_528 : vector<1x1x1x16xf32> to vector<16xf32>
          %add3A_530 = arith.addf %get3A_529, %gather3A_521 : vector<16xf32>
          %broadcast_in_dim3A_531 = vector.shape_cast %add3A_110 : vector<16xi32> to vector<16x1xi32>
          %gather3A_532 = vector.shape_cast %broadcast_in_dim3A_531 : vector<16x1xi32> to vector<16xi32>
          %gather3A_533 = tpu.dynamic_gather %scan3A_260[%gather3A_532] in [0] : vector<16xf32>, vector<16xi32> -> vector<16xf32>
          %get3A_534 = arith.constant 1 : i32
          %get3A_535 = arith.constant 3 : i32
          %get3A_536 = arith.index_cast %get3A_534 : i32 to index
          %get3A_537 = arith.index_cast %scan3A_251 : i32 to index
          %get3A_538 = arith.index_cast %get3A_535 : i32 to index
          %get3A_539 = arith.constant 32 : index
          %get3A_540 = tpu.vector_load %arg4[%get3A_536, %get3A_537, %get3A_538, %get3A_539] {strides = array<i32>} : memref<2x16x5x256xf32, #tpu.memory_space<vmem>>, vector<1x1x1x16xf32>,
          %get3A_541 = vector.shape_cast %get3A_540 : vector<1x1x1x16xf32> to vector<16xf32>
          %add3A_542 = arith.addf %get3A_541, %gather3A_533 : vector<16xf32>
          %broadcast_in_dim3A_543 = vector.shape_cast %add3A_110 : vector<16xi32> to vector<16x1xi32>
          %gather3A_544 = vector.shape_cast %broadcast_in_dim3A_543 : vector<16x1xi32> to vector<16xi32>
          %gather3A_545 = tpu.dynamic_gather %scan3A_264[%gather3A_544] in [0] : vector<16xf32>, vector<16xi32> -> vector<16xf32>
          %get3A_546 = arith.constant 1 : i32
          %get3A_547 = arith.constant 4 : i32
          %get3A_548 = arith.index_cast %get3A_546 : i32 to index
          %get3A_549 = arith.index_cast %scan3A_251 : i32 to index
          %get3A_550 = arith.index_cast %get3A_547 : i32 to index
          %get3A_551 = arith.constant 32 : index
          %get3A_552 = tpu.vector_load %arg4[%get3A_548, %get3A_549, %get3A_550, %get3A_551] {strides = array<i32>} : memref<2x16x5x256xf32, #tpu.memory_space<vmem>>, vector<1x1x1x16xf32>,
          %get3A_553 = vector.shape_cast %get3A_552 : vector<1x1x1x16xf32> to vector<16xf32>
          %add3A_554 = arith.addf %get3A_553, %gather3A_545 : vector<16xf32>
          %max3A_555 = arith.maximumf %add3A_506, %add3A_518 : vector<16xf32>
          %max3A_556 = arith.maximumf %add3A_530, %add3A_542 : vector<16xf32>
          %max3A_557 = arith.maximumf %max3A_555, %max3A_556 : vector<16xf32>
          %max3A_558 = arith.maximumf %max3A_557, %add3A_554 : vector<16xf32>
          %sub3A_559 = arith.subf %add3A_506, %max3A_558 : vector<16xf32>
          %exp3A_560 = math.exp %sub3A_559 : vector<16xf32>
          %sub3A_561 = arith.subf %add3A_518, %max3A_558 : vector<16xf32>
          %exp3A_562 = math.exp %sub3A_561 : vector<16xf32>
          %sub3A_563 = arith.subf %add3A_530, %max3A_558 : vector<16xf32>
          %exp3A_564 = math.exp %sub3A_563 : vector<16xf32>
          %sub3A_565 = arith.subf %add3A_542, %max3A_558 : vector<16xf32>
          %exp3A_566 = math.exp %sub3A_565 : vector<16xf32>
          %sub3A_567 = arith.subf %add3A_554, %max3A_558 : vector<16xf32>
          %exp3A_568 = math.exp %sub3A_567 : vector<16xf32>
          %add3A_569 = arith.addf %exp3A_560, %exp3A_562 : vector<16xf32>
          %add3A_570 = arith.addf %exp3A_564, %exp3A_566 : vector<16xf32>
          %add3A_571 = arith.addf %add3A_570, %exp3A_568 : vector<16xf32>
          %add3A_572 = arith.addf %add3A_569, %add3A_571 : vector<16xf32>
          %bitcast_convert_type3A_573 = tpu.bitcast %add3A_572 : vector<16xf32> -> vector<16xi32>
          %shift_right_arithmetic3A_574 = arith.constant 23 : i32
          %shift_right_arithmetic3A_575 = vector.broadcast %shift_right_arithmetic3A_574 : i32 to vector<16xi32>
          %shift_right_arithmetic3A_576 = arith.shrsi %bitcast_convert_type3A_573, %shift_right_arithmetic3A_575 : vector<16xi32>
          %sub3A_577 = arith.constant 127 : i32
          %sub3A_578 = vector.broadcast %sub3A_577 : i32 to vector<16xi32>
          %sub3A_579 = arith.subi %shift_right_arithmetic3A_576, %sub3A_578 : vector<16xi32>
          %and3A_580 = arith.constant 8388607 : i32
          %and3A_581 = vector.broadcast %and3A_580 : i32 to vector<16xi32>
          %and3A_582 = arith.andi %bitcast_convert_type3A_573, %and3A_581 : vector<16xi32>
          %or3A_583 = arith.constant 1065353216 : i32
          %or3A_584 = vector.broadcast %or3A_583 : i32 to vector<16xi32>
          %or3A_585 = arith.ori %and3A_582, %or3A_584 : vector<16xi32>
          %bitcast_convert_type3A_586 = tpu.bitcast %or3A_585 : vector<16xi32> -> vector<16xf32>
          %mul3A_587 = arith.mulf %bitcast_convert_type3A_586, %bitcast_convert_type3A_586 : vector<16xf32>
          %mul3A_588 = arith.constant -0.0548628531 : f32
          %mul3A_589 = vector.broadcast %mul3A_588 : f32 to vector<16xf32>
          %mul3A_590 = arith.mulf %mul3A_589, %mul3A_587 : vector<16xf32>
          %mul3A_591 = arith.constant 0.435861856 : f32
          %mul3A_592 = vector.broadcast %mul3A_591 : f32 to vector<16xf32>
          %mul3A_593 = arith.mulf %mul3A_592, %bitcast_convert_type3A_586 : vector<16xf32>
          %add3A_594 = arith.constant -1.44248104 : f32
          %add3A_595 = vector.broadcast %add3A_594 : f32 to vector<16xf32>
          %add3A_596 = arith.addf %mul3A_593, %add3A_595 : vector<16xf32>
          %add3A_597 = arith.addf %mul3A_590, %add3A_596 : vector<16xf32>
          %mul3A_598 = arith.constant 2.79225516 : f32
          %mul3A_599 = vector.broadcast %mul3A_598 : f32 to vector<16xf32>
          %mul3A_600 = arith.mulf %mul3A_599, %bitcast_convert_type3A_586 : vector<16xf32>
          %add3A_601 = arith.constant -1.73063171 : f32
          %add3A_602 = vector.broadcast %add3A_601 : f32 to vector<16xf32>
          %add3A_603 = arith.addf %mul3A_600, %add3A_602 : vector<16xf32>
          %convert_element_type3A_604 = arith.sitofp %sub3A_579 : vector<16xi32> to vector<16xf32>
          %mul3A_605 = arith.constant 0.693147182 : f32
          %mul3A_606 = vector.broadcast %mul3A_605 : f32 to vector<16xf32>
          %mul3A_607 = arith.mulf %mul3A_606, %convert_element_type3A_604 : vector<16xf32>
          %mul3A_608 = arith.mulf %add3A_597, %mul3A_587 : vector<16xf32>
          %add3A_609 = arith.addf %mul3A_608, %add3A_603 : vector<16xf32>
          %add3A_610 = arith.addf %mul3A_607, %add3A_609 : vector<16xf32>
          %add3A_611 = arith.addf %max3A_558, %add3A_610 : vector<16xf32>
          %swap3A_612 = arith.index_cast %scan3A_251 : i32 to index
          %swap3A_613 = arith.constant 32 : index
          %swap3A_614 = tpu.vector_load %arg5[%swap3A_612, %swap3A_613] {strides = array<i32>} : memref<16x256xf32, #tpu.memory_space<vmem>>, vector<1x16xf32>,
          %swap3A_615 = vector.shape_cast %swap3A_614 : vector<1x16xf32> to vector<16xf32>
          %swap3A_616 = vector.shape_cast %add3A_611 : vector<16xf32> to vector<1x16xf32>
          tpu.vector_store %arg5[%swap3A_612, %swap3A_613], %swap3A_616 {strides = array<i32>} : memref<16x256xf32, #tpu.memory_space<vmem>>, vector<1x16xf32>,
          %get3A_617 = arith.constant 1 : i32
          %get3A_618 = arith.constant 0 : i32
          %get3A_619 = arith.index_cast %get3A_617 : i32 to index
          %get3A_620 = arith.index_cast %scan3A_251 : i32 to index
          %get3A_621 = arith.index_cast %get3A_618 : i32 to index
          %get3A_622 = arith.constant 48 : index
          %get3A_623 = tpu.vector_load %arg4[%get3A_619, %get3A_620, %get3A_621, %get3A_622] {strides = array<i32>} : memref<2x16x5x256xf32, #tpu.memory_space<vmem>>, vector<1x1x1x16xf32>,
          %get3A_624 = vector.shape_cast %get3A_623 : vector<1x1x1x16xf32> to vector<16xf32>
          %add3A_625 = arith.addf %get3A_624, %scan3A_255 : vector<16xf32>
          %broadcast_in_dim3A_626 = vector.shape_cast %add3A_113 : vector<16xi32> to vector<16x1xi32>
          %gather3A_627 = vector.shape_cast %broadcast_in_dim3A_626 : vector<16x1xi32> to vector<16xi32>
          %gather3A_628 = tpu.dynamic_gather %scan3A_252[%gather3A_627] in [0] : vector<16xf32>, vector<16xi32> -> vector<16xf32>
          %get3A_629 = arith.constant 1 : i32
          %get3A_630 = arith.constant 1 : i32
          %get3A_631 = arith.index_cast %get3A_629 : i32 to index
          %get3A_632 = arith.index_cast %scan3A_251 : i32 to index
          %get3A_633 = arith.index_cast %get3A_630 : i32 to index
          %get3A_634 = arith.constant 48 : index
          %get3A_635 = tpu.vector_load %arg4[%get3A_631, %get3A_632, %get3A_633, %get3A_634] {strides = array<i32>} : memref<2x16x5x256xf32, #tpu.memory_space<vmem>>, vector<1x1x1x16xf32>,
          %get3A_636 = vector.shape_cast %get3A_635 : vector<1x1x1x16xf32> to vector<16xf32>
          %add3A_637 = arith.addf %get3A_636, %gather3A_628 : vector<16xf32>
          %broadcast_in_dim3A_638 = vector.shape_cast %add3A_113 : vector<16xi32> to vector<16x1xi32>
          %gather3A_639 = vector.shape_cast %broadcast_in_dim3A_638 : vector<16x1xi32> to vector<16xi32>
          %gather3A_640 = tpu.dynamic_gather %scan3A_256[%gather3A_639] in [0] : vector<16xf32>, vector<16xi32> -> vector<16xf32>
          %get3A_641 = arith.constant 1 : i32
          %get3A_642 = arith.constant 2 : i32
          %get3A_643 = arith.index_cast %get3A_641 : i32 to index
          %get3A_644 = arith.index_cast %scan3A_251 : i32 to index
          %get3A_645 = arith.index_cast %get3A_642 : i32 to index
          %get3A_646 = arith.constant 48 : index
          %get3A_647 = tpu.vector_load %arg4[%get3A_643, %get3A_644, %get3A_645, %get3A_646] {strides = array<i32>} : memref<2x16x5x256xf32, #tpu.memory_space<vmem>>, vector<1x1x1x16xf32>,
          %get3A_648 = vector.shape_cast %get3A_647 : vector<1x1x1x16xf32> to vector<16xf32>
          %add3A_649 = arith.addf %get3A_648, %gather3A_640 : vector<16xf32>
          %broadcast_in_dim3A_650 = vector.shape_cast %add3A_113 : vector<16xi32> to vector<16x1xi32>
          %gather3A_651 = vector.shape_cast %broadcast_in_dim3A_650 : vector<16x1xi32> to vector<16xi32>
          %gather3A_652 = tpu.dynamic_gather %scan3A_260[%gather3A_651] in [0] : vector<16xf32>, vector<16xi32> -> vector<16xf32>
          %get3A_653 = arith.constant 1 : i32
          %get3A_654 = arith.constant 3 : i32
          %get3A_655 = arith.index_cast %get3A_653 : i32 to index
          %get3A_656 = arith.index_cast %scan3A_251 : i32 to index
          %get3A_657 = arith.index_cast %get3A_654 : i32 to index
          %get3A_658 = arith.constant 48 : index
          %get3A_659 = tpu.vector_load %arg4[%get3A_655, %get3A_656, %get3A_657, %get3A_658] {strides = array<i32>} : memref<2x16x5x256xf32, #tpu.memory_space<vmem>>, vector<1x1x1x16xf32>,
          %get3A_660 = vector.shape_cast %get3A_659 : vector<1x1x1x16xf32> to vector<16xf32>
          %add3A_661 = arith.addf %get3A_660, %gather3A_652 : vector<16xf32>
          %broadcast_in_dim3A_662 = vector.shape_cast %add3A_113 : vector<16xi32> to vector<16x1xi32>
          %gather3A_663 = vector.shape_cast %broadcast_in_dim3A_662 : vector<16x1xi32> to vector<16xi32>
          %gather3A_664 = tpu.dynamic_gather %scan3A_264[%gather3A_663] in [0] : vector<16xf32>, vector<16xi32> -> vector<16xf32>
          %get3A_665 = arith.constant 1 : i32
          %get3A_666 = arith.constant 4 : i32
          %get3A_667 = arith.index_cast %get3A_665 : i32 to index
          %get3A_668 = arith.index_cast %scan3A_251 : i32 to index
          %get3A_669 = arith.index_cast %get3A_666 : i32 to index
          %get3A_670 = arith.constant 48 : index
          %get3A_671 = tpu.vector_load %arg4[%get3A_667, %get3A_668, %get3A_669, %get3A_670] {strides = array<i32>} : memref<2x16x5x256xf32, #tpu.memory_space<vmem>>, vector<1x1x1x16xf32>,
          %get3A_672 = vector.shape_cast %get3A_671 : vector<1x1x1x16xf32> to vector<16xf32>
          %add3A_673 = arith.addf %get3A_672, %gather3A_664 : vector<16xf32>
          %max3A_674 = arith.maximumf %add3A_625, %add3A_637 : vector<16xf32>
          %max3A_675 = arith.maximumf %add3A_649, %add3A_661 : vector<16xf32>
          %max3A_676 = arith.maximumf %max3A_674, %max3A_675 : vector<16xf32>
          %max3A_677 = arith.maximumf %max3A_676, %add3A_673 : vector<16xf32>
          %sub3A_678 = arith.subf %add3A_625, %max3A_677 : vector<16xf32>
          %exp3A_679 = math.exp %sub3A_678 : vector<16xf32>
          %sub3A_680 = arith.subf %add3A_637, %max3A_677 : vector<16xf32>
          %exp3A_681 = math.exp %sub3A_680 : vector<16xf32>
          %sub3A_682 = arith.subf %add3A_649, %max3A_677 : vector<16xf32>
          %exp3A_683 = math.exp %sub3A_682 : vector<16xf32>
          %sub3A_684 = arith.subf %add3A_661, %max3A_677 : vector<16xf32>
          %exp3A_685 = math.exp %sub3A_684 : vector<16xf32>
          %sub3A_686 = arith.subf %add3A_673, %max3A_677 : vector<16xf32>
          %exp3A_687 = math.exp %sub3A_686 : vector<16xf32>
          %add3A_688 = arith.addf %exp3A_679, %exp3A_681 : vector<16xf32>
          %add3A_689 = arith.addf %exp3A_683, %exp3A_685 : vector<16xf32>
          %add3A_690 = arith.addf %add3A_689, %exp3A_687 : vector<16xf32>
          %add3A_691 = arith.addf %add3A_688, %add3A_690 : vector<16xf32>
          %bitcast_convert_type3A_692 = tpu.bitcast %add3A_691 : vector<16xf32> -> vector<16xi32>
          %shift_right_arithmetic3A_693 = arith.constant 23 : i32
          %shift_right_arithmetic3A_694 = vector.broadcast %shift_right_arithmetic3A_693 : i32 to vector<16xi32>
          %shift_right_arithmetic3A_695 = arith.shrsi %bitcast_convert_type3A_692, %shift_right_arithmetic3A_694 : vector<16xi32>
          %sub3A_696 = arith.constant 127 : i32
          %sub3A_697 = vector.broadcast %sub3A_696 : i32 to vector<16xi32>
          %sub3A_698 = arith.subi %shift_right_arithmetic3A_695, %sub3A_697 : vector<16xi32>
          %and3A_699 = arith.constant 8388607 : i32
          %and3A_700 = vector.broadcast %and3A_699 : i32 to vector<16xi32>
          %and3A_701 = arith.andi %bitcast_convert_type3A_692, %and3A_700 : vector<16xi32>
          %or3A_702 = arith.constant 1065353216 : i32
          %or3A_703 = vector.broadcast %or3A_702 : i32 to vector<16xi32>
          %or3A_704 = arith.ori %and3A_701, %or3A_703 : vector<16xi32>
          %bitcast_convert_type3A_705 = tpu.bitcast %or3A_704 : vector<16xi32> -> vector<16xf32>
          %mul3A_706 = arith.mulf %bitcast_convert_type3A_705, %bitcast_convert_type3A_705 : vector<16xf32>
          %mul3A_707 = arith.constant -0.0548628531 : f32
          %mul3A_708 = vector.broadcast %mul3A_707 : f32 to vector<16xf32>
          %mul3A_709 = arith.mulf %mul3A_708, %mul3A_706 : vector<16xf32>
          %mul3A_710 = arith.constant 0.435861856 : f32
          %mul3A_711 = vector.broadcast %mul3A_710 : f32 to vector<16xf32>
          %mul3A_712 = arith.mulf %mul3A_711, %bitcast_convert_type3A_705 : vector<16xf32>
          %add3A_713 = arith.constant -1.44248104 : f32
          %add3A_714 = vector.broadcast %add3A_713 : f32 to vector<16xf32>
          %add3A_715 = arith.addf %mul3A_712, %add3A_714 : vector<16xf32>
          %add3A_716 = arith.addf %mul3A_709, %add3A_715 : vector<16xf32>
          %mul3A_717 = arith.constant 2.79225516 : f32
          %mul3A_718 = vector.broadcast %mul3A_717 : f32 to vector<16xf32>
          %mul3A_719 = arith.mulf %mul3A_718, %bitcast_convert_type3A_705 : vector<16xf32>
          %add3A_720 = arith.constant -1.73063171 : f32
          %add3A_721 = vector.broadcast %add3A_720 : f32 to vector<16xf32>
          %add3A_722 = arith.addf %mul3A_719, %add3A_721 : vector<16xf32>
          %convert_element_type3A_723 = arith.sitofp %sub3A_698 : vector<16xi32> to vector<16xf32>
          %mul3A_724 = arith.constant 0.693147182 : f32
          %mul3A_725 = vector.broadcast %mul3A_724 : f32 to vector<16xf32>
          %mul3A_726 = arith.mulf %mul3A_725, %convert_element_type3A_723 : vector<16xf32>
          %mul3A_727 = arith.mulf %add3A_716, %mul3A_706 : vector<16xf32>
          %add3A_728 = arith.addf %mul3A_727, %add3A_722 : vector<16xf32>
          %add3A_729 = arith.addf %mul3A_726, %add3A_728 : vector<16xf32>
          %add3A_730 = arith.addf %max3A_677, %add3A_729 : vector<16xf32>
          %swap3A_731 = arith.index_cast %scan3A_251 : i32 to index
          %swap3A_732 = arith.constant 48 : index
          %swap3A_733 = tpu.vector_load %arg5[%swap3A_731, %swap3A_732] {strides = array<i32>} : memref<16x256xf32, #tpu.memory_space<vmem>>, vector<1x16xf32>,
          %swap3A_734 = vector.shape_cast %swap3A_733 : vector<1x16xf32> to vector<16xf32>
          %swap3A_735 = vector.shape_cast %add3A_730 : vector<16xf32> to vector<1x16xf32>
          tpu.vector_store %arg5[%swap3A_731, %swap3A_732], %swap3A_735 {strides = array<i32>} : memref<16x256xf32, #tpu.memory_space<vmem>>, vector<1x16xf32>,
          %get3A_736 = arith.constant 1 : i32
          %get3A_737 = arith.constant 0 : i32
          %get3A_738 = arith.index_cast %get3A_736 : i32 to index
          %get3A_739 = arith.index_cast %scan3A_251 : i32 to index
          %get3A_740 = arith.index_cast %get3A_737 : i32 to index
          %get3A_741 = arith.constant 64 : index
          %get3A_742 = tpu.vector_load %arg4[%get3A_738, %get3A_739, %get3A_740, %get3A_741] {strides = array<i32>} : memref<2x16x5x256xf32, #tpu.memory_space<vmem>>, vector<1x1x1x16xf32>,
          %get3A_743 = vector.shape_cast %get3A_742 : vector<1x1x1x16xf32> to vector<16xf32>
          %add3A_744 = arith.addf %get3A_743, %scan3A_256 : vector<16xf32>
          %broadcast_in_dim3A_745 = vector.shape_cast %add3A_104 : vector<16xi32> to vector<16x1xi32>
          %gather3A_746 = vector.shape_cast %broadcast_in_dim3A_745 : vector<16x1xi32> to vector<16xi32>
          %gather3A_747 = tpu.dynamic_gather %scan3A_253[%gather3A_746] in [0] : vector<16xf32>, vector<16xi32> -> vector<16xf32>
          %get3A_748 = arith.constant 1 : i32
          %get3A_749 = arith.constant 1 : i32
          %get3A_750 = arith.index_cast %get3A_748 : i32 to index
          %get3A_751 = arith.index_cast %scan3A_251 : i32 to index
          %get3A_752 = arith.index_cast %get3A_749 : i32 to index
          %get3A_753 = arith.constant 64 : index
          %get3A_754 = tpu.vector_load %arg4[%get3A_750, %get3A_751, %get3A_752, %get3A_753] {strides = array<i32>} : memref<2x16x5x256xf32, #tpu.memory_space<vmem>>, vector<1x1x1x16xf32>,
          %get3A_755 = vector.shape_cast %get3A_754 : vector<1x1x1x16xf32> to vector<16xf32>
          %add3A_756 = arith.addf %get3A_755, %gather3A_747 : vector<16xf32>
          %broadcast_in_dim3A_757 = vector.shape_cast %add3A_104 : vector<16xi32> to vector<16x1xi32>
          %gather3A_758 = vector.shape_cast %broadcast_in_dim3A_757 : vector<16x1xi32> to vector<16xi32>
          %gather3A_759 = tpu.dynamic_gather %scan3A_257[%gather3A_758] in [0] : vector<16xf32>, vector<16xi32> -> vector<16xf32>
          %get3A_760 = arith.constant 1 : i32
          %get3A_761 = arith.constant 2 : i32
          %get3A_762 = arith.index_cast %get3A_760 : i32 to index
          %get3A_763 = arith.index_cast %scan3A_251 : i32 to index
          %get3A_764 = arith.index_cast %get3A_761 : i32 to index
          %get3A_765 = arith.constant 64 : index
          %get3A_766 = tpu.vector_load %arg4[%get3A_762, %get3A_763, %get3A_764, %get3A_765] {strides = array<i32>} : memref<2x16x5x256xf32, #tpu.memory_space<vmem>>, vector<1x1x1x16xf32>,
          %get3A_767 = vector.shape_cast %get3A_766 : vector<1x1x1x16xf32> to vector<16xf32>
          %add3A_768 = arith.addf %get3A_767, %gather3A_759 : vector<16xf32>
          %broadcast_in_dim3A_769 = vector.shape_cast %add3A_104 : vector<16xi32> to vector<16x1xi32>
          %gather3A_770 = vector.shape_cast %broadcast_in_dim3A_769 : vector<16x1xi32> to vector<16xi32>
          %gather3A_771 = tpu.dynamic_gather %scan3A_261[%gather3A_770] in [0] : vector<16xf32>, vector<16xi32> -> vector<16xf32>
          %get3A_772 = arith.constant 1 : i32
          %get3A_773 = arith.constant 3 : i32
          %get3A_774 = arith.index_cast %get3A_772 : i32 to index
          %get3A_775 = arith.index_cast %scan3A_251 : i32 to index
          %get3A_776 = arith.index_cast %get3A_773 : i32 to index
          %get3A_777 = arith.constant 64 : index
          %get3A_778 = tpu.vector_load %arg4[%get3A_774, %get3A_775, %get3A_776, %get3A_777] {strides = array<i32>} : memref<2x16x5x256xf32, #tpu.memory_space<vmem>>, vector<1x1x1x16xf32>,
          %get3A_779 = vector.shape_cast %get3A_778 : vector<1x1x1x16xf32> to vector<16xf32>
          %add3A_780 = arith.addf %get3A_779, %gather3A_771 : vector<16xf32>
          %broadcast_in_dim3A_781 = vector.shape_cast %add3A_104 : vector<16xi32> to vector<16x1xi32>
          %gather3A_782 = vector.shape_cast %broadcast_in_dim3A_781 : vector<16x1xi32> to vector<16xi32>
          %gather3A_783 = tpu.dynamic_gather %scan3A_265[%gather3A_782] in [0] : vector<16xf32>, vector<16xi32> -> vector<16xf32>
          %get3A_784 = arith.constant 1 : i32
          %get3A_785 = arith.constant 4 : i32
          %get3A_786 = arith.index_cast %get3A_784 : i32 to index
          %get3A_787 = arith.index_cast %scan3A_251 : i32 to index
          %get3A_788 = arith.index_cast %get3A_785 : i32 to index
          %get3A_789 = arith.constant 64 : index
          %get3A_790 = tpu.vector_load %arg4[%get3A_786, %get3A_787, %get3A_788, %get3A_789] {strides = array<i32>} : memref<2x16x5x256xf32, #tpu.memory_space<vmem>>, vector<1x1x1x16xf32>,
          %get3A_791 = vector.shape_cast %get3A_790 : vector<1x1x1x16xf32> to vector<16xf32>
          %add3A_792 = arith.addf %get3A_791, %gather3A_783 : vector<16xf32>
          %max3A_793 = arith.maximumf %add3A_744, %add3A_756 : vector<16xf32>
          %max3A_794 = arith.maximumf %add3A_768, %add3A_780 : vector<16xf32>
          %max3A_795 = arith.maximumf %max3A_793, %max3A_794 : vector<16xf32>
          %max3A_796 = arith.maximumf %max3A_795, %add3A_792 : vector<16xf32>
          %sub3A_797 = arith.subf %add3A_744, %max3A_796 : vector<16xf32>
          %exp3A_798 = math.exp %sub3A_797 : vector<16xf32>
          %sub3A_799 = arith.subf %add3A_756, %max3A_796 : vector<16xf32>
          %exp3A_800 = math.exp %sub3A_799 : vector<16xf32>
          %sub3A_801 = arith.subf %add3A_768, %max3A_796 : vector<16xf32>
          %exp3A_802 = math.exp %sub3A_801 : vector<16xf32>
          %sub3A_803 = arith.subf %add3A_780, %max3A_796 : vector<16xf32>
          %exp3A_804 = math.exp %sub3A_803 : vector<16xf32>
          %sub3A_805 = arith.subf %add3A_792, %max3A_796 : vector<16xf32>
          %exp3A_806 = math.exp %sub3A_805 : vector<16xf32>
          %add3A_807 = arith.addf %exp3A_798, %exp3A_800 : vector<16xf32>
          %add3A_808 = arith.addf %exp3A_802, %exp3A_804 : vector<16xf32>
          %add3A_809 = arith.addf %add3A_808, %exp3A_806 : vector<16xf32>
          %add3A_810 = arith.addf %add3A_807, %add3A_809 : vector<16xf32>
          %bitcast_convert_type3A_811 = tpu.bitcast %add3A_810 : vector<16xf32> -> vector<16xi32>
          %shift_right_arithmetic3A_812 = arith.constant 23 : i32
          %shift_right_arithmetic3A_813 = vector.broadcast %shift_right_arithmetic3A_812 : i32 to vector<16xi32>
          %shift_right_arithmetic3A_814 = arith.shrsi %bitcast_convert_type3A_811, %shift_right_arithmetic3A_813 : vector<16xi32>
          %sub3A_815 = arith.constant 127 : i32
          %sub3A_816 = vector.broadcast %sub3A_815 : i32 to vector<16xi32>
          %sub3A_817 = arith.subi %shift_right_arithmetic3A_814, %sub3A_816 : vector<16xi32>
          %and3A_818 = arith.constant 8388607 : i32
          %and3A_819 = vector.broadcast %and3A_818 : i32 to vector<16xi32>
          %and3A_820 = arith.andi %bitcast_convert_type3A_811, %and3A_819 : vector<16xi32>
          %or3A_821 = arith.constant 1065353216 : i32
          %or3A_822 = vector.broadcast %or3A_821 : i32 to vector<16xi32>
          %or3A_823 = arith.ori %and3A_820, %or3A_822 : vector<16xi32>
          %bitcast_convert_type3A_824 = tpu.bitcast %or3A_823 : vector<16xi32> -> vector<16xf32>
          %mul3A_825 = arith.mulf %bitcast_convert_type3A_824, %bitcast_convert_type3A_824 : vector<16xf32>
          %mul3A_826 = arith.constant -0.0548628531 : f32
          %mul3A_827 = vector.broadcast %mul3A_826 : f32 to vector<16xf32>
          %mul3A_828 = arith.mulf %mul3A_827, %mul3A_825 : vector<16xf32>
          %mul3A_829 = arith.constant 0.435861856 : f32
          %mul3A_830 = vector.broadcast %mul3A_829 : f32 to vector<16xf32>
          %mul3A_831 = arith.mulf %mul3A_830, %bitcast_convert_type3A_824 : vector<16xf32>
          %add3A_832 = arith.constant -1.44248104 : f32
          %add3A_833 = vector.broadcast %add3A_832 : f32 to vector<16xf32>
          %add3A_834 = arith.addf %mul3A_831, %add3A_833 : vector<16xf32>
          %add3A_835 = arith.addf %mul3A_828, %add3A_834 : vector<16xf32>
          %mul3A_836 = arith.constant 2.79225516 : f32
          %mul3A_837 = vector.broadcast %mul3A_836 : f32 to vector<16xf32>
          %mul3A_838 = arith.mulf %mul3A_837, %bitcast_convert_type3A_824 : vector<16xf32>
          %add3A_839 = arith.constant -1.73063171 : f32
          %add3A_840 = vector.broadcast %add3A_839 : f32 to vector<16xf32>
          %add3A_841 = arith.addf %mul3A_838, %add3A_840 : vector<16xf32>
          %convert_element_type3A_842 = arith.sitofp %sub3A_817 : vector<16xi32> to vector<16xf32>
          %mul3A_843 = arith.constant 0.693147182 : f32
          %mul3A_844 = vector.broadcast %mul3A_843 : f32 to vector<16xf32>
          %mul3A_845 = arith.mulf %mul3A_844, %convert_element_type3A_842 : vector<16xf32>
          %mul3A_846 = arith.mulf %add3A_835, %mul3A_825 : vector<16xf32>
          %add3A_847 = arith.addf %mul3A_846, %add3A_841 : vector<16xf32>
          %add3A_848 = arith.addf %mul3A_845, %add3A_847 : vector<16xf32>
          %add3A_849 = arith.addf %max3A_796, %add3A_848 : vector<16xf32>
          %swap3A_850 = arith.index_cast %scan3A_251 : i32 to index
          %swap3A_851 = arith.constant 64 : index
          %swap3A_852 = tpu.vector_load %arg5[%swap3A_850, %swap3A_851] {strides = array<i32>} : memref<16x256xf32, #tpu.memory_space<vmem>>, vector<1x16xf32>,
          %swap3A_853 = vector.shape_cast %swap3A_852 : vector<1x16xf32> to vector<16xf32>
          %swap3A_854 = vector.shape_cast %add3A_849 : vector<16xf32> to vector<1x16xf32>
          tpu.vector_store %arg5[%swap3A_850, %swap3A_851], %swap3A_854 {strides = array<i32>} : memref<16x256xf32, #tpu.memory_space<vmem>>, vector<1x16xf32>,
          %get3A_855 = arith.constant 1 : i32
          %get3A_856 = arith.constant 0 : i32
          %get3A_857 = arith.index_cast %get3A_855 : i32 to index
          %get3A_858 = arith.index_cast %scan3A_251 : i32 to index
          %get3A_859 = arith.index_cast %get3A_856 : i32 to index
          %get3A_860 = arith.constant 80 : index
          %get3A_861 = tpu.vector_load %arg4[%get3A_857, %get3A_858, %get3A_859, %get3A_860] {strides = array<i32>} : memref<2x16x5x256xf32, #tpu.memory_space<vmem>>, vector<1x1x1x16xf32>,
          %get3A_862 = vector.shape_cast %get3A_861 : vector<1x1x1x16xf32> to vector<16xf32>
          %add3A_863 = arith.addf %get3A_862, %scan3A_257 : vector<16xf32>
          %broadcast_in_dim3A_864 = vector.shape_cast %add3A_107 : vector<16xi32> to vector<16x1xi32>
          %gather3A_865 = vector.shape_cast %broadcast_in_dim3A_864 : vector<16x1xi32> to vector<16xi32>
          %gather3A_866 = tpu.dynamic_gather %scan3A_253[%gather3A_865] in [0] : vector<16xf32>, vector<16xi32> -> vector<16xf32>
          %get3A_867 = arith.constant 1 : i32
          %get3A_868 = arith.constant 1 : i32
          %get3A_869 = arith.index_cast %get3A_867 : i32 to index
          %get3A_870 = arith.index_cast %scan3A_251 : i32 to index
          %get3A_871 = arith.index_cast %get3A_868 : i32 to index
          %get3A_872 = arith.constant 80 : index
          %get3A_873 = tpu.vector_load %arg4[%get3A_869, %get3A_870, %get3A_871, %get3A_872] {strides = array<i32>} : memref<2x16x5x256xf32, #tpu.memory_space<vmem>>, vector<1x1x1x16xf32>,
          %get3A_874 = vector.shape_cast %get3A_873 : vector<1x1x1x16xf32> to vector<16xf32>
          %add3A_875 = arith.addf %get3A_874, %gather3A_866 : vector<16xf32>
          %broadcast_in_dim3A_876 = vector.shape_cast %add3A_107 : vector<16xi32> to vector<16x1xi32>
          %gather3A_877 = vector.shape_cast %broadcast_in_dim3A_876 : vector<16x1xi32> to vector<16xi32>
          %gather3A_878 = tpu.dynamic_gather %scan3A_257[%gather3A_877] in [0] : vector<16xf32>, vector<16xi32> -> vector<16xf32>
          %get3A_879 = arith.constant 1 : i32
          %get3A_880 = arith.constant 2 : i32
          %get3A_881 = arith.index_cast %get3A_879 : i32 to index
          %get3A_882 = arith.index_cast %scan3A_251 : i32 to index
          %get3A_883 = arith.index_cast %get3A_880 : i32 to index
          %get3A_884 = arith.constant 80 : index
          %get3A_885 = tpu.vector_load %arg4[%get3A_881, %get3A_882, %get3A_883, %get3A_884] {strides = array<i32>} : memref<2x16x5x256xf32, #tpu.memory_space<vmem>>, vector<1x1x1x16xf32>,
          %get3A_886 = vector.shape_cast %get3A_885 : vector<1x1x1x16xf32> to vector<16xf32>
          %add3A_887 = arith.addf %get3A_886, %gather3A_878 : vector<16xf32>
          %broadcast_in_dim3A_888 = vector.shape_cast %add3A_107 : vector<16xi32> to vector<16x1xi32>
          %gather3A_889 = vector.shape_cast %broadcast_in_dim3A_888 : vector<16x1xi32> to vector<16xi32>
          %gather3A_890 = tpu.dynamic_gather %scan3A_261[%gather3A_889] in [0] : vector<16xf32>, vector<16xi32> -> vector<16xf32>
          %get3A_891 = arith.constant 1 : i32
          %get3A_892 = arith.constant 3 : i32
          %get3A_893 = arith.index_cast %get3A_891 : i32 to index
          %get3A_894 = arith.index_cast %scan3A_251 : i32 to index
          %get3A_895 = arith.index_cast %get3A_892 : i32 to index
          %get3A_896 = arith.constant 80 : index
          %get3A_897 = tpu.vector_load %arg4[%get3A_893, %get3A_894, %get3A_895, %get3A_896] {strides = array<i32>} : memref<2x16x5x256xf32, #tpu.memory_space<vmem>>, vector<1x1x1x16xf32>,
          %get3A_898 = vector.shape_cast %get3A_897 : vector<1x1x1x16xf32> to vector<16xf32>
          %add3A_899 = arith.addf %get3A_898, %gather3A_890 : vector<16xf32>
          %broadcast_in_dim3A_900 = vector.shape_cast %add3A_107 : vector<16xi32> to vector<16x1xi32>
          %gather3A_901 = vector.shape_cast %broadcast_in_dim3A_900 : vector<16x1xi32> to vector<16xi32>
          %gather3A_902 = tpu.dynamic_gather %scan3A_265[%gather3A_901] in [0] : vector<16xf32>, vector<16xi32> -> vector<16xf32>
          %get3A_903 = arith.constant 1 : i32
          %get3A_904 = arith.constant 4 : i32
          %get3A_905 = arith.index_cast %get3A_903 : i32 to index
          %get3A_906 = arith.index_cast %scan3A_251 : i32 to index
          %get3A_907 = arith.index_cast %get3A_904 : i32 to index
          %get3A_908 = arith.constant 80 : index
          %get3A_909 = tpu.vector_load %arg4[%get3A_905, %get3A_906, %get3A_907, %get3A_908] {strides = array<i32>} : memref<2x16x5x256xf32, #tpu.memory_space<vmem>>, vector<1x1x1x16xf32>,
          %get3A_910 = vector.shape_cast %get3A_909 : vector<1x1x1x16xf32> to vector<16xf32>
          %add3A_911 = arith.addf %get3A_910, %gather3A_902 : vector<16xf32>
          %max3A_912 = arith.maximumf %add3A_863, %add3A_875 : vector<16xf32>
          %max3A_913 = arith.maximumf %add3A_887, %add3A_899 : vector<16xf32>
          %max3A_914 = arith.maximumf %max3A_912, %max3A_913 : vector<16xf32>
          %max3A_915 = arith.maximumf %max3A_914, %add3A_911 : vector<16xf32>
          %sub3A_916 = arith.subf %add3A_863, %max3A_915 : vector<16xf32>
          %exp3A_917 = math.exp %sub3A_916 : vector<16xf32>
          %sub3A_918 = arith.subf %add3A_875, %max3A_915 : vector<16xf32>
          %exp3A_919 = math.exp %sub3A_918 : vector<16xf32>
          %sub3A_920 = arith.subf %add3A_887, %max3A_915 : vector<16xf32>
          %exp3A_921 = math.exp %sub3A_920 : vector<16xf32>
          %sub3A_922 = arith.subf %add3A_899, %max3A_915 : vector<16xf32>
          %exp3A_923 = math.exp %sub3A_922 : vector<16xf32>
          %sub3A_924 = arith.subf %add3A_911, %max3A_915 : vector<16xf32>
          %exp3A_925 = math.exp %sub3A_924 : vector<16xf32>
          %add3A_926 = arith.addf %exp3A_917, %exp3A_919 : vector<16xf32>
          %add3A_927 = arith.addf %exp3A_921, %exp3A_923 : vector<16xf32>
          %add3A_928 = arith.addf %add3A_927, %exp3A_925 : vector<16xf32>
          %add3A_929 = arith.addf %add3A_926, %add3A_928 : vector<16xf32>
          %bitcast_convert_type3A_930 = tpu.bitcast %add3A_929 : vector<16xf32> -> vector<16xi32>
          %shift_right_arithmetic3A_931 = arith.constant 23 : i32
          %shift_right_arithmetic3A_932 = vector.broadcast %shift_right_arithmetic3A_931 : i32 to vector<16xi32>
          %shift_right_arithmetic3A_933 = arith.shrsi %bitcast_convert_type3A_930, %shift_right_arithmetic3A_932 : vector<16xi32>
          %sub3A_934 = arith.constant 127 : i32
          %sub3A_935 = vector.broadcast %sub3A_934 : i32 to vector<16xi32>
          %sub3A_936 = arith.subi %shift_right_arithmetic3A_933, %sub3A_935 : vector<16xi32>
          %and3A_937 = arith.constant 8388607 : i32
          %and3A_938 = vector.broadcast %and3A_937 : i32 to vector<16xi32>
          %and3A_939 = arith.andi %bitcast_convert_type3A_930, %and3A_938 : vector<16xi32>
          %or3A_940 = arith.constant 1065353216 : i32
          %or3A_941 = vector.broadcast %or3A_940 : i32 to vector<16xi32>
          %or3A_942 = arith.ori %and3A_939, %or3A_941 : vector<16xi32>
          %bitcast_convert_type3A_943 = tpu.bitcast %or3A_942 : vector<16xi32> -> vector<16xf32>
          %mul3A_944 = arith.mulf %bitcast_convert_type3A_943, %bitcast_convert_type3A_943 : vector<16xf32>
          %mul3A_945 = arith.constant -0.0548628531 : f32
          %mul3A_946 = vector.broadcast %mul3A_945 : f32 to vector<16xf32>
          %mul3A_947 = arith.mulf %mul3A_946, %mul3A_944 : vector<16xf32>
          %mul3A_948 = arith.constant 0.435861856 : f32
          %mul3A_949 = vector.broadcast %mul3A_948 : f32 to vector<16xf32>
          %mul3A_950 = arith.mulf %mul3A_949, %bitcast_convert_type3A_943 : vector<16xf32>
          %add3A_951 = arith.constant -1.44248104 : f32
          %add3A_952 = vector.broadcast %add3A_951 : f32 to vector<16xf32>
          %add3A_953 = arith.addf %mul3A_950, %add3A_952 : vector<16xf32>
          %add3A_954 = arith.addf %mul3A_947, %add3A_953 : vector<16xf32>
          %mul3A_955 = arith.constant 2.79225516 : f32
          %mul3A_956 = vector.broadcast %mul3A_955 : f32 to vector<16xf32>
          %mul3A_957 = arith.mulf %mul3A_956, %bitcast_convert_type3A_943 : vector<16xf32>
          %add3A_958 = arith.constant -1.73063171 : f32
          %add3A_959 = vector.broadcast %add3A_958 : f32 to vector<16xf32>
          %add3A_960 = arith.addf %mul3A_957, %add3A_959 : vector<16xf32>
          %convert_element_type3A_961 = arith.sitofp %sub3A_936 : vector<16xi32> to vector<16xf32>
          %mul3A_962 = arith.constant 0.693147182 : f32
          %mul3A_963 = vector.broadcast %mul3A_962 : f32 to vector<16xf32>
          %mul3A_964 = arith.mulf %mul3A_963, %convert_element_type3A_961 : vector<16xf32>
          %mul3A_965 = arith.mulf %add3A_954, %mul3A_944 : vector<16xf32>
          %add3A_966 = arith.addf %mul3A_965, %add3A_960 : vector<16xf32>
          %add3A_967 = arith.addf %mul3A_964, %add3A_966 : vector<16xf32>
          %add3A_968 = arith.addf %max3A_915, %add3A_967 : vector<16xf32>
          %swap3A_969 = arith.index_cast %scan3A_251 : i32 to index
          %swap3A_970 = arith.constant 80 : index
          %swap3A_971 = tpu.vector_load %arg5[%swap3A_969, %swap3A_970] {strides = array<i32>} : memref<16x256xf32, #tpu.memory_space<vmem>>, vector<1x16xf32>,
          %swap3A_972 = vector.shape_cast %swap3A_971 : vector<1x16xf32> to vector<16xf32>
          %swap3A_973 = vector.shape_cast %add3A_968 : vector<16xf32> to vector<1x16xf32>
          tpu.vector_store %arg5[%swap3A_969, %swap3A_970], %swap3A_973 {strides = array<i32>} : memref<16x256xf32, #tpu.memory_space<vmem>>, vector<1x16xf32>,
          %get3A_974 = arith.constant 1 : i32
          %get3A_975 = arith.constant 0 : i32
          %get3A_976 = arith.index_cast %get3A_974 : i32 to index
          %get3A_977 = arith.index_cast %scan3A_251 : i32 to index
          %get3A_978 = arith.index_cast %get3A_975 : i32 to index
          %get3A_979 = arith.constant 96 : index
          %get3A_980 = tpu.vector_load %arg4[%get3A_976, %get3A_977, %get3A_978, %get3A_979] {strides = array<i32>} : memref<2x16x5x256xf32, #tpu.memory_space<vmem>>, vector<1x1x1x16xf32>,
          %get3A_981 = vector.shape_cast %get3A_980 : vector<1x1x1x16xf32> to vector<16xf32>
          %add3A_982 = arith.addf %get3A_981, %scan3A_258 : vector<16xf32>
          %broadcast_in_dim3A_983 = vector.shape_cast %add3A_110 : vector<16xi32> to vector<16x1xi32>
          %gather3A_984 = vector.shape_cast %broadcast_in_dim3A_983 : vector<16x1xi32> to vector<16xi32>
          %gather3A_985 = tpu.dynamic_gather %scan3A_253[%gather3A_984] in [0] : vector<16xf32>, vector<16xi32> -> vector<16xf32>
          %get3A_986 = arith.constant 1 : i32
          %get3A_987 = arith.constant 1 : i32
          %get3A_988 = arith.index_cast %get3A_986 : i32 to index
          %get3A_989 = arith.index_cast %scan3A_251 : i32 to index
          %get3A_990 = arith.index_cast %get3A_987 : i32 to index
          %get3A_991 = arith.constant 96 : index
          %get3A_992 = tpu.vector_load %arg4[%get3A_988, %get3A_989, %get3A_990, %get3A_991] {strides = array<i32>} : memref<2x16x5x256xf32, #tpu.memory_space<vmem>>, vector<1x1x1x16xf32>,
          %get3A_993 = vector.shape_cast %get3A_992 : vector<1x1x1x16xf32> to vector<16xf32>
          %add3A_994 = arith.addf %get3A_993, %gather3A_985 : vector<16xf32>
          %broadcast_in_dim3A_995 = vector.shape_cast %add3A_110 : vector<16xi32> to vector<16x1xi32>
          %gather3A_996 = vector.shape_cast %broadcast_in_dim3A_995 : vector<16x1xi32> to vector<16xi32>
          %gather3A_997 = tpu.dynamic_gather %scan3A_257[%gather3A_996] in [0] : vector<16xf32>, vector<16xi32> -> vector<16xf32>
          %get3A_998 = arith.constant 1 : i32
          %get3A_999 = arith.constant 2 : i32
          %get3A_1000 = arith.index_cast %get3A_998 : i32 to index
          %get3A_1001 = arith.index_cast %scan3A_251 : i32 to index
          %get3A_1002 = arith.index_cast %get3A_999 : i32 to index
          %get3A_1003 = arith.constant 96 : index
          %get3A_1004 = tpu.vector_load %arg4[%get3A_1000, %get3A_1001, %get3A_1002, %get3A_1003] {strides = array<i32>} : memref<2x16x5x256xf32, #tpu.memory_space<vmem>>, vector<1x1x1x16xf32>,
          %get3A_1005 = vector.shape_cast %get3A_1004 : vector<1x1x1x16xf32> to vector<16xf32>
          %add3A_1006 = arith.addf %get3A_1005, %gather3A_997 : vector<16xf32>
          %broadcast_in_dim3A_1007 = vector.shape_cast %add3A_110 : vector<16xi32> to vector<16x1xi32>
          %gather3A_1008 = vector.shape_cast %broadcast_in_dim3A_1007 : vector<16x1xi32> to vector<16xi32>
          %gather3A_1009 = tpu.dynamic_gather %scan3A_261[%gather3A_1008] in [0] : vector<16xf32>, vector<16xi32> -> vector<16xf32>
          %get3A_1010 = arith.constant 1 : i32
          %get3A_1011 = arith.constant 3 : i32
          %get3A_1012 = arith.index_cast %get3A_1010 : i32 to index
          %get3A_1013 = arith.index_cast %scan3A_251 : i32 to index
          %get3A_1014 = arith.index_cast %get3A_1011 : i32 to index
          %get3A_1015 = arith.constant 96 : index
          %get3A_1016 = tpu.vector_load %arg4[%get3A_1012, %get3A_1013, %get3A_1014, %get3A_1015] {strides = array<i32>} : memref<2x16x5x256xf32, #tpu.memory_space<vmem>>, vector<1x1x1x16xf32>,
          %get3A_1017 = vector.shape_cast %get3A_1016 : vector<1x1x1x16xf32> to vector<16xf32>
          %add3A_1018 = arith.addf %get3A_1017, %gather3A_1009 : vector<16xf32>
          %broadcast_in_dim3A_1019 = vector.shape_cast %add3A_110 : vector<16xi32> to vector<16x1xi32>
          %gather3A_1020 = vector.shape_cast %broadcast_in_dim3A_1019 : vector<16x1xi32> to vector<16xi32>
          %gather3A_1021 = tpu.dynamic_gather %scan3A_265[%gather3A_1020] in [0] : vector<16xf32>, vector<16xi32> -> vector<16xf32>
          %get3A_1022 = arith.constant 1 : i32
          %get3A_1023 = arith.constant 4 : i32
          %get3A_1024 = arith.index_cast %get3A_1022 : i32 to index
          %get3A_1025 = arith.index_cast %scan3A_251 : i32 to index
          %get3A_1026 = arith.index_cast %get3A_1023 : i32 to index
          %get3A_1027 = arith.constant 96 : index
          %get3A_1028 = tpu.vector_load %arg4[%get3A_1024, %get3A_1025, %get3A_1026, %get3A_1027] {strides = array<i32>} : memref<2x16x5x256xf32, #tpu.memory_space<vmem>>, vector<1x1x1x16xf32>,
          %get3A_1029 = vector.shape_cast %get3A_1028 : vector<1x1x1x16xf32> to vector<16xf32>
          %add3A_1030 = arith.addf %get3A_1029, %gather3A_1021 : vector<16xf32>
          %max3A_1031 = arith.maximumf %add3A_982, %add3A_994 : vector<16xf32>
          %max3A_1032 = arith.maximumf %add3A_1006, %add3A_1018 : vector<16xf32>
          %max3A_1033 = arith.maximumf %max3A_1031, %max3A_1032 : vector<16xf32>
          %max3A_1034 = arith.maximumf %max3A_1033, %add3A_1030 : vector<16xf32>
          %sub3A_1035 = arith.subf %add3A_982, %max3A_1034 : vector<16xf32>
          %exp3A_1036 = math.exp %sub3A_1035 : vector<16xf32>
          %sub3A_1037 = arith.subf %add3A_994, %max3A_1034 : vector<16xf32>
          %exp3A_1038 = math.exp %sub3A_1037 : vector<16xf32>
          %sub3A_1039 = arith.subf %add3A_1006, %max3A_1034 : vector<16xf32>
          %exp3A_1040 = math.exp %sub3A_1039 : vector<16xf32>
          %sub3A_1041 = arith.subf %add3A_1018, %max3A_1034 : vector<16xf32>
          %exp3A_1042 = math.exp %sub3A_1041 : vector<16xf32>
          %sub3A_1043 = arith.subf %add3A_1030, %max3A_1034 : vector<16xf32>
          %exp3A_1044 = math.exp %sub3A_1043 : vector<16xf32>
          %add3A_1045 = arith.addf %exp3A_1036, %exp3A_1038 : vector<16xf32>
          %add3A_1046 = arith.addf %exp3A_1040, %exp3A_1042 : vector<16xf32>
          %add3A_1047 = arith.addf %add3A_1046, %exp3A_1044 : vector<16xf32>
          %add3A_1048 = arith.addf %add3A_1045, %add3A_1047 : vector<16xf32>
          %bitcast_convert_type3A_1049 = tpu.bitcast %add3A_1048 : vector<16xf32> -> vector<16xi32>
          %shift_right_arithmetic3A_1050 = arith.constant 23 : i32
          %shift_right_arithmetic3A_1051 = vector.broadcast %shift_right_arithmetic3A_1050 : i32 to vector<16xi32>
          %shift_right_arithmetic3A_1052 = arith.shrsi %bitcast_convert_type3A_1049, %shift_right_arithmetic3A_1051 : vector<16xi32>
          %sub3A_1053 = arith.constant 127 : i32
          %sub3A_1054 = vector.broadcast %sub3A_1053 : i32 to vector<16xi32>
          %sub3A_1055 = arith.subi %shift_right_arithmetic3A_1052, %sub3A_1054 : vector<16xi32>
          %and3A_1056 = arith.constant 8388607 : i32
          %and3A_1057 = vector.broadcast %and3A_1056 : i32 to vector<16xi32>
          %and3A_1058 = arith.andi %bitcast_convert_type3A_1049, %and3A_1057 : vector<16xi32>
          %or3A_1059 = arith.constant 1065353216 : i32
          %or3A_1060 = vector.broadcast %or3A_1059 : i32 to vector<16xi32>
          %or3A_1061 = arith.ori %and3A_1058, %or3A_1060 : vector<16xi32>
          %bitcast_convert_type3A_1062 = tpu.bitcast %or3A_1061 : vector<16xi32> -> vector<16xf32>
          %mul3A_1063 = arith.mulf %bitcast_convert_type3A_1062, %bitcast_convert_type3A_1062 : vector<16xf32>
          %mul3A_1064 = arith.constant -0.0548628531 : f32
          %mul3A_1065 = vector.broadcast %mul3A_1064 : f32 to vector<16xf32>
          %mul3A_1066 = arith.mulf %mul3A_1065, %mul3A_1063 : vector<16xf32>
          %mul3A_1067 = arith.constant 0.435861856 : f32
          %mul3A_1068 = vector.broadcast %mul3A_1067 : f32 to vector<16xf32>
          %mul3A_1069 = arith.mulf %mul3A_1068, %bitcast_convert_type3A_1062 : vector<16xf32>
          %add3A_1070 = arith.constant -1.44248104 : f32
          %add3A_1071 = vector.broadcast %add3A_1070 : f32 to vector<16xf32>
          %add3A_1072 = arith.addf %mul3A_1069, %add3A_1071 : vector<16xf32>
          %add3A_1073 = arith.addf %mul3A_1066, %add3A_1072 : vector<16xf32>
          %mul3A_1074 = arith.constant 2.79225516 : f32
          %mul3A_1075 = vector.broadcast %mul3A_1074 : f32 to vector<16xf32>
          %mul3A_1076 = arith.mulf %mul3A_1075, %bitcast_convert_type3A_1062 : vector<16xf32>
          %add3A_1077 = arith.constant -1.73063171 : f32
          %add3A_1078 = vector.broadcast %add3A_1077 : f32 to vector<16xf32>
          %add3A_1079 = arith.addf %mul3A_1076, %add3A_1078 : vector<16xf32>
          %convert_element_type3A_1080 = arith.sitofp %sub3A_1055 : vector<16xi32> to vector<16xf32>
          %mul3A_1081 = arith.constant 0.693147182 : f32
          %mul3A_1082 = vector.broadcast %mul3A_1081 : f32 to vector<16xf32>
          %mul3A_1083 = arith.mulf %mul3A_1082, %convert_element_type3A_1080 : vector<16xf32>
          %mul3A_1084 = arith.mulf %add3A_1073, %mul3A_1063 : vector<16xf32>
          %add3A_1085 = arith.addf %mul3A_1084, %add3A_1079 : vector<16xf32>
          %add3A_1086 = arith.addf %mul3A_1083, %add3A_1085 : vector<16xf32>
          %add3A_1087 = arith.addf %max3A_1034, %add3A_1086 : vector<16xf32>
          %swap3A_1088 = arith.index_cast %scan3A_251 : i32 to index
          %swap3A_1089 = arith.constant 96 : index
          %swap3A_1090 = tpu.vector_load %arg5[%swap3A_1088, %swap3A_1089] {strides = array<i32>} : memref<16x256xf32, #tpu.memory_space<vmem>>, vector<1x16xf32>,
          %swap3A_1091 = vector.shape_cast %swap3A_1090 : vector<1x16xf32> to vector<16xf32>
          %swap3A_1092 = vector.shape_cast %add3A_1087 : vector<16xf32> to vector<1x16xf32>
          tpu.vector_store %arg5[%swap3A_1088, %swap3A_1089], %swap3A_1092 {strides = array<i32>} : memref<16x256xf32, #tpu.memory_space<vmem>>, vector<1x16xf32>,
          %get3A_1093 = arith.constant 1 : i32
          %get3A_1094 = arith.constant 0 : i32
          %get3A_1095 = arith.index_cast %get3A_1093 : i32 to index
          %get3A_1096 = arith.index_cast %scan3A_251 : i32 to index
          %get3A_1097 = arith.index_cast %get3A_1094 : i32 to index
          %get3A_1098 = arith.constant 112 : index
          %get3A_1099 = tpu.vector_load %arg4[%get3A_1095, %get3A_1096, %get3A_1097, %get3A_1098] {strides = array<i32>} : memref<2x16x5x256xf32, #tpu.memory_space<vmem>>, vector<1x1x1x16xf32>,
          %get3A_1100 = vector.shape_cast %get3A_1099 : vector<1x1x1x16xf32> to vector<16xf32>
          %add3A_1101 = arith.addf %get3A_1100, %scan3A_259 : vector<16xf32>
          %broadcast_in_dim3A_1102 = vector.shape_cast %add3A_113 : vector<16xi32> to vector<16x1xi32>
          %gather3A_1103 = vector.shape_cast %broadcast_in_dim3A_1102 : vector<16x1xi32> to vector<16xi32>
          %gather3A_1104 = tpu.dynamic_gather %scan3A_253[%gather3A_1103] in [0] : vector<16xf32>, vector<16xi32> -> vector<16xf32>
          %get3A_1105 = arith.constant 1 : i32
          %get3A_1106 = arith.constant 1 : i32
          %get3A_1107 = arith.index_cast %get3A_1105 : i32 to index
          %get3A_1108 = arith.index_cast %scan3A_251 : i32 to index
          %get3A_1109 = arith.index_cast %get3A_1106 : i32 to index
          %get3A_1110 = arith.constant 112 : index
          %get3A_1111 = tpu.vector_load %arg4[%get3A_1107, %get3A_1108, %get3A_1109, %get3A_1110] {strides = array<i32>} : memref<2x16x5x256xf32, #tpu.memory_space<vmem>>, vector<1x1x1x16xf32>,
          %get3A_1112 = vector.shape_cast %get3A_1111 : vector<1x1x1x16xf32> to vector<16xf32>
          %add3A_1113 = arith.addf %get3A_1112, %gather3A_1104 : vector<16xf32>
          %broadcast_in_dim3A_1114 = vector.shape_cast %add3A_113 : vector<16xi32> to vector<16x1xi32>
          %gather3A_1115 = vector.shape_cast %broadcast_in_dim3A_1114 : vector<16x1xi32> to vector<16xi32>
          %gather3A_1116 = tpu.dynamic_gather %scan3A_257[%gather3A_1115] in [0] : vector<16xf32>, vector<16xi32> -> vector<16xf32>
          %get3A_1117 = arith.constant 1 : i32
          %get3A_1118 = arith.constant 2 : i32
          %get3A_1119 = arith.index_cast %get3A_1117 : i32 to index
          %get3A_1120 = arith.index_cast %scan3A_251 : i32 to index
          %get3A_1121 = arith.index_cast %get3A_1118 : i32 to index
          %get3A_1122 = arith.constant 112 : index
          %get3A_1123 = tpu.vector_load %arg4[%get3A_1119, %get3A_1120, %get3A_1121, %get3A_1122] {strides = array<i32>} : memref<2x16x5x256xf32, #tpu.memory_space<vmem>>, vector<1x1x1x16xf32>,
          %get3A_1124 = vector.shape_cast %get3A_1123 : vector<1x1x1x16xf32> to vector<16xf32>
          %add3A_1125 = arith.addf %get3A_1124, %gather3A_1116 : vector<16xf32>
          %broadcast_in_dim3A_1126 = vector.shape_cast %add3A_113 : vector<16xi32> to vector<16x1xi32>
          %gather3A_1127 = vector.shape_cast %broadcast_in_dim3A_1126 : vector<16x1xi32> to vector<16xi32>
          %gather3A_1128 = tpu.dynamic_gather %scan3A_261[%gather3A_1127] in [0] : vector<16xf32>, vector<16xi32> -> vector<16xf32>
          %get3A_1129 = arith.constant 1 : i32
          %get3A_1130 = arith.constant 3 : i32
          %get3A_1131 = arith.index_cast %get3A_1129 : i32 to index
          %get3A_1132 = arith.index_cast %scan3A_251 : i32 to index
          %get3A_1133 = arith.index_cast %get3A_1130 : i32 to index
          %get3A_1134 = arith.constant 112 : index
          %get3A_1135 = tpu.vector_load %arg4[%get3A_1131, %get3A_1132, %get3A_1133, %get3A_1134] {strides = array<i32>} : memref<2x16x5x256xf32, #tpu.memory_space<vmem>>, vector<1x1x1x16xf32>,
          %get3A_1136 = vector.shape_cast %get3A_1135 : vector<1x1x1x16xf32> to vector<16xf32>
          %add3A_1137 = arith.addf %get3A_1136, %gather3A_1128 : vector<16xf32>
          %broadcast_in_dim3A_1138 = vector.shape_cast %add3A_113 : vector<16xi32> to vector<16x1xi32>
          %gather3A_1139 = vector.shape_cast %broadcast_in_dim3A_1138 : vector<16x1xi32> to vector<16xi32>
          %gather3A_1140 = tpu.dynamic_gather %scan3A_265[%gather3A_1139] in [0] : vector<16xf32>, vector<16xi32> -> vector<16xf32>
          %get3A_1141 = arith.constant 1 : i32
          %get3A_1142 = arith.constant 4 : i32
          %get3A_1143 = arith.index_cast %get3A_1141 : i32 to index
          %get3A_1144 = arith.index_cast %scan3A_251 : i32 to index
          %get3A_1145 = arith.index_cast %get3A_1142 : i32 to index
          %get3A_1146 = arith.constant 112 : index
          %get3A_1147 = tpu.vector_load %arg4[%get3A_1143, %get3A_1144, %get3A_1145, %get3A_1146] {strides = array<i32>} : memref<2x16x5x256xf32, #tpu.memory_space<vmem>>, vector<1x1x1x16xf32>,
          %get3A_1148 = vector.shape_cast %get3A_1147 : vector<1x1x1x16xf32> to vector<16xf32>
          %add3A_1149 = arith.addf %get3A_1148, %gather3A_1140 : vector<16xf32>
          %max3A_1150 = arith.maximumf %add3A_1101, %add3A_1113 : vector<16xf32>
          %max3A_1151 = arith.maximumf %add3A_1125, %add3A_1137 : vector<16xf32>
          %max3A_1152 = arith.maximumf %max3A_1150, %max3A_1151 : vector<16xf32>
          %max3A_1153 = arith.maximumf %max3A_1152, %add3A_1149 : vector<16xf32>
          %sub3A_1154 = arith.subf %add3A_1101, %max3A_1153 : vector<16xf32>
          %exp3A_1155 = math.exp %sub3A_1154 : vector<16xf32>
          %sub3A_1156 = arith.subf %add3A_1113, %max3A_1153 : vector<16xf32>
          %exp3A_1157 = math.exp %sub3A_1156 : vector<16xf32>
          %sub3A_1158 = arith.subf %add3A_1125, %max3A_1153 : vector<16xf32>
          %exp3A_1159 = math.exp %sub3A_1158 : vector<16xf32>
          %sub3A_1160 = arith.subf %add3A_1137, %max3A_1153 : vector<16xf32>
          %exp3A_1161 = math.exp %sub3A_1160 : vector<16xf32>
          %sub3A_1162 = arith.subf %add3A_1149, %max3A_1153 : vector<16xf32>
          %exp3A_1163 = math.exp %sub3A_1162 : vector<16xf32>
          %add3A_1164 = arith.addf %exp3A_1155, %exp3A_1157 : vector<16xf32>
          %add3A_1165 = arith.addf %exp3A_1159, %exp3A_1161 : vector<16xf32>
          %add3A_1166 = arith.addf %add3A_1165, %exp3A_1163 : vector<16xf32>
          %add3A_1167 = arith.addf %add3A_1164, %add3A_1166 : vector<16xf32>
          %bitcast_convert_type3A_1168 = tpu.bitcast %add3A_1167 : vector<16xf32> -> vector<16xi32>
          %shift_right_arithmetic3A_1169 = arith.constant 23 : i32
          %shift_right_arithmetic3A_1170 = vector.broadcast %shift_right_arithmetic3A_1169 : i32 to vector<16xi32>
          %shift_right_arithmetic3A_1171 = arith.shrsi %bitcast_convert_type3A_1168, %shift_right_arithmetic3A_1170 : vector<16xi32>
          %sub3A_1172 = arith.constant 127 : i32
          %sub3A_1173 = vector.broadcast %sub3A_1172 : i32 to vector<16xi32>
          %sub3A_1174 = arith.subi %shift_right_arithmetic3A_1171, %sub3A_1173 : vector<16xi32>
          %and3A_1175 = arith.constant 8388607 : i32
          %and3A_1176 = vector.broadcast %and3A_1175 : i32 to vector<16xi32>
          %and3A_1177 = arith.andi %bitcast_convert_type3A_1168, %and3A_1176 : vector<16xi32>
          %or3A_1178 = arith.constant 1065353216 : i32
          %or3A_1179 = vector.broadcast %or3A_1178 : i32 to vector<16xi32>
          %or3A_1180 = arith.ori %and3A_1177, %or3A_1179 : vector<16xi32>
          %bitcast_convert_type3A_1181 = tpu.bitcast %or3A_1180 : vector<16xi32> -> vector<16xf32>
          %mul3A_1182 = arith.mulf %bitcast_convert_type3A_1181, %bitcast_convert_type3A_1181 : vector<16xf32>
          %mul3A_1183 = arith.constant -0.0548628531 : f32
          %mul3A_1184 = vector.broadcast %mul3A_1183 : f32 to vector<16xf32>
          %mul3A_1185 = arith.mulf %mul3A_1184, %mul3A_1182 : vector<16xf32>
          %mul3A_1186 = arith.constant 0.435861856 : f32
          %mul3A_1187 = vector.broadcast %mul3A_1186 : f32 to vector<16xf32>
          %mul3A_1188 = arith.mulf %mul3A_1187, %bitcast_convert_type3A_1181 : vector<16xf32>
          %add3A_1189 = arith.constant -1.44248104 : f32
          %add3A_1190 = vector.broadcast %add3A_1189 : f32 to vector<16xf32>
          %add3A_1191 = arith.addf %mul3A_1188, %add3A_1190 : vector<16xf32>
          %add3A_1192 = arith.addf %mul3A_1185, %add3A_1191 : vector<16xf32>
          %mul3A_1193 = arith.constant 2.79225516 : f32
          %mul3A_1194 = vector.broadcast %mul3A_1193 : f32 to vector<16xf32>
          %mul3A_1195 = arith.mulf %mul3A_1194, %bitcast_convert_type3A_1181 : vector<16xf32>
          %add3A_1196 = arith.constant -1.73063171 : f32
          %add3A_1197 = vector.broadcast %add3A_1196 : f32 to vector<16xf32>
          %add3A_1198 = arith.addf %mul3A_1195, %add3A_1197 : vector<16xf32>
          %convert_element_type3A_1199 = arith.sitofp %sub3A_1174 : vector<16xi32> to vector<16xf32>
          %mul3A_1200 = arith.constant 0.693147182 : f32
          %mul3A_1201 = vector.broadcast %mul3A_1200 : f32 to vector<16xf32>
          %mul3A_1202 = arith.mulf %mul3A_1201, %convert_element_type3A_1199 : vector<16xf32>
          %mul3A_1203 = arith.mulf %add3A_1192, %mul3A_1182 : vector<16xf32>
          %add3A_1204 = arith.addf %mul3A_1203, %add3A_1198 : vector<16xf32>
          %add3A_1205 = arith.addf %mul3A_1202, %add3A_1204 : vector<16xf32>
          %add3A_1206 = arith.addf %max3A_1153, %add3A_1205 : vector<16xf32>
          %swap3A_1207 = arith.index_cast %scan3A_251 : i32 to index
          %swap3A_1208 = arith.constant 112 : index
          %swap3A_1209 = tpu.vector_load %arg5[%swap3A_1207, %swap3A_1208] {strides = array<i32>} : memref<16x256xf32, #tpu.memory_space<vmem>>, vector<1x16xf32>,
          %swap3A_1210 = vector.shape_cast %swap3A_1209 : vector<1x16xf32> to vector<16xf32>
          %swap3A_1211 = vector.shape_cast %add3A_1206 : vector<16xf32> to vector<1x16xf32>
          tpu.vector_store %arg5[%swap3A_1207, %swap3A_1208], %swap3A_1211 {strides = array<i32>} : memref<16x256xf32, #tpu.memory_space<vmem>>, vector<1x16xf32>,
          %get3A_1212 = arith.constant 1 : i32
          %get3A_1213 = arith.constant 0 : i32
          %get3A_1214 = arith.index_cast %get3A_1212 : i32 to index
          %get3A_1215 = arith.index_cast %scan3A_251 : i32 to index
          %get3A_1216 = arith.index_cast %get3A_1213 : i32 to index
          %get3A_1217 = arith.constant 128 : index
          %get3A_1218 = tpu.vector_load %arg4[%get3A_1214, %get3A_1215, %get3A_1216, %get3A_1217] {strides = array<i32>} : memref<2x16x5x256xf32, #tpu.memory_space<vmem>>, vector<1x1x1x16xf32>,
          %get3A_1219 = vector.shape_cast %get3A_1218 : vector<1x1x1x16xf32> to vector<16xf32>
          %add3A_1220 = arith.addf %get3A_1219, %scan3A_260 : vector<16xf32>
          %broadcast_in_dim3A_1221 = vector.shape_cast %add3A_104 : vector<16xi32> to vector<16x1xi32>
          %gather3A_1222 = vector.shape_cast %broadcast_in_dim3A_1221 : vector<16x1xi32> to vector<16xi32>
          %gather3A_1223 = tpu.dynamic_gather %scan3A_254[%gather3A_1222] in [0] : vector<16xf32>, vector<16xi32> -> vector<16xf32>
          %get3A_1224 = arith.constant 1 : i32
          %get3A_1225 = arith.constant 1 : i32
          %get3A_1226 = arith.index_cast %get3A_1224 : i32 to index
          %get3A_1227 = arith.index_cast %scan3A_251 : i32 to index
          %get3A_1228 = arith.index_cast %get3A_1225 : i32 to index
          %get3A_1229 = arith.constant 128 : index
          %get3A_1230 = tpu.vector_load %arg4[%get3A_1226, %get3A_1227, %get3A_1228, %get3A_1229] {strides = array<i32>} : memref<2x16x5x256xf32, #tpu.memory_space<vmem>>, vector<1x1x1x16xf32>,
          %get3A_1231 = vector.shape_cast %get3A_1230 : vector<1x1x1x16xf32> to vector<16xf32>
          %add3A_1232 = arith.addf %get3A_1231, %gather3A_1223 : vector<16xf32>
          %broadcast_in_dim3A_1233 = vector.shape_cast %add3A_104 : vector<16xi32> to vector<16x1xi32>
          %gather3A_1234 = vector.shape_cast %broadcast_in_dim3A_1233 : vector<16x1xi32> to vector<16xi32>
          %gather3A_1235 = tpu.dynamic_gather %scan3A_258[%gather3A_1234] in [0] : vector<16xf32>, vector<16xi32> -> vector<16xf32>
          %get3A_1236 = arith.constant 1 : i32
          %get3A_1237 = arith.constant 2 : i32
          %get3A_1238 = arith.index_cast %get3A_1236 : i32 to index
          %get3A_1239 = arith.index_cast %scan3A_251 : i32 to index
          %get3A_1240 = arith.index_cast %get3A_1237 : i32 to index
          %get3A_1241 = arith.constant 128 : index
          %get3A_1242 = tpu.vector_load %arg4[%get3A_1238, %get3A_1239, %get3A_1240, %get3A_1241] {strides = array<i32>} : memref<2x16x5x256xf32, #tpu.memory_space<vmem>>, vector<1x1x1x16xf32>,
          %get3A_1243 = vector.shape_cast %get3A_1242 : vector<1x1x1x16xf32> to vector<16xf32>
          %add3A_1244 = arith.addf %get3A_1243, %gather3A_1235 : vector<16xf32>
          %broadcast_in_dim3A_1245 = vector.shape_cast %add3A_104 : vector<16xi32> to vector<16x1xi32>
          %gather3A_1246 = vector.shape_cast %broadcast_in_dim3A_1245 : vector<16x1xi32> to vector<16xi32>
          %gather3A_1247 = tpu.dynamic_gather %scan3A_262[%gather3A_1246] in [0] : vector<16xf32>, vector<16xi32> -> vector<16xf32>
          %get3A_1248 = arith.constant 1 : i32
          %get3A_1249 = arith.constant 3 : i32
          %get3A_1250 = arith.index_cast %get3A_1248 : i32 to index
          %get3A_1251 = arith.index_cast %scan3A_251 : i32 to index
          %get3A_1252 = arith.index_cast %get3A_1249 : i32 to index
          %get3A_1253 = arith.constant 128 : index
          %get3A_1254 = tpu.vector_load %arg4[%get3A_1250, %get3A_1251, %get3A_1252, %get3A_1253] {strides = array<i32>} : memref<2x16x5x256xf32, #tpu.memory_space<vmem>>, vector<1x1x1x16xf32>,
          %get3A_1255 = vector.shape_cast %get3A_1254 : vector<1x1x1x16xf32> to vector<16xf32>
          %add3A_1256 = arith.addf %get3A_1255, %gather3A_1247 : vector<16xf32>
          %broadcast_in_dim3A_1257 = vector.shape_cast %add3A_104 : vector<16xi32> to vector<16x1xi32>
          %gather3A_1258 = vector.shape_cast %broadcast_in_dim3A_1257 : vector<16x1xi32> to vector<16xi32>
          %gather3A_1259 = tpu.dynamic_gather %scan3A_266[%gather3A_1258] in [0] : vector<16xf32>, vector<16xi32> -> vector<16xf32>
          %get3A_1260 = arith.constant 1 : i32
          %get3A_1261 = arith.constant 4 : i32
          %get3A_1262 = arith.index_cast %get3A_1260 : i32 to index
          %get3A_1263 = arith.index_cast %scan3A_251 : i32 to index
          %get3A_1264 = arith.index_cast %get3A_1261 : i32 to index
          %get3A_1265 = arith.constant 128 : index
          %get3A_1266 = tpu.vector_load %arg4[%get3A_1262, %get3A_1263, %get3A_1264, %get3A_1265] {strides = array<i32>} : memref<2x16x5x256xf32, #tpu.memory_space<vmem>>, vector<1x1x1x16xf32>,
          %get3A_1267 = vector.shape_cast %get3A_1266 : vector<1x1x1x16xf32> to vector<16xf32>
          %add3A_1268 = arith.addf %get3A_1267, %gather3A_1259 : vector<16xf32>
          %max3A_1269 = arith.maximumf %add3A_1220, %add3A_1232 : vector<16xf32>
          %max3A_1270 = arith.maximumf %add3A_1244, %add3A_1256 : vector<16xf32>
          %max3A_1271 = arith.maximumf %max3A_1269, %max3A_1270 : vector<16xf32>
          %max3A_1272 = arith.maximumf %max3A_1271, %add3A_1268 : vector<16xf32>
          %sub3A_1273 = arith.subf %add3A_1220, %max3A_1272 : vector<16xf32>
          %exp3A_1274 = math.exp %sub3A_1273 : vector<16xf32>
          %sub3A_1275 = arith.subf %add3A_1232, %max3A_1272 : vector<16xf32>
          %exp3A_1276 = math.exp %sub3A_1275 : vector<16xf32>
          %sub3A_1277 = arith.subf %add3A_1244, %max3A_1272 : vector<16xf32>
          %exp3A_1278 = math.exp %sub3A_1277 : vector<16xf32>
          %sub3A_1279 = arith.subf %add3A_1256, %max3A_1272 : vector<16xf32>
          %exp3A_1280 = math.exp %sub3A_1279 : vector<16xf32>
          %sub3A_1281 = arith.subf %add3A_1268, %max3A_1272 : vector<16xf32>
          %exp3A_1282 = math.exp %sub3A_1281 : vector<16xf32>
          %add3A_1283 = arith.addf %exp3A_1274, %exp3A_1276 : vector<16xf32>
          %add3A_1284 = arith.addf %exp3A_1278, %exp3A_1280 : vector<16xf32>
          %add3A_1285 = arith.addf %add3A_1284, %exp3A_1282 : vector<16xf32>
          %add3A_1286 = arith.addf %add3A_1283, %add3A_1285 : vector<16xf32>
          %bitcast_convert_type3A_1287 = tpu.bitcast %add3A_1286 : vector<16xf32> -> vector<16xi32>
          %shift_right_arithmetic3A_1288 = arith.constant 23 : i32
          %shift_right_arithmetic3A_1289 = vector.broadcast %shift_right_arithmetic3A_1288 : i32 to vector<16xi32>
          %shift_right_arithmetic3A_1290 = arith.shrsi %bitcast_convert_type3A_1287, %shift_right_arithmetic3A_1289 : vector<16xi32>
          %sub3A_1291 = arith.constant 127 : i32
          %sub3A_1292 = vector.broadcast %sub3A_1291 : i32 to vector<16xi32>
          %sub3A_1293 = arith.subi %shift_right_arithmetic3A_1290, %sub3A_1292 : vector<16xi32>
          %and3A_1294 = arith.constant 8388607 : i32
          %and3A_1295 = vector.broadcast %and3A_1294 : i32 to vector<16xi32>
          %and3A_1296 = arith.andi %bitcast_convert_type3A_1287, %and3A_1295 : vector<16xi32>
          %or3A_1297 = arith.constant 1065353216 : i32
          %or3A_1298 = vector.broadcast %or3A_1297 : i32 to vector<16xi32>
          %or3A_1299 = arith.ori %and3A_1296, %or3A_1298 : vector<16xi32>
          %bitcast_convert_type3A_1300 = tpu.bitcast %or3A_1299 : vector<16xi32> -> vector<16xf32>
          %mul3A_1301 = arith.mulf %bitcast_convert_type3A_1300, %bitcast_convert_type3A_1300 : vector<16xf32>
          %mul3A_1302 = arith.constant -0.0548628531 : f32
          %mul3A_1303 = vector.broadcast %mul3A_1302 : f32 to vector<16xf32>
          %mul3A_1304 = arith.mulf %mul3A_1303, %mul3A_1301 : vector<16xf32>
          %mul3A_1305 = arith.constant 0.435861856 : f32
          %mul3A_1306 = vector.broadcast %mul3A_1305 : f32 to vector<16xf32>
          %mul3A_1307 = arith.mulf %mul3A_1306, %bitcast_convert_type3A_1300 : vector<16xf32>
          %add3A_1308 = arith.constant -1.44248104 : f32
          %add3A_1309 = vector.broadcast %add3A_1308 : f32 to vector<16xf32>
          %add3A_1310 = arith.addf %mul3A_1307, %add3A_1309 : vector<16xf32>
          %add3A_1311 = arith.addf %mul3A_1304, %add3A_1310 : vector<16xf32>
          %mul3A_1312 = arith.constant 2.79225516 : f32
          %mul3A_1313 = vector.broadcast %mul3A_1312 : f32 to vector<16xf32>
          %mul3A_1314 = arith.mulf %mul3A_1313, %bitcast_convert_type3A_1300 : vector<16xf32>
          %add3A_1315 = arith.constant -1.73063171 : f32
          %add3A_1316 = vector.broadcast %add3A_1315 : f32 to vector<16xf32>
          %add3A_1317 = arith.addf %mul3A_1314, %add3A_1316 : vector<16xf32>
          %convert_element_type3A_1318 = arith.sitofp %sub3A_1293 : vector<16xi32> to vector<16xf32>
          %mul3A_1319 = arith.constant 0.693147182 : f32
          %mul3A_1320 = vector.broadcast %mul3A_1319 : f32 to vector<16xf32>
          %mul3A_1321 = arith.mulf %mul3A_1320, %convert_element_type3A_1318 : vector<16xf32>
          %mul3A_1322 = arith.mulf %add3A_1311, %mul3A_1301 : vector<16xf32>
          %add3A_1323 = arith.addf %mul3A_1322, %add3A_1317 : vector<16xf32>
          %add3A_1324 = arith.addf %mul3A_1321, %add3A_1323 : vector<16xf32>
          %add3A_1325 = arith.addf %max3A_1272, %add3A_1324 : vector<16xf32>
          %swap3A_1326 = arith.index_cast %scan3A_251 : i32 to index
          %swap3A_1327 = arith.constant 128 : index
          %swap3A_1328 = tpu.vector_load %arg5[%swap3A_1326, %swap3A_1327] {strides = array<i32>} : memref<16x256xf32, #tpu.memory_space<vmem>>, vector<1x16xf32>,
          %swap3A_1329 = vector.shape_cast %swap3A_1328 : vector<1x16xf32> to vector<16xf32>
          %swap3A_1330 = vector.shape_cast %add3A_1325 : vector<16xf32> to vector<1x16xf32>
          tpu.vector_store %arg5[%swap3A_1326, %swap3A_1327], %swap3A_1330 {strides = array<i32>} : memref<16x256xf32, #tpu.memory_space<vmem>>, vector<1x16xf32>,
          %get3A_1331 = arith.constant 1 : i32
          %get3A_1332 = arith.constant 0 : i32
          %get3A_1333 = arith.index_cast %get3A_1331 : i32 to index
          %get3A_1334 = arith.index_cast %scan3A_251 : i32 to index
          %get3A_1335 = arith.index_cast %get3A_1332 : i32 to index
          %get3A_1336 = arith.constant 144 : index
          %get3A_1337 = tpu.vector_load %arg4[%get3A_1333, %get3A_1334, %get3A_1335, %get3A_1336] {strides = array<i32>} : memref<2x16x5x256xf32, #tpu.memory_space<vmem>>, vector<1x1x1x16xf32>,
          %get3A_1338 = vector.shape_cast %get3A_1337 : vector<1x1x1x16xf32> to vector<16xf32>
          %add3A_1339 = arith.addf %get3A_1338, %scan3A_261 : vector<16xf32>
          %broadcast_in_dim3A_1340 = vector.shape_cast %add3A_107 : vector<16xi32> to vector<16x1xi32>
          %gather3A_1341 = vector.shape_cast %broadcast_in_dim3A_1340 : vector<16x1xi32> to vector<16xi32>
          %gather3A_1342 = tpu.dynamic_gather %scan3A_254[%gather3A_1341] in [0] : vector<16xf32>, vector<16xi32> -> vector<16xf32>
          %get3A_1343 = arith.constant 1 : i32
          %get3A_1344 = arith.constant 1 : i32
          %get3A_1345 = arith.index_cast %get3A_1343 : i32 to index
          %get3A_1346 = arith.index_cast %scan3A_251 : i32 to index
          %get3A_1347 = arith.index_cast %get3A_1344 : i32 to index
          %get3A_1348 = arith.constant 144 : index
          %get3A_1349 = tpu.vector_load %arg4[%get3A_1345, %get3A_1346, %get3A_1347, %get3A_1348] {strides = array<i32>} : memref<2x16x5x256xf32, #tpu.memory_space<vmem>>, vector<1x1x1x16xf32>,
          %get3A_1350 = vector.shape_cast %get3A_1349 : vector<1x1x1x16xf32> to vector<16xf32>
          %add3A_1351 = arith.addf %get3A_1350, %gather3A_1342 : vector<16xf32>
          %broadcast_in_dim3A_1352 = vector.shape_cast %add3A_107 : vector<16xi32> to vector<16x1xi32>
          %gather3A_1353 = vector.shape_cast %broadcast_in_dim3A_1352 : vector<16x1xi32> to vector<16xi32>
          %gather3A_1354 = tpu.dynamic_gather %scan3A_258[%gather3A_1353] in [0] : vector<16xf32>, vector<16xi32> -> vector<16xf32>
          %get3A_1355 = arith.constant 1 : i32
          %get3A_1356 = arith.constant 2 : i32
          %get3A_1357 = arith.index_cast %get3A_1355 : i32 to index
          %get3A_1358 = arith.index_cast %scan3A_251 : i32 to index
          %get3A_1359 = arith.index_cast %get3A_1356 : i32 to index
          %get3A_1360 = arith.constant 144 : index
          %get3A_1361 = tpu.vector_load %arg4[%get3A_1357, %get3A_1358, %get3A_1359, %get3A_1360] {strides = array<i32>} : memref<2x16x5x256xf32, #tpu.memory_space<vmem>>, vector<1x1x1x16xf32>,
          %get3A_1362 = vector.shape_cast %get3A_1361 : vector<1x1x1x16xf32> to vector<16xf32>
          %add3A_1363 = arith.addf %get3A_1362, %gather3A_1354 : vector<16xf32>
          %broadcast_in_dim3A_1364 = vector.shape_cast %add3A_107 : vector<16xi32> to vector<16x1xi32>
          %gather3A_1365 = vector.shape_cast %broadcast_in_dim3A_1364 : vector<16x1xi32> to vector<16xi32>
          %gather3A_1366 = tpu.dynamic_gather %scan3A_262[%gather3A_1365] in [0] : vector<16xf32>, vector<16xi32> -> vector<16xf32>
          %get3A_1367 = arith.constant 1 : i32
          %get3A_1368 = arith.constant 3 : i32
          %get3A_1369 = arith.index_cast %get3A_1367 : i32 to index
          %get3A_1370 = arith.index_cast %scan3A_251 : i32 to index
          %get3A_1371 = arith.index_cast %get3A_1368 : i32 to index
          %get3A_1372 = arith.constant 144 : index
          %get3A_1373 = tpu.vector_load %arg4[%get3A_1369, %get3A_1370, %get3A_1371, %get3A_1372] {strides = array<i32>} : memref<2x16x5x256xf32, #tpu.memory_space<vmem>>, vector<1x1x1x16xf32>,
          %get3A_1374 = vector.shape_cast %get3A_1373 : vector<1x1x1x16xf32> to vector<16xf32>
          %add3A_1375 = arith.addf %get3A_1374, %gather3A_1366 : vector<16xf32>
          %broadcast_in_dim3A_1376 = vector.shape_cast %add3A_107 : vector<16xi32> to vector<16x1xi32>
          %gather3A_1377 = vector.shape_cast %broadcast_in_dim3A_1376 : vector<16x1xi32> to vector<16xi32>
          %gather3A_1378 = tpu.dynamic_gather %scan3A_266[%gather3A_1377] in [0] : vector<16xf32>, vector<16xi32> -> vector<16xf32>
          %get3A_1379 = arith.constant 1 : i32
          %get3A_1380 = arith.constant 4 : i32
          %get3A_1381 = arith.index_cast %get3A_1379 : i32 to index
          %get3A_1382 = arith.index_cast %scan3A_251 : i32 to index
          %get3A_1383 = arith.index_cast %get3A_1380 : i32 to index
          %get3A_1384 = arith.constant 144 : index
          %get3A_1385 = tpu.vector_load %arg4[%get3A_1381, %get3A_1382, %get3A_1383, %get3A_1384] {strides = array<i32>} : memref<2x16x5x256xf32, #tpu.memory_space<vmem>>, vector<1x1x1x16xf32>,
          %get3A_1386 = vector.shape_cast %get3A_1385 : vector<1x1x1x16xf32> to vector<16xf32>
          %add3A_1387 = arith.addf %get3A_1386, %gather3A_1378 : vector<16xf32>
          %max3A_1388 = arith.maximumf %add3A_1339, %add3A_1351 : vector<16xf32>
          %max3A_1389 = arith.maximumf %add3A_1363, %add3A_1375 : vector<16xf32>
          %max3A_1390 = arith.maximumf %max3A_1388, %max3A_1389 : vector<16xf32>
          %max3A_1391 = arith.maximumf %max3A_1390, %add3A_1387 : vector<16xf32>
          %sub3A_1392 = arith.subf %add3A_1339, %max3A_1391 : vector<16xf32>
          %exp3A_1393 = math.exp %sub3A_1392 : vector<16xf32>
          %sub3A_1394 = arith.subf %add3A_1351, %max3A_1391 : vector<16xf32>
          %exp3A_1395 = math.exp %sub3A_1394 : vector<16xf32>
          %sub3A_1396 = arith.subf %add3A_1363, %max3A_1391 : vector<16xf32>
          %exp3A_1397 = math.exp %sub3A_1396 : vector<16xf32>
          %sub3A_1398 = arith.subf %add3A_1375, %max3A_1391 : vector<16xf32>
          %exp3A_1399 = math.exp %sub3A_1398 : vector<16xf32>
          %sub3A_1400 = arith.subf %add3A_1387, %max3A_1391 : vector<16xf32>
          %exp3A_1401 = math.exp %sub3A_1400 : vector<16xf32>
          %add3A_1402 = arith.addf %exp3A_1393, %exp3A_1395 : vector<16xf32>
          %add3A_1403 = arith.addf %exp3A_1397, %exp3A_1399 : vector<16xf32>
          %add3A_1404 = arith.addf %add3A_1403, %exp3A_1401 : vector<16xf32>
          %add3A_1405 = arith.addf %add3A_1402, %add3A_1404 : vector<16xf32>
          %bitcast_convert_type3A_1406 = tpu.bitcast %add3A_1405 : vector<16xf32> -> vector<16xi32>
          %shift_right_arithmetic3A_1407 = arith.constant 23 : i32
          %shift_right_arithmetic3A_1408 = vector.broadcast %shift_right_arithmetic3A_1407 : i32 to vector<16xi32>
          %shift_right_arithmetic3A_1409 = arith.shrsi %bitcast_convert_type3A_1406, %shift_right_arithmetic3A_1408 : vector<16xi32>
          %sub3A_1410 = arith.constant 127 : i32
          %sub3A_1411 = vector.broadcast %sub3A_1410 : i32 to vector<16xi32>
          %sub3A_1412 = arith.subi %shift_right_arithmetic3A_1409, %sub3A_1411 : vector<16xi32>
          %and3A_1413 = arith.constant 8388607 : i32
          %and3A_1414 = vector.broadcast %and3A_1413 : i32 to vector<16xi32>
          %and3A_1415 = arith.andi %bitcast_convert_type3A_1406, %and3A_1414 : vector<16xi32>
          %or3A_1416 = arith.constant 1065353216 : i32
          %or3A_1417 = vector.broadcast %or3A_1416 : i32 to vector<16xi32>
          %or3A_1418 = arith.ori %and3A_1415, %or3A_1417 : vector<16xi32>
          %bitcast_convert_type3A_1419 = tpu.bitcast %or3A_1418 : vector<16xi32> -> vector<16xf32>
          %mul3A_1420 = arith.mulf %bitcast_convert_type3A_1419, %bitcast_convert_type3A_1419 : vector<16xf32>
          %mul3A_1421 = arith.constant -0.0548628531 : f32
          %mul3A_1422 = vector.broadcast %mul3A_1421 : f32 to vector<16xf32>
          %mul3A_1423 = arith.mulf %mul3A_1422, %mul3A_1420 : vector<16xf32>
          %mul3A_1424 = arith.constant 0.435861856 : f32
          %mul3A_1425 = vector.broadcast %mul3A_1424 : f32 to vector<16xf32>
          %mul3A_1426 = arith.mulf %mul3A_1425, %bitcast_convert_type3A_1419 : vector<16xf32>
          %add3A_1427 = arith.constant -1.44248104 : f32
          %add3A_1428 = vector.broadcast %add3A_1427 : f32 to vector<16xf32>
          %add3A_1429 = arith.addf %mul3A_1426, %add3A_1428 : vector<16xf32>
          %add3A_1430 = arith.addf %mul3A_1423, %add3A_1429 : vector<16xf32>
          %mul3A_1431 = arith.constant 2.79225516 : f32
          %mul3A_1432 = vector.broadcast %mul3A_1431 : f32 to vector<16xf32>
          %mul3A_1433 = arith.mulf %mul3A_1432, %bitcast_convert_type3A_1419 : vector<16xf32>
          %add3A_1434 = arith.constant -1.73063171 : f32
          %add3A_1435 = vector.broadcast %add3A_1434 : f32 to vector<16xf32>
          %add3A_1436 = arith.addf %mul3A_1433, %add3A_1435 : vector<16xf32>
          %convert_element_type3A_1437 = arith.sitofp %sub3A_1412 : vector<16xi32> to vector<16xf32>
          %mul3A_1438 = arith.constant 0.693147182 : f32
          %mul3A_1439 = vector.broadcast %mul3A_1438 : f32 to vector<16xf32>
          %mul3A_1440 = arith.mulf %mul3A_1439, %convert_element_type3A_1437 : vector<16xf32>
          %mul3A_1441 = arith.mulf %add3A_1430, %mul3A_1420 : vector<16xf32>
          %add3A_1442 = arith.addf %mul3A_1441, %add3A_1436 : vector<16xf32>
          %add3A_1443 = arith.addf %mul3A_1440, %add3A_1442 : vector<16xf32>
          %add3A_1444 = arith.addf %max3A_1391, %add3A_1443 : vector<16xf32>
          %swap3A_1445 = arith.index_cast %scan3A_251 : i32 to index
          %swap3A_1446 = arith.constant 144 : index
          %swap3A_1447 = tpu.vector_load %arg5[%swap3A_1445, %swap3A_1446] {strides = array<i32>} : memref<16x256xf32, #tpu.memory_space<vmem>>, vector<1x16xf32>,
          %swap3A_1448 = vector.shape_cast %swap3A_1447 : vector<1x16xf32> to vector<16xf32>
          %swap3A_1449 = vector.shape_cast %add3A_1444 : vector<16xf32> to vector<1x16xf32>
          tpu.vector_store %arg5[%swap3A_1445, %swap3A_1446], %swap3A_1449 {strides = array<i32>} : memref<16x256xf32, #tpu.memory_space<vmem>>, vector<1x16xf32>,
          %get3A_1450 = arith.constant 1 : i32
          %get3A_1451 = arith.constant 0 : i32
          %get3A_1452 = arith.index_cast %get3A_1450 : i32 to index
          %get3A_1453 = arith.index_cast %scan3A_251 : i32 to index
          %get3A_1454 = arith.index_cast %get3A_1451 : i32 to index
          %get3A_1455 = arith.constant 160 : index
          %get3A_1456 = tpu.vector_load %arg4[%get3A_1452, %get3A_1453, %get3A_1454, %get3A_1455] {strides = array<i32>} : memref<2x16x5x256xf32, #tpu.memory_space<vmem>>, vector<1x1x1x16xf32>,
          %get3A_1457 = vector.shape_cast %get3A_1456 : vector<1x1x1x16xf32> to vector<16xf32>
          %add3A_1458 = arith.addf %get3A_1457, %scan3A_262 : vector<16xf32>
          %broadcast_in_dim3A_1459 = vector.shape_cast %add3A_110 : vector<16xi32> to vector<16x1xi32>
          %gather3A_1460 = vector.shape_cast %broadcast_in_dim3A_1459 : vector<16x1xi32> to vector<16xi32>
          %gather3A_1461 = tpu.dynamic_gather %scan3A_254[%gather3A_1460] in [0] : vector<16xf32>, vector<16xi32> -> vector<16xf32>
          %get3A_1462 = arith.constant 1 : i32
          %get3A_1463 = arith.constant 1 : i32
          %get3A_1464 = arith.index_cast %get3A_1462 : i32 to index
          %get3A_1465 = arith.index_cast %scan3A_251 : i32 to index
          %get3A_1466 = arith.index_cast %get3A_1463 : i32 to index
          %get3A_1467 = arith.constant 160 : index
          %get3A_1468 = tpu.vector_load %arg4[%get3A_1464, %get3A_1465, %get3A_1466, %get3A_1467] {strides = array<i32>} : memref<2x16x5x256xf32, #tpu.memory_space<vmem>>, vector<1x1x1x16xf32>,
          %get3A_1469 = vector.shape_cast %get3A_1468 : vector<1x1x1x16xf32> to vector<16xf32>
          %add3A_1470 = arith.addf %get3A_1469, %gather3A_1461 : vector<16xf32>
          %broadcast_in_dim3A_1471 = vector.shape_cast %add3A_110 : vector<16xi32> to vector<16x1xi32>
          %gather3A_1472 = vector.shape_cast %broadcast_in_dim3A_1471 : vector<16x1xi32> to vector<16xi32>
          %gather3A_1473 = tpu.dynamic_gather %scan3A_258[%gather3A_1472] in [0] : vector<16xf32>, vector<16xi32> -> vector<16xf32>
          %get3A_1474 = arith.constant 1 : i32
          %get3A_1475 = arith.constant 2 : i32
          %get3A_1476 = arith.index_cast %get3A_1474 : i32 to index
          %get3A_1477 = arith.index_cast %scan3A_251 : i32 to index
          %get3A_1478 = arith.index_cast %get3A_1475 : i32 to index
          %get3A_1479 = arith.constant 160 : index
          %get3A_1480 = tpu.vector_load %arg4[%get3A_1476, %get3A_1477, %get3A_1478, %get3A_1479] {strides = array<i32>} : memref<2x16x5x256xf32, #tpu.memory_space<vmem>>, vector<1x1x1x16xf32>,
          %get3A_1481 = vector.shape_cast %get3A_1480 : vector<1x1x1x16xf32> to vector<16xf32>
          %add3A_1482 = arith.addf %get3A_1481, %gather3A_1473 : vector<16xf32>
          %broadcast_in_dim3A_1483 = vector.shape_cast %add3A_110 : vector<16xi32> to vector<16x1xi32>
          %gather3A_1484 = vector.shape_cast %broadcast_in_dim3A_1483 : vector<16x1xi32> to vector<16xi32>
          %gather3A_1485 = tpu.dynamic_gather %scan3A_262[%gather3A_1484] in [0] : vector<16xf32>, vector<16xi32> -> vector<16xf32>
          %get3A_1486 = arith.constant 1 : i32
          %get3A_1487 = arith.constant 3 : i32
          %get3A_1488 = arith.index_cast %get3A_1486 : i32 to index
          %get3A_1489 = arith.index_cast %scan3A_251 : i32 to index
          %get3A_1490 = arith.index_cast %get3A_1487 : i32 to index
          %get3A_1491 = arith.constant 160 : index
          %get3A_1492 = tpu.vector_load %arg4[%get3A_1488, %get3A_1489, %get3A_1490, %get3A_1491] {strides = array<i32>} : memref<2x16x5x256xf32, #tpu.memory_space<vmem>>, vector<1x1x1x16xf32>,
          %get3A_1493 = vector.shape_cast %get3A_1492 : vector<1x1x1x16xf32> to vector<16xf32>
          %add3A_1494 = arith.addf %get3A_1493, %gather3A_1485 : vector<16xf32>
          %broadcast_in_dim3A_1495 = vector.shape_cast %add3A_110 : vector<16xi32> to vector<16x1xi32>
          %gather3A_1496 = vector.shape_cast %broadcast_in_dim3A_1495 : vector<16x1xi32> to vector<16xi32>
          %gather3A_1497 = tpu.dynamic_gather %scan3A_266[%gather3A_1496] in [0] : vector<16xf32>, vector<16xi32> -> vector<16xf32>
          %get3A_1498 = arith.constant 1 : i32
          %get3A_1499 = arith.constant 4 : i32
          %get3A_1500 = arith.index_cast %get3A_1498 : i32 to index
          %get3A_1501 = arith.index_cast %scan3A_251 : i32 to index
          %get3A_1502 = arith.index_cast %get3A_1499 : i32 to index
          %get3A_1503 = arith.constant 160 : index
          %get3A_1504 = tpu.vector_load %arg4[%get3A_1500, %get3A_1501, %get3A_1502, %get3A_1503] {strides = array<i32>} : memref<2x16x5x256xf32, #tpu.memory_space<vmem>>, vector<1x1x1x16xf32>,
          %get3A_1505 = vector.shape_cast %get3A_1504 : vector<1x1x1x16xf32> to vector<16xf32>
          %add3A_1506 = arith.addf %get3A_1505, %gather3A_1497 : vector<16xf32>
          %max3A_1507 = arith.maximumf %add3A_1458, %add3A_1470 : vector<16xf32>
          %max3A_1508 = arith.maximumf %add3A_1482, %add3A_1494 : vector<16xf32>
          %max3A_1509 = arith.maximumf %max3A_1507, %max3A_1508 : vector<16xf32>
          %max3A_1510 = arith.maximumf %max3A_1509, %add3A_1506 : vector<16xf32>
          %sub3A_1511 = arith.subf %add3A_1458, %max3A_1510 : vector<16xf32>
          %exp3A_1512 = math.exp %sub3A_1511 : vector<16xf32>
          %sub3A_1513 = arith.subf %add3A_1470, %max3A_1510 : vector<16xf32>
          %exp3A_1514 = math.exp %sub3A_1513 : vector<16xf32>
          %sub3A_1515 = arith.subf %add3A_1482, %max3A_1510 : vector<16xf32>
          %exp3A_1516 = math.exp %sub3A_1515 : vector<16xf32>
          %sub3A_1517 = arith.subf %add3A_1494, %max3A_1510 : vector<16xf32>
          %exp3A_1518 = math.exp %sub3A_1517 : vector<16xf32>
          %sub3A_1519 = arith.subf %add3A_1506, %max3A_1510 : vector<16xf32>
          %exp3A_1520 = math.exp %sub3A_1519 : vector<16xf32>
          %add3A_1521 = arith.addf %exp3A_1512, %exp3A_1514 : vector<16xf32>
          %add3A_1522 = arith.addf %exp3A_1516, %exp3A_1518 : vector<16xf32>
          %add3A_1523 = arith.addf %add3A_1522, %exp3A_1520 : vector<16xf32>
          %add3A_1524 = arith.addf %add3A_1521, %add3A_1523 : vector<16xf32>
          %bitcast_convert_type3A_1525 = tpu.bitcast %add3A_1524 : vector<16xf32> -> vector<16xi32>
          %shift_right_arithmetic3A_1526 = arith.constant 23 : i32
          %shift_right_arithmetic3A_1527 = vector.broadcast %shift_right_arithmetic3A_1526 : i32 to vector<16xi32>
          %shift_right_arithmetic3A_1528 = arith.shrsi %bitcast_convert_type3A_1525, %shift_right_arithmetic3A_1527 : vector<16xi32>
          %sub3A_1529 = arith.constant 127 : i32
          %sub3A_1530 = vector.broadcast %sub3A_1529 : i32 to vector<16xi32>
          %sub3A_1531 = arith.subi %shift_right_arithmetic3A_1528, %sub3A_1530 : vector<16xi32>
          %and3A_1532 = arith.constant 8388607 : i32
          %and3A_1533 = vector.broadcast %and3A_1532 : i32 to vector<16xi32>
          %and3A_1534 = arith.andi %bitcast_convert_type3A_1525, %and3A_1533 : vector<16xi32>
          %or3A_1535 = arith.constant 1065353216 : i32
          %or3A_1536 = vector.broadcast %or3A_1535 : i32 to vector<16xi32>
          %or3A_1537 = arith.ori %and3A_1534, %or3A_1536 : vector<16xi32>
          %bitcast_convert_type3A_1538 = tpu.bitcast %or3A_1537 : vector<16xi32> -> vector<16xf32>
          %mul3A_1539 = arith.mulf %bitcast_convert_type3A_1538, %bitcast_convert_type3A_1538 : vector<16xf32>
          %mul3A_1540 = arith.constant -0.0548628531 : f32
          %mul3A_1541 = vector.broadcast %mul3A_1540 : f32 to vector<16xf32>
          %mul3A_1542 = arith.mulf %mul3A_1541, %mul3A_1539 : vector<16xf32>
          %mul3A_1543 = arith.constant 0.435861856 : f32
          %mul3A_1544 = vector.broadcast %mul3A_1543 : f32 to vector<16xf32>
          %mul3A_1545 = arith.mulf %mul3A_1544, %bitcast_convert_type3A_1538 : vector<16xf32>
          %add3A_1546 = arith.constant -1.44248104 : f32
          %add3A_1547 = vector.broadcast %add3A_1546 : f32 to vector<16xf32>
          %add3A_1548 = arith.addf %mul3A_1545, %add3A_1547 : vector<16xf32>
          %add3A_1549 = arith.addf %mul3A_1542, %add3A_1548 : vector<16xf32>
          %mul3A_1550 = arith.constant 2.79225516 : f32
          %mul3A_1551 = vector.broadcast %mul3A_1550 : f32 to vector<16xf32>
          %mul3A_1552 = arith.mulf %mul3A_1551, %bitcast_convert_type3A_1538 : vector<16xf32>
          %add3A_1553 = arith.constant -1.73063171 : f32
          %add3A_1554 = vector.broadcast %add3A_1553 : f32 to vector<16xf32>
          %add3A_1555 = arith.addf %mul3A_1552, %add3A_1554 : vector<16xf32>
          %convert_element_type3A_1556 = arith.sitofp %sub3A_1531 : vector<16xi32> to vector<16xf32>
          %mul3A_1557 = arith.constant 0.693147182 : f32
          %mul3A_1558 = vector.broadcast %mul3A_1557 : f32 to vector<16xf32>
          %mul3A_1559 = arith.mulf %mul3A_1558, %convert_element_type3A_1556 : vector<16xf32>
          %mul3A_1560 = arith.mulf %add3A_1549, %mul3A_1539 : vector<16xf32>
          %add3A_1561 = arith.addf %mul3A_1560, %add3A_1555 : vector<16xf32>
          %add3A_1562 = arith.addf %mul3A_1559, %add3A_1561 : vector<16xf32>
          %add3A_1563 = arith.addf %max3A_1510, %add3A_1562 : vector<16xf32>
          %swap3A_1564 = arith.index_cast %scan3A_251 : i32 to index
          %swap3A_1565 = arith.constant 160 : index
          %swap3A_1566 = tpu.vector_load %arg5[%swap3A_1564, %swap3A_1565] {strides = array<i32>} : memref<16x256xf32, #tpu.memory_space<vmem>>, vector<1x16xf32>,
          %swap3A_1567 = vector.shape_cast %swap3A_1566 : vector<1x16xf32> to vector<16xf32>
          %swap3A_1568 = vector.shape_cast %add3A_1563 : vector<16xf32> to vector<1x16xf32>
          tpu.vector_store %arg5[%swap3A_1564, %swap3A_1565], %swap3A_1568 {strides = array<i32>} : memref<16x256xf32, #tpu.memory_space<vmem>>, vector<1x16xf32>,
          %get3A_1569 = arith.constant 1 : i32
          %get3A_1570 = arith.constant 0 : i32
          %get3A_1571 = arith.index_cast %get3A_1569 : i32 to index
          %get3A_1572 = arith.index_cast %scan3A_251 : i32 to index
          %get3A_1573 = arith.index_cast %get3A_1570 : i32 to index
          %get3A_1574 = arith.constant 176 : index
          %get3A_1575 = tpu.vector_load %arg4[%get3A_1571, %get3A_1572, %get3A_1573, %get3A_1574] {strides = array<i32>} : memref<2x16x5x256xf32, #tpu.memory_space<vmem>>, vector<1x1x1x16xf32>,
          %get3A_1576 = vector.shape_cast %get3A_1575 : vector<1x1x1x16xf32> to vector<16xf32>
          %add3A_1577 = arith.addf %get3A_1576, %scan3A_263 : vector<16xf32>
          %broadcast_in_dim3A_1578 = vector.shape_cast %add3A_113 : vector<16xi32> to vector<16x1xi32>
          %gather3A_1579 = vector.shape_cast %broadcast_in_dim3A_1578 : vector<16x1xi32> to vector<16xi32>
          %gather3A_1580 = tpu.dynamic_gather %scan3A_254[%gather3A_1579] in [0] : vector<16xf32>, vector<16xi32> -> vector<16xf32>
          %get3A_1581 = arith.constant 1 : i32
          %get3A_1582 = arith.constant 1 : i32
          %get3A_1583 = arith.index_cast %get3A_1581 : i32 to index
          %get3A_1584 = arith.index_cast %scan3A_251 : i32 to index
          %get3A_1585 = arith.index_cast %get3A_1582 : i32 to index
          %get3A_1586 = arith.constant 176 : index
          %get3A_1587 = tpu.vector_load %arg4[%get3A_1583, %get3A_1584, %get3A_1585, %get3A_1586] {strides = array<i32>} : memref<2x16x5x256xf32, #tpu.memory_space<vmem>>, vector<1x1x1x16xf32>,
          %get3A_1588 = vector.shape_cast %get3A_1587 : vector<1x1x1x16xf32> to vector<16xf32>
          %add3A_1589 = arith.addf %get3A_1588, %gather3A_1580 : vector<16xf32>
          %broadcast_in_dim3A_1590 = vector.shape_cast %add3A_113 : vector<16xi32> to vector<16x1xi32>
          %gather3A_1591 = vector.shape_cast %broadcast_in_dim3A_1590 : vector<16x1xi32> to vector<16xi32>
          %gather3A_1592 = tpu.dynamic_gather %scan3A_258[%gather3A_1591] in [0] : vector<16xf32>, vector<16xi32> -> vector<16xf32>
          %get3A_1593 = arith.constant 1 : i32
          %get3A_1594 = arith.constant 2 : i32
          %get3A_1595 = arith.index_cast %get3A_1593 : i32 to index
          %get3A_1596 = arith.index_cast %scan3A_251 : i32 to index
          %get3A_1597 = arith.index_cast %get3A_1594 : i32 to index
          %get3A_1598 = arith.constant 176 : index
          %get3A_1599 = tpu.vector_load %arg4[%get3A_1595, %get3A_1596, %get3A_1597, %get3A_1598] {strides = array<i32>} : memref<2x16x5x256xf32, #tpu.memory_space<vmem>>, vector<1x1x1x16xf32>,
          %get3A_1600 = vector.shape_cast %get3A_1599 : vector<1x1x1x16xf32> to vector<16xf32>
          %add3A_1601 = arith.addf %get3A_1600, %gather3A_1592 : vector<16xf32>
          %broadcast_in_dim3A_1602 = vector.shape_cast %add3A_113 : vector<16xi32> to vector<16x1xi32>
          %gather3A_1603 = vector.shape_cast %broadcast_in_dim3A_1602 : vector<16x1xi32> to vector<16xi32>
          %gather3A_1604 = tpu.dynamic_gather %scan3A_262[%gather3A_1603] in [0] : vector<16xf32>, vector<16xi32> -> vector<16xf32>
          %get3A_1605 = arith.constant 1 : i32
          %get3A_1606 = arith.constant 3 : i32
          %get3A_1607 = arith.index_cast %get3A_1605 : i32 to index
          %get3A_1608 = arith.index_cast %scan3A_251 : i32 to index
          %get3A_1609 = arith.index_cast %get3A_1606 : i32 to index
          %get3A_1610 = arith.constant 176 : index
          %get3A_1611 = tpu.vector_load %arg4[%get3A_1607, %get3A_1608, %get3A_1609, %get3A_1610] {strides = array<i32>} : memref<2x16x5x256xf32, #tpu.memory_space<vmem>>, vector<1x1x1x16xf32>,
          %get3A_1612 = vector.shape_cast %get3A_1611 : vector<1x1x1x16xf32> to vector<16xf32>
          %add3A_1613 = arith.addf %get3A_1612, %gather3A_1604 : vector<16xf32>
          %broadcast_in_dim3A_1614 = vector.shape_cast %add3A_113 : vector<16xi32> to vector<16x1xi32>
          %gather3A_1615 = vector.shape_cast %broadcast_in_dim3A_1614 : vector<16x1xi32> to vector<16xi32>
          %gather3A_1616 = tpu.dynamic_gather %scan3A_266[%gather3A_1615] in [0] : vector<16xf32>, vector<16xi32> -> vector<16xf32>
          %get3A_1617 = arith.constant 1 : i32
          %get3A_1618 = arith.constant 4 : i32
          %get3A_1619 = arith.index_cast %get3A_1617 : i32 to index
          %get3A_1620 = arith.index_cast %scan3A_251 : i32 to index
          %get3A_1621 = arith.index_cast %get3A_1618 : i32 to index
          %get3A_1622 = arith.constant 176 : index
          %get3A_1623 = tpu.vector_load %arg4[%get3A_1619, %get3A_1620, %get3A_1621, %get3A_1622] {strides = array<i32>} : memref<2x16x5x256xf32, #tpu.memory_space<vmem>>, vector<1x1x1x16xf32>,
          %get3A_1624 = vector.shape_cast %get3A_1623 : vector<1x1x1x16xf32> to vector<16xf32>
          %add3A_1625 = arith.addf %get3A_1624, %gather3A_1616 : vector<16xf32>
          %max3A_1626 = arith.maximumf %add3A_1577, %add3A_1589 : vector<16xf32>
          %max3A_1627 = arith.maximumf %add3A_1601, %add3A_1613 : vector<16xf32>
          %max3A_1628 = arith.maximumf %max3A_1626, %max3A_1627 : vector<16xf32>
          %max3A_1629 = arith.maximumf %max3A_1628, %add3A_1625 : vector<16xf32>
          %sub3A_1630 = arith.subf %add3A_1577, %max3A_1629 : vector<16xf32>
          %exp3A_1631 = math.exp %sub3A_1630 : vector<16xf32>
          %sub3A_1632 = arith.subf %add3A_1589, %max3A_1629 : vector<16xf32>
          %exp3A_1633 = math.exp %sub3A_1632 : vector<16xf32>
          %sub3A_1634 = arith.subf %add3A_1601, %max3A_1629 : vector<16xf32>
          %exp3A_1635 = math.exp %sub3A_1634 : vector<16xf32>
          %sub3A_1636 = arith.subf %add3A_1613, %max3A_1629 : vector<16xf32>
          %exp3A_1637 = math.exp %sub3A_1636 : vector<16xf32>
          %sub3A_1638 = arith.subf %add3A_1625, %max3A_1629 : vector<16xf32>
          %exp3A_1639 = math.exp %sub3A_1638 : vector<16xf32>
          %add3A_1640 = arith.addf %exp3A_1631, %exp3A_1633 : vector<16xf32>
          %add3A_1641 = arith.addf %exp3A_1635, %exp3A_1637 : vector<16xf32>
          %add3A_1642 = arith.addf %add3A_1641, %exp3A_1639 : vector<16xf32>
          %add3A_1643 = arith.addf %add3A_1640, %add3A_1642 : vector<16xf32>
          %bitcast_convert_type3A_1644 = tpu.bitcast %add3A_1643 : vector<16xf32> -> vector<16xi32>
          %shift_right_arithmetic3A_1645 = arith.constant 23 : i32
          %shift_right_arithmetic3A_1646 = vector.broadcast %shift_right_arithmetic3A_1645 : i32 to vector<16xi32>
          %shift_right_arithmetic3A_1647 = arith.shrsi %bitcast_convert_type3A_1644, %shift_right_arithmetic3A_1646 : vector<16xi32>
          %sub3A_1648 = arith.constant 127 : i32
          %sub3A_1649 = vector.broadcast %sub3A_1648 : i32 to vector<16xi32>
          %sub3A_1650 = arith.subi %shift_right_arithmetic3A_1647, %sub3A_1649 : vector<16xi32>
          %and3A_1651 = arith.constant 8388607 : i32
          %and3A_1652 = vector.broadcast %and3A_1651 : i32 to vector<16xi32>
          %and3A_1653 = arith.andi %bitcast_convert_type3A_1644, %and3A_1652 : vector<16xi32>
          %or3A_1654 = arith.constant 1065353216 : i32
          %or3A_1655 = vector.broadcast %or3A_1654 : i32 to vector<16xi32>
          %or3A_1656 = arith.ori %and3A_1653, %or3A_1655 : vector<16xi32>
          %bitcast_convert_type3A_1657 = tpu.bitcast %or3A_1656 : vector<16xi32> -> vector<16xf32>
          %mul3A_1658 = arith.mulf %bitcast_convert_type3A_1657, %bitcast_convert_type3A_1657 : vector<16xf32>
          %mul3A_1659 = arith.constant -0.0548628531 : f32
          %mul3A_1660 = vector.broadcast %mul3A_1659 : f32 to vector<16xf32>
          %mul3A_1661 = arith.mulf %mul3A_1660, %mul3A_1658 : vector<16xf32>
          %mul3A_1662 = arith.constant 0.435861856 : f32
          %mul3A_1663 = vector.broadcast %mul3A_1662 : f32 to vector<16xf32>
          %mul3A_1664 = arith.mulf %mul3A_1663, %bitcast_convert_type3A_1657 : vector<16xf32>
          %add3A_1665 = arith.constant -1.44248104 : f32
          %add3A_1666 = vector.broadcast %add3A_1665 : f32 to vector<16xf32>
          %add3A_1667 = arith.addf %mul3A_1664, %add3A_1666 : vector<16xf32>
          %add3A_1668 = arith.addf %mul3A_1661, %add3A_1667 : vector<16xf32>
          %mul3A_1669 = arith.constant 2.79225516 : f32
          %mul3A_1670 = vector.broadcast %mul3A_1669 : f32 to vector<16xf32>
          %mul3A_1671 = arith.mulf %mul3A_1670, %bitcast_convert_type3A_1657 : vector<16xf32>
          %add3A_1672 = arith.constant -1.73063171 : f32
          %add3A_1673 = vector.broadcast %add3A_1672 : f32 to vector<16xf32>
          %add3A_1674 = arith.addf %mul3A_1671, %add3A_1673 : vector<16xf32>
          %convert_element_type3A_1675 = arith.sitofp %sub3A_1650 : vector<16xi32> to vector<16xf32>
          %mul3A_1676 = arith.constant 0.693147182 : f32
          %mul3A_1677 = vector.broadcast %mul3A_1676 : f32 to vector<16xf32>
          %mul3A_1678 = arith.mulf %mul3A_1677, %convert_element_type3A_1675 : vector<16xf32>
          %mul3A_1679 = arith.mulf %add3A_1668, %mul3A_1658 : vector<16xf32>
          %add3A_1680 = arith.addf %mul3A_1679, %add3A_1674 : vector<16xf32>
          %add3A_1681 = arith.addf %mul3A_1678, %add3A_1680 : vector<16xf32>
          %add3A_1682 = arith.addf %max3A_1629, %add3A_1681 : vector<16xf32>
          %swap3A_1683 = arith.index_cast %scan3A_251 : i32 to index
          %swap3A_1684 = arith.constant 176 : index
          %swap3A_1685 = tpu.vector_load %arg5[%swap3A_1683, %swap3A_1684] {strides = array<i32>} : memref<16x256xf32, #tpu.memory_space<vmem>>, vector<1x16xf32>,
          %swap3A_1686 = vector.shape_cast %swap3A_1685 : vector<1x16xf32> to vector<16xf32>
          %swap3A_1687 = vector.shape_cast %add3A_1682 : vector<16xf32> to vector<1x16xf32>
          tpu.vector_store %arg5[%swap3A_1683, %swap3A_1684], %swap3A_1687 {strides = array<i32>} : memref<16x256xf32, #tpu.memory_space<vmem>>, vector<1x16xf32>,
          %get3A_1688 = arith.constant 1 : i32
          %get3A_1689 = arith.constant 0 : i32
          %get3A_1690 = arith.index_cast %get3A_1688 : i32 to index
          %get3A_1691 = arith.index_cast %scan3A_251 : i32 to index
          %get3A_1692 = arith.index_cast %get3A_1689 : i32 to index
          %get3A_1693 = arith.constant 192 : index
          %get3A_1694 = tpu.vector_load %arg4[%get3A_1690, %get3A_1691, %get3A_1692, %get3A_1693] {strides = array<i32>} : memref<2x16x5x256xf32, #tpu.memory_space<vmem>>, vector<1x1x1x16xf32>,
          %get3A_1695 = vector.shape_cast %get3A_1694 : vector<1x1x1x16xf32> to vector<16xf32>
          %add3A_1696 = arith.addf %get3A_1695, %scan3A_264 : vector<16xf32>
          %broadcast_in_dim3A_1697 = vector.shape_cast %add3A_104 : vector<16xi32> to vector<16x1xi32>
          %gather3A_1698 = vector.shape_cast %broadcast_in_dim3A_1697 : vector<16x1xi32> to vector<16xi32>
          %gather3A_1699 = tpu.dynamic_gather %scan3A_255[%gather3A_1698] in [0] : vector<16xf32>, vector<16xi32> -> vector<16xf32>
          %get3A_1700 = arith.constant 1 : i32
          %get3A_1701 = arith.constant 1 : i32
          %get3A_1702 = arith.index_cast %get3A_1700 : i32 to index
          %get3A_1703 = arith.index_cast %scan3A_251 : i32 to index
          %get3A_1704 = arith.index_cast %get3A_1701 : i32 to index
          %get3A_1705 = arith.constant 192 : index
          %get3A_1706 = tpu.vector_load %arg4[%get3A_1702, %get3A_1703, %get3A_1704, %get3A_1705] {strides = array<i32>} : memref<2x16x5x256xf32, #tpu.memory_space<vmem>>, vector<1x1x1x16xf32>,
          %get3A_1707 = vector.shape_cast %get3A_1706 : vector<1x1x1x16xf32> to vector<16xf32>
          %add3A_1708 = arith.addf %get3A_1707, %gather3A_1699 : vector<16xf32>
          %broadcast_in_dim3A_1709 = vector.shape_cast %add3A_104 : vector<16xi32> to vector<16x1xi32>
          %gather3A_1710 = vector.shape_cast %broadcast_in_dim3A_1709 : vector<16x1xi32> to vector<16xi32>
          %gather3A_1711 = tpu.dynamic_gather %scan3A_259[%gather3A_1710] in [0] : vector<16xf32>, vector<16xi32> -> vector<16xf32>
          %get3A_1712 = arith.constant 1 : i32
          %get3A_1713 = arith.constant 2 : i32
          %get3A_1714 = arith.index_cast %get3A_1712 : i32 to index
          %get3A_1715 = arith.index_cast %scan3A_251 : i32 to index
          %get3A_1716 = arith.index_cast %get3A_1713 : i32 to index
          %get3A_1717 = arith.constant 192 : index
          %get3A_1718 = tpu.vector_load %arg4[%get3A_1714, %get3A_1715, %get3A_1716, %get3A_1717] {strides = array<i32>} : memref<2x16x5x256xf32, #tpu.memory_space<vmem>>, vector<1x1x1x16xf32>,
          %get3A_1719 = vector.shape_cast %get3A_1718 : vector<1x1x1x16xf32> to vector<16xf32>
          %add3A_1720 = arith.addf %get3A_1719, %gather3A_1711 : vector<16xf32>
          %broadcast_in_dim3A_1721 = vector.shape_cast %add3A_104 : vector<16xi32> to vector<16x1xi32>
          %gather3A_1722 = vector.shape_cast %broadcast_in_dim3A_1721 : vector<16x1xi32> to vector<16xi32>
          %gather3A_1723 = tpu.dynamic_gather %scan3A_263[%gather3A_1722] in [0] : vector<16xf32>, vector<16xi32> -> vector<16xf32>
          %get3A_1724 = arith.constant 1 : i32
          %get3A_1725 = arith.constant 3 : i32
          %get3A_1726 = arith.index_cast %get3A_1724 : i32 to index
          %get3A_1727 = arith.index_cast %scan3A_251 : i32 to index
          %get3A_1728 = arith.index_cast %get3A_1725 : i32 to index
          %get3A_1729 = arith.constant 192 : index
          %get3A_1730 = tpu.vector_load %arg4[%get3A_1726, %get3A_1727, %get3A_1728, %get3A_1729] {strides = array<i32>} : memref<2x16x5x256xf32, #tpu.memory_space<vmem>>, vector<1x1x1x16xf32>,
          %get3A_1731 = vector.shape_cast %get3A_1730 : vector<1x1x1x16xf32> to vector<16xf32>
          %add3A_1732 = arith.addf %get3A_1731, %gather3A_1723 : vector<16xf32>
          %broadcast_in_dim3A_1733 = vector.shape_cast %add3A_104 : vector<16xi32> to vector<16x1xi32>
          %gather3A_1734 = vector.shape_cast %broadcast_in_dim3A_1733 : vector<16x1xi32> to vector<16xi32>
          %gather3A_1735 = tpu.dynamic_gather %scan3A_267[%gather3A_1734] in [0] : vector<16xf32>, vector<16xi32> -> vector<16xf32>
          %get3A_1736 = arith.constant 1 : i32
          %get3A_1737 = arith.constant 4 : i32
          %get3A_1738 = arith.index_cast %get3A_1736 : i32 to index
          %get3A_1739 = arith.index_cast %scan3A_251 : i32 to index
          %get3A_1740 = arith.index_cast %get3A_1737 : i32 to index
          %get3A_1741 = arith.constant 192 : index
          %get3A_1742 = tpu.vector_load %arg4[%get3A_1738, %get3A_1739, %get3A_1740, %get3A_1741] {strides = array<i32>} : memref<2x16x5x256xf32, #tpu.memory_space<vmem>>, vector<1x1x1x16xf32>,
          %get3A_1743 = vector.shape_cast %get3A_1742 : vector<1x1x1x16xf32> to vector<16xf32>
          %add3A_1744 = arith.addf %get3A_1743, %gather3A_1735 : vector<16xf32>
          %max3A_1745 = arith.maximumf %add3A_1696, %add3A_1708 : vector<16xf32>
          %max3A_1746 = arith.maximumf %add3A_1720, %add3A_1732 : vector<16xf32>
          %max3A_1747 = arith.maximumf %max3A_1745, %max3A_1746 : vector<16xf32>
          %max3A_1748 = arith.maximumf %max3A_1747, %add3A_1744 : vector<16xf32>
          %sub3A_1749 = arith.subf %add3A_1696, %max3A_1748 : vector<16xf32>
          %exp3A_1750 = math.exp %sub3A_1749 : vector<16xf32>
          %sub3A_1751 = arith.subf %add3A_1708, %max3A_1748 : vector<16xf32>
          %exp3A_1752 = math.exp %sub3A_1751 : vector<16xf32>
          %sub3A_1753 = arith.subf %add3A_1720, %max3A_1748 : vector<16xf32>
          %exp3A_1754 = math.exp %sub3A_1753 : vector<16xf32>
          %sub3A_1755 = arith.subf %add3A_1732, %max3A_1748 : vector<16xf32>
          %exp3A_1756 = math.exp %sub3A_1755 : vector<16xf32>
          %sub3A_1757 = arith.subf %add3A_1744, %max3A_1748 : vector<16xf32>
          %exp3A_1758 = math.exp %sub3A_1757 : vector<16xf32>
          %add3A_1759 = arith.addf %exp3A_1750, %exp3A_1752 : vector<16xf32>
          %add3A_1760 = arith.addf %exp3A_1754, %exp3A_1756 : vector<16xf32>
          %add3A_1761 = arith.addf %add3A_1760, %exp3A_1758 : vector<16xf32>
          %add3A_1762 = arith.addf %add3A_1759, %add3A_1761 : vector<16xf32>
          %bitcast_convert_type3A_1763 = tpu.bitcast %add3A_1762 : vector<16xf32> -> vector<16xi32>
          %shift_right_arithmetic3A_1764 = arith.constant 23 : i32
          %shift_right_arithmetic3A_1765 = vector.broadcast %shift_right_arithmetic3A_1764 : i32 to vector<16xi32>
          %shift_right_arithmetic3A_1766 = arith.shrsi %bitcast_convert_type3A_1763, %shift_right_arithmetic3A_1765 : vector<16xi32>
          %sub3A_1767 = arith.constant 127 : i32
          %sub3A_1768 = vector.broadcast %sub3A_1767 : i32 to vector<16xi32>
          %sub3A_1769 = arith.subi %shift_right_arithmetic3A_1766, %sub3A_1768 : vector<16xi32>
          %and3A_1770 = arith.constant 8388607 : i32
          %and3A_1771 = vector.broadcast %and3A_1770 : i32 to vector<16xi32>
          %and3A_1772 = arith.andi %bitcast_convert_type3A_1763, %and3A_1771 : vector<16xi32>
          %or3A_1773 = arith.constant 1065353216 : i32
          %or3A_1774 = vector.broadcast %or3A_1773 : i32 to vector<16xi32>
          %or3A_1775 = arith.ori %and3A_1772, %or3A_1774 : vector<16xi32>
          %bitcast_convert_type3A_1776 = tpu.bitcast %or3A_1775 : vector<16xi32> -> vector<16xf32>
          %mul3A_1777 = arith.mulf %bitcast_convert_type3A_1776, %bitcast_convert_type3A_1776 : vector<16xf32>
          %mul3A_1778 = arith.constant -0.0548628531 : f32
          %mul3A_1779 = vector.broadcast %mul3A_1778 : f32 to vector<16xf32>
          %mul3A_1780 = arith.mulf %mul3A_1779, %mul3A_1777 : vector<16xf32>
          %mul3A_1781 = arith.constant 0.435861856 : f32
          %mul3A_1782 = vector.broadcast %mul3A_1781 : f32 to vector<16xf32>
          %mul3A_1783 = arith.mulf %mul3A_1782, %bitcast_convert_type3A_1776 : vector<16xf32>
          %add3A_1784 = arith.constant -1.44248104 : f32
          %add3A_1785 = vector.broadcast %add3A_1784 : f32 to vector<16xf32>
          %add3A_1786 = arith.addf %mul3A_1783, %add3A_1785 : vector<16xf32>
          %add3A_1787 = arith.addf %mul3A_1780, %add3A_1786 : vector<16xf32>
          %mul3A_1788 = arith.constant 2.79225516 : f32
          %mul3A_1789 = vector.broadcast %mul3A_1788 : f32 to vector<16xf32>
          %mul3A_1790 = arith.mulf %mul3A_1789, %bitcast_convert_type3A_1776 : vector<16xf32>
          %add3A_1791 = arith.constant -1.73063171 : f32
          %add3A_1792 = vector.broadcast %add3A_1791 : f32 to vector<16xf32>
          %add3A_1793 = arith.addf %mul3A_1790, %add3A_1792 : vector<16xf32>
          %convert_element_type3A_1794 = arith.sitofp %sub3A_1769 : vector<16xi32> to vector<16xf32>
          %mul3A_1795 = arith.constant 0.693147182 : f32
          %mul3A_1796 = vector.broadcast %mul3A_1795 : f32 to vector<16xf32>
          %mul3A_1797 = arith.mulf %mul3A_1796, %convert_element_type3A_1794 : vector<16xf32>
          %mul3A_1798 = arith.mulf %add3A_1787, %mul3A_1777 : vector<16xf32>
          %add3A_1799 = arith.addf %mul3A_1798, %add3A_1793 : vector<16xf32>
          %add3A_1800 = arith.addf %mul3A_1797, %add3A_1799 : vector<16xf32>
          %add3A_1801 = arith.addf %max3A_1748, %add3A_1800 : vector<16xf32>
          %swap3A_1802 = arith.index_cast %scan3A_251 : i32 to index
          %swap3A_1803 = arith.constant 192 : index
          %swap3A_1804 = tpu.vector_load %arg5[%swap3A_1802, %swap3A_1803] {strides = array<i32>} : memref<16x256xf32, #tpu.memory_space<vmem>>, vector<1x16xf32>,
          %swap3A_1805 = vector.shape_cast %swap3A_1804 : vector<1x16xf32> to vector<16xf32>
          %swap3A_1806 = vector.shape_cast %add3A_1801 : vector<16xf32> to vector<1x16xf32>
          tpu.vector_store %arg5[%swap3A_1802, %swap3A_1803], %swap3A_1806 {strides = array<i32>} : memref<16x256xf32, #tpu.memory_space<vmem>>, vector<1x16xf32>,
          %get3A_1807 = arith.constant 1 : i32
          %get3A_1808 = arith.constant 0 : i32
          %get3A_1809 = arith.index_cast %get3A_1807 : i32 to index
          %get3A_1810 = arith.index_cast %scan3A_251 : i32 to index
          %get3A_1811 = arith.index_cast %get3A_1808 : i32 to index
          %get3A_1812 = arith.constant 208 : index
          %get3A_1813 = tpu.vector_load %arg4[%get3A_1809, %get3A_1810, %get3A_1811, %get3A_1812] {strides = array<i32>} : memref<2x16x5x256xf32, #tpu.memory_space<vmem>>, vector<1x1x1x16xf32>,
          %get3A_1814 = vector.shape_cast %get3A_1813 : vector<1x1x1x16xf32> to vector<16xf32>
          %add3A_1815 = arith.addf %get3A_1814, %scan3A_265 : vector<16xf32>
          %broadcast_in_dim3A_1816 = vector.shape_cast %add3A_107 : vector<16xi32> to vector<16x1xi32>
          %gather3A_1817 = vector.shape_cast %broadcast_in_dim3A_1816 : vector<16x1xi32> to vector<16xi32>
          %gather3A_1818 = tpu.dynamic_gather %scan3A_255[%gather3A_1817] in [0] : vector<16xf32>, vector<16xi32> -> vector<16xf32>
          %get3A_1819 = arith.constant 1 : i32
          %get3A_1820 = arith.constant 1 : i32
          %get3A_1821 = arith.index_cast %get3A_1819 : i32 to index
          %get3A_1822 = arith.index_cast %scan3A_251 : i32 to index
          %get3A_1823 = arith.index_cast %get3A_1820 : i32 to index
          %get3A_1824 = arith.constant 208 : index
          %get3A_1825 = tpu.vector_load %arg4[%get3A_1821, %get3A_1822, %get3A_1823, %get3A_1824] {strides = array<i32>} : memref<2x16x5x256xf32, #tpu.memory_space<vmem>>, vector<1x1x1x16xf32>,
          %get3A_1826 = vector.shape_cast %get3A_1825 : vector<1x1x1x16xf32> to vector<16xf32>
          %add3A_1827 = arith.addf %get3A_1826, %gather3A_1818 : vector<16xf32>
          %broadcast_in_dim3A_1828 = vector.shape_cast %add3A_107 : vector<16xi32> to vector<16x1xi32>
          %gather3A_1829 = vector.shape_cast %broadcast_in_dim3A_1828 : vector<16x1xi32> to vector<16xi32>
          %gather3A_1830 = tpu.dynamic_gather %scan3A_259[%gather3A_1829] in [0] : vector<16xf32>, vector<16xi32> -> vector<16xf32>
          %get3A_1831 = arith.constant 1 : i32
          %get3A_1832 = arith.constant 2 : i32
          %get3A_1833 = arith.index_cast %get3A_1831 : i32 to index
          %get3A_1834 = arith.index_cast %scan3A_251 : i32 to index
          %get3A_1835 = arith.index_cast %get3A_1832 : i32 to index
          %get3A_1836 = arith.constant 208 : index
          %get3A_1837 = tpu.vector_load %arg4[%get3A_1833, %get3A_1834, %get3A_1835, %get3A_1836] {strides = array<i32>} : memref<2x16x5x256xf32, #tpu.memory_space<vmem>>, vector<1x1x1x16xf32>,
          %get3A_1838 = vector.shape_cast %get3A_1837 : vector<1x1x1x16xf32> to vector<16xf32>
          %add3A_1839 = arith.addf %get3A_1838, %gather3A_1830 : vector<16xf32>
          %broadcast_in_dim3A_1840 = vector.shape_cast %add3A_107 : vector<16xi32> to vector<16x1xi32>
          %gather3A_1841 = vector.shape_cast %broadcast_in_dim3A_1840 : vector<16x1xi32> to vector<16xi32>
          %gather3A_1842 = tpu.dynamic_gather %scan3A_263[%gather3A_1841] in [0] : vector<16xf32>, vector<16xi32> -> vector<16xf32>
          %get3A_1843 = arith.constant 1 : i32
          %get3A_1844 = arith.constant 3 : i32
          %get3A_1845 = arith.index_cast %get3A_1843 : i32 to index
          %get3A_1846 = arith.index_cast %scan3A_251 : i32 to index
          %get3A_1847 = arith.index_cast %get3A_1844 : i32 to index
          %get3A_1848 = arith.constant 208 : index
          %get3A_1849 = tpu.vector_load %arg4[%get3A_1845, %get3A_1846, %get3A_1847, %get3A_1848] {strides = array<i32>} : memref<2x16x5x256xf32, #tpu.memory_space<vmem>>, vector<1x1x1x16xf32>,
          %get3A_1850 = vector.shape_cast %get3A_1849 : vector<1x1x1x16xf32> to vector<16xf32>
          %add3A_1851 = arith.addf %get3A_1850, %gather3A_1842 : vector<16xf32>
          %broadcast_in_dim3A_1852 = vector.shape_cast %add3A_107 : vector<16xi32> to vector<16x1xi32>
          %gather3A_1853 = vector.shape_cast %broadcast_in_dim3A_1852 : vector<16x1xi32> to vector<16xi32>
          %gather3A_1854 = tpu.dynamic_gather %scan3A_267[%gather3A_1853] in [0] : vector<16xf32>, vector<16xi32> -> vector<16xf32>
          %get3A_1855 = arith.constant 1 : i32
          %get3A_1856 = arith.constant 4 : i32
          %get3A_1857 = arith.index_cast %get3A_1855 : i32 to index
          %get3A_1858 = arith.index_cast %scan3A_251 : i32 to index
          %get3A_1859 = arith.index_cast %get3A_1856 : i32 to index
          %get3A_1860 = arith.constant 208 : index
          %get3A_1861 = tpu.vector_load %arg4[%get3A_1857, %get3A_1858, %get3A_1859, %get3A_1860] {strides = array<i32>} : memref<2x16x5x256xf32, #tpu.memory_space<vmem>>, vector<1x1x1x16xf32>,
          %get3A_1862 = vector.shape_cast %get3A_1861 : vector<1x1x1x16xf32> to vector<16xf32>
          %add3A_1863 = arith.addf %get3A_1862, %gather3A_1854 : vector<16xf32>
          %max3A_1864 = arith.maximumf %add3A_1815, %add3A_1827 : vector<16xf32>
          %max3A_1865 = arith.maximumf %add3A_1839, %add3A_1851 : vector<16xf32>
          %max3A_1866 = arith.maximumf %max3A_1864, %max3A_1865 : vector<16xf32>
          %max3A_1867 = arith.maximumf %max3A_1866, %add3A_1863 : vector<16xf32>
          %sub3A_1868 = arith.subf %add3A_1815, %max3A_1867 : vector<16xf32>
          %exp3A_1869 = math.exp %sub3A_1868 : vector<16xf32>
          %sub3A_1870 = arith.subf %add3A_1827, %max3A_1867 : vector<16xf32>
          %exp3A_1871 = math.exp %sub3A_1870 : vector<16xf32>
          %sub3A_1872 = arith.subf %add3A_1839, %max3A_1867 : vector<16xf32>
          %exp3A_1873 = math.exp %sub3A_1872 : vector<16xf32>
          %sub3A_1874 = arith.subf %add3A_1851, %max3A_1867 : vector<16xf32>
          %exp3A_1875 = math.exp %sub3A_1874 : vector<16xf32>
          %sub3A_1876 = arith.subf %add3A_1863, %max3A_1867 : vector<16xf32>
          %exp3A_1877 = math.exp %sub3A_1876 : vector<16xf32>
          %add3A_1878 = arith.addf %exp3A_1869, %exp3A_1871 : vector<16xf32>
          %add3A_1879 = arith.addf %exp3A_1873, %exp3A_1875 : vector<16xf32>
          %add3A_1880 = arith.addf %add3A_1879, %exp3A_1877 : vector<16xf32>
          %add3A_1881 = arith.addf %add3A_1878, %add3A_1880 : vector<16xf32>
          %bitcast_convert_type3A_1882 = tpu.bitcast %add3A_1881 : vector<16xf32> -> vector<16xi32>
          %shift_right_arithmetic3A_1883 = arith.constant 23 : i32
          %shift_right_arithmetic3A_1884 = vector.broadcast %shift_right_arithmetic3A_1883 : i32 to vector<16xi32>
          %shift_right_arithmetic3A_1885 = arith.shrsi %bitcast_convert_type3A_1882, %shift_right_arithmetic3A_1884 : vector<16xi32>
          %sub3A_1886 = arith.constant 127 : i32
          %sub3A_1887 = vector.broadcast %sub3A_1886 : i32 to vector<16xi32>
          %sub3A_1888 = arith.subi %shift_right_arithmetic3A_1885, %sub3A_1887 : vector<16xi32>
          %and3A_1889 = arith.constant 8388607 : i32
          %and3A_1890 = vector.broadcast %and3A_1889 : i32 to vector<16xi32>
          %and3A_1891 = arith.andi %bitcast_convert_type3A_1882, %and3A_1890 : vector<16xi32>
          %or3A_1892 = arith.constant 1065353216 : i32
          %or3A_1893 = vector.broadcast %or3A_1892 : i32 to vector<16xi32>
          %or3A_1894 = arith.ori %and3A_1891, %or3A_1893 : vector<16xi32>
          %bitcast_convert_type3A_1895 = tpu.bitcast %or3A_1894 : vector<16xi32> -> vector<16xf32>
          %mul3A_1896 = arith.mulf %bitcast_convert_type3A_1895, %bitcast_convert_type3A_1895 : vector<16xf32>
          %mul3A_1897 = arith.constant -0.0548628531 : f32
          %mul3A_1898 = vector.broadcast %mul3A_1897 : f32 to vector<16xf32>
          %mul3A_1899 = arith.mulf %mul3A_1898, %mul3A_1896 : vector<16xf32>
          %mul3A_1900 = arith.constant 0.435861856 : f32
          %mul3A_1901 = vector.broadcast %mul3A_1900 : f32 to vector<16xf32>
          %mul3A_1902 = arith.mulf %mul3A_1901, %bitcast_convert_type3A_1895 : vector<16xf32>
          %add3A_1903 = arith.constant -1.44248104 : f32
          %add3A_1904 = vector.broadcast %add3A_1903 : f32 to vector<16xf32>
          %add3A_1905 = arith.addf %mul3A_1902, %add3A_1904 : vector<16xf32>
          %add3A_1906 = arith.addf %mul3A_1899, %add3A_1905 : vector<16xf32>
          %mul3A_1907 = arith.constant 2.79225516 : f32
          %mul3A_1908 = vector.broadcast %mul3A_1907 : f32 to vector<16xf32>
          %mul3A_1909 = arith.mulf %mul3A_1908, %bitcast_convert_type3A_1895 : vector<16xf32>
          %add3A_1910 = arith.constant -1.73063171 : f32
          %add3A_1911 = vector.broadcast %add3A_1910 : f32 to vector<16xf32>
          %add3A_1912 = arith.addf %mul3A_1909, %add3A_1911 : vector<16xf32>
          %convert_element_type3A_1913 = arith.sitofp %sub3A_1888 : vector<16xi32> to vector<16xf32>
          %mul3A_1914 = arith.constant 0.693147182 : f32
          %mul3A_1915 = vector.broadcast %mul3A_1914 : f32 to vector<16xf32>
          %mul3A_1916 = arith.mulf %mul3A_1915, %convert_element_type3A_1913 : vector<16xf32>
          %mul3A_1917 = arith.mulf %add3A_1906, %mul3A_1896 : vector<16xf32>
          %add3A_1918 = arith.addf %mul3A_1917, %add3A_1912 : vector<16xf32>
          %add3A_1919 = arith.addf %mul3A_1916, %add3A_1918 : vector<16xf32>
          %add3A_1920 = arith.addf %max3A_1867, %add3A_1919 : vector<16xf32>
          %swap3A_1921 = arith.index_cast %scan3A_251 : i32 to index
          %swap3A_1922 = arith.constant 208 : index
          %swap3A_1923 = tpu.vector_load %arg5[%swap3A_1921, %swap3A_1922] {strides = array<i32>} : memref<16x256xf32, #tpu.memory_space<vmem>>, vector<1x16xf32>,
          %swap3A_1924 = vector.shape_cast %swap3A_1923 : vector<1x16xf32> to vector<16xf32>
          %swap3A_1925 = vector.shape_cast %add3A_1920 : vector<16xf32> to vector<1x16xf32>
          tpu.vector_store %arg5[%swap3A_1921, %swap3A_1922], %swap3A_1925 {strides = array<i32>} : memref<16x256xf32, #tpu.memory_space<vmem>>, vector<1x16xf32>,
          %get3A_1926 = arith.constant 1 : i32
          %get3A_1927 = arith.constant 0 : i32
          %get3A_1928 = arith.index_cast %get3A_1926 : i32 to index
          %get3A_1929 = arith.index_cast %scan3A_251 : i32 to index
          %get3A_1930 = arith.index_cast %get3A_1927 : i32 to index
          %get3A_1931 = arith.constant 224 : index
          %get3A_1932 = tpu.vector_load %arg4[%get3A_1928, %get3A_1929, %get3A_1930, %get3A_1931] {strides = array<i32>} : memref<2x16x5x256xf32, #tpu.memory_space<vmem>>, vector<1x1x1x16xf32>,
          %get3A_1933 = vector.shape_cast %get3A_1932 : vector<1x1x1x16xf32> to vector<16xf32>
          %add3A_1934 = arith.addf %get3A_1933, %scan3A_266 : vector<16xf32>
          %broadcast_in_dim3A_1935 = vector.shape_cast %add3A_110 : vector<16xi32> to vector<16x1xi32>
          %gather3A_1936 = vector.shape_cast %broadcast_in_dim3A_1935 : vector<16x1xi32> to vector<16xi32>
          %gather3A_1937 = tpu.dynamic_gather %scan3A_255[%gather3A_1936] in [0] : vector<16xf32>, vector<16xi32> -> vector<16xf32>
          %get3A_1938 = arith.constant 1 : i32
          %get3A_1939 = arith.constant 1 : i32
          %get3A_1940 = arith.index_cast %get3A_1938 : i32 to index
          %get3A_1941 = arith.index_cast %scan3A_251 : i32 to index
          %get3A_1942 = arith.index_cast %get3A_1939 : i32 to index
          %get3A_1943 = arith.constant 224 : index
          %get3A_1944 = tpu.vector_load %arg4[%get3A_1940, %get3A_1941, %get3A_1942, %get3A_1943] {strides = array<i32>} : memref<2x16x5x256xf32, #tpu.memory_space<vmem>>, vector<1x1x1x16xf32>,
          %get3A_1945 = vector.shape_cast %get3A_1944 : vector<1x1x1x16xf32> to vector<16xf32>
          %add3A_1946 = arith.addf %get3A_1945, %gather3A_1937 : vector<16xf32>
          %broadcast_in_dim3A_1947 = vector.shape_cast %add3A_110 : vector<16xi32> to vector<16x1xi32>
          %gather3A_1948 = vector.shape_cast %broadcast_in_dim3A_1947 : vector<16x1xi32> to vector<16xi32>
          %gather3A_1949 = tpu.dynamic_gather %scan3A_259[%gather3A_1948] in [0] : vector<16xf32>, vector<16xi32> -> vector<16xf32>
          %get3A_1950 = arith.constant 1 : i32
          %get3A_1951 = arith.constant 2 : i32
          %get3A_1952 = arith.index_cast %get3A_1950 : i32 to index
          %get3A_1953 = arith.index_cast %scan3A_251 : i32 to index
          %get3A_1954 = arith.index_cast %get3A_1951 : i32 to index
          %get3A_1955 = arith.constant 224 : index
          %get3A_1956 = tpu.vector_load %arg4[%get3A_1952, %get3A_1953, %get3A_1954, %get3A_1955] {strides = array<i32>} : memref<2x16x5x256xf32, #tpu.memory_space<vmem>>, vector<1x1x1x16xf32>,
          %get3A_1957 = vector.shape_cast %get3A_1956 : vector<1x1x1x16xf32> to vector<16xf32>
          %add3A_1958 = arith.addf %get3A_1957, %gather3A_1949 : vector<16xf32>
          %broadcast_in_dim3A_1959 = vector.shape_cast %add3A_110 : vector<16xi32> to vector<16x1xi32>
          %gather3A_1960 = vector.shape_cast %broadcast_in_dim3A_1959 : vector<16x1xi32> to vector<16xi32>
          %gather3A_1961 = tpu.dynamic_gather %scan3A_263[%gather3A_1960] in [0] : vector<16xf32>, vector<16xi32> -> vector<16xf32>
          %get3A_1962 = arith.constant 1 : i32
          %get3A_1963 = arith.constant 3 : i32
          %get3A_1964 = arith.index_cast %get3A_1962 : i32 to index
          %get3A_1965 = arith.index_cast %scan3A_251 : i32 to index
          %get3A_1966 = arith.index_cast %get3A_1963 : i32 to index
          %get3A_1967 = arith.constant 224 : index
          %get3A_1968 = tpu.vector_load %arg4[%get3A_1964, %get3A_1965, %get3A_1966, %get3A_1967] {strides = array<i32>} : memref<2x16x5x256xf32, #tpu.memory_space<vmem>>, vector<1x1x1x16xf32>,
          %get3A_1969 = vector.shape_cast %get3A_1968 : vector<1x1x1x16xf32> to vector<16xf32>
          %add3A_1970 = arith.addf %get3A_1969, %gather3A_1961 : vector<16xf32>
          %broadcast_in_dim3A_1971 = vector.shape_cast %add3A_110 : vector<16xi32> to vector<16x1xi32>
          %gather3A_1972 = vector.shape_cast %broadcast_in_dim3A_1971 : vector<16x1xi32> to vector<16xi32>
          %gather3A_1973 = tpu.dynamic_gather %scan3A_267[%gather3A_1972] in [0] : vector<16xf32>, vector<16xi32> -> vector<16xf32>
          %get3A_1974 = arith.constant 1 : i32
          %get3A_1975 = arith.constant 4 : i32
          %get3A_1976 = arith.index_cast %get3A_1974 : i32 to index
          %get3A_1977 = arith.index_cast %scan3A_251 : i32 to index
          %get3A_1978 = arith.index_cast %get3A_1975 : i32 to index
          %get3A_1979 = arith.constant 224 : index
          %get3A_1980 = tpu.vector_load %arg4[%get3A_1976, %get3A_1977, %get3A_1978, %get3A_1979] {strides = array<i32>} : memref<2x16x5x256xf32, #tpu.memory_space<vmem>>, vector<1x1x1x16xf32>,
          %get3A_1981 = vector.shape_cast %get3A_1980 : vector<1x1x1x16xf32> to vector<16xf32>
          %add3A_1982 = arith.addf %get3A_1981, %gather3A_1973 : vector<16xf32>
          %max3A_1983 = arith.maximumf %add3A_1934, %add3A_1946 : vector<16xf32>
          %max3A_1984 = arith.maximumf %add3A_1958, %add3A_1970 : vector<16xf32>
          %max3A_1985 = arith.maximumf %max3A_1983, %max3A_1984 : vector<16xf32>
          %max3A_1986 = arith.maximumf %max3A_1985, %add3A_1982 : vector<16xf32>
          %sub3A_1987 = arith.subf %add3A_1934, %max3A_1986 : vector<16xf32>
          %exp3A_1988 = math.exp %sub3A_1987 : vector<16xf32>
          %sub3A_1989 = arith.subf %add3A_1946, %max3A_1986 : vector<16xf32>
          %exp3A_1990 = math.exp %sub3A_1989 : vector<16xf32>
          %sub3A_1991 = arith.subf %add3A_1958, %max3A_1986 : vector<16xf32>
          %exp3A_1992 = math.exp %sub3A_1991 : vector<16xf32>
          %sub3A_1993 = arith.subf %add3A_1970, %max3A_1986 : vector<16xf32>
          %exp3A_1994 = math.exp %sub3A_1993 : vector<16xf32>
          %sub3A_1995 = arith.subf %add3A_1982, %max3A_1986 : vector<16xf32>
          %exp3A_1996 = math.exp %sub3A_1995 : vector<16xf32>
          %add3A_1997 = arith.addf %exp3A_1988, %exp3A_1990 : vector<16xf32>
          %add3A_1998 = arith.addf %exp3A_1992, %exp3A_1994 : vector<16xf32>
          %add3A_1999 = arith.addf %add3A_1998, %exp3A_1996 : vector<16xf32>
          %add3A_2000 = arith.addf %add3A_1997, %add3A_1999 : vector<16xf32>
          %bitcast_convert_type3A_2001 = tpu.bitcast %add3A_2000 : vector<16xf32> -> vector<16xi32>
          %shift_right_arithmetic3A_2002 = arith.constant 23 : i32
          %shift_right_arithmetic3A_2003 = vector.broadcast %shift_right_arithmetic3A_2002 : i32 to vector<16xi32>
          %shift_right_arithmetic3A_2004 = arith.shrsi %bitcast_convert_type3A_2001, %shift_right_arithmetic3A_2003 : vector<16xi32>
          %sub3A_2005 = arith.constant 127 : i32
          %sub3A_2006 = vector.broadcast %sub3A_2005 : i32 to vector<16xi32>
          %sub3A_2007 = arith.subi %shift_right_arithmetic3A_2004, %sub3A_2006 : vector<16xi32>
          %and3A_2008 = arith.constant 8388607 : i32
          %and3A_2009 = vector.broadcast %and3A_2008 : i32 to vector<16xi32>
          %and3A_2010 = arith.andi %bitcast_convert_type3A_2001, %and3A_2009 : vector<16xi32>
          %or3A_2011 = arith.constant 1065353216 : i32
          %or3A_2012 = vector.broadcast %or3A_2011 : i32 to vector<16xi32>
          %or3A_2013 = arith.ori %and3A_2010, %or3A_2012 : vector<16xi32>
          %bitcast_convert_type3A_2014 = tpu.bitcast %or3A_2013 : vector<16xi32> -> vector<16xf32>
          %mul3A_2015 = arith.mulf %bitcast_convert_type3A_2014, %bitcast_convert_type3A_2014 : vector<16xf32>
          %mul3A_2016 = arith.constant -0.0548628531 : f32
          %mul3A_2017 = vector.broadcast %mul3A_2016 : f32 to vector<16xf32>
          %mul3A_2018 = arith.mulf %mul3A_2017, %mul3A_2015 : vector<16xf32>
          %mul3A_2019 = arith.constant 0.435861856 : f32
          %mul3A_2020 = vector.broadcast %mul3A_2019 : f32 to vector<16xf32>
          %mul3A_2021 = arith.mulf %mul3A_2020, %bitcast_convert_type3A_2014 : vector<16xf32>
          %add3A_2022 = arith.constant -1.44248104 : f32
          %add3A_2023 = vector.broadcast %add3A_2022 : f32 to vector<16xf32>
          %add3A_2024 = arith.addf %mul3A_2021, %add3A_2023 : vector<16xf32>
          %add3A_2025 = arith.addf %mul3A_2018, %add3A_2024 : vector<16xf32>
          %mul3A_2026 = arith.constant 2.79225516 : f32
          %mul3A_2027 = vector.broadcast %mul3A_2026 : f32 to vector<16xf32>
          %mul3A_2028 = arith.mulf %mul3A_2027, %bitcast_convert_type3A_2014 : vector<16xf32>
          %add3A_2029 = arith.constant -1.73063171 : f32
          %add3A_2030 = vector.broadcast %add3A_2029 : f32 to vector<16xf32>
          %add3A_2031 = arith.addf %mul3A_2028, %add3A_2030 : vector<16xf32>
          %convert_element_type3A_2032 = arith.sitofp %sub3A_2007 : vector<16xi32> to vector<16xf32>
          %mul3A_2033 = arith.constant 0.693147182 : f32
          %mul3A_2034 = vector.broadcast %mul3A_2033 : f32 to vector<16xf32>
          %mul3A_2035 = arith.mulf %mul3A_2034, %convert_element_type3A_2032 : vector<16xf32>
          %mul3A_2036 = arith.mulf %add3A_2025, %mul3A_2015 : vector<16xf32>
          %add3A_2037 = arith.addf %mul3A_2036, %add3A_2031 : vector<16xf32>
          %add3A_2038 = arith.addf %mul3A_2035, %add3A_2037 : vector<16xf32>
          %add3A_2039 = arith.addf %max3A_1986, %add3A_2038 : vector<16xf32>
          %swap3A_2040 = arith.index_cast %scan3A_251 : i32 to index
          %swap3A_2041 = arith.constant 224 : index
          %swap3A_2042 = tpu.vector_load %arg5[%swap3A_2040, %swap3A_2041] {strides = array<i32>} : memref<16x256xf32, #tpu.memory_space<vmem>>, vector<1x16xf32>,
          %swap3A_2043 = vector.shape_cast %swap3A_2042 : vector<1x16xf32> to vector<16xf32>
          %swap3A_2044 = vector.shape_cast %add3A_2039 : vector<16xf32> to vector<1x16xf32>
          tpu.vector_store %arg5[%swap3A_2040, %swap3A_2041], %swap3A_2044 {strides = array<i32>} : memref<16x256xf32, #tpu.memory_space<vmem>>, vector<1x16xf32>,
          %get3A_2045 = arith.constant 1 : i32
          %get3A_2046 = arith.constant 0 : i32
          %get3A_2047 = arith.index_cast %get3A_2045 : i32 to index
          %get3A_2048 = arith.index_cast %scan3A_251 : i32 to index
          %get3A_2049 = arith.index_cast %get3A_2046 : i32 to index
          %get3A_2050 = arith.constant 240 : index
          %get3A_2051 = tpu.vector_load %arg4[%get3A_2047, %get3A_2048, %get3A_2049, %get3A_2050] {strides = array<i32>} : memref<2x16x5x256xf32, #tpu.memory_space<vmem>>, vector<1x1x1x16xf32>,
          %get3A_2052 = vector.shape_cast %get3A_2051 : vector<1x1x1x16xf32> to vector<16xf32>
          %add3A_2053 = arith.addf %get3A_2052, %scan3A_267 : vector<16xf32>
          %broadcast_in_dim3A_2054 = vector.shape_cast %add3A_113 : vector<16xi32> to vector<16x1xi32>
          %gather3A_2055 = vector.shape_cast %broadcast_in_dim3A_2054 : vector<16x1xi32> to vector<16xi32>
          %gather3A_2056 = tpu.dynamic_gather %scan3A_255[%gather3A_2055] in [0] : vector<16xf32>, vector<16xi32> -> vector<16xf32>
          %get3A_2057 = arith.constant 1 : i32
          %get3A_2058 = arith.constant 1 : i32
          %get3A_2059 = arith.index_cast %get3A_2057 : i32 to index
          %get3A_2060 = arith.index_cast %scan3A_251 : i32 to index
          %get3A_2061 = arith.index_cast %get3A_2058 : i32 to index
          %get3A_2062 = arith.constant 240 : index
          %get3A_2063 = tpu.vector_load %arg4[%get3A_2059, %get3A_2060, %get3A_2061, %get3A_2062] {strides = array<i32>} : memref<2x16x5x256xf32, #tpu.memory_space<vmem>>, vector<1x1x1x16xf32>,
          %get3A_2064 = vector.shape_cast %get3A_2063 : vector<1x1x1x16xf32> to vector<16xf32>
          %add3A_2065 = arith.addf %get3A_2064, %gather3A_2056 : vector<16xf32>
          %broadcast_in_dim3A_2066 = vector.shape_cast %add3A_113 : vector<16xi32> to vector<16x1xi32>
          %gather3A_2067 = vector.shape_cast %broadcast_in_dim3A_2066 : vector<16x1xi32> to vector<16xi32>
          %gather3A_2068 = tpu.dynamic_gather %scan3A_259[%gather3A_2067] in [0] : vector<16xf32>, vector<16xi32> -> vector<16xf32>
          %get3A_2069 = arith.constant 1 : i32
          %get3A_2070 = arith.constant 2 : i32
          %get3A_2071 = arith.index_cast %get3A_2069 : i32 to index
          %get3A_2072 = arith.index_cast %scan3A_251 : i32 to index
          %get3A_2073 = arith.index_cast %get3A_2070 : i32 to index
          %get3A_2074 = arith.constant 240 : index
          %get3A_2075 = tpu.vector_load %arg4[%get3A_2071, %get3A_2072, %get3A_2073, %get3A_2074] {strides = array<i32>} : memref<2x16x5x256xf32, #tpu.memory_space<vmem>>, vector<1x1x1x16xf32>,
          %get3A_2076 = vector.shape_cast %get3A_2075 : vector<1x1x1x16xf32> to vector<16xf32>
          %add3A_2077 = arith.addf %get3A_2076, %gather3A_2068 : vector<16xf32>
          %broadcast_in_dim3A_2078 = vector.shape_cast %add3A_113 : vector<16xi32> to vector<16x1xi32>
          %gather3A_2079 = vector.shape_cast %broadcast_in_dim3A_2078 : vector<16x1xi32> to vector<16xi32>
          %gather3A_2080 = tpu.dynamic_gather %scan3A_263[%gather3A_2079] in [0] : vector<16xf32>, vector<16xi32> -> vector<16xf32>
          %get3A_2081 = arith.constant 1 : i32
          %get3A_2082 = arith.constant 3 : i32
          %get3A_2083 = arith.index_cast %get3A_2081 : i32 to index
          %get3A_2084 = arith.index_cast %scan3A_251 : i32 to index
          %get3A_2085 = arith.index_cast %get3A_2082 : i32 to index
          %get3A_2086 = arith.constant 240 : index
          %get3A_2087 = tpu.vector_load %arg4[%get3A_2083, %get3A_2084, %get3A_2085, %get3A_2086] {strides = array<i32>} : memref<2x16x5x256xf32, #tpu.memory_space<vmem>>, vector<1x1x1x16xf32>,
          %get3A_2088 = vector.shape_cast %get3A_2087 : vector<1x1x1x16xf32> to vector<16xf32>
          %add3A_2089 = arith.addf %get3A_2088, %gather3A_2080 : vector<16xf32>
          %broadcast_in_dim3A_2090 = vector.shape_cast %add3A_113 : vector<16xi32> to vector<16x1xi32>
          %gather3A_2091 = vector.shape_cast %broadcast_in_dim3A_2090 : vector<16x1xi32> to vector<16xi32>
          %gather3A_2092 = tpu.dynamic_gather %scan3A_267[%gather3A_2091] in [0] : vector<16xf32>, vector<16xi32> -> vector<16xf32>
          %get3A_2093 = arith.constant 1 : i32
          %get3A_2094 = arith.constant 4 : i32
          %get3A_2095 = arith.index_cast %get3A_2093 : i32 to index
          %get3A_2096 = arith.index_cast %scan3A_251 : i32 to index
          %get3A_2097 = arith.index_cast %get3A_2094 : i32 to index
          %get3A_2098 = arith.constant 240 : index
          %get3A_2099 = tpu.vector_load %arg4[%get3A_2095, %get3A_2096, %get3A_2097, %get3A_2098] {strides = array<i32>} : memref<2x16x5x256xf32, #tpu.memory_space<vmem>>, vector<1x1x1x16xf32>,
          %get3A_2100 = vector.shape_cast %get3A_2099 : vector<1x1x1x16xf32> to vector<16xf32>
          %add3A_2101 = arith.addf %get3A_2100, %gather3A_2092 : vector<16xf32>
          %max3A_2102 = arith.maximumf %add3A_2053, %add3A_2065 : vector<16xf32>
          %max3A_2103 = arith.maximumf %add3A_2077, %add3A_2089 : vector<16xf32>
          %max3A_2104 = arith.maximumf %max3A_2102, %max3A_2103 : vector<16xf32>
          %max3A_2105 = arith.maximumf %max3A_2104, %add3A_2101 : vector<16xf32>
          %sub3A_2106 = arith.subf %add3A_2053, %max3A_2105 : vector<16xf32>
          %exp3A_2107 = math.exp %sub3A_2106 : vector<16xf32>
          %sub3A_2108 = arith.subf %add3A_2065, %max3A_2105 : vector<16xf32>
          %exp3A_2109 = math.exp %sub3A_2108 : vector<16xf32>
          %sub3A_2110 = arith.subf %add3A_2077, %max3A_2105 : vector<16xf32>
          %exp3A_2111 = math.exp %sub3A_2110 : vector<16xf32>
          %sub3A_2112 = arith.subf %add3A_2089, %max3A_2105 : vector<16xf32>
          %exp3A_2113 = math.exp %sub3A_2112 : vector<16xf32>
          %sub3A_2114 = arith.subf %add3A_2101, %max3A_2105 : vector<16xf32>
          %exp3A_2115 = math.exp %sub3A_2114 : vector<16xf32>
          %add3A_2116 = arith.addf %exp3A_2107, %exp3A_2109 : vector<16xf32>
          %add3A_2117 = arith.addf %exp3A_2111, %exp3A_2113 : vector<16xf32>
          %add3A_2118 = arith.addf %add3A_2117, %exp3A_2115 : vector<16xf32>
          %add3A_2119 = arith.addf %add3A_2116, %add3A_2118 : vector<16xf32>
          %bitcast_convert_type3A_2120 = tpu.bitcast %add3A_2119 : vector<16xf32> -> vector<16xi32>
          %shift_right_arithmetic3A_2121 = arith.constant 23 : i32
          %shift_right_arithmetic3A_2122 = vector.broadcast %shift_right_arithmetic3A_2121 : i32 to vector<16xi32>
          %shift_right_arithmetic3A_2123 = arith.shrsi %bitcast_convert_type3A_2120, %shift_right_arithmetic3A_2122 : vector<16xi32>
          %sub3A_2124 = arith.constant 127 : i32
          %sub3A_2125 = vector.broadcast %sub3A_2124 : i32 to vector<16xi32>
          %sub3A_2126 = arith.subi %shift_right_arithmetic3A_2123, %sub3A_2125 : vector<16xi32>
          %and3A_2127 = arith.constant 8388607 : i32
          %and3A_2128 = vector.broadcast %and3A_2127 : i32 to vector<16xi32>
          %and3A_2129 = arith.andi %bitcast_convert_type3A_2120, %and3A_2128 : vector<16xi32>
          %or3A_2130 = arith.constant 1065353216 : i32
          %or3A_2131 = vector.broadcast %or3A_2130 : i32 to vector<16xi32>
          %or3A_2132 = arith.ori %and3A_2129, %or3A_2131 : vector<16xi32>
          %bitcast_convert_type3A_2133 = tpu.bitcast %or3A_2132 : vector<16xi32> -> vector<16xf32>
          %mul3A_2134 = arith.mulf %bitcast_convert_type3A_2133, %bitcast_convert_type3A_2133 : vector<16xf32>
          %mul3A_2135 = arith.constant -0.0548628531 : f32
          %mul3A_2136 = vector.broadcast %mul3A_2135 : f32 to vector<16xf32>
          %mul3A_2137 = arith.mulf %mul3A_2136, %mul3A_2134 : vector<16xf32>
          %mul3A_2138 = arith.constant 0.435861856 : f32
          %mul3A_2139 = vector.broadcast %mul3A_2138 : f32 to vector<16xf32>
          %mul3A_2140 = arith.mulf %mul3A_2139, %bitcast_convert_type3A_2133 : vector<16xf32>
          %add3A_2141 = arith.constant -1.44248104 : f32
          %add3A_2142 = vector.broadcast %add3A_2141 : f32 to vector<16xf32>
          %add3A_2143 = arith.addf %mul3A_2140, %add3A_2142 : vector<16xf32>
          %add3A_2144 = arith.addf %mul3A_2137, %add3A_2143 : vector<16xf32>
          %mul3A_2145 = arith.constant 2.79225516 : f32
          %mul3A_2146 = vector.broadcast %mul3A_2145 : f32 to vector<16xf32>
          %mul3A_2147 = arith.mulf %mul3A_2146, %bitcast_convert_type3A_2133 : vector<16xf32>
          %add3A_2148 = arith.constant -1.73063171 : f32
          %add3A_2149 = vector.broadcast %add3A_2148 : f32 to vector<16xf32>
          %add3A_2150 = arith.addf %mul3A_2147, %add3A_2149 : vector<16xf32>
          %convert_element_type3A_2151 = arith.sitofp %sub3A_2126 : vector<16xi32> to vector<16xf32>
          %mul3A_2152 = arith.constant 0.693147182 : f32
          %mul3A_2153 = vector.broadcast %mul3A_2152 : f32 to vector<16xf32>
          %mul3A_2154 = arith.mulf %mul3A_2153, %convert_element_type3A_2151 : vector<16xf32>
          %mul3A_2155 = arith.mulf %add3A_2144, %mul3A_2134 : vector<16xf32>
          %add3A_2156 = arith.addf %mul3A_2155, %add3A_2150 : vector<16xf32>
          %add3A_2157 = arith.addf %mul3A_2154, %add3A_2156 : vector<16xf32>
          %add3A_2158 = arith.addf %max3A_2105, %add3A_2157 : vector<16xf32>
          %swap3A_2159 = arith.index_cast %scan3A_251 : i32 to index
          %swap3A_2160 = arith.constant 240 : index
          %swap3A_2161 = tpu.vector_load %arg5[%swap3A_2159, %swap3A_2160] {strides = array<i32>} : memref<16x256xf32, #tpu.memory_space<vmem>>, vector<1x16xf32>,
          %swap3A_2162 = vector.shape_cast %swap3A_2161 : vector<1x16xf32> to vector<16xf32>
          %swap3A_2163 = vector.shape_cast %add3A_2158 : vector<16xf32> to vector<1x16xf32>
          tpu.vector_store %arg5[%swap3A_2159, %swap3A_2160], %swap3A_2163 {strides = array<i32>} : memref<16x256xf32, #tpu.memory_space<vmem>>, vector<1x16xf32>,
          scf.yield %add3A_373, %add3A_492, %add3A_611, %add3A_730, %add3A_849, %add3A_968, %add3A_1087, %add3A_1206, %add3A_1325, %add3A_1444, %add3A_1563, %add3A_1682, %add3A_1801, %add3A_1920, %add3A_2039, %add3A_2158 : vector<16xf32>, vector<16xf32>, vector<16xf32>, vector<16xf32>, vector<16xf32>, vector<16xf32>, vector<16xf32>, vector<16xf32>, vector<16xf32>, vector<16xf32>, vector<16xf32>, vector<16xf32>, vector<16xf32>, vector<16xf32>, vector<16xf32>, vector<16xf32>
        }
        %scan3A_246 = arith.constant 16 : i32
        %mul3A_247 = arith.constant 16 : i32
        %mul3A_248 = arith.muli %add3A_240, %mul3A_247 : i32
        %add3A_249 = arith.constant 1 : i32
        %add3A_250 = arith.addi %add3A_249, %mul3A_248 : i32
        "tpu.region"() ({
          %run_scoped3A_251 = tpu.sem_alloc : memref<!tpu.dma_semaphore, #tpu.memory_space<semaphore_mem>>
          %dma_start3A_252 = arith.constant 0 : i32
          %dma_start3A_253 = tpu.memref_slice %arg3[%add3A_250, %add3A, %dma_start3A_252] : memref<1025x16x256xf32, #tpu.memory_space<hbm>> -> memref<16x1x256xf32, #tpu.memory_space<hbm>>
          %dma_start3A_254 = tpu.memref_squeeze %dma_start3A_253 : memref<16x1x256xf32, #tpu.memory_space<hbm>> -> memref<16x256xf32, #tpu.memory_space<hbm>>
          %dma_start3A_255 = arith.constant 0 : i32
          %dma_start3A_256 = tpu.memref_slice %arg3[%add3A_250, %add3A, %dma_start3A_255] : memref<1025x16x256xf32, #tpu.memory_space<hbm>> -> memref<16x1x256xf32, #tpu.memory_space<hbm>>
          %dma_start3A_257 = tpu.memref_squeeze %dma_start3A_256 : memref<16x1x256xf32, #tpu.memory_space<hbm>> -> memref<16x256xf32, #tpu.memory_space<hbm>>
          tpu.enqueue_dma source(%arg5 : memref<16x256xf32, #tpu.memory_space<vmem>>) target(%dma_start3A_257 : memref<16x256xf32, #tpu.memory_space<hbm>>) target_semaphore(%run_scoped3A_251 : memref<!tpu.dma_semaphore, #tpu.memory_space<semaphore_mem>>)
          %dma_wait3A_258 = arith.constant 0 : i32
          %dma_wait3A_259 = tpu.memref_slice %arg3[%add3A_250, %add3A, %dma_wait3A_258] : memref<1025x16x256xf32, #tpu.memory_space<hbm>> -> memref<16x1x256xf32, #tpu.memory_space<hbm>>
          %dma_wait3A_260 = tpu.memref_squeeze %dma_wait3A_259 : memref<16x1x256xf32, #tpu.memory_space<hbm>> -> memref<16x256xf32, #tpu.memory_space<hbm>>
          %dma_wait3A_261 = arith.constant 0 : i32
          %dma_wait3A_262 = tpu.memref_slice %arg3[%add3A_250, %add3A, %dma_wait3A_261] : memref<1025x16x256xf32, #tpu.memory_space<hbm>> -> memref<16x1x256xf32, #tpu.memory_space<hbm>>
          %dma_wait3A_263 = tpu.memref_squeeze %dma_wait3A_262 : memref<16x1x256xf32, #tpu.memory_space<hbm>> -> memref<16x256xf32, #tpu.memory_space<hbm>>
          tpu.wait_dma2 semaphore(%run_scoped3A_251 : memref<!tpu.dma_semaphore, #tpu.memory_space<semaphore_mem>>) src(%arg5 : memref<16x256xf32, #tpu.memory_space<vmem>>) dst(%dma_wait3A_263 : memref<16x256xf32, #tpu.memory_space<hbm>>)
          tpu.yield
        }) : () -> ()
        scf.yield %scan3A_245#0, %scan3A_245#1, %scan3A_245#2, %scan3A_245#3, %scan3A_245#4, %scan3A_245#5, %scan3A_245#6, %scan3A_245#7, %scan3A_245#8, %scan3A_245#9, %scan3A_245#10, %scan3A_245#11, %scan3A_245#12, %scan3A_245#13, %scan3A_245#14, %scan3A_245#15 : vector<16xf32>, vector<16xf32>, vector<16xf32>, vector<16xf32>, vector<16xf32>, vector<16xf32>, vector<16xf32>, vector<16xf32>, vector<16xf32>, vector<16xf32>, vector<16xf32>, vector<16xf32>, vector<16xf32>, vector<16xf32>, vector<16xf32>, vector<16xf32>
      }
      %scan3A_138 = arith.constant 32 : i32
    } else {
    }
    return
  }
}

</mosaic_0001>

<sc_bundles>
// kernel: kernel.3.cloned.1.call-start
scs
__scs_entry_jumppad:
0x0: {  	(pc) =	sbr.rel $0x88, $3  }
0x1: {  	(tag) =	ssettag $0x0;
	lr =	simm.s32 $0x1  }
0x2: {  	[smem:$0x3FA0] =	sst lr;
	_ =	strace $0xD0000000  }
0x3: {  	_ = 	snop  }
0x4: {  	_ = 	snop  }
0x5: {  	_ = 	snop  }
0x6: {  	_ = 	snop  }
0x7: {  	_ = 	snop  }
__scs_overlays_trampoline_lowered:
0x8: {  	[smem:$0x3FAF] =	sst s0  }
0x9: {  	[smem:$0x3FB0] =	sst s1  }
0xa: {  	[smem:$0x3FB1] =	sst s2  }
0xb: {  	[smem:$0x3FB2] =	sst s3  }
0xc: {  	[smem:$0x3FB3] =	sst s4  }
0xd: {  	[smem:$0x3FB4] =	sst s5  }
0xe: {  	[smem:$0x3FB5] =	sst s6  }
0xf: {  	[smem:$0x3FB6] =	sst s7  }
0x10: {  	[smem:$0x3FB7] =	sst s8  }
0x11: {  	[smem:$0x3FB8] =	sst s9;
	s0 =	simm.s32 @!p0 $0x0  }
0x12: {  	s1 =	sld [smem:$0x3F9E];
	s0 =	simm.s32 @p0 $0x1  }
0x13: {  	[smem:$0x3FB9] =	sst s0;
	s0 =	simm.s32 @!p1 $0x0  }
0x14: {  	s2 =	sld [smem:$0x3F9D];
	s0 =	simm.s32 @p1 $0x1  }
0x15: {  	[smem:$0x3FBA] =	sst s0;
	s0 =	simm.s32 @!p2 $0x0  }
0x16: {  	s3 =	sld [smem:$0x3FDB];
	s0 =	simm.s32 @p2 $0x1  }
0x17: {  	s4 =	simm.s32 $0x1BF5;
	[smem:$0x3FBC] =	sst s0  }
0x18: {  	s0 =	sld [smem:$0x3F9F];
	_ =	swait.ge [sflag:s4], $0x0  }
0x19: {  	s7 =	sld [smem:$0x3FA0]  }
0x1a: {  	s8 =	sadd.s32 $0xFFFFE003, lr  }
0x1b: {  	s9 =	sadd.s32 $0xFFFFFEF7, lr;
	s5 =	simm.s32 $0xFFFFFFFF;
	p2 =	slt.u32 s8, $0xFFFFF086  }
0x1c: {  	p1 =	slt.u32 s9, $0xF7A;
	s5 =	simm.s32 @!p2 $0x0  }
0x1d: {  	s5 =	simm.s32 @p1 $0x1;
	p0 =	seq.s32 s7, s2  }
0x1e: {  	s7 =	smul.u32 @!p0 $0xF7A, s2;
	p2 =	seq.s32 @!p0 s5, $0x0  }
0x1f: {  	s9 =	smul.u32 $0xF7A, s1;
	s8 =	simm.s32 @!p0 $0x1BF5;
	p2 =	por !p2, p0  }
0x20: {  	[sflag:s8] =	ssyncset.s32 @!p0 $0xFFFFF086;
	s6 =	sadd.s32 @!p0 s3, s7;
	s7 =	simm.s32 @!p0 $0x108  }
0x21: {  	s3 =	sadd.s32 s3, s9;
	s6 =	sadd.s32 @!p0 $0x88, s6;
	s7 =	simm.s32 @p2 $0x1082  }
0x22: {  	[simem:s7], [sflag:s8] =	dma.local @!p0 [hbm:s6], $0xF7A  }
0x23: {  	s9 =	sor.u32 $0xD0000000, s2;
	s6 =	simm.s32 $0x108;
	_ =	swait.ge @!p0 [sflag:s8], $0x0  }
0x24: {  	s3 =	sadd.s32 $0x88, s3;
	s6 =	simm.s32 @!p1 $0x1082;
	[sflag:s4] =	ssyncset.s32 $0xFFFFF086  }
0x25: {  	[simem:s6], [sflag:s4] =	dma.local [hbm:s3], $0xF7A  }
0x26: {  	[smem:$0x3FA0] =	sst s1;
	(tag) =	ssettag s2;
	_ =	strace s9  }
0x27: {  	s1 =	sld [smem:$0x3FB0]  }
0x28: {  	s2 =	sld [smem:$0x3FB1]  }
0x29: {  	s4 =	sld [smem:$0x3FB3]  }
0x2a: {  	p0 =	seq.s32 s5, $0x0;
	s5 =	sld [smem:$0x3FB4]  }
0x2b: {  	s6 =	sld [smem:$0x3FB5]  }
0x2c: {  	s7 =	sld [smem:$0x3FB6]  }
0x2d: {  	s3 =	simm.s32 $0x108;
	s8 =	sld [smem:$0x3FB7]  }
0x2e: {  	s3 =	simm.s32 @!p0 $0x1082;
	s9 =	sld [smem:$0x3FB8]  }
0x2f: {  	lr =	sadd.s32 s0, s3;
	s0 =	sld [smem:$0x3FAF]  }
0x30: {  	s3 =	sld [smem:$0x3FB2]  }
0x31: {  	[smem:$0x3FBB] =	sst s10  }
0x32: {  	s10 =	sld [smem:$0x3FB9];
	_ =	sdelay $0x3  }
0x33: {  	p0 =	seq.s32 s10, $0x1;
	s10 =	sld [smem:$0x3FBB];
	_ =	sdelay $0x3  }
0x34: {  	[smem:$0x3FBB] =	sst s10  }
0x35: {  	s10 =	sld [smem:$0x3FBA];
	_ =	sdelay $0x3  }
0x36: {  	p1 =	seq.s32 s10, $0x1;
	s10 =	sld [smem:$0x3FBB];
	_ =	sdelay $0x3  }
0x37: {  	[smem:$0x3FBB] =	sst s10  }
0x38: {  	s10 =	sld [smem:$0x3FBC]  }
0x39: {  	_ = 	snop;
	(pc) =	sbr.ind lr, $3  }
0x3a: {  	_ = 	snop  }
0x3b: {  	_ = 	snop  }
0x3c: {  	p2 =	seq.s32 s10, $0x1;
	s10 =	sld [smem:$0x3FBB]  }
0x3d: {  	_ =	shalt  }
0x3e: {  	_ =	shalt  }
0x3f: {  	_ =	shalt  }
0x40: {  	_ =	shalt  }
0x41: {  	_ =	shalt  }
0x42: {  	_ =	shalt  }
0x43: {  	_ =	shalt  }
0x44: {  	_ =	shalt  }
0x45: {  	_ =	shalt  }
0x46: {  	_ =	shalt  }
0x47: {  	_ =	shalt  }
0x48: {  	_ =	shalt  }
0x49: {  	_ =	shalt  }
0x4a: {  	_ =	shalt  }
0x4b: {  	_ =	shalt  }
0x4c: {  	_ =	shalt  }
0x4d: {  	_ =	shalt  }
0x4e: {  	_ =	shalt  }
0x4f: {  	_ =	shalt  }
0x50: {  	_ =	shalt  }
0x51: {  	_ =	shalt  }
0x52: {  	_ =	shalt  }
0x53: {  	_ =	shalt  }
0x54: {  	_ =	shalt  }
0x55: {  	_ =	shalt  }
0x56: {  	_ =	shalt  }
0x57: {  	_ =	shalt  }
0x58: {  	_ =	shalt  }
0x59: {  	_ =	shalt  }
0x5a: {  	_ =	shalt  }
0x5b: {  	_ =	shalt  }
0x5c: {  	_ =	shalt  }
0x5d: {  	_ =	shalt  }
0x5e: {  	_ =	shalt  }
0x5f: {  	_ =	shalt  }
0x60: {  	_ =	shalt  }
0x61: {  	_ =	shalt  }
0x62: {  	_ =	shalt  }
0x63: {  	_ =	shalt  }
0x64: {  	_ =	shalt  }
0x65: {  	_ =	shalt  }
0x66: {  	_ =	shalt  }
0x67: {  	_ =	shalt  }
0x68: {  	_ =	shalt  }
0x69: {  	_ =	shalt  }
0x6a: {  	_ =	shalt  }
0x6b: {  	_ =	shalt  }
0x6c: {  	_ =	shalt  }
0x6d: {  	_ =	shalt  }
0x6e: {  	_ =	shalt  }
0x6f: {  	_ =	shalt  }
0x70: {  	_ =	shalt  }
0x71: {  	_ =	shalt  }
0x72: {  	_ =	shalt  }
0x73: {  	_ =	shalt  }
0x74: {  	_ =	shalt  }
0x75: {  	_ =	shalt  }
0x76: {  	_ =	shalt  }
0x77: {  	_ =	shalt  }
0x78: {  	_ =	shalt  }
0x79: {  	_ =	shalt  }
0x7a: {  	_ =	shalt  }
0x7b: {  	_ =	shalt  }
0x7c: {  	_ =	shalt  }
0x7d: {  	_ =	shalt  }
0x7e: {  	_ =	shalt  }
0x7f: {  	_ =	shalt  }
0x80: {  	_ =	shalt  }
0x81: {  	_ =	shalt  }
0x82: {  	_ =	shalt  }
0x83: {  	_ =	shalt  }
0x84: {  	_ =	shalt  }
0x85: {  	_ =	shalt  }
0x86: {  	_ =	shalt  }
0x87: {  	_ =	shalt  }
.Lfunc_end0:
.L_simem_size_0:
called_computation.1_lowered:
.L_overlay_start_0:
0x88: {  	s2 =	sld [smem:$0x3FD9]  }
0x89: {  	s3 =	sld [smem:$0x3FFE];
	_ =	sdelay $0x1  }
0x8a: {  	s1 =	srdreg.scid  }
0x8b: {  	s0 =	sand.u32 $0x1, s1  }
0x8c: {  	s17 =	sshll.u32 s0, $0xA;
	s2 =	sadd.s32 s3, s2  }
0x8d: {  	s2 =	sadd.s32 s2, s17  }
0x8e: {  	[smem:$0x3FC7] =	sst s2  }
0x8f: {  	_ = 	snop  }
0x90: {  	s2 =	sld [smem:$0x3FD0];
	(tm) =	ssettm $0x1  }
0x91: {  	s18 =	sld [smem:$0x3FFB];
	_ =	sdelay $0x3  }
0x92: {  	_ =	strace s18  }
0x93: {  	s3 =	sld [smem:$0x3FFC];
	_ =	sdelay $0x3  }
0x94: {  	_ =	strace s3  }
0x95: {  	s3 =	sld [smem:$0x3FFD];
	_ =	sdelay $0x3  }
0x96: {  	_ =	strace s3  }
0x97: {  	_ =	strace $0x8FFFFFFF  }
0x98: {  	s19 =	sld [smem:$0x3FDB];
	_ =	sdelay $0x1  }
0x99: {  	s4 =	simm.s32 $_scs_section_size  }
0x9a: {  	s5 =	simm.s32 $_size__tile_overlayer_lowered;
	s6 =	simm.s32 $_tile_overlayer_lowered  }
0x9b: {  	s22 =	simm.s32 $0x1BFF;
	s21 =	sshll.u32 s6, $0x1;
	s3 =	sadd.s32 s4, s19  }
0x9c: {  	s7 =	simm.s32 $0x0;
	s20 =	sshll.u32 s5, $0x1;
	s5 =	sadd.s32 s21, s3  }
0x9d: {  	[timem:s7], [sflag:s22] =	dma.local [hbm:s5], s20  }
0x9e: {  	_ =	swait.ge [sflag:s22], s20  }
0x9f: {  	s4 =	ssub.s32 $0x0, s20;
	[sflag:s22] =	ssyncset.done $0x0  }
0xa0: {  	[sflag:s22] =	ssyncadd.s32 s4;
	_ =	sdelay $0x1  }
0xa1: {  	s23 =	simm.s32 $0x1B8B  }
0xa2: {  	_ =	swait.ge [sflag:s23], $0x1  }
0xa3: {  	[sflag:s23] =	ssyncset.done $0x0  }
0xa4: {  	s25 =	simm.s32 $0x1B8E;
	s24 =	sld [smem:$0x3FFE];
	[sflag:s23] =	ssyncadd.s32 $0xFFFFFFFF  }
0xa5: {  	s26 =	simm.s32 $execute0_lowered;
	[smem:$0x3FD2] =	sst s25  }
0xa6: {  	s5 =	sshll.u32 s26, $0x1;
	_ =	strace $0x80000049;
	[dreg:$0x1] =	wrdreg $0xFFFFFFFF  }
0xa7: {  	s28 =	simm.s32 $_size_execute0_lowered;
	s3 =	sadd.s32 s3, s5;
	[dreg:$0x0] =	wrdreg $0x0  }
0xa8: {  	s5 =	sshll.u32 s28, $0x1;
	[dreg:$0x2] =	wrdreg s3  }
0xa9: {  	[dreg:$0x3] =	wrdreg s5  }
0xaa: {  	[dreg:$0x4] =	wrdreg $0xC0  }
0xab: {  	_ =	task [dreg:s7], $0x5FFFF  }
0xac: {  	[dreg:$0x1] =	wrdreg $0xFFFFFFFF  }
0xad: {  	[dreg:$0x0] =	wrdreg $0x60  }
0xae: {  	[dreg:$0x2] =	wrdreg s24  }
0xaf: {  	[dreg:$0x3] =	wrdreg s2  }
0xb0: {  	[dreg:$0x4] =	wrdreg $0x9  }
0xb1: {  	_ =	task.clear_ibuf [dreg:s7], $0x5FFFF;
	_ =	strace $0x90000049  }
0xb2: {  	s29 =	simm.s32 $0x9;
	_ =	strace $0x8000004B  }
0xb3: {  	_ =	swait.ge [sflag:s29], $0x1  }
0xb4: {  	[sflag:s29] =	ssyncadd.s32 $0xFFFFFFFF  }
0xb5: {  	_ =	strace $0x9000004B  }
0xb6: {  	_ =	sfence  }
0xb7: {  	s30 =	sld [smem:$0x0];
	_ =	sdelay $0x2  }
0xb8: {  	s31 =	sshll.u32 s1, $0xD;
	s1 =	sshrl.u32 s1, $0x2  }
0xb9: {  	s3 =	sand.u32 $0x4000, s31;
	s1 =	sadd.s32 s1, s30  }
0xba: {  	s0 =	sor.u32 s3, s0;
	s1 =	sshll.u32 s1, $0x11  }
0xbb: {  	s0 =	sor.u32 s1, s0  }
0xbc: {  	s0 =	sadd.s32 $0x8F2B, s0  }
0xbd: {  	[sflag:s0] =	ssyncadd.remote.s32 $0x1  }
0xbe: {  	_ =	sfence.sel $0xFFFF  }
0xbf: {  	[dreg:$0x0] =	wrdreg $0xFFFFFFFF;
	(pc) =	sbr.abs _section_cstart, $3  }
0xc0: {  	[dreg:$0x1] =	wrdreg $0xFFFFFFFF  }
0xc1: {  	_ =	task.clear_ibuf [dreg:s7], $0x2FFFF;
	_ =	strace $0x9FFFFFFF  }
0xc2: {  	(tm) =	ssettm $0x7FFFFFFF  }
0xc3: {  	_ =	shalt  }
tec
execute0_lowered:
.L_overlay_start_1:
0x0: {  	(tag) =	ssettag $0x1  }
0x1: {  	s1 =	stileid.u32  }
0x2: {  	p0 =	sgt.u32 s1, $0x7  }
.Ltmp0:
0x3: {  	_ = 	snop;
	(pc) =	sbr.rel @p0 .LBB2_9-.Ltmp0, $4  }
0x4: {  	_ = 	snop  }
0x5: {  	s7 =	rddreg [dreg:$0x0];
	s2 =	simm.s32 $0x0  }
0x6: {  	[smem:$0x7FF] =	sst s2  }
0x7: {  	s11 =	rddreg [dreg:$0x1];
	_ =	strace $0x8000004A  }
0x8: {  	s3 =	srdreg.scid  }
0x9: {  	s31 =	sshll.u32 s1, $0x1;
	s10 =	sshll.u32 s1, $0x9;
	s15 =	simm.s32 $0x10400  }
0xa: {  	s16 =	simm.s32 $0x2;
	s17 =	simm.s32 $0x800;
	s18 =	simm.s32 $0x8000  }
0xb: {  	s19 =	simm.s32 $0x1;
	s20 =	simm.s32 $0x80;
	s21 =	simm.s32 $0x1000  }
0xc: {  	s22 =	simm.s32 $0x10800;
	s23 =	simm.s32 $0x10C00;
	s8 =	sand.u32 $0x1, s3  }
0xd: {  	s3 =	sadd.s32 $0x280800, s7;
	s10 =	sand.u32 $0x800, s10;
	s6 =	sor.u32 s8, s31  }
0xe: {  	s7 =	sadd.s32 $0x290800, s7;
	s12 =	ssub.s32 $0x2, s8;
	s9 =	sshll.u32 s6, $0x7  }
0xf: {  	s4 =	sshll.u32 s6, $0xB;
	s5 =	sshll.u32 s6, $0x8;
	s9 =	sand.u32 $0x380, s9  }
0x10: {  	s13 =	sshrl.u32 s12, $0x1;
	s5 =	sadd.s32 s3, s5;
	s8 =	sor.u32 s10, s9  }
0x11: {  	v0 =	vlaneseq.u32;
	s6 =	sor.u32 $0x100000, s4;
	s12 =	ssub.s32 s12, s13;
	s14 =	sshrl.u32 s8, $0x3  }
0x12: {  	v0 =	vshrl.u32 v0, $0x2;
	s9 =	sadd.s32 $0x200, s11;
	s10 =	sadd.s32 $0x2200, s11;
	s11 =	sadd.s32 s11, s14  }
0x13: {  	v1 =	vor.u32 $0x4, v0;
	v2 =	vor.u32 $0x8, v0;
	v3 =	vor.u32 $0xC, v0;
	s12 =	smax.u32 s12, $0x1;
	s14 =	simm.s32 $0x10000;
	s13 =	sadd.s32 $0x80, s11  }
.LBB2_2:
0x14: {  	v4 =	vimm.f32 $0.0e+00  }
0x15: {  	[tilespmem:$0x10000] =	vst v4  }
0x16: {  	[tilespmem:$0x10010] =	vst v4  }
0x17: {  	[tilespmem:$0x10020] =	vst v4  }
0x18: {  	[tilespmem:$0x10030] =	vst v4  }
0x19: {  	[tilespmem:$0x10040] =	vst v4  }
0x1a: {  	[tilespmem:$0x10050] =	vst v4  }
0x1b: {  	[tilespmem:$0x10060] =	vst v4  }
0x1c: {  	[tilespmem:$0x10070] =	vst v4  }
0x1d: {  	[tilespmem:$0x10400] =	vst v4  }
0x1e: {  	[tilespmem:$0x10410] =	vst v4  }
0x1f: {  	[tilespmem:$0x10420] =	vst v4  }
0x20: {  	[tilespmem:$0x10430] =	vst v4  }
0x21: {  	[tilespmem:$0x10440] =	vst v4  }
0x22: {  	[tilespmem:$0x10450] =	vst v4  }
0x23: {  	[tilespmem:$0x10460] =	vst v4  }
0x24: {  	s24 =	simm.s32 $0x0;
	[tilespmem:$0x10470] =	vst v4  }
0x25: {  	[hbm4b:s11+s24] =	stream.linear.scatter [tilespmem:s14], [sflag:$0x2], $0x80, $0x38;
	[tilespmem:$0x11000] =	vst v63  }
0x26: {  	_ = 	snop  }
0x27: {  	v5 =	vimm.f32 $0.0e+00;
	v6 =	vimm.f32 $0.0e+00;
	v7 =	vimm.f32 $0.0e+00;
	[hbm4b:s13+s24] =	stream.linear.scatter [tilespmem:s15], [sflag:$0x2], $0x80, $0x38;
	[tilespmem:$0x11000] =	vst v63  }
0x28: {  	v8 =	vimm.f32 $0.0e+00;
	v19 =	vimm.f32 $0.0e+00;
	v9 =	vimm.f32 $0.0e+00;
	_ =	swait.ge [sflag:s16], $0x100  }
0x29: {  	v10 =	vimm.f32 $0.0e+00;
	v12 =	vimm.f32 $0.0e+00;
	v13 =	vimm.f32 $0.0e+00;
	[sflag:s16] =	ssyncset.done $0x0  }
0x2a: {  	v18 =	vimm.f32 $0.0e+00;
	v11 =	vimm.f32 $0.0e+00;
	v14 =	vimm.f32 $0.0e+00;
	[sflag:s16] =	ssyncadd.s32 $0xFFFFFF00  }
0x2b: {  	v15 =	vimm.f32 $0.0e+00;
	v16 =	vimm.f32 $0.0e+00;
	v17 =	vimm.f32 $0.0e+00;
	[tilespmem:s24], [sflag:$0x1] =	stream.strided.gather [hbm4b:s5+s17], $0x8000, s18, s17, $0x38;
	[tilespmem:$0x11000] =	vst v63  }
.LBB2_3:
0x2c: {  	s25 =	sshll.u32 s24, $0x14  }
0x2d: {  	_ =	swait.ge [sflag:s19], $0x8000;
	s26 =	sor.u32 s4, s25  }
0x2e: {  	[sflag:s19] =	ssyncset.done $0x0;
	s26 =	sshrl.u32 s26, $0x3  }
0x2f: {  	[sflag:s19] =	ssyncadd.s32 $0xFFFF8000;
	s26 =	sadd.s32 s26, s7  }
0x30: {  	[tilespmem:s18], [sflag:$0x1] =	stream.strided.gather [hbm4b:s26+s17], $0x8000, s18, s17, $0x38;
	[tilespmem:$0x11000] =	vst v63  }
0x31: {  	s28 =	simm.s32 $0x0;
	s29 =	simm.s32 $0x0;
	s26 =	simm.s32 $0x400  }
.LBB2_4:
0x32: {  	v21 =	vld [tilespmem:s26+$0xFFFFFC00]  }
0x33: {  	v22 =	vld [tilespmem:s26+$0xFFFFFC80]  }
0x34: {  	v23 =	vld [tilespmem:s26+$0xFFFFFD00]  }
0x35: {  	v24 =	vld [tilespmem:s26+$0xFFFFFD80];
	_ =	sdelay $0x1  }
0x36: {  	v20 =	vmov v17;
	v17 =	vperm.xlane v17, v0;
	v25 =	vld [tilespmem:s26+$0xFFFFFE00]  }
0x37: {  	v26 =	vperm.xlane v11, v0;
	v27 =	vperm.xlane v10, v0  }
0x38: {  	v21 =	vadd.f32 v21, v20;
	v17 =	vadd.f32 v22, v17  }
0x39: {  	v31 =	vperm.xlane v8, v0;
	v29 =	vadd.f32 v23, v26;
	v30 =	vadd.f32 v24, v27;
	_ =	sdelay $0x1  }
0x3a: {  	v24 =	vadd.f32 v25, v31;
	v32 =	vmax.f32 v21, v17;
	v26 =	vmax.f32 v29, v30  }
0x3b: {  	v25 =	vmax.f32 v32, v26  }
0x3c: {  	v25 =	vmax.f32 v25, v24  }
0x3d: {  	v21 =	vsub.f32 v21, v25  }
0x3e: {  	v17 =	vsub.f32 v17, v25  }
0x3f: {  	v22 =	vsub.f32 v29, v25;
	v21 =	vmul.f32 $1.442695020e+00, v21  }
0x40: {  	v23 =	vsub.f32 v30, v25;
	v17 =	vmul.f32 $1.442695020e+00, v17  }
0x41: {  	v33 =	vmul.f32 $1.442695020e+00, v22;
	(erf) = vpow2.f32 v21  }
0x42: {  	v34 =	vsub.f32 v24, v25;
	(erf) = vpow2.f32 v17;
	v17 =	vmul.f32 $1.442695020e+00, v23  }
0x43: {  	(erf) = vpow2.f32 v33  }
0x44: {  	(erf) = vpow2.f32 v17;
	v17 =	vmul.f32 $1.442695020e+00, v34;
	_ =	sdelay $0x1  }
0x45: {  	(erf) = vpow2.f32 v17;
	_ =	sdelay $0x3  }
0x46: {  	v17 =	vpop (erf)  }
0x47: {  	v35 =	vpop (erf)  }
0x48: {  	v36 =	vpop (erf)  }
0x49: {  	v37 =	vpop (erf)  }
0x4a: {  	v22 =	vadd.f32 v37, v36  }
0x4b: {  	v38 =	vpop (erf)  }
0x4c: {  	v17 =	vadd.f32 v35, v17;
	v39 =	vadd.f32 v22, v38;
	_ =	sdelay $0x1  }
0x4d: {  	v17 =	vadd.f32 v39, v17;
	_ =	sdelay $0x1  }
0x4e: {  	v21 =	vand.u32 $0x7FFFFF, v17  }
0x4f: {  	v21 =	vor.u32 $0x3F800000, v21  }
0x50: {  	v40 =	vmul.f32 v21, v21;
	v41 =	vmul.f32 $4.358618560e-01, v21;
	_ =	sdelay $0x1  }
0x51: {  	v42 =	vmul.f32 $5.486285310e-02, v40;
	v23 =	vadd.f32 $-1.442481040e+00, v41;
	_ =	sdelay $0x1  }
0x52: {  	v17 =	vshra.s32 v17, $0x17;
	v21 =	vmul.f32 $2.792255160e+00, v21;
	v23 =	vsub.f32 v23, v42  }
0x53: {  	v17 =	vadd.s32 $0xFFFFFF81, v17  }
0x54: {  	v17 =	vcvt.s32.f32 v17;
	v21 =	vadd.f32 $-1.730631710e+00, v21;
	v22 =	vmul.f32 v23, v40;
	_ =	sdelay $0x1  }
0x55: {  	v17 =	vmul.f32 $6.931471820e-01, v17;
	v21 =	vadd.f32 v22, v21;
	_ =	sdelay $0x1  }
0x56: {  	v17 =	vadd.f32 v21, v17;
	_ =	sdelay $0x1  }
0x57: {  	s30 =	sand.u32 $0x800, s29;
	s31 =	sand.u32 $0x380, s28;
	v17 =	vadd.f32 v17, v25  }
0x58: {  	s30 =	sor.u32 s31, s30  }
0x59: {  	[tilespmem:s30+$0x10000] =	vst v17  }
0x5a: {  	v43 =	vld [tilespmem:s26+$0xFFFFFC10]  }
0x5b: {  	v44 =	vld [tilespmem:s26+$0xFFFFFC90]  }
0x5c: {  	v45 =	vld [tilespmem:s26+$0xFFFFFD10]  }
0x5d: {  	v46 =	vld [tilespmem:s26+$0xFFFFFD90];
	_ =	sdelay $0x1  }
0x5e: {  	v47 =	vperm.xlane v20, v1;
	v48 =	vld [tilespmem:s26+$0xFFFFFE10]  }
0x5f: {  	v28 =	vperm.xlane v10, v1;
	v22 =	vmov v16;
	v16 =	vperm.xlane v11, v1  }
0x60: {  	v21 =	vadd.f32 v43, v22;
	v23 =	vadd.f32 v44, v47  }
0x61: {  	v50 =	vperm.xlane v8, v1;
	v16 =	vadd.f32 v45, v16;
	v49 =	vadd.f32 v46, v28;
	_ =	sdelay $0x1  }
0x62: {  	v25 =	vadd.f32 v48, v50;
	v26 =	vmax.f32 v21, v23;
	v51 =	vmax.f32 v16, v49  }
0x63: {  	v26 =	vmax.f32 v26, v51  }
0x64: {  	v26 =	vmax.f32 v26, v25  }
0x65: {  	v21 =	vsub.f32 v21, v26  }
0x66: {  	v23 =	vsub.f32 v23, v26  }
0x67: {  	v16 =	vsub.f32 v16, v26;
	v21 =	vmul.f32 $1.442695020e+00, v21  }
0x68: {  	v24 =	vsub.f32 v49, v26;
	v23 =	vmul.f32 $1.442695020e+00, v23  }
0x69: {  	v16 =	vmul.f32 $1.442695020e+00, v16;
	(erf) = vpow2.f32 v21  }
0x6a: {  	v53 =	vsub.f32 v25, v26;
	v52 =	vmul.f32 $1.442695020e+00, v24;
	(erf) = vpow2.f32 v23  }
0x6b: {  	(erf) = vpow2.f32 v16  }
0x6c: {  	v16 =	vmul.f32 $1.442695020e+00, v53;
	(erf) = vpow2.f32 v52;
	_ =	sdelay $0x1  }
0x6d: {  	(erf) = vpow2.f32 v16;
	_ =	sdelay $0x3  }
0x6e: {  	v16 =	vpop (erf)  }
0x6f: {  	v54 =	vpop (erf)  }
0x70: {  	v55 =	vpop (erf)  }
0x71: {  	v56 =	vpop (erf)  }
0x72: {  	v23 =	vadd.f32 v56, v55  }
0x73: {  	v57 =	vpop (erf)  }
0x74: {  	v16 =	vadd.f32 v54, v16;
	v58 =	vadd.f32 v23, v57;
	_ =	sdelay $0x1  }
0x75: {  	v16 =	vadd.f32 v58, v16;
	_ =	sdelay $0x1  }
0x76: {  	v21 =	vand.u32 $0x7FFFFF, v16  }
0x77: {  	v21 =	vor.u32 $0x3F800000, v21  }
0x78: {  	v59 =	vmul.f32 v21, v21;
	v60 =	vmul.f32 $4.358618560e-01, v21;
	_ =	sdelay $0x1  }
0x79: {  	v61 =	vmul.f32 $5.486285310e-02, v59;
	v24 =	vadd.f32 $-1.442481040e+00, v60;
	_ =	sdelay $0x1  }
0x7a: {  	v16 =	vshra.s32 v16, $0x17;
	v21 =	vmul.f32 $2.792255160e+00, v21;
	v24 =	vsub.f32 v24, v61  }
0x7b: {  	v16 =	vadd.s32 $0xFFFFFF81, v16  }
0x7c: {  	v16 =	vcvt.s32.f32 v16;
	v21 =	vadd.f32 $-1.730631710e+00, v21;
	v23 =	vmul.f32 v24, v59;
	_ =	sdelay $0x1  }
0x7d: {  	v16 =	vmul.f32 $6.931471820e-01, v16;
	v21 =	vadd.f32 v23, v21;
	_ =	sdelay $0x1  }
0x7e: {  	v16 =	vadd.f32 v21, v16;
	_ =	sdelay $0x1  }
0x7f: {  	v16 =	vadd.f32 v16, v26;
	_ =	sdelay $0x1  }
0x80: {  	[tilespmem:s30+$0x10010] =	vst v16  }
0x81: {  	v62 =	vld [tilespmem:s26+$0xFFFFFC20]  }
0x82: {  	v63 =	vld [tilespmem:s26+$0xFFFFFCA0]  }
0x83: {  	v32 =	vld [tilespmem:s26+$0xFFFFFD20]  }
0x84: {  	v33 =	vld [tilespmem:s26+$0xFFFFFDA0];
	_ =	sdelay $0x1  }
0x85: {  	v34 =	vperm.xlane v20, v2;
	v35 =	vld [tilespmem:s26+$0xFFFFFE20]  }
0x86: {  	v29 =	vperm.xlane v10, v2;
	v21 =	vmov v15;
	v15 =	vperm.xlane v11, v2  }
0x87: {  	v23 =	vadd.f32 v62, v21;
	v24 =	vadd.f32 v63, v34  }
0x88: {  	v37 =	vperm.xlane v8, v2;
	v15 =	vadd.f32 v32, v15;
	v36 =	vadd.f32 v33, v29;
	_ =	sdelay $0x1  }
0x89: {  	v26 =	vadd.f32 v35, v37;
	v27 =	vmax.f32 v23, v24;
	v38 =	vmax.f32 v15, v36  }
0x8a: {  	v27 =	vmax.f32 v27, v38  }
0x8b: {  	v27 =	vmax.f32 v27, v26  }
0x8c: {  	v23 =	vsub.f32 v23, v27  }
0x8d: {  	v24 =	vsub.f32 v24, v27  }
0x8e: {  	v15 =	vsub.f32 v15, v27;
	v23 =	vmul.f32 $1.442695020e+00, v23  }
0x8f: {  	v25 =	vsub.f32 v36, v27;
	v24 =	vmul.f32 $1.442695020e+00, v24  }
0x90: {  	v15 =	vmul.f32 $1.442695020e+00, v15;
	(erf) = vpow2.f32 v23  }
0x91: {  	v40 =	vsub.f32 v26, v27;
	v39 =	vmul.f32 $1.442695020e+00, v25;
	(erf) = vpow2.f32 v24  }
0x92: {  	(erf) = vpow2.f32 v15  }
0x93: {  	v15 =	vmul.f32 $1.442695020e+00, v40;
	(erf) = vpow2.f32 v39;
	_ =	sdelay $0x1  }
0x94: {  	(erf) = vpow2.f32 v15;
	_ =	sdelay $0x3  }
0x95: {  	v15 =	vpop (erf)  }
0x96: {  	v41 =	vpop (erf)  }
0x97: {  	v42 =	vpop (erf)  }
0x98: {  	v43 =	vpop (erf)  }
0x99: {  	v24 =	vadd.f32 v43, v42  }
0x9a: {  	v44 =	vpop (erf)  }
0x9b: {  	v15 =	vadd.f32 v41, v15;
	v45 =	vadd.f32 v24, v44;
	_ =	sdelay $0x1  }
0x9c: {  	v15 =	vadd.f32 v45, v15;
	_ =	sdelay $0x1  }
0x9d: {  	v23 =	vand.u32 $0x7FFFFF, v15  }
0x9e: {  	v23 =	vor.u32 $0x3F800000, v23  }
0x9f: {  	v46 =	vmul.f32 v23, v23;
	v47 =	vmul.f32 $4.358618560e-01, v23;
	_ =	sdelay $0x1  }
0xa0: {  	v48 =	vmul.f32 $5.486285310e-02, v46;
	v25 =	vadd.f32 $-1.442481040e+00, v47;
	_ =	sdelay $0x1  }
0xa1: {  	v15 =	vshra.s32 v15, $0x17;
	v23 =	vmul.f32 $2.792255160e+00, v23;
	v25 =	vsub.f32 v25, v48  }
0xa2: {  	v15 =	vadd.s32 $0xFFFFFF81, v15  }
0xa3: {  	v15 =	vcvt.s32.f32 v15;
	v23 =	vadd.f32 $-1.730631710e+00, v23;
	v24 =	vmul.f32 v25, v46;
	_ =	sdelay $0x1  }
0xa4: {  	v15 =	vmul.f32 $6.931471820e-01, v15;
	v23 =	vadd.f32 v24, v23;
	_ =	sdelay $0x1  }
0xa5: {  	v15 =	vadd.f32 v23, v15;
	_ =	sdelay $0x1  }
0xa6: {  	v15 =	vadd.f32 v15, v27;
	_ =	sdelay $0x1  }
0xa7: {  	[tilespmem:s30+$0x10020] =	vst v15  }
0xa8: {  	v49 =	vld [tilespmem:s26+$0xFFFFFC30]  }
0xa9: {  	v50 =	vld [tilespmem:s26+$0xFFFFFCB0]  }
0xaa: {  	v51 =	vld [tilespmem:s26+$0xFFFFFD30]  }
0xab: {  	v52 =	vld [tilespmem:s26+$0xFFFFFDB0];
	_ =	sdelay $0x1  }
0xac: {  	v53 =	vperm.xlane v20, v3;
	v54 =	vld [tilespmem:s26+$0xFFFFFE30]  }
0xad: {  	v20 =	vmov v14;
	v14 =	vperm.xlane v11, v3;
	v55 =	vperm.xlane v10, v3  }
0xae: {  	v23 =	vadd.f32 v49, v20;
	v24 =	vadd.f32 v50, v53  }
0xaf: {  	v57 =	vperm.xlane v8, v3;
	v14 =	vadd.f32 v51, v14;
	v56 =	vadd.f32 v52, v55;
	_ =	sdelay $0x1  }
0xb0: {  	v26 =	vadd.f32 v54, v57;
	v27 =	vmax.f32 v23, v24;
	v58 =	vmax.f32 v14, v56  }
0xb1: {  	v27 =	vmax.f32 v27, v58  }
0xb2: {  	v27 =	vmax.f32 v27, v26  }
0xb3: {  	v23 =	vsub.f32 v23, v27  }
0xb4: {  	v24 =	vsub.f32 v24, v27  }
0xb5: {  	v14 =	vsub.f32 v14, v27;
	v23 =	vmul.f32 $1.442695020e+00, v23  }
0xb6: {  	v25 =	vsub.f32 v56, v27;
	v24 =	vmul.f32 $1.442695020e+00, v24  }
0xb7: {  	v14 =	vmul.f32 $1.442695020e+00, v14;
	(erf) = vpow2.f32 v23  }
0xb8: {  	v60 =	vsub.f32 v26, v27;
	v59 =	vmul.f32 $1.442695020e+00, v25;
	(erf) = vpow2.f32 v24  }
0xb9: {  	(erf) = vpow2.f32 v14  }
0xba: {  	v14 =	vmul.f32 $1.442695020e+00, v60;
	(erf) = vpow2.f32 v59;
	_ =	sdelay $0x1  }
0xbb: {  	(erf) = vpow2.f32 v14;
	_ =	sdelay $0x3  }
0xbc: {  	v14 =	vpop (erf)  }
0xbd: {  	v61 =	vpop (erf)  }
0xbe: {  	v62 =	vpop (erf)  }
0xbf: {  	v63 =	vpop (erf)  }
0xc0: {  	v24 =	vadd.f32 v63, v62  }
0xc1: {  	v28 =	vpop (erf)  }
0xc2: {  	v14 =	vadd.f32 v61, v14;
	v29 =	vadd.f32 v24, v28;
	_ =	sdelay $0x1  }
0xc3: {  	v14 =	vadd.f32 v29, v14;
	_ =	sdelay $0x1  }
0xc4: {  	v23 =	vand.u32 $0x7FFFFF, v14  }
0xc5: {  	v23 =	vor.u32 $0x3F800000, v23  }
0xc6: {  	v30 =	vmul.f32 v23, v23;
	v31 =	vmul.f32 $4.358618560e-01, v23;
	_ =	sdelay $0x1  }
0xc7: {  	v32 =	vmul.f32 $5.486285310e-02, v30;
	v25 =	vadd.f32 $-1.442481040e+00, v31;
	_ =	sdelay $0x1  }
0xc8: {  	v14 =	vshra.s32 v14, $0x17;
	v23 =	vmul.f32 $2.792255160e+00, v23;
	v25 =	vsub.f32 v25, v32  }
0xc9: {  	v14 =	vadd.s32 $0xFFFFFF81, v14  }
0xca: {  	v14 =	vcvt.s32.f32 v14;
	v23 =	vadd.f32 $-1.730631710e+00, v23;
	v24 =	vmul.f32 v25, v30;
	_ =	sdelay $0x1  }
0xcb: {  	v14 =	vmul.f32 $6.931471820e-01, v14;
	v23 =	vadd.f32 v24, v23;
	_ =	sdelay $0x1  }
0xcc: {  	v14 =	vadd.f32 v23, v14;
	_ =	sdelay $0x1  }
0xcd: {  	v14 =	vadd.f32 v14, v27;
	_ =	sdelay $0x1  }
0xce: {  	[tilespmem:s30+$0x10030] =	vst v14  }
0xcf: {  	v33 =	vld [tilespmem:s26+$0xFFFFFC40]  }
0xd0: {  	v34 =	vld [tilespmem:s26+$0xFFFFFCC0]  }
0xd1: {  	v35 =	vld [tilespmem:s26+$0xFFFFFD40]  }
0xd2: {  	v36 =	vld [tilespmem:s26+$0xFFFFFDC0];
	_ =	sdelay $0x1  }
0xd3: {  	v24 =	vmov v18;
	v18 =	vperm.xlane v22, v0;
	v37 =	vld [tilespmem:s26+$0xFFFFFE40]  }
0xd4: {  	v30 =	vperm.xlane v9, v0;
	v38 =	vperm.xlane v24, v0  }
0xd5: {  	v11 =	vadd.f32 v33, v11;
	v18 =	vadd.f32 v34, v18  }
0xd6: {  	v41 =	vperm.xlane v7, v0;
	v39 =	vadd.f32 v35, v38;
	v40 =	vadd.f32 v36, v30;
	_ =	sdelay $0x1  }
0xd7: {  	v26 =	vadd.f32 v37, v41;
	v42 =	vmax.f32 v11, v18;
	v43 =	vmax.f32 v39, v40  }
0xd8: {  	v27 =	vmax.f32 v42, v43  }
0xd9: {  	v27 =	vmax.f32 v27, v26  }
0xda: {  	v11 =	vsub.f32 v11, v27  }
0xdb: {  	v18 =	vsub.f32 v18, v27  }
0xdc: {  	v23 =	vsub.f32 v39, v27;
	v11 =	vmul.f32 $1.442695020e+00, v11  }
0xdd: {  	v25 =	vsub.f32 v40, v27;
	v18 =	vmul.f32 $1.442695020e+00, v18  }
0xde: {  	(erf) = vpow2.f32 v11;
	v11 =	vmul.f32 $1.442695020e+00, v23  }
0xdf: {  	v44 =	vsub.f32 v26, v27;
	(erf) = vpow2.f32 v18;
	v18 =	vmul.f32 $1.442695020e+00, v25  }
0xe0: {  	(erf) = vpow2.f32 v11  }
0xe1: {  	v11 =	vmul.f32 $1.442695020e+00, v44;
	(erf) = vpow2.f32 v18;
	_ =	sdelay $0x1  }
0xe2: {  	(erf) = vpow2.f32 v11;
	_ =	sdelay $0x3  }
0xe3: {  	v11 =	vpop (erf)  }
0xe4: {  	v18 =	vpop (erf)  }
0xe5: {  	v45 =	vpop (erf)  }
0xe6: {  	v46 =	vpop (erf)  }
0xe7: {  	v23 =	vadd.f32 v46, v45  }
0xe8: {  	v47 =	vpop (erf)  }
0xe9: {  	v11 =	vadd.f32 v18, v11;
	v18 =	vadd.f32 v23, v47;
	_ =	sdelay $0x1  }
0xea: {  	v11 =	vadd.f32 v18, v11;
	_ =	sdelay $0x1  }
0xeb: {  	v18 =	vand.u32 $0x7FFFFF, v11  }
0xec: {  	v18 =	vor.u32 $0x3F800000, v18  }
0xed: {  	v48 =	vmul.f32 v18, v18;
	v49 =	vmul.f32 $4.358618560e-01, v18;
	_ =	sdelay $0x1  }
0xee: {  	v50 =	vmul.f32 $5.486285310e-02, v48;
	v25 =	vadd.f32 $-1.442481040e+00, v49;
	_ =	sdelay $0x1  }
0xef: {  	v11 =	vshra.s32 v11, $0x17;
	v18 =	vmul.f32 $2.792255160e+00, v18;
	v25 =	vsub.f32 v25, v50  }
0xf0: {  	v11 =	vadd.s32 $0xFFFFFF81, v11  }
0xf1: {  	v11 =	vcvt.s32.f32 v11;
	v18 =	vadd.f32 $-1.730631710e+00, v18;
	v23 =	vmul.f32 v25, v48;
	_ =	sdelay $0x1  }
0xf2: {  	v11 =	vmul.f32 $6.931471820e-01, v11;
	v18 =	vadd.f32 v23, v18;
	_ =	sdelay $0x1  }
0xf3: {  	v11 =	vadd.f32 v18, v11;
	_ =	sdelay $0x1  }
0xf4: {  	v11 =	vadd.f32 v11, v27;
	_ =	sdelay $0x1  }
0xf5: {  	[tilespmem:s30+$0x10040] =	vst v11  }
0xf6: {  	v18 =	vld [tilespmem:s26+$0xFFFFFC50]  }
0xf7: {  	v51 =	vld [tilespmem:s26+$0xFFFFFCD0]  }
0xf8: {  	v52 =	vld [tilespmem:s26+$0xFFFFFD50]  }
0xf9: {  	v53 =	vld [tilespmem:s26+$0xFFFFFDD0];
	_ =	sdelay $0x1  }
0xfa: {  	v54 =	vperm.xlane v22, v1;
	v55 =	vld [tilespmem:s26+$0xFFFFFE50]  }
0xfb: {  	v57 =	vperm.xlane v9, v1;
	v56 =	vperm.xlane v24, v1  }
0xfc: {  	v18 =	vadd.f32 v18, v24;
	v23 =	vadd.f32 v51, v54  }
0xfd: {  	v58 =	vperm.xlane v7, v1;
	v25 =	vadd.f32 v52, v56;
	v26 =	vadd.f32 v53, v57;
	_ =	sdelay $0x1  }
0xfe: {  	v27 =	vadd.f32 v55, v58;
	v59 =	vmax.f32 v18, v23;
	v29 =	vmax.f32 v25, v26  }
0xff: {  	v28 =	vmax.f32 v59, v29  }
0x100: {  	v28 =	vmax.f32 v28, v27  }
0x101: {  	v18 =	vsub.f32 v18, v28  }
0x102: {  	v23 =	vsub.f32 v23, v28  }
0x103: {  	v25 =	vsub.f32 v25, v28;
	v18 =	vmul.f32 $1.442695020e+00, v18  }
0x104: {  	v26 =	vsub.f32 v26, v28;
	v23 =	vmul.f32 $1.442695020e+00, v23  }
0x105: {  	(erf) = vpow2.f32 v18;
	v18 =	vmul.f32 $1.442695020e+00, v25  }
0x106: {  	v61 =	vsub.f32 v27, v28;
	v60 =	vmul.f32 $1.442695020e+00, v26;
	(erf) = vpow2.f32 v23  }
0x107: {  	(erf) = vpow2.f32 v18  }
0x108: {  	v18 =	vmul.f32 $1.442695020e+00, v61;
	(erf) = vpow2.f32 v60;
	_ =	sdelay $0x1  }
0x109: {  	(erf) = vpow2.f32 v18;
	_ =	sdelay $0x3  }
0x10a: {  	v18 =	vpop (erf)  }
0x10b: {  	v62 =	vpop (erf)  }
0x10c: {  	v63 =	vpop (erf)  }
0x10d: {  	v29 =	vpop (erf)  }
0x10e: {  	v25 =	vadd.f32 v29, v63  }
0x10f: {  	v30 =	vpop (erf)  }
0x110: {  	v18 =	vadd.f32 v62, v18;
	v31 =	vadd.f32 v25, v30;
	_ =	sdelay $0x1  }
0x111: {  	v18 =	vadd.f32 v31, v18;
	_ =	sdelay $0x1  }
0x112: {  	v23 =	vand.u32 $0x7FFFFF, v18  }
0x113: {  	v23 =	vor.u32 $0x3F800000, v23  }
0x114: {  	v32 =	vmul.f32 v23, v23;
	v33 =	vmul.f32 $4.358618560e-01, v23;
	_ =	sdelay $0x1  }
0x115: {  	v34 =	vmul.f32 $5.486285310e-02, v32;
	v26 =	vadd.f32 $-1.442481040e+00, v33;
	_ =	sdelay $0x1  }
0x116: {  	v18 =	vshra.s32 v18, $0x17;
	v23 =	vmul.f32 $2.792255160e+00, v23;
	v26 =	vsub.f32 v26, v34  }
0x117: {  	v18 =	vadd.s32 $0xFFFFFF81, v18  }
0x118: {  	v18 =	vcvt.s32.f32 v18;
	v23 =	vadd.f32 $-1.730631710e+00, v23;
	v25 =	vmul.f32 v26, v32;
	_ =	sdelay $0x1  }
0x119: {  	v18 =	vmul.f32 $6.931471820e-01, v18;
	v23 =	vadd.f32 v25, v23;
	_ =	sdelay $0x1  }
0x11a: {  	v18 =	vadd.f32 v23, v18;
	_ =	sdelay $0x1  }
0x11b: {  	v18 =	vadd.f32 v18, v28;
	_ =	sdelay $0x1  }
0x11c: {  	[tilespmem:s30+$0x10050] =	vst v18  }
0x11d: {  	v35 =	vld [tilespmem:s26+$0xFFFFFC60]  }
0x11e: {  	v36 =	vld [tilespmem:s26+$0xFFFFFCE0]  }
0x11f: {  	v37 =	vld [tilespmem:s26+$0xFFFFFD60]  }
0x120: {  	v38 =	vld [tilespmem:s26+$0xFFFFFDE0];
	_ =	sdelay $0x1  }
0x121: {  	v39 =	vperm.xlane v22, v2;
	v40 =	vld [tilespmem:s26+$0xFFFFFE60]  }
0x122: {  	v31 =	vperm.xlane v9, v2;
	v23 =	vmov v13;
	v13 =	vperm.xlane v24, v2  }
0x123: {  	v25 =	vadd.f32 v35, v23;
	v26 =	vadd.f32 v36, v39  }
0x124: {  	v42 =	vperm.xlane v7, v2;
	v13 =	vadd.f32 v37, v13;
	v41 =	vadd.f32 v38, v31;
	_ =	sdelay $0x1  }
0x125: {  	v28 =	vadd.f32 v40, v42;
	v29 =	vmax.f32 v25, v26;
	v43 =	vmax.f32 v13, v41  }
0x126: {  	v29 =	vmax.f32 v29, v43  }
0x127: {  	v29 =	vmax.f32 v29, v28  }
0x128: {  	v25 =	vsub.f32 v25, v29  }
0x129: {  	v26 =	vsub.f32 v26, v29  }
0x12a: {  	v13 =	vsub.f32 v13, v29;
	v25 =	vmul.f32 $1.442695020e+00, v25  }
0x12b: {  	v27 =	vsub.f32 v41, v29;
	v26 =	vmul.f32 $1.442695020e+00, v26  }
0x12c: {  	v13 =	vmul.f32 $1.442695020e+00, v13;
	(erf) = vpow2.f32 v25  }
0x12d: {  	v45 =	vsub.f32 v28, v29;
	v44 =	vmul.f32 $1.442695020e+00, v27;
	(erf) = vpow2.f32 v26  }
0x12e: {  	(erf) = vpow2.f32 v13  }
0x12f: {  	v13 =	vmul.f32 $1.442695020e+00, v45;
	(erf) = vpow2.f32 v44;
	_ =	sdelay $0x1  }
0x130: {  	(erf) = vpow2.f32 v13;
	_ =	sdelay $0x3  }
0x131: {  	v13 =	vpop (erf)  }
0x132: {  	v46 =	vpop (erf)  }
0x133: {  	v47 =	vpop (erf)  }
0x134: {  	v48 =	vpop (erf)  }
0x135: {  	v26 =	vadd.f32 v48, v47  }
0x136: {  	v49 =	vpop (erf)  }
0x137: {  	v13 =	vadd.f32 v46, v13;
	v50 =	vadd.f32 v26, v49;
	_ =	sdelay $0x1  }
0x138: {  	v13 =	vadd.f32 v50, v13;
	_ =	sdelay $0x1  }
0x139: {  	v25 =	vand.u32 $0x7FFFFF, v13  }
0x13a: {  	v25 =	vor.u32 $0x3F800000, v25  }
0x13b: {  	v51 =	vmul.f32 v25, v25;
	v52 =	vmul.f32 $4.358618560e-01, v25;
	_ =	sdelay $0x1  }
0x13c: {  	v53 =	vmul.f32 $5.486285310e-02, v51;
	v27 =	vadd.f32 $-1.442481040e+00, v52;
	_ =	sdelay $0x1  }
0x13d: {  	v13 =	vshra.s32 v13, $0x17;
	v25 =	vmul.f32 $2.792255160e+00, v25;
	v27 =	vsub.f32 v27, v53  }
0x13e: {  	v13 =	vadd.s32 $0xFFFFFF81, v13  }
0x13f: {  	v13 =	vcvt.s32.f32 v13;
	v25 =	vadd.f32 $-1.730631710e+00, v25;
	v26 =	vmul.f32 v27, v51;
	_ =	sdelay $0x1  }
0x140: {  	v13 =	vmul.f32 $6.931471820e-01, v13;
	v25 =	vadd.f32 v26, v25;
	_ =	sdelay $0x1  }
0x141: {  	v13 =	vadd.f32 v25, v13;
	_ =	sdelay $0x1  }
0x142: {  	v13 =	vadd.f32 v13, v29;
	_ =	sdelay $0x1  }
0x143: {  	[tilespmem:s30+$0x10060] =	vst v13  }
0x144: {  	v54 =	vld [tilespmem:s26+$0xFFFFFC70]  }
0x145: {  	v55 =	vld [tilespmem:s26+$0xFFFFFCF0]  }
0x146: {  	v56 =	vld [tilespmem:s26+$0xFFFFFD70]  }
0x147: {  	v57 =	vld [tilespmem:s26+$0xFFFFFDF0];
	_ =	sdelay $0x1  }
0x148: {  	v58 =	vperm.xlane v22, v3;
	v59 =	vld [tilespmem:s26+$0xFFFFFE70]  }
0x149: {  	v22 =	vmov v12;
	v12 =	vperm.xlane v24, v3;
	v60 =	vperm.xlane v9, v3  }
0x14a: {  	v25 =	vadd.f32 v54, v22;
	v26 =	vadd.f32 v55, v58  }
0x14b: {  	v61 =	vperm.xlane v7, v3;
	v12 =	vadd.f32 v56, v12;
	v24 =	vadd.f32 v57, v60;
	_ =	sdelay $0x1  }
0x14c: {  	v27 =	vadd.f32 v59, v61;
	v62 =	vmax.f32 v25, v26;
	v63 =	vmax.f32 v12, v24  }
0x14d: {  	v28 =	vmax.f32 v62, v63  }
0x14e: {  	v28 =	vmax.f32 v28, v27  }
0x14f: {  	v25 =	vsub.f32 v25, v28  }
0x150: {  	v26 =	vsub.f32 v26, v28  }
0x151: {  	v12 =	vsub.f32 v12, v28;
	v25 =	vmul.f32 $1.442695020e+00, v25  }
0x152: {  	v24 =	vsub.f32 v24, v28;
	v26 =	vmul.f32 $1.442695020e+00, v26  }
0x153: {  	v12 =	vmul.f32 $1.442695020e+00, v12;
	(erf) = vpow2.f32 v25  }
0x154: {  	v29 =	vsub.f32 v27, v28;
	v24 =	vmul.f32 $1.442695020e+00, v24;
	(erf) = vpow2.f32 v26  }
0x155: {  	(erf) = vpow2.f32 v12  }
0x156: {  	v12 =	vmul.f32 $1.442695020e+00, v29;
	(erf) = vpow2.f32 v24;
	_ =	sdelay $0x1  }
0x157: {  	(erf) = vpow2.f32 v12;
	_ =	sdelay $0x3  }
0x158: {  	v12 =	vpop (erf)  }
0x159: {  	v30 =	vpop (erf)  }
0x15a: {  	v31 =	vpop (erf)  }
0x15b: {  	v32 =	vpop (erf)  }
0x15c: {  	v25 =	vadd.f32 v32, v31  }
0x15d: {  	v33 =	vpop (erf)  }
0x15e: {  	v12 =	vadd.f32 v30, v12;
	v34 =	vadd.f32 v25, v33;
	_ =	sdelay $0x1  }
0x15f: {  	v12 =	vadd.f32 v34, v12;
	_ =	sdelay $0x1  }
0x160: {  	v24 =	vand.u32 $0x7FFFFF, v12  }
0x161: {  	v24 =	vor.u32 $0x3F800000, v24  }
0x162: {  	v35 =	vmul.f32 v24, v24;
	v36 =	vmul.f32 $4.358618560e-01, v24;
	_ =	sdelay $0x1  }
0x163: {  	v37 =	vmul.f32 $5.486285310e-02, v35;
	v26 =	vadd.f32 $-1.442481040e+00, v36;
	_ =	sdelay $0x1  }
0x164: {  	v12 =	vshra.s32 v12, $0x17;
	v24 =	vmul.f32 $2.792255160e+00, v24;
	v26 =	vsub.f32 v26, v37  }
0x165: {  	v12 =	vadd.s32 $0xFFFFFF81, v12  }
0x166: {  	v12 =	vcvt.s32.f32 v12;
	v24 =	vadd.f32 $-1.730631710e+00, v24;
	v25 =	vmul.f32 v26, v35;
	_ =	sdelay $0x1  }
0x167: {  	v12 =	vmul.f32 $6.931471820e-01, v12;
	v24 =	vadd.f32 v25, v24;
	_ =	sdelay $0x1  }
0x168: {  	v12 =	vadd.f32 v24, v12;
	_ =	sdelay $0x1  }
0x169: {  	v12 =	vadd.f32 v12, v28;
	_ =	sdelay $0x1  }
0x16a: {  	[tilespmem:s30+$0x10070] =	vst v12  }
0x16b: {  	v38 =	vld [tilespmem:s26+$0x0]  }
0x16c: {  	v39 =	vld [tilespmem:s26+$0x80]  }
0x16d: {  	v40 =	vld [tilespmem:s26+$0x100]  }
0x16e: {  	v41 =	vld [tilespmem:s26+$0x180];
	_ =	sdelay $0x1  }
0x16f: {  	v24 =	vmov v19;
	v19 =	vperm.xlane v21, v0;
	v42 =	vld [tilespmem:s26+$0x200]  }
0x170: {  	v43 =	vperm.xlane v23, v0;
	v44 =	vperm.xlane v24, v0  }
0x171: {  	v10 =	vadd.f32 v38, v10;
	v19 =	vadd.f32 v39, v19  }
0x172: {  	v47 =	vperm.xlane v6, v0;
	v45 =	vadd.f32 v40, v43;
	v46 =	vadd.f32 v41, v44;
	_ =	sdelay $0x1  }
0x173: {  	v27 =	vadd.f32 v42, v47;
	v48 =	vmax.f32 v10, v19;
	v49 =	vmax.f32 v45, v46  }
0x174: {  	v28 =	vmax.f32 v48, v49  }
0x175: {  	v28 =	vmax.f32 v28, v27  }
0x176: {  	v10 =	vsub.f32 v10, v28  }
0x177: {  	v19 =	vsub.f32 v19, v28  }
0x178: {  	v25 =	vsub.f32 v45, v28;
	v10 =	vmul.f32 $1.442695020e+00, v10  }
0x179: {  	v26 =	vsub.f32 v46, v28;
	v19 =	vmul.f32 $1.442695020e+00, v19  }
0x17a: {  	(erf) = vpow2.f32 v10;
	v10 =	vmul.f32 $1.442695020e+00, v25  }
0x17b: {  	v50 =	vsub.f32 v27, v28;
	(erf) = vpow2.f32 v19;
	v19 =	vmul.f32 $1.442695020e+00, v26  }
0x17c: {  	(erf) = vpow2.f32 v10  }
0x17d: {  	v10 =	vmul.f32 $1.442695020e+00, v50;
	(erf) = vpow2.f32 v19;
	_ =	sdelay $0x1  }
0x17e: {  	(erf) = vpow2.f32 v10;
	_ =	sdelay $0x3  }
0x17f: {  	v10 =	vpop (erf)  }
0x180: {  	v19 =	vpop (erf)  }
0x181: {  	v51 =	vpop (erf)  }
0x182: {  	v52 =	vpop (erf)  }
0x183: {  	v25 =	vadd.f32 v52, v51  }
0x184: {  	v53 =	vpop (erf)  }
0x185: {  	v10 =	vadd.f32 v19, v10;
	v19 =	vadd.f32 v25, v53;
	_ =	sdelay $0x1  }
0x186: {  	v10 =	vadd.f32 v19, v10;
	_ =	sdelay $0x1  }
0x187: {  	v19 =	vand.u32 $0x7FFFFF, v10  }
0x188: {  	v19 =	vor.u32 $0x3F800000, v19  }
0x189: {  	v54 =	vmul.f32 v19, v19;
	v55 =	vmul.f32 $4.358618560e-01, v19;
	_ =	sdelay $0x1  }
0x18a: {  	v56 =	vmul.f32 $5.486285310e-02, v54;
	v26 =	vadd.f32 $-1.442481040e+00, v55;
	_ =	sdelay $0x1  }
0x18b: {  	v10 =	vshra.s32 v10, $0x17;
	v19 =	vmul.f32 $2.792255160e+00, v19;
	v26 =	vsub.f32 v26, v56  }
0x18c: {  	v10 =	vadd.s32 $0xFFFFFF81, v10  }
0x18d: {  	v10 =	vcvt.s32.f32 v10;
	v19 =	vadd.f32 $-1.730631710e+00, v19;
	v25 =	vmul.f32 v26, v54;
	_ =	sdelay $0x1  }
0x18e: {  	v10 =	vmul.f32 $6.931471820e-01, v10;
	v19 =	vadd.f32 v25, v19;
	_ =	sdelay $0x1  }
0x18f: {  	v10 =	vadd.f32 v19, v10;
	_ =	sdelay $0x1  }
0x190: {  	v10 =	vadd.f32 v10, v28;
	_ =	sdelay $0x1  }
0x191: {  	[tilespmem:s30+$0x10400] =	vst v10  }
0x192: {  	v19 =	vld [tilespmem:s26+$0x10]  }
0x193: {  	v57 =	vld [tilespmem:s26+$0x90]  }
0x194: {  	v58 =	vld [tilespmem:s26+$0x110]  }
0x195: {  	v59 =	vld [tilespmem:s26+$0x190];
	_ =	sdelay $0x1  }
0x196: {  	v60 =	vperm.xlane v21, v1;
	v61 =	vld [tilespmem:s26+$0x210]  }
0x197: {  	v62 =	vperm.xlane v23, v1;
	v63 =	vperm.xlane v24, v1  }
0x198: {  	v9 =	vadd.f32 v19, v9;
	v19 =	vadd.f32 v57, v60  }
0x199: {  	v34 =	vperm.xlane v6, v1;
	v32 =	vadd.f32 v58, v62;
	v33 =	vadd.f32 v59, v63;
	_ =	sdelay $0x1  }
0x19a: {  	v27 =	vadd.f32 v61, v34;
	v28 =	vmax.f32 v9, v19;
	v35 =	vmax.f32 v32, v33  }
0x19b: {  	v28 =	vmax.f32 v28, v35  }
0x19c: {  	v28 =	vmax.f32 v28, v27  }
0x19d: {  	v9 =	vsub.f32 v9, v28  }
0x19e: {  	v19 =	vsub.f32 v19, v28  }
0x19f: {  	v25 =	vsub.f32 v32, v28;
	v9 =	vmul.f32 $1.442695020e+00, v9  }
0x1a0: {  	v26 =	vsub.f32 v33, v28;
	v19 =	vmul.f32 $1.442695020e+00, v19  }
0x1a1: {  	(erf) = vpow2.f32 v9;
	v9 =	vmul.f32 $1.442695020e+00, v25  }
0x1a2: {  	v36 =	vsub.f32 v27, v28;
	(erf) = vpow2.f32 v19;
	v19 =	vmul.f32 $1.442695020e+00, v26  }
0x1a3: {  	(erf) = vpow2.f32 v9  }
0x1a4: {  	v9 =	vmul.f32 $1.442695020e+00, v36;
	(erf) = vpow2.f32 v19;
	_ =	sdelay $0x1  }
0x1a5: {  	(erf) = vpow2.f32 v9;
	_ =	sdelay $0x3  }
0x1a6: {  	v9 =	vpop (erf)  }
0x1a7: {  	v19 =	vpop (erf)  }
0x1a8: {  	v37 =	vpop (erf)  }
0x1a9: {  	v38 =	vpop (erf)  }
0x1aa: {  	v25 =	vadd.f32 v38, v37  }
0x1ab: {  	v39 =	vpop (erf)  }
0x1ac: {  	v9 =	vadd.f32 v19, v9;
	v19 =	vadd.f32 v25, v39;
	_ =	sdelay $0x1  }
0x1ad: {  	v9 =	vadd.f32 v19, v9;
	_ =	sdelay $0x1  }
0x1ae: {  	v19 =	vand.u32 $0x7FFFFF, v9  }
0x1af: {  	v19 =	vor.u32 $0x3F800000, v19  }
0x1b0: {  	v40 =	vmul.f32 v19, v19;
	v41 =	vmul.f32 $4.358618560e-01, v19;
	_ =	sdelay $0x1  }
0x1b1: {  	v42 =	vmul.f32 $5.486285310e-02, v40;
	v26 =	vadd.f32 $-1.442481040e+00, v41;
	_ =	sdelay $0x1  }
0x1b2: {  	v9 =	vshra.s32 v9, $0x17;
	v19 =	vmul.f32 $2.792255160e+00, v19;
	v26 =	vsub.f32 v26, v42  }
0x1b3: {  	v9 =	vadd.s32 $0xFFFFFF81, v9  }
0x1b4: {  	v9 =	vcvt.s32.f32 v9;
	v19 =	vadd.f32 $-1.730631710e+00, v19;
	v25 =	vmul.f32 v26, v40;
	_ =	sdelay $0x1  }
0x1b5: {  	v9 =	vmul.f32 $6.931471820e-01, v9;
	v19 =	vadd.f32 v25, v19;
	_ =	sdelay $0x1  }
0x1b6: {  	v9 =	vadd.f32 v19, v9;
	_ =	sdelay $0x1  }
0x1b7: {  	v9 =	vadd.f32 v9, v28;
	_ =	sdelay $0x1  }
0x1b8: {  	[tilespmem:s30+$0x10410] =	vst v9  }
0x1b9: {  	v19 =	vld [tilespmem:s26+$0x20]  }
0x1ba: {  	v43 =	vld [tilespmem:s26+$0xA0]  }
0x1bb: {  	v44 =	vld [tilespmem:s26+$0x120]  }
0x1bc: {  	v45 =	vld [tilespmem:s26+$0x1A0];
	_ =	sdelay $0x1  }
0x1bd: {  	v46 =	vperm.xlane v21, v2;
	v47 =	vld [tilespmem:s26+$0x220]  }
0x1be: {  	v48 =	vperm.xlane v23, v2;
	v49 =	vperm.xlane v24, v2  }
0x1bf: {  	v25 =	vadd.f32 v43, v46;
	v19 =	vadd.f32 v19, v24  }
0x1c0: {  	v50 =	vperm.xlane v6, v2;
	v26 =	vadd.f32 v44, v48;
	v27 =	vadd.f32 v45, v49;
	_ =	sdelay $0x1  }
0x1c1: {  	v28 =	vadd.f32 v47, v50;
	v51 =	vmax.f32 v19, v25;
	v30 =	vmax.f32 v26, v27  }
0x1c2: {  	v29 =	vmax.f32 v51, v30  }
0x1c3: {  	v29 =	vmax.f32 v29, v28  }
0x1c4: {  	v19 =	vsub.f32 v19, v29  }
0x1c5: {  	v25 =	vsub.f32 v25, v29  }
0x1c6: {  	v26 =	vsub.f32 v26, v29;
	v19 =	vmul.f32 $1.442695020e+00, v19  }
0x1c7: {  	v27 =	vsub.f32 v27, v29;
	v25 =	vmul.f32 $1.442695020e+00, v25  }
0x1c8: {  	(erf) = vpow2.f32 v19;
	v19 =	vmul.f32 $1.442695020e+00, v26  }
0x1c9: {  	v53 =	vsub.f32 v28, v29;
	v52 =	vmul.f32 $1.442695020e+00, v27;
	(erf) = vpow2.f32 v25  }
0x1ca: {  	(erf) = vpow2.f32 v19  }
0x1cb: {  	v19 =	vmul.f32 $1.442695020e+00, v53;
	(erf) = vpow2.f32 v52;
	_ =	sdelay $0x1  }
0x1cc: {  	(erf) = vpow2.f32 v19;
	_ =	sdelay $0x3  }
0x1cd: {  	v19 =	vpop (erf)  }
0x1ce: {  	v54 =	vpop (erf)  }
0x1cf: {  	v55 =	vpop (erf)  }
0x1d0: {  	v56 =	vpop (erf)  }
0x1d1: {  	v26 =	vadd.f32 v56, v55  }
0x1d2: {  	v57 =	vpop (erf)  }
0x1d3: {  	v19 =	vadd.f32 v54, v19;
	v58 =	vadd.f32 v26, v57;
	_ =	sdelay $0x1  }
0x1d4: {  	v19 =	vadd.f32 v58, v19;
	_ =	sdelay $0x1  }
0x1d5: {  	v25 =	vand.u32 $0x7FFFFF, v19  }
0x1d6: {  	v25 =	vor.u32 $0x3F800000, v25  }
0x1d7: {  	v59 =	vmul.f32 v25, v25;
	v60 =	vmul.f32 $4.358618560e-01, v25;
	_ =	sdelay $0x1  }
0x1d8: {  	v61 =	vmul.f32 $5.486285310e-02, v59;
	v27 =	vadd.f32 $-1.442481040e+00, v60;
	_ =	sdelay $0x1  }
0x1d9: {  	v19 =	vshra.s32 v19, $0x17;
	v25 =	vmul.f32 $2.792255160e+00, v25;
	v27 =	vsub.f32 v27, v61  }
0x1da: {  	v19 =	vadd.s32 $0xFFFFFF81, v19  }
0x1db: {  	v19 =	vcvt.s32.f32 v19;
	v25 =	vadd.f32 $-1.730631710e+00, v25;
	v26 =	vmul.f32 v27, v59;
	_ =	sdelay $0x1  }
0x1dc: {  	v19 =	vmul.f32 $6.931471820e-01, v19;
	v25 =	vadd.f32 v26, v25;
	_ =	sdelay $0x1  }
0x1dd: {  	v19 =	vadd.f32 v25, v19;
	_ =	sdelay $0x1  }
0x1de: {  	v19 =	vadd.f32 v19, v29;
	_ =	sdelay $0x1  }
0x1df: {  	[tilespmem:s30+$0x10420] =	vst v19  }
0x1e0: {  	v62 =	vld [tilespmem:s26+$0x30]  }
0x1e1: {  	v63 =	vld [tilespmem:s26+$0xB0]  }
0x1e2: {  	v33 =	vld [tilespmem:s26+$0x130]  }
0x1e3: {  	v34 =	vld [tilespmem:s26+$0x1B0];
	_ =	sdelay $0x1  }
0x1e4: {  	v35 =	vperm.xlane v21, v3;
	v36 =	vld [tilespmem:s26+$0x230]  }
0x1e5: {  	v21 =	vmov v4;
	v4 =	vperm.xlane v23, v3;
	v37 =	vperm.xlane v24, v3  }
0x1e6: {  	v38 =	vadd.f32 v62, v21;
	v39 =	vadd.f32 v63, v35  }
0x1e7: {  	v40 =	vperm.xlane v6, v3;
	v4 =	vadd.f32 v33, v4;
	v23 =	vadd.f32 v34, v37;
	_ =	sdelay $0x1  }
0x1e8: {  	v26 =	vadd.f32 v36, v40;
	v41 =	vmax.f32 v38, v39;
	v28 =	vmax.f32 v4, v23  }
0x1e9: {  	v27 =	vmax.f32 v41, v28  }
0x1ea: {  	v27 =	vmax.f32 v27, v26  }
0x1eb: {  	v24 =	vsub.f32 v38, v27  }
0x1ec: {  	v25 =	vsub.f32 v39, v27  }
0x1ed: {  	v4 =	vsub.f32 v4, v27;
	v24 =	vmul.f32 $1.442695020e+00, v24  }
0x1ee: {  	v23 =	vsub.f32 v23, v27;
	v25 =	vmul.f32 $1.442695020e+00, v25  }
0x1ef: {  	v4 =	vmul.f32 $1.442695020e+00, v4;
	(erf) = vpow2.f32 v24  }
0x1f0: {  	v42 =	vsub.f32 v26, v27;
	v23 =	vmul.f32 $1.442695020e+00, v23;
	(erf) = vpow2.f32 v25  }
0x1f1: {  	(erf) = vpow2.f32 v4  }
0x1f2: {  	v4 =	vmul.f32 $1.442695020e+00, v42;
	(erf) = vpow2.f32 v23;
	_ =	sdelay $0x1  }
0x1f3: {  	(erf) = vpow2.f32 v4;
	_ =	sdelay $0x3  }
0x1f4: {  	v4 =	vpop (erf)  }
0x1f5: {  	v43 =	vpop (erf)  }
0x1f6: {  	v44 =	vpop (erf)  }
0x1f7: {  	v45 =	vpop (erf)  }
0x1f8: {  	v24 =	vadd.f32 v45, v44  }
0x1f9: {  	v46 =	vpop (erf)  }
0x1fa: {  	v4 =	vadd.f32 v43, v4;
	v47 =	vadd.f32 v24, v46;
	_ =	sdelay $0x1  }
0x1fb: {  	v4 =	vadd.f32 v47, v4;
	_ =	sdelay $0x1  }
0x1fc: {  	v23 =	vand.u32 $0x7FFFFF, v4  }
0x1fd: {  	v23 =	vor.u32 $0x3F800000, v23  }
0x1fe: {  	v48 =	vmul.f32 v23, v23;
	v49 =	vmul.f32 $4.358618560e-01, v23;
	_ =	sdelay $0x1  }
0x1ff: {  	v50 =	vmul.f32 $5.486285310e-02, v48;
	v25 =	vadd.f32 $-1.442481040e+00, v49;
	_ =	sdelay $0x1  }
0x200: {  	v4 =	vshra.s32 v4, $0x17;
	v23 =	vmul.f32 $2.792255160e+00, v23;
	v25 =	vsub.f32 v25, v50  }
0x201: {  	v4 =	vadd.s32 $0xFFFFFF81, v4  }
0x202: {  	v4 =	vcvt.s32.f32 v4;
	v23 =	vadd.f32 $-1.730631710e+00, v23;
	v24 =	vmul.f32 v25, v48;
	_ =	sdelay $0x1  }
0x203: {  	v4 =	vmul.f32 $6.931471820e-01, v4;
	v23 =	vadd.f32 v24, v23;
	_ =	sdelay $0x1  }
0x204: {  	v4 =	vadd.f32 v23, v4;
	_ =	sdelay $0x1  }
0x205: {  	v4 =	vadd.f32 v4, v27;
	_ =	sdelay $0x1  }
0x206: {  	[tilespmem:s30+$0x10430] =	vst v4  }
0x207: {  	v51 =	vld [tilespmem:s26+$0x40]  }
0x208: {  	v52 =	vld [tilespmem:s26+$0xC0]  }
0x209: {  	v53 =	vld [tilespmem:s26+$0x140]  }
0x20a: {  	v54 =	vld [tilespmem:s26+$0x1C0];
	_ =	sdelay $0x1  }
0x20b: {  	v55 =	vperm.xlane v20, v0;
	v56 =	vld [tilespmem:s26+$0x240]  }
0x20c: {  	v57 =	vperm.xlane v22, v0;
	v58 =	vperm.xlane v21, v0  }
0x20d: {  	v8 =	vadd.f32 v51, v8;
	v59 =	vadd.f32 v52, v55  }
0x20e: {  	v62 =	vperm.xlane v5, v0;
	v60 =	vadd.f32 v53, v57;
	v61 =	vadd.f32 v54, v58;
	_ =	sdelay $0x1  }
0x20f: {  	v26 =	vadd.f32 v56, v62;
	v27 =	vmax.f32 v8, v59;
	v63 =	vmax.f32 v60, v61  }
0x210: {  	v27 =	vmax.f32 v27, v63  }
0x211: {  	v27 =	vmax.f32 v27, v26  }
0x212: {  	v8 =	vsub.f32 v8, v27  }
0x213: {  	v23 =	vsub.f32 v59, v27  }
0x214: {  	v24 =	vsub.f32 v60, v27;
	v8 =	vmul.f32 $1.442695020e+00, v8  }
0x215: {  	v25 =	vsub.f32 v61, v27;
	v23 =	vmul.f32 $1.442695020e+00, v23  }
0x216: {  	(erf) = vpow2.f32 v8;
	v8 =	vmul.f32 $1.442695020e+00, v24  }
0x217: {  	v29 =	vsub.f32 v26, v27;
	v28 =	vmul.f32 $1.442695020e+00, v25;
	(erf) = vpow2.f32 v23  }
0x218: {  	(erf) = vpow2.f32 v8  }
0x219: {  	v8 =	vmul.f32 $1.442695020e+00, v29;
	(erf) = vpow2.f32 v28;
	_ =	sdelay $0x1  }
0x21a: {  	(erf) = vpow2.f32 v8;
	_ =	sdelay $0x3  }
0x21b: {  	v8 =	vpop (erf)  }
0x21c: {  	v30 =	vpop (erf)  }
0x21d: {  	v31 =	vpop (erf)  }
0x21e: {  	v32 =	vpop (erf)  }
0x21f: {  	v24 =	vadd.f32 v32, v31  }
0x220: {  	v33 =	vpop (erf)  }
0x221: {  	v8 =	vadd.f32 v30, v8;
	v34 =	vadd.f32 v24, v33;
	_ =	sdelay $0x1  }
0x222: {  	v8 =	vadd.f32 v34, v8;
	_ =	sdelay $0x1  }
0x223: {  	v23 =	vand.u32 $0x7FFFFF, v8  }
0x224: {  	v23 =	vor.u32 $0x3F800000, v23  }
0x225: {  	v35 =	vmul.f32 v23, v23;
	v36 =	vmul.f32 $4.358618560e-01, v23;
	_ =	sdelay $0x1  }
0x226: {  	v37 =	vmul.f32 $5.486285310e-02, v35;
	v25 =	vadd.f32 $-1.442481040e+00, v36;
	_ =	sdelay $0x1  }
0x227: {  	v8 =	vshra.s32 v8, $0x17;
	v23 =	vmul.f32 $2.792255160e+00, v23;
	v25 =	vsub.f32 v25, v37  }
0x228: {  	v8 =	vadd.s32 $0xFFFFFF81, v8  }
0x229: {  	v8 =	vcvt.s32.f32 v8;
	v23 =	vadd.f32 $-1.730631710e+00, v23;
	v24 =	vmul.f32 v25, v35;
	_ =	sdelay $0x1  }
0x22a: {  	v8 =	vmul.f32 $6.931471820e-01, v8;
	v23 =	vadd.f32 v24, v23;
	_ =	sdelay $0x1  }
0x22b: {  	v8 =	vadd.f32 v23, v8;
	_ =	sdelay $0x1  }
0x22c: {  	v8 =	vadd.f32 v8, v27;
	_ =	sdelay $0x1  }
0x22d: {  	[tilespmem:s30+$0x10440] =	vst v8  }
0x22e: {  	v38 =	vld [tilespmem:s26+$0x50]  }
0x22f: {  	v39 =	vld [tilespmem:s26+$0xD0]  }
0x230: {  	v40 =	vld [tilespmem:s26+$0x150]  }
0x231: {  	v41 =	vld [tilespmem:s26+$0x1D0];
	_ =	sdelay $0x1  }
0x232: {  	v42 =	vperm.xlane v20, v1;
	v43 =	vld [tilespmem:s26+$0x250]  }
0x233: {  	v44 =	vperm.xlane v22, v1;
	v45 =	vperm.xlane v21, v1  }
0x234: {  	v7 =	vadd.f32 v38, v7;
	v46 =	vadd.f32 v39, v42  }
0x235: {  	v49 =	vperm.xlane v5, v1;
	v47 =	vadd.f32 v40, v44;
	v48 =	vadd.f32 v41, v45;
	_ =	sdelay $0x1  }
0x236: {  	v26 =	vadd.f32 v43, v49;
	v27 =	vmax.f32 v7, v46;
	v50 =	vmax.f32 v47, v48  }
0x237: {  	v27 =	vmax.f32 v27, v50  }
0x238: {  	v27 =	vmax.f32 v27, v26  }
0x239: {  	v7 =	vsub.f32 v7, v27  }
0x23a: {  	v23 =	vsub.f32 v46, v27  }
0x23b: {  	v24 =	vsub.f32 v47, v27;
	v7 =	vmul.f32 $1.442695020e+00, v7  }
0x23c: {  	v25 =	vsub.f32 v48, v27;
	v23 =	vmul.f32 $1.442695020e+00, v23  }
0x23d: {  	(erf) = vpow2.f32 v7;
	v7 =	vmul.f32 $1.442695020e+00, v24  }
0x23e: {  	v52 =	vsub.f32 v26, v27;
	v51 =	vmul.f32 $1.442695020e+00, v25;
	(erf) = vpow2.f32 v23  }
0x23f: {  	(erf) = vpow2.f32 v7  }
0x240: {  	v7 =	vmul.f32 $1.442695020e+00, v52;
	(erf) = vpow2.f32 v51;
	_ =	sdelay $0x1  }
0x241: {  	(erf) = vpow2.f32 v7;
	_ =	sdelay $0x3  }
0x242: {  	v7 =	vpop (erf)  }
0x243: {  	v53 =	vpop (erf)  }
0x244: {  	v54 =	vpop (erf)  }
0x245: {  	v55 =	vpop (erf)  }
0x246: {  	v24 =	vadd.f32 v55, v54  }
0x247: {  	v56 =	vpop (erf)  }
0x248: {  	v7 =	vadd.f32 v53, v7;
	v57 =	vadd.f32 v24, v56;
	_ =	sdelay $0x1  }
0x249: {  	v7 =	vadd.f32 v57, v7;
	_ =	sdelay $0x1  }
0x24a: {  	v23 =	vand.u32 $0x7FFFFF, v7  }
0x24b: {  	v23 =	vor.u32 $0x3F800000, v23  }
0x24c: {  	v58 =	vmul.f32 v23, v23;
	v59 =	vmul.f32 $4.358618560e-01, v23;
	_ =	sdelay $0x1  }
0x24d: {  	v60 =	vmul.f32 $5.486285310e-02, v58;
	v25 =	vadd.f32 $-1.442481040e+00, v59;
	_ =	sdelay $0x1  }
0x24e: {  	v7 =	vshra.s32 v7, $0x17;
	v23 =	vmul.f32 $2.792255160e+00, v23;
	v25 =	vsub.f32 v25, v60  }
0x24f: {  	v7 =	vadd.s32 $0xFFFFFF81, v7  }
0x250: {  	v7 =	vcvt.s32.f32 v7;
	v23 =	vadd.f32 $-1.730631710e+00, v23;
	v24 =	vmul.f32 v25, v58;
	_ =	sdelay $0x1  }
0x251: {  	v7 =	vmul.f32 $6.931471820e-01, v7;
	v23 =	vadd.f32 v24, v23;
	_ =	sdelay $0x1  }
0x252: {  	v7 =	vadd.f32 v23, v7;
	_ =	sdelay $0x1  }
0x253: {  	v7 =	vadd.f32 v7, v27;
	_ =	sdelay $0x1  }
0x254: {  	[tilespmem:s30+$0x10450] =	vst v7  }
0x255: {  	v61 =	vld [tilespmem:s26+$0x60]  }
0x256: {  	v62 =	vld [tilespmem:s26+$0xE0]  }
0x257: {  	v63 =	vld [tilespmem:s26+$0x160]  }
0x258: {  	v33 =	vld [tilespmem:s26+$0x1E0];
	_ =	sdelay $0x1  }
0x259: {  	v34 =	vperm.xlane v20, v2;
	v35 =	vld [tilespmem:s26+$0x260]  }
0x25a: {  	v36 =	vperm.xlane v22, v2;
	v37 =	vperm.xlane v21, v2  }
0x25b: {  	v6 =	vadd.f32 v61, v6;
	v38 =	vadd.f32 v62, v34  }
0x25c: {  	v41 =	vperm.xlane v5, v2;
	v39 =	vadd.f32 v63, v36;
	v40 =	vadd.f32 v33, v37;
	_ =	sdelay $0x1  }
0x25d: {  	v26 =	vadd.f32 v35, v41;
	v27 =	vmax.f32 v6, v38;
	v42 =	vmax.f32 v39, v40  }
0x25e: {  	v27 =	vmax.f32 v27, v42  }
0x25f: {  	v27 =	vmax.f32 v27, v26  }
0x260: {  	v6 =	vsub.f32 v6, v27  }
0x261: {  	v23 =	vsub.f32 v38, v27  }
0x262: {  	v24 =	vsub.f32 v39, v27;
	v6 =	vmul.f32 $1.442695020e+00, v6  }
0x263: {  	v25 =	vsub.f32 v40, v27;
	v23 =	vmul.f32 $1.442695020e+00, v23  }
0x264: {  	(erf) = vpow2.f32 v6;
	v6 =	vmul.f32 $1.442695020e+00, v24  }
0x265: {  	v44 =	vsub.f32 v26, v27;
	v43 =	vmul.f32 $1.442695020e+00, v25;
	(erf) = vpow2.f32 v23  }
0x266: {  	(erf) = vpow2.f32 v6  }
0x267: {  	v6 =	vmul.f32 $1.442695020e+00, v44;
	(erf) = vpow2.f32 v43;
	_ =	sdelay $0x1  }
0x268: {  	(erf) = vpow2.f32 v6;
	_ =	sdelay $0x3  }
0x269: {  	v6 =	vpop (erf)  }
0x26a: {  	v45 =	vpop (erf)  }
0x26b: {  	v46 =	vpop (erf)  }
0x26c: {  	v47 =	vpop (erf)  }
0x26d: {  	v24 =	vadd.f32 v47, v46  }
0x26e: {  	v48 =	vpop (erf)  }
0x26f: {  	v6 =	vadd.f32 v45, v6;
	v49 =	vadd.f32 v24, v48;
	_ =	sdelay $0x1  }
0x270: {  	v6 =	vadd.f32 v49, v6;
	_ =	sdelay $0x1  }
0x271: {  	v23 =	vand.u32 $0x7FFFFF, v6  }
0x272: {  	v23 =	vor.u32 $0x3F800000, v23  }
0x273: {  	v50 =	vmul.f32 v23, v23;
	v51 =	vmul.f32 $4.358618560e-01, v23;
	_ =	sdelay $0x1  }
0x274: {  	v52 =	vmul.f32 $5.486285310e-02, v50;
	v25 =	vadd.f32 $-1.442481040e+00, v51;
	_ =	sdelay $0x1  }
0x275: {  	v6 =	vshra.s32 v6, $0x17;
	v23 =	vmul.f32 $2.792255160e+00, v23;
	v25 =	vsub.f32 v25, v52  }
0x276: {  	v6 =	vadd.s32 $0xFFFFFF81, v6  }
0x277: {  	v6 =	vcvt.s32.f32 v6;
	v23 =	vadd.f32 $-1.730631710e+00, v23;
	v24 =	vmul.f32 v25, v50;
	_ =	sdelay $0x1  }
0x278: {  	v6 =	vmul.f32 $6.931471820e-01, v6;
	v23 =	vadd.f32 v24, v23;
	_ =	sdelay $0x1  }
0x279: {  	v6 =	vadd.f32 v23, v6;
	_ =	sdelay $0x1  }
0x27a: {  	v6 =	vadd.f32 v6, v27;
	_ =	sdelay $0x1  }
0x27b: {  	[tilespmem:s30+$0x10460] =	vst v6  }
0x27c: {  	v53 =	vld [tilespmem:s26+$0x70]  }
0x27d: {  	v54 =	vld [tilespmem:s26+$0xF0]  }
0x27e: {  	v55 =	vld [tilespmem:s26+$0x170]  }
0x27f: {  	v56 =	vld [tilespmem:s26+$0x1F0];
	_ =	sdelay $0x1  }
0x280: {  	v20 =	vperm.xlane v20, v3;
	v57 =	vld [tilespmem:s26+$0x270]  }
0x281: {  	v22 =	vperm.xlane v22, v3;
	v21 =	vperm.xlane v21, v3  }
0x282: {  	v23 =	vadd.f32 v53, v5;
	v20 =	vadd.f32 v54, v20  }
0x283: {  	v22 =	vadd.f32 v55, v22;
	v21 =	vadd.f32 v56, v21;
	v5 =	vperm.xlane v5, v3;
	_ =	sdelay $0x1  }
0x284: {  	v5 =	vadd.f32 v57, v5;
	v24 =	vmax.f32 v23, v20;
	v25 =	vmax.f32 v22, v21  }
0x285: {  	v24 =	vmax.f32 v24, v25  }
0x286: {  	v24 =	vmax.f32 v24, v5  }
0x287: {  	v23 =	vsub.f32 v23, v24  }
0x288: {  	v20 =	vsub.f32 v20, v24  }
0x289: {  	v22 =	vsub.f32 v22, v24;
	v23 =	vmul.f32 $1.442695020e+00, v23  }
0x28a: {  	v21 =	vsub.f32 v21, v24;
	v20 =	vmul.f32 $1.442695020e+00, v20  }
0x28b: {  	v22 =	vmul.f32 $1.442695020e+00, v22;
	(erf) = vpow2.f32 v23  }
0x28c: {  	v5 =	vsub.f32 v5, v24;
	(erf) = vpow2.f32 v20;
	v20 =	vmul.f32 $1.442695020e+00, v21  }
0x28d: {  	(erf) = vpow2.f32 v22  }
0x28e: {  	v5 =	vmul.f32 $1.442695020e+00, v5;
	(erf) = vpow2.f32 v20;
	_ =	sdelay $0x1  }
0x28f: {  	(erf) = vpow2.f32 v5;
	_ =	sdelay $0x3  }
0x290: {  	v5 =	vpop (erf)  }
0x291: {  	v20 =	vpop (erf)  }
0x292: {  	v58 =	vpop (erf)  }
0x293: {  	v59 =	vpop (erf)  }
0x294: {  	v21 =	vadd.f32 v59, v58  }
0x295: {  	v60 =	vpop (erf)  }
0x296: {  	v5 =	vadd.f32 v20, v5;
	v20 =	vadd.f32 v21, v60;
	_ =	sdelay $0x1  }
0x297: {  	v5 =	vadd.f32 v20, v5;
	_ =	sdelay $0x1  }
0x298: {  	v20 =	vand.u32 $0x7FFFFF, v5  }
0x299: {  	v20 =	vor.u32 $0x3F800000, v20  }
0x29a: {  	v61 =	vmul.f32 v20, v20;
	v62 =	vmul.f32 $4.358618560e-01, v20;
	_ =	sdelay $0x1  }
0x29b: {  	v63 =	vmul.f32 $5.486285310e-02, v61;
	v22 =	vadd.f32 $-1.442481040e+00, v62;
	_ =	sdelay $0x1  }
0x29c: {  	v5 =	vshra.s32 v5, $0x17;
	v20 =	vmul.f32 $2.792255160e+00, v20;
	v22 =	vsub.f32 v22, v63  }
0x29d: {  	v5 =	vadd.s32 $0xFFFFFF81, v5  }
0x29e: {  	v5 =	vcvt.s32.f32 v5;
	v20 =	vadd.f32 $-1.730631710e+00, v20;
	v21 =	vmul.f32 v22, v61;
	_ =	sdelay $0x1  }
0x29f: {  	v5 =	vmul.f32 $6.931471820e-01, v5;
	v20 =	vadd.f32 v21, v20  }
0x2a0: {  	p0 =	sne.s32 s29, $0xF00  }
.Ltmp1:
0x2a1: {  	v5 =	vadd.f32 v20, v5;
	(pc) =	sbr.rel @p0 .LBB2_4-.Ltmp1, $3  }
0x2a2: {  	_ = 	snop  }
0x2a3: {  	v5 =	vadd.f32 v5, v24;
	_ =	sdelay $0x1  }
0x2a4: {  	s28 =	sadd.s32 $0x80, s28;
	s29 =	sadd.s32 $0x100, s29;
	s26 =	sadd.s32 $0x800, s26;
	[tilespmem:s30+$0x10470] =	vst v5  }
0x2a5: {  	s26 =	sshll.u32 s24, $0x11  }
0x2a6: {  	s26 =	sor.u32 s8, s26  }
0x2a7: {  	s26 =	sshrl.u32 s26, $0x3  }
0x2a8: {  	s28 =	sadd.s32 s26, s9  }
0x2a9: {  	[hbm4b:s28+s20] =	stream.strided.scatter [tilespmem:s14], [sflag:$0x2], $0x400, s21, s20, $0x38;
	[tilespmem:$0x11000] =	vst v63  }
0x2aa: {  	s29 =	sadd.s32 $0x80, s28  }
0x2ab: {  	[hbm4b:s29+s20] =	stream.strided.scatter [tilespmem:s15], [sflag:$0x2], $0x400, s21, s20, $0x38;
	[tilespmem:$0x11000] =	vst v63  }
0x2ac: {  	s29 =	sadd.s32 $0x1000, s28  }
0x2ad: {  	[hbm4b:s29+s20] =	stream.strided.scatter [tilespmem:s22], [sflag:$0x2], $0x400, s21, s20, $0x38;
	[tilespmem:$0x11000] =	vst v63  }
0x2ae: {  	s28 =	sadd.s32 $0x1080, s28  }
0x2af: {  	[hbm4b:s28+s20] =	stream.strided.scatter [tilespmem:s23], [sflag:$0x2], $0x400, s21, s20, $0x38;
	[tilespmem:$0x11000] =	vst v63  }
0x2b0: {  	_ =	swait.ge [sflag:s16], $0x1000  }
0x2b1: {  	p0 =	seq.s32 s24, $0x1F;
	[sflag:s16] =	ssyncset.done $0x0  }
0x2b2: {  	s25 =	sadd.s32 @!p0 s6, s25;
	[sflag:s16] =	ssyncadd.s32 $0xFFFFF000  }
0x2b3: {  	s25 =	sshrl.u32 @!p0 s25, $0x3;
	_ =	swait.ge [sflag:s19], $0x8000  }
0x2b4: {  	s30 =	simm.s32 @!p0 $0x0;
	s25 =	sadd.s32 @!p0 s3, s25;
	[sflag:s19] =	ssyncset.done $0x0  }
0x2b5: {  	s29 =	simm.s32 @!p0 $0x8000;
	s28 =	simm.s32 @!p0 $0x800;
	[sflag:s19] =	ssyncadd.s32 $0xFFFF8000  }
0x2b6: {  	[tilespmem:s30], [sflag:$0x1] =	stream.strided.gather @!p0 [hbm4b:s25+s28], $0x8000, s29, s28, $0x38;
	[tilespmem:$0x11000] =	vst v63  }
0x2b7: {  	s25 =	simm.s32 $0x0;
	s28 =	simm.s32 $0x0;
	s29 =	simm.s32 $0x0  }
.LBB2_6:
0x2b8: {  	s30 =	sshra.s32 s29, $0x2  }
0x2b9: {  	v21 =	vld [tilespmem:s30+$0x8000]  }
0x2ba: {  	v22 =	vld [tilespmem:s30+$0x8080]  }
0x2bb: {  	v23 =	vld [tilespmem:s30+$0x8100]  }
0x2bc: {  	v24 =	vld [tilespmem:s30+$0x8180];
	_ =	sdelay $0x1  }
0x2bd: {  	v20 =	vmov v17;
	v17 =	vperm.xlane v17, v0;
	v25 =	vld [tilespmem:s30+$0x8200]  }
0x2be: {  	v26 =	vperm.xlane v11, v0;
	v27 =	vperm.xlane v10, v0  }
0x2bf: {  	v21 =	vadd.f32 v21, v20;
	v17 =	vadd.f32 v22, v17  }
0x2c0: {  	v31 =	vperm.xlane v8, v0;
	v29 =	vadd.f32 v23, v26;
	v30 =	vadd.f32 v24, v27;
	_ =	sdelay $0x1  }
0x2c1: {  	v24 =	vadd.f32 v25, v31;
	v32 =	vmax.f32 v21, v17;
	v26 =	vmax.f32 v29, v30  }
0x2c2: {  	v25 =	vmax.f32 v32, v26  }
0x2c3: {  	v25 =	vmax.f32 v25, v24  }
0x2c4: {  	v21 =	vsub.f32 v21, v25  }
0x2c5: {  	v17 =	vsub.f32 v17, v25  }
0x2c6: {  	v22 =	vsub.f32 v29, v25;
	v21 =	vmul.f32 $1.442695020e+00, v21  }
0x2c7: {  	v23 =	vsub.f32 v30, v25;
	v17 =	vmul.f32 $1.442695020e+00, v17  }
0x2c8: {  	v33 =	vmul.f32 $1.442695020e+00, v22;
	(erf) = vpow2.f32 v21  }
0x2c9: {  	v34 =	vsub.f32 v24, v25;
	(erf) = vpow2.f32 v17;
	v17 =	vmul.f32 $1.442695020e+00, v23  }
0x2ca: {  	(erf) = vpow2.f32 v33  }
0x2cb: {  	(erf) = vpow2.f32 v17;
	v17 =	vmul.f32 $1.442695020e+00, v34;
	_ =	sdelay $0x1  }
0x2cc: {  	(erf) = vpow2.f32 v17;
	_ =	sdelay $0x3  }
0x2cd: {  	v17 =	vpop (erf)  }
0x2ce: {  	v35 =	vpop (erf)  }
0x2cf: {  	v36 =	vpop (erf)  }
0x2d0: {  	v37 =	vpop (erf)  }
0x2d1: {  	v22 =	vadd.f32 v37, v36  }
0x2d2: {  	v38 =	vpop (erf)  }
0x2d3: {  	v17 =	vadd.f32 v35, v17;
	v39 =	vadd.f32 v22, v38;
	_ =	sdelay $0x1  }
0x2d4: {  	v17 =	vadd.f32 v39, v17;
	_ =	sdelay $0x1  }
0x2d5: {  	v21 =	vand.u32 $0x7FFFFF, v17  }
0x2d6: {  	v21 =	vor.u32 $0x3F800000, v21  }
0x2d7: {  	v40 =	vmul.f32 v21, v21;
	v41 =	vmul.f32 $4.358618560e-01, v21;
	_ =	sdelay $0x1  }
0x2d8: {  	v42 =	vmul.f32 $5.486285310e-02, v40;
	v23 =	vadd.f32 $-1.442481040e+00, v41;
	_ =	sdelay $0x1  }
0x2d9: {  	v17 =	vshra.s32 v17, $0x17;
	v21 =	vmul.f32 $2.792255160e+00, v21;
	v23 =	vsub.f32 v23, v42  }
0x2da: {  	v17 =	vadd.s32 $0xFFFFFF81, v17  }
0x2db: {  	v17 =	vcvt.s32.f32 v17;
	v21 =	vadd.f32 $-1.730631710e+00, v21;
	v22 =	vmul.f32 v23, v40;
	_ =	sdelay $0x1  }
0x2dc: {  	v17 =	vmul.f32 $6.931471820e-01, v17;
	v21 =	vadd.f32 v22, v21;
	_ =	sdelay $0x1  }
0x2dd: {  	v17 =	vadd.f32 v21, v17;
	_ =	sdelay $0x1  }
0x2de: {  	s31 =	sand.u32 $0x800, s25;
	s0 =	sand.u32 $0x380, s28;
	v17 =	vadd.f32 v17, v25  }
0x2df: {  	s31 =	sor.u32 s0, s31  }
0x2e0: {  	[tilespmem:s31+$0x10000] =	vst v17  }
0x2e1: {  	v43 =	vld [tilespmem:s30+$0x8010]  }
0x2e2: {  	v44 =	vld [tilespmem:s30+$0x8090]  }
0x2e3: {  	v45 =	vld [tilespmem:s30+$0x8110]  }
0x2e4: {  	v46 =	vld [tilespmem:s30+$0x8190];
	_ =	sdelay $0x1  }
0x2e5: {  	v47 =	vperm.xlane v20, v1;
	v48 =	vld [tilespmem:s30+$0x8210]  }
0x2e6: {  	v28 =	vperm.xlane v10, v1;
	v22 =	vmov v16;
	v16 =	vperm.xlane v11, v1  }
0x2e7: {  	v21 =	vadd.f32 v43, v22;
	v23 =	vadd.f32 v44, v47  }
0x2e8: {  	v50 =	vperm.xlane v8, v1;
	v16 =	vadd.f32 v45, v16;
	v49 =	vadd.f32 v46, v28;
	_ =	sdelay $0x1  }
0x2e9: {  	v25 =	vadd.f32 v48, v50;
	v26 =	vmax.f32 v21, v23;
	v51 =	vmax.f32 v16, v49  }
0x2ea: {  	v26 =	vmax.f32 v26, v51  }
0x2eb: {  	v26 =	vmax.f32 v26, v25  }
0x2ec: {  	v21 =	vsub.f32 v21, v26  }
0x2ed: {  	v23 =	vsub.f32 v23, v26  }
0x2ee: {  	v16 =	vsub.f32 v16, v26;
	v21 =	vmul.f32 $1.442695020e+00, v21  }
0x2ef: {  	v24 =	vsub.f32 v49, v26;
	v23 =	vmul.f32 $1.442695020e+00, v23  }
0x2f0: {  	v16 =	vmul.f32 $1.442695020e+00, v16;
	(erf) = vpow2.f32 v21  }
0x2f1: {  	v53 =	vsub.f32 v25, v26;
	v52 =	vmul.f32 $1.442695020e+00, v24;
	(erf) = vpow2.f32 v23  }
0x2f2: {  	(erf) = vpow2.f32 v16  }
0x2f3: {  	v16 =	vmul.f32 $1.442695020e+00, v53;
	(erf) = vpow2.f32 v52;
	_ =	sdelay $0x1  }
0x2f4: {  	(erf) = vpow2.f32 v16;
	_ =	sdelay $0x3  }
0x2f5: {  	v16 =	vpop (erf)  }
0x2f6: {  	v54 =	vpop (erf)  }
0x2f7: {  	v55 =	vpop (erf)  }
0x2f8: {  	v56 =	vpop (erf)  }
0x2f9: {  	v23 =	vadd.f32 v56, v55  }
0x2fa: {  	v57 =	vpop (erf)  }
0x2fb: {  	v16 =	vadd.f32 v54, v16;
	v58 =	vadd.f32 v23, v57;
	_ =	sdelay $0x1  }
0x2fc: {  	v16 =	vadd.f32 v58, v16;
	_ =	sdelay $0x1  }
0x2fd: {  	v21 =	vand.u32 $0x7FFFFF, v16  }
0x2fe: {  	v21 =	vor.u32 $0x3F800000, v21  }
0x2ff: {  	v59 =	vmul.f32 v21, v21;
	v60 =	vmul.f32 $4.358618560e-01, v21;
	_ =	sdelay $0x1  }
0x300: {  	v61 =	vmul.f32 $5.486285310e-02, v59;
	v24 =	vadd.f32 $-1.442481040e+00, v60;
	_ =	sdelay $0x1  }
0x301: {  	v16 =	vshra.s32 v16, $0x17;
	v21 =	vmul.f32 $2.792255160e+00, v21;
	v24 =	vsub.f32 v24, v61  }
0x302: {  	v16 =	vadd.s32 $0xFFFFFF81, v16  }
0x303: {  	v16 =	vcvt.s32.f32 v16;
	v21 =	vadd.f32 $-1.730631710e+00, v21;
	v23 =	vmul.f32 v24, v59;
	_ =	sdelay $0x1  }
0x304: {  	v16 =	vmul.f32 $6.931471820e-01, v16;
	v21 =	vadd.f32 v23, v21;
	_ =	sdelay $0x1  }
0x305: {  	v16 =	vadd.f32 v21, v16;
	_ =	sdelay $0x1  }
0x306: {  	v16 =	vadd.f32 v16, v26;
	_ =	sdelay $0x1  }
0x307: {  	[tilespmem:s31+$0x10010] =	vst v16  }
0x308: {  	v62 =	vld [tilespmem:s30+$0x8020]  }
0x309: {  	v63 =	vld [tilespmem:s30+$0x80A0]  }
0x30a: {  	v32 =	vld [tilespmem:s30+$0x8120]  }
0x30b: {  	v33 =	vld [tilespmem:s30+$0x81A0];
	_ =	sdelay $0x1  }
0x30c: {  	v34 =	vperm.xlane v20, v2;
	v35 =	vld [tilespmem:s30+$0x8220]  }
0x30d: {  	v29 =	vperm.xlane v10, v2;
	v21 =	vmov v15;
	v15 =	vperm.xlane v11, v2  }
0x30e: {  	v23 =	vadd.f32 v62, v21;
	v24 =	vadd.f32 v63, v34  }
0x30f: {  	v37 =	vperm.xlane v8, v2;
	v15 =	vadd.f32 v32, v15;
	v36 =	vadd.f32 v33, v29;
	_ =	sdelay $0x1  }
0x310: {  	v26 =	vadd.f32 v35, v37;
	v27 =	vmax.f32 v23, v24;
	v38 =	vmax.f32 v15, v36  }
0x311: {  	v27 =	vmax.f32 v27, v38  }
0x312: {  	v27 =	vmax.f32 v27, v26  }
0x313: {  	v23 =	vsub.f32 v23, v27  }
0x314: {  	v24 =	vsub.f32 v24, v27  }
0x315: {  	v15 =	vsub.f32 v15, v27;
	v23 =	vmul.f32 $1.442695020e+00, v23  }
0x316: {  	v25 =	vsub.f32 v36, v27;
	v24 =	vmul.f32 $1.442695020e+00, v24  }
0x317: {  	v15 =	vmul.f32 $1.442695020e+00, v15;
	(erf) = vpow2.f32 v23  }
0x318: {  	v40 =	vsub.f32 v26, v27;
	v39 =	vmul.f32 $1.442695020e+00, v25;
	(erf) = vpow2.f32 v24  }
0x319: {  	(erf) = vpow2.f32 v15  }
0x31a: {  	v15 =	vmul.f32 $1.442695020e+00, v40;
	(erf) = vpow2.f32 v39;
	_ =	sdelay $0x1  }
0x31b: {  	(erf) = vpow2.f32 v15;
	_ =	sdelay $0x3  }
0x31c: {  	v15 =	vpop (erf)  }
0x31d: {  	v41 =	vpop (erf)  }
0x31e: {  	v42 =	vpop (erf)  }
0x31f: {  	v43 =	vpop (erf)  }
0x320: {  	v24 =	vadd.f32 v43, v42  }
0x321: {  	v44 =	vpop (erf)  }
0x322: {  	v15 =	vadd.f32 v41, v15;
	v45 =	vadd.f32 v24, v44;
	_ =	sdelay $0x1  }
0x323: {  	v15 =	vadd.f32 v45, v15;
	_ =	sdelay $0x1  }
0x324: {  	v23 =	vand.u32 $0x7FFFFF, v15  }
0x325: {  	v23 =	vor.u32 $0x3F800000, v23  }
0x326: {  	v46 =	vmul.f32 v23, v23;
	v47 =	vmul.f32 $4.358618560e-01, v23;
	_ =	sdelay $0x1  }
0x327: {  	v48 =	vmul.f32 $5.486285310e-02, v46;
	v25 =	vadd.f32 $-1.442481040e+00, v47;
	_ =	sdelay $0x1  }
0x328: {  	v15 =	vshra.s32 v15, $0x17;
	v23 =	vmul.f32 $2.792255160e+00, v23;
	v25 =	vsub.f32 v25, v48  }
0x329: {  	v15 =	vadd.s32 $0xFFFFFF81, v15  }
0x32a: {  	v15 =	vcvt.s32.f32 v15;
	v23 =	vadd.f32 $-1.730631710e+00, v23;
	v24 =	vmul.f32 v25, v46;
	_ =	sdelay $0x1  }
0x32b: {  	v15 =	vmul.f32 $6.931471820e-01, v15;
	v23 =	vadd.f32 v24, v23;
	_ =	sdelay $0x1  }
0x32c: {  	v15 =	vadd.f32 v23, v15;
	_ =	sdelay $0x1  }
0x32d: {  	v15 =	vadd.f32 v15, v27;
	_ =	sdelay $0x1  }
0x32e: {  	[tilespmem:s31+$0x10020] =	vst v15  }
0x32f: {  	v49 =	vld [tilespmem:s30+$0x8030]  }
0x330: {  	v50 =	vld [tilespmem:s30+$0x80B0]  }
0x331: {  	v51 =	vld [tilespmem:s30+$0x8130]  }
0x332: {  	v52 =	vld [tilespmem:s30+$0x81B0];
	_ =	sdelay $0x1  }
0x333: {  	v53 =	vperm.xlane v20, v3;
	v54 =	vld [tilespmem:s30+$0x8230]  }
0x334: {  	v20 =	vmov v14;
	v14 =	vperm.xlane v11, v3;
	v55 =	vperm.xlane v10, v3  }
0x335: {  	v23 =	vadd.f32 v49, v20;
	v24 =	vadd.f32 v50, v53  }
0x336: {  	v57 =	vperm.xlane v8, v3;
	v14 =	vadd.f32 v51, v14;
	v56 =	vadd.f32 v52, v55;
	_ =	sdelay $0x1  }
0x337: {  	v26 =	vadd.f32 v54, v57;
	v27 =	vmax.f32 v23, v24;
	v58 =	vmax.f32 v14, v56  }
0x338: {  	v27 =	vmax.f32 v27, v58  }
0x339: {  	v27 =	vmax.f32 v27, v26  }
0x33a: {  	v23 =	vsub.f32 v23, v27  }
0x33b: {  	v24 =	vsub.f32 v24, v27  }
0x33c: {  	v14 =	vsub.f32 v14, v27;
	v23 =	vmul.f32 $1.442695020e+00, v23  }
0x33d: {  	v25 =	vsub.f32 v56, v27;
	v24 =	vmul.f32 $1.442695020e+00, v24  }
0x33e: {  	v14 =	vmul.f32 $1.442695020e+00, v14;
	(erf) = vpow2.f32 v23  }
0x33f: {  	v60 =	vsub.f32 v26, v27;
	v59 =	vmul.f32 $1.442695020e+00, v25;
	(erf) = vpow2.f32 v24  }
0x340: {  	(erf) = vpow2.f32 v14  }
0x341: {  	v14 =	vmul.f32 $1.442695020e+00, v60;
	(erf) = vpow2.f32 v59;
	_ =	sdelay $0x1  }
0x342: {  	(erf) = vpow2.f32 v14;
	_ =	sdelay $0x3  }
0x343: {  	v14 =	vpop (erf)  }
0x344: {  	v61 =	vpop (erf)  }
0x345: {  	v62 =	vpop (erf)  }
0x346: {  	v63 =	vpop (erf)  }
0x347: {  	v24 =	vadd.f32 v63, v62  }
0x348: {  	v28 =	vpop (erf)  }
0x349: {  	v14 =	vadd.f32 v61, v14;
	v29 =	vadd.f32 v24, v28;
	_ =	sdelay $0x1  }
0x34a: {  	v14 =	vadd.f32 v29, v14;
	_ =	sdelay $0x1  }
0x34b: {  	v23 =	vand.u32 $0x7FFFFF, v14  }
0x34c: {  	v23 =	vor.u32 $0x3F800000, v23  }
0x34d: {  	v30 =	vmul.f32 v23, v23;
	v31 =	vmul.f32 $4.358618560e-01, v23;
	_ =	sdelay $0x1  }
0x34e: {  	v32 =	vmul.f32 $5.486285310e-02, v30;
	v25 =	vadd.f32 $-1.442481040e+00, v31;
	_ =	sdelay $0x1  }
0x34f: {  	v14 =	vshra.s32 v14, $0x17;
	v23 =	vmul.f32 $2.792255160e+00, v23;
	v25 =	vsub.f32 v25, v32  }
0x350: {  	v14 =	vadd.s32 $0xFFFFFF81, v14  }
0x351: {  	v14 =	vcvt.s32.f32 v14;
	v23 =	vadd.f32 $-1.730631710e+00, v23;
	v24 =	vmul.f32 v25, v30;
	_ =	sdelay $0x1  }
0x352: {  	v14 =	vmul.f32 $6.931471820e-01, v14;
	v23 =	vadd.f32 v24, v23;
	_ =	sdelay $0x1  }
0x353: {  	v14 =	vadd.f32 v23, v14;
	_ =	sdelay $0x1  }
0x354: {  	v14 =	vadd.f32 v14, v27;
	_ =	sdelay $0x1  }
0x355: {  	[tilespmem:s31+$0x10030] =	vst v14  }
0x356: {  	v33 =	vld [tilespmem:s30+$0x8040]  }
0x357: {  	v34 =	vld [tilespmem:s30+$0x80C0]  }
0x358: {  	v35 =	vld [tilespmem:s30+$0x8140]  }
0x359: {  	v36 =	vld [tilespmem:s30+$0x81C0];
	_ =	sdelay $0x1  }
0x35a: {  	v24 =	vmov v18;
	v18 =	vperm.xlane v22, v0;
	v37 =	vld [tilespmem:s30+$0x8240]  }
0x35b: {  	v30 =	vperm.xlane v9, v0;
	v38 =	vperm.xlane v24, v0  }
0x35c: {  	v11 =	vadd.f32 v33, v11;
	v18 =	vadd.f32 v34, v18  }
0x35d: {  	v41 =	vperm.xlane v7, v0;
	v39 =	vadd.f32 v35, v38;
	v40 =	vadd.f32 v36, v30;
	_ =	sdelay $0x1  }
0x35e: {  	v26 =	vadd.f32 v37, v41;
	v42 =	vmax.f32 v11, v18;
	v43 =	vmax.f32 v39, v40  }
0x35f: {  	v27 =	vmax.f32 v42, v43  }
0x360: {  	v27 =	vmax.f32 v27, v26  }
0x361: {  	v11 =	vsub.f32 v11, v27  }
0x362: {  	v18 =	vsub.f32 v18, v27  }
0x363: {  	v23 =	vsub.f32 v39, v27;
	v11 =	vmul.f32 $1.442695020e+00, v11  }
0x364: {  	v25 =	vsub.f32 v40, v27;
	v18 =	vmul.f32 $1.442695020e+00, v18  }
0x365: {  	(erf) = vpow2.f32 v11;
	v11 =	vmul.f32 $1.442695020e+00, v23  }
0x366: {  	v44 =	vsub.f32 v26, v27;
	(erf) = vpow2.f32 v18;
	v18 =	vmul.f32 $1.442695020e+00, v25  }
0x367: {  	(erf) = vpow2.f32 v11  }
0x368: {  	v11 =	vmul.f32 $1.442695020e+00, v44;
	(erf) = vpow2.f32 v18;
	_ =	sdelay $0x1  }
0x369: {  	(erf) = vpow2.f32 v11;
	_ =	sdelay $0x3  }
0x36a: {  	v11 =	vpop (erf)  }
0x36b: {  	v18 =	vpop (erf)  }
0x36c: {  	v45 =	vpop (erf)  }
0x36d: {  	v46 =	vpop (erf)  }
0x36e: {  	v23 =	vadd.f32 v46, v45  }
0x36f: {  	v47 =	vpop (erf)  }
0x370: {  	v11 =	vadd.f32 v18, v11;
	v18 =	vadd.f32 v23, v47;
	_ =	sdelay $0x1  }
0x371: {  	v11 =	vadd.f32 v18, v11;
	_ =	sdelay $0x1  }
0x372: {  	v18 =	vand.u32 $0x7FFFFF, v11  }
0x373: {  	v18 =	vor.u32 $0x3F800000, v18  }
0x374: {  	v48 =	vmul.f32 v18, v18;
	v49 =	vmul.f32 $4.358618560e-01, v18;
	_ =	sdelay $0x1  }
0x375: {  	v50 =	vmul.f32 $5.486285310e-02, v48;
	v25 =	vadd.f32 $-1.442481040e+00, v49;
	_ =	sdelay $0x1  }
0x376: {  	v11 =	vshra.s32 v11, $0x17;
	v18 =	vmul.f32 $2.792255160e+00, v18;
	v25 =	vsub.f32 v25, v50  }
0x377: {  	v11 =	vadd.s32 $0xFFFFFF81, v11  }
0x378: {  	v11 =	vcvt.s32.f32 v11;
	v18 =	vadd.f32 $-1.730631710e+00, v18;
	v23 =	vmul.f32 v25, v48;
	_ =	sdelay $0x1  }
0x379: {  	v11 =	vmul.f32 $6.931471820e-01, v11;
	v18 =	vadd.f32 v23, v18;
	_ =	sdelay $0x1  }
0x37a: {  	v11 =	vadd.f32 v18, v11;
	_ =	sdelay $0x1  }
0x37b: {  	v11 =	vadd.f32 v11, v27;
	_ =	sdelay $0x1  }
0x37c: {  	[tilespmem:s31+$0x10040] =	vst v11  }
0x37d: {  	v18 =	vld [tilespmem:s30+$0x8050]  }
0x37e: {  	v51 =	vld [tilespmem:s30+$0x80D0]  }
0x37f: {  	v52 =	vld [tilespmem:s30+$0x8150]  }
0x380: {  	v53 =	vld [tilespmem:s30+$0x81D0];
	_ =	sdelay $0x1  }
0x381: {  	v54 =	vperm.xlane v22, v1;
	v55 =	vld [tilespmem:s30+$0x8250]  }
0x382: {  	v57 =	vperm.xlane v9, v1;
	v56 =	vperm.xlane v24, v1  }
0x383: {  	v18 =	vadd.f32 v18, v24;
	v23 =	vadd.f32 v51, v54  }
0x384: {  	v58 =	vperm.xlane v7, v1;
	v25 =	vadd.f32 v52, v56;
	v26 =	vadd.f32 v53, v57;
	_ =	sdelay $0x1  }
0x385: {  	v27 =	vadd.f32 v55, v58;
	v59 =	vmax.f32 v18, v23;
	v29 =	vmax.f32 v25, v26  }
0x386: {  	v28 =	vmax.f32 v59, v29  }
0x387: {  	v28 =	vmax.f32 v28, v27  }
0x388: {  	v18 =	vsub.f32 v18, v28  }
0x389: {  	v23 =	vsub.f32 v23, v28  }
0x38a: {  	v25 =	vsub.f32 v25, v28;
	v18 =	vmul.f32 $1.442695020e+00, v18  }
0x38b: {  	v26 =	vsub.f32 v26, v28;
	v23 =	vmul.f32 $1.442695020e+00, v23  }
0x38c: {  	(erf) = vpow2.f32 v18;
	v18 =	vmul.f32 $1.442695020e+00, v25  }
0x38d: {  	v61 =	vsub.f32 v27, v28;
	v60 =	vmul.f32 $1.442695020e+00, v26;
	(erf) = vpow2.f32 v23  }
0x38e: {  	(erf) = vpow2.f32 v18  }
0x38f: {  	v18 =	vmul.f32 $1.442695020e+00, v61;
	(erf) = vpow2.f32 v60;
	_ =	sdelay $0x1  }
0x390: {  	(erf) = vpow2.f32 v18;
	_ =	sdelay $0x3  }
0x391: {  	v18 =	vpop (erf)  }
0x392: {  	v62 =	vpop (erf)  }
0x393: {  	v63 =	vpop (erf)  }
0x394: {  	v29 =	vpop (erf)  }
0x395: {  	v25 =	vadd.f32 v29, v63  }
0x396: {  	v30 =	vpop (erf)  }
0x397: {  	v18 =	vadd.f32 v62, v18;
	v31 =	vadd.f32 v25, v30;
	_ =	sdelay $0x1  }
0x398: {  	v18 =	vadd.f32 v31, v18;
	_ =	sdelay $0x1  }
0x399: {  	v23 =	vand.u32 $0x7FFFFF, v18  }
0x39a: {  	v23 =	vor.u32 $0x3F800000, v23  }
0x39b: {  	v32 =	vmul.f32 v23, v23;
	v33 =	vmul.f32 $4.358618560e-01, v23;
	_ =	sdelay $0x1  }
0x39c: {  	v34 =	vmul.f32 $5.486285310e-02, v32;
	v26 =	vadd.f32 $-1.442481040e+00, v33;
	_ =	sdelay $0x1  }
0x39d: {  	v18 =	vshra.s32 v18, $0x17;
	v23 =	vmul.f32 $2.792255160e+00, v23;
	v26 =	vsub.f32 v26, v34  }
0x39e: {  	v18 =	vadd.s32 $0xFFFFFF81, v18  }
0x39f: {  	v18 =	vcvt.s32.f32 v18;
	v23 =	vadd.f32 $-1.730631710e+00, v23;
	v25 =	vmul.f32 v26, v32;
	_ =	sdelay $0x1  }
0x3a0: {  	v18 =	vmul.f32 $6.931471820e-01, v18;
	v23 =	vadd.f32 v25, v23;
	_ =	sdelay $0x1  }
0x3a1: {  	v18 =	vadd.f32 v23, v18;
	_ =	sdelay $0x1  }
0x3a2: {  	v18 =	vadd.f32 v18, v28;
	_ =	sdelay $0x1  }
0x3a3: {  	[tilespmem:s31+$0x10050] =	vst v18  }
0x3a4: {  	v35 =	vld [tilespmem:s30+$0x8060]  }
0x3a5: {  	v36 =	vld [tilespmem:s30+$0x80E0]  }
0x3a6: {  	v37 =	vld [tilespmem:s30+$0x8160]  }
0x3a7: {  	v38 =	vld [tilespmem:s30+$0x81E0];
	_ =	sdelay $0x1  }
0x3a8: {  	v39 =	vperm.xlane v22, v2;
	v40 =	vld [tilespmem:s30+$0x8260]  }
0x3a9: {  	v31 =	vperm.xlane v9, v2;
	v23 =	vmov v13;
	v13 =	vperm.xlane v24, v2  }
0x3aa: {  	v25 =	vadd.f32 v35, v23;
	v26 =	vadd.f32 v36, v39  }
0x3ab: {  	v42 =	vperm.xlane v7, v2;
	v13 =	vadd.f32 v37, v13;
	v41 =	vadd.f32 v38, v31;
	_ =	sdelay $0x1  }
0x3ac: {  	v28 =	vadd.f32 v40, v42;
	v29 =	vmax.f32 v25, v26;
	v43 =	vmax.f32 v13, v41  }
0x3ad: {  	v29 =	vmax.f32 v29, v43  }
0x3ae: {  	v29 =	vmax.f32 v29, v28  }
0x3af: {  	v25 =	vsub.f32 v25, v29  }
0x3b0: {  	v26 =	vsub.f32 v26, v29  }
0x3b1: {  	v13 =	vsub.f32 v13, v29;
	v25 =	vmul.f32 $1.442695020e+00, v25  }
0x3b2: {  	v27 =	vsub.f32 v41, v29;
	v26 =	vmul.f32 $1.442695020e+00, v26  }
0x3b3: {  	v13 =	vmul.f32 $1.442695020e+00, v13;
	(erf) = vpow2.f32 v25  }
0x3b4: {  	v45 =	vsub.f32 v28, v29;
	v44 =	vmul.f32 $1.442695020e+00, v27;
	(erf) = vpow2.f32 v26  }
0x3b5: {  	(erf) = vpow2.f32 v13  }
0x3b6: {  	v13 =	vmul.f32 $1.442695020e+00, v45;
	(erf) = vpow2.f32 v44;
	_ =	sdelay $0x1  }
0x3b7: {  	(erf) = vpow2.f32 v13;
	_ =	sdelay $0x3  }
0x3b8: {  	v13 =	vpop (erf)  }
0x3b9: {  	v46 =	vpop (erf)  }
0x3ba: {  	v47 =	vpop (erf)  }
0x3bb: {  	v48 =	vpop (erf)  }
0x3bc: {  	v26 =	vadd.f32 v48, v47  }
0x3bd: {  	v49 =	vpop (erf)  }
0x3be: {  	v13 =	vadd.f32 v46, v13;
	v50 =	vadd.f32 v26, v49;
	_ =	sdelay $0x1  }
0x3bf: {  	v13 =	vadd.f32 v50, v13;
	_ =	sdelay $0x1  }
0x3c0: {  	v25 =	vand.u32 $0x7FFFFF, v13  }
0x3c1: {  	v25 =	vor.u32 $0x3F800000, v25  }
0x3c2: {  	v51 =	vmul.f32 v25, v25;
	v52 =	vmul.f32 $4.358618560e-01, v25;
	_ =	sdelay $0x1  }
0x3c3: {  	v53 =	vmul.f32 $5.486285310e-02, v51;
	v27 =	vadd.f32 $-1.442481040e+00, v52;
	_ =	sdelay $0x1  }
0x3c4: {  	v13 =	vshra.s32 v13, $0x17;
	v25 =	vmul.f32 $2.792255160e+00, v25;
	v27 =	vsub.f32 v27, v53  }
0x3c5: {  	v13 =	vadd.s32 $0xFFFFFF81, v13  }
0x3c6: {  	v13 =	vcvt.s32.f32 v13;
	v25 =	vadd.f32 $-1.730631710e+00, v25;
	v26 =	vmul.f32 v27, v51;
	_ =	sdelay $0x1  }
0x3c7: {  	v13 =	vmul.f32 $6.931471820e-01, v13;
	v25 =	vadd.f32 v26, v25;
	_ =	sdelay $0x1  }
0x3c8: {  	v13 =	vadd.f32 v25, v13;
	_ =	sdelay $0x1  }
0x3c9: {  	v13 =	vadd.f32 v13, v29;
	_ =	sdelay $0x1  }
0x3ca: {  	[tilespmem:s31+$0x10060] =	vst v13  }
0x3cb: {  	v54 =	vld [tilespmem:s30+$0x8070]  }
0x3cc: {  	v55 =	vld [tilespmem:s30+$0x80F0]  }
0x3cd: {  	v56 =	vld [tilespmem:s30+$0x8170]  }
0x3ce: {  	v57 =	vld [tilespmem:s30+$0x81F0];
	_ =	sdelay $0x1  }
0x3cf: {  	v58 =	vperm.xlane v22, v3;
	v59 =	vld [tilespmem:s30+$0x8270]  }
0x3d0: {  	v22 =	vmov v12;
	v12 =	vperm.xlane v24, v3;
	v60 =	vperm.xlane v9, v3  }
0x3d1: {  	v25 =	vadd.f32 v54, v22;
	v26 =	vadd.f32 v55, v58  }
0x3d2: {  	v61 =	vperm.xlane v7, v3;
	v12 =	vadd.f32 v56, v12;
	v24 =	vadd.f32 v57, v60;
	_ =	sdelay $0x1  }
0x3d3: {  	v27 =	vadd.f32 v59, v61;
	v62 =	vmax.f32 v25, v26;
	v63 =	vmax.f32 v12, v24  }
0x3d4: {  	v28 =	vmax.f32 v62, v63  }
0x3d5: {  	v28 =	vmax.f32 v28, v27  }
0x3d6: {  	v25 =	vsub.f32 v25, v28  }
0x3d7: {  	v26 =	vsub.f32 v26, v28  }
0x3d8: {  	v12 =	vsub.f32 v12, v28;
	v25 =	vmul.f32 $1.442695020e+00, v25  }
0x3d9: {  	v24 =	vsub.f32 v24, v28;
	v26 =	vmul.f32 $1.442695020e+00, v26  }
0x3da: {  	v12 =	vmul.f32 $1.442695020e+00, v12;
	(erf) = vpow2.f32 v25  }
0x3db: {  	v29 =	vsub.f32 v27, v28;
	v24 =	vmul.f32 $1.442695020e+00, v24;
	(erf) = vpow2.f32 v26  }
0x3dc: {  	(erf) = vpow2.f32 v12  }
0x3dd: {  	v12 =	vmul.f32 $1.442695020e+00, v29;
	(erf) = vpow2.f32 v24;
	_ =	sdelay $0x1  }
0x3de: {  	(erf) = vpow2.f32 v12;
	_ =	sdelay $0x3  }
0x3df: {  	v12 =	vpop (erf)  }
0x3e0: {  	v30 =	vpop (erf)  }
0x3e1: {  	v31 =	vpop (erf)  }
0x3e2: {  	v32 =	vpop (erf)  }
0x3e3: {  	v25 =	vadd.f32 v32, v31  }
0x3e4: {  	v33 =	vpop (erf)  }
0x3e5: {  	v12 =	vadd.f32 v30, v12;
	v34 =	vadd.f32 v25, v33;
	_ =	sdelay $0x1  }
0x3e6: {  	v12 =	vadd.f32 v34, v12;
	_ =	sdelay $0x1  }
0x3e7: {  	v24 =	vand.u32 $0x7FFFFF, v12  }
0x3e8: {  	v24 =	vor.u32 $0x3F800000, v24  }
0x3e9: {  	v35 =	vmul.f32 v24, v24;
	v36 =	vmul.f32 $4.358618560e-01, v24;
	_ =	sdelay $0x1  }
0x3ea: {  	v37 =	vmul.f32 $5.486285310e-02, v35;
	v26 =	vadd.f32 $-1.442481040e+00, v36;
	_ =	sdelay $0x1  }
0x3eb: {  	v12 =	vshra.s32 v12, $0x17;
	v24 =	vmul.f32 $2.792255160e+00, v24;
	v26 =	vsub.f32 v26, v37  }
0x3ec: {  	v12 =	vadd.s32 $0xFFFFFF81, v12  }
0x3ed: {  	v12 =	vcvt.s32.f32 v12;
	v24 =	vadd.f32 $-1.730631710e+00, v24;
	v25 =	vmul.f32 v26, v35;
	_ =	sdelay $0x1  }
0x3ee: {  	v12 =	vmul.f32 $6.931471820e-01, v12;
	v24 =	vadd.f32 v25, v24;
	_ =	sdelay $0x1  }
0x3ef: {  	v12 =	vadd.f32 v24, v12;
	_ =	sdelay $0x1  }
0x3f0: {  	v12 =	vadd.f32 v12, v28;
	_ =	sdelay $0x1  }
0x3f1: {  	[tilespmem:s31+$0x10070] =	vst v12  }
0x3f2: {  	v38 =	vld [tilespmem:s30+$0x8400]  }
0x3f3: {  	v39 =	vld [tilespmem:s30+$0x8480]  }
0x3f4: {  	v40 =	vld [tilespmem:s30+$0x8500]  }
0x3f5: {  	v41 =	vld [tilespmem:s30+$0x8580];
	_ =	sdelay $0x1  }
0x3f6: {  	v24 =	vmov v19;
	v19 =	vperm.xlane v21, v0;
	v42 =	vld [tilespmem:s30+$0x8600]  }
0x3f7: {  	v43 =	vperm.xlane v23, v0;
	v44 =	vperm.xlane v24, v0  }
0x3f8: {  	v10 =	vadd.f32 v38, v10;
	v19 =	vadd.f32 v39, v19  }
0x3f9: {  	v47 =	vperm.xlane v6, v0;
	v45 =	vadd.f32 v40, v43;
	v46 =	vadd.f32 v41, v44;
	_ =	sdelay $0x1  }
0x3fa: {  	v27 =	vadd.f32 v42, v47;
	v48 =	vmax.f32 v10, v19;
	v49 =	vmax.f32 v45, v46  }
0x3fb: {  	v28 =	vmax.f32 v48, v49  }
0x3fc: {  	v28 =	vmax.f32 v28, v27  }
0x3fd: {  	v10 =	vsub.f32 v10, v28  }
0x3fe: {  	v19 =	vsub.f32 v19, v28  }
0x3ff: {  	v25 =	vsub.f32 v45, v28;
	v10 =	vmul.f32 $1.442695020e+00, v10  }
0x400: {  	v26 =	vsub.f32 v46, v28;
	v19 =	vmul.f32 $1.442695020e+00, v19  }
0x401: {  	(erf) = vpow2.f32 v10;
	v10 =	vmul.f32 $1.442695020e+00, v25  }
0x402: {  	v50 =	vsub.f32 v27, v28;
	(erf) = vpow2.f32 v19;
	v19 =	vmul.f32 $1.442695020e+00, v26  }
0x403: {  	(erf) = vpow2.f32 v10  }
0x404: {  	v10 =	vmul.f32 $1.442695020e+00, v50;
	(erf) = vpow2.f32 v19;
	_ =	sdelay $0x1  }
0x405: {  	(erf) = vpow2.f32 v10;
	_ =	sdelay $0x3  }
0x406: {  	v10 =	vpop (erf)  }
0x407: {  	v19 =	vpop (erf)  }
0x408: {  	v51 =	vpop (erf)  }
0x409: {  	v52 =	vpop (erf)  }
0x40a: {  	v25 =	vadd.f32 v52, v51  }
0x40b: {  	v53 =	vpop (erf)  }
0x40c: {  	v10 =	vadd.f32 v19, v10;
	v19 =	vadd.f32 v25, v53;
	_ =	sdelay $0x1  }
0x40d: {  	v10 =	vadd.f32 v19, v10;
	_ =	sdelay $0x1  }
0x40e: {  	v19 =	vand.u32 $0x7FFFFF, v10  }
0x40f: {  	v19 =	vor.u32 $0x3F800000, v19  }
0x410: {  	v54 =	vmul.f32 v19, v19;
	v55 =	vmul.f32 $4.358618560e-01, v19;
	_ =	sdelay $0x1  }
0x411: {  	v56 =	vmul.f32 $5.486285310e-02, v54;
	v26 =	vadd.f32 $-1.442481040e+00, v55;
	_ =	sdelay $0x1  }
0x412: {  	v10 =	vshra.s32 v10, $0x17;
	v19 =	vmul.f32 $2.792255160e+00, v19;
	v26 =	vsub.f32 v26, v56  }
0x413: {  	v10 =	vadd.s32 $0xFFFFFF81, v10  }
0x414: {  	v10 =	vcvt.s32.f32 v10;
	v19 =	vadd.f32 $-1.730631710e+00, v19;
	v25 =	vmul.f32 v26, v54;
	_ =	sdelay $0x1  }
0x415: {  	v10 =	vmul.f32 $6.931471820e-01, v10;
	v19 =	vadd.f32 v25, v19;
	_ =	sdelay $0x1  }
0x416: {  	v10 =	vadd.f32 v19, v10;
	_ =	sdelay $0x1  }
0x417: {  	v10 =	vadd.f32 v10, v28;
	_ =	sdelay $0x1  }
0x418: {  	[tilespmem:s31+$0x10400] =	vst v10  }
0x419: {  	v19 =	vld [tilespmem:s30+$0x8410]  }
0x41a: {  	v57 =	vld [tilespmem:s30+$0x8490]  }
0x41b: {  	v58 =	vld [tilespmem:s30+$0x8510]  }
0x41c: {  	v59 =	vld [tilespmem:s30+$0x8590];
	_ =	sdelay $0x1  }
0x41d: {  	v60 =	vperm.xlane v21, v1;
	v61 =	vld [tilespmem:s30+$0x8610]  }
0x41e: {  	v62 =	vperm.xlane v23, v1;
	v63 =	vperm.xlane v24, v1  }
0x41f: {  	v9 =	vadd.f32 v19, v9;
	v19 =	vadd.f32 v57, v60  }
0x420: {  	v34 =	vperm.xlane v6, v1;
	v32 =	vadd.f32 v58, v62;
	v33 =	vadd.f32 v59, v63;
	_ =	sdelay $0x1  }
0x421: {  	v27 =	vadd.f32 v61, v34;
	v28 =	vmax.f32 v9, v19;
	v35 =	vmax.f32 v32, v33  }
0x422: {  	v28 =	vmax.f32 v28, v35  }
0x423: {  	v28 =	vmax.f32 v28, v27  }
0x424: {  	v9 =	vsub.f32 v9, v28  }
0x425: {  	v19 =	vsub.f32 v19, v28  }
0x426: {  	v25 =	vsub.f32 v32, v28;
	v9 =	vmul.f32 $1.442695020e+00, v9  }
0x427: {  	v26 =	vsub.f32 v33, v28;
	v19 =	vmul.f32 $1.442695020e+00, v19  }
0x428: {  	(erf) = vpow2.f32 v9;
	v9 =	vmul.f32 $1.442695020e+00, v25  }
0x429: {  	v36 =	vsub.f32 v27, v28;
	(erf) = vpow2.f32 v19;
	v19 =	vmul.f32 $1.442695020e+00, v26  }
0x42a: {  	(erf) = vpow2.f32 v9  }
0x42b: {  	v9 =	vmul.f32 $1.442695020e+00, v36;
	(erf) = vpow2.f32 v19;
	_ =	sdelay $0x1  }
0x42c: {  	(erf) = vpow2.f32 v9;
	_ =	sdelay $0x3  }
0x42d: {  	v9 =	vpop (erf)  }
0x42e: {  	v19 =	vpop (erf)  }
0x42f: {  	v37 =	vpop (erf)  }
0x430: {  	v38 =	vpop (erf)  }
0x431: {  	v25 =	vadd.f32 v38, v37  }
0x432: {  	v39 =	vpop (erf)  }
0x433: {  	v9 =	vadd.f32 v19, v9;
	v19 =	vadd.f32 v25, v39;
	_ =	sdelay $0x1  }
0x434: {  	v9 =	vadd.f32 v19, v9;
	_ =	sdelay $0x1  }
0x435: {  	v19 =	vand.u32 $0x7FFFFF, v9  }
0x436: {  	v19 =	vor.u32 $0x3F800000, v19  }
0x437: {  	v40 =	vmul.f32 v19, v19;
	v41 =	vmul.f32 $4.358618560e-01, v19;
	_ =	sdelay $0x1  }
0x438: {  	v42 =	vmul.f32 $5.486285310e-02, v40;
	v26 =	vadd.f32 $-1.442481040e+00, v41;
	_ =	sdelay $0x1  }
0x439: {  	v9 =	vshra.s32 v9, $0x17;
	v19 =	vmul.f32 $2.792255160e+00, v19;
	v26 =	vsub.f32 v26, v42  }
0x43a: {  	v9 =	vadd.s32 $0xFFFFFF81, v9  }
0x43b: {  	v9 =	vcvt.s32.f32 v9;
	v19 =	vadd.f32 $-1.730631710e+00, v19;
	v25 =	vmul.f32 v26, v40;
	_ =	sdelay $0x1  }
0x43c: {  	v9 =	vmul.f32 $6.931471820e-01, v9;
	v19 =	vadd.f32 v25, v19;
	_ =	sdelay $0x1  }
0x43d: {  	v9 =	vadd.f32 v19, v9;
	_ =	sdelay $0x1  }
0x43e: {  	v9 =	vadd.f32 v9, v28;
	_ =	sdelay $0x1  }
0x43f: {  	[tilespmem:s31+$0x10410] =	vst v9  }
0x440: {  	v19 =	vld [tilespmem:s30+$0x8420]  }
0x441: {  	v43 =	vld [tilespmem:s30+$0x84A0]  }
0x442: {  	v44 =	vld [tilespmem:s30+$0x8520]  }
0x443: {  	v45 =	vld [tilespmem:s30+$0x85A0];
	_ =	sdelay $0x1  }
0x444: {  	v46 =	vperm.xlane v21, v2;
	v47 =	vld [tilespmem:s30+$0x8620]  }
0x445: {  	v48 =	vperm.xlane v23, v2;
	v49 =	vperm.xlane v24, v2  }
0x446: {  	v25 =	vadd.f32 v43, v46;
	v19 =	vadd.f32 v19, v24  }
0x447: {  	v50 =	vperm.xlane v6, v2;
	v26 =	vadd.f32 v44, v48;
	v27 =	vadd.f32 v45, v49;
	_ =	sdelay $0x1  }
0x448: {  	v28 =	vadd.f32 v47, v50;
	v51 =	vmax.f32 v19, v25;
	v30 =	vmax.f32 v26, v27  }
0x449: {  	v29 =	vmax.f32 v51, v30  }
0x44a: {  	v29 =	vmax.f32 v29, v28  }
0x44b: {  	v19 =	vsub.f32 v19, v29  }
0x44c: {  	v25 =	vsub.f32 v25, v29  }
0x44d: {  	v26 =	vsub.f32 v26, v29;
	v19 =	vmul.f32 $1.442695020e+00, v19  }
0x44e: {  	v27 =	vsub.f32 v27, v29;
	v25 =	vmul.f32 $1.442695020e+00, v25  }
0x44f: {  	(erf) = vpow2.f32 v19;
	v19 =	vmul.f32 $1.442695020e+00, v26  }
0x450: {  	v53 =	vsub.f32 v28, v29;
	v52 =	vmul.f32 $1.442695020e+00, v27;
	(erf) = vpow2.f32 v25  }
0x451: {  	(erf) = vpow2.f32 v19  }
0x452: {  	v19 =	vmul.f32 $1.442695020e+00, v53;
	(erf) = vpow2.f32 v52;
	_ =	sdelay $0x1  }
0x453: {  	(erf) = vpow2.f32 v19;
	_ =	sdelay $0x3  }
0x454: {  	v19 =	vpop (erf)  }
0x455: {  	v54 =	vpop (erf)  }
0x456: {  	v55 =	vpop (erf)  }
0x457: {  	v56 =	vpop (erf)  }
0x458: {  	v26 =	vadd.f32 v56, v55  }
0x459: {  	v57 =	vpop (erf)  }
0x45a: {  	v19 =	vadd.f32 v54, v19;
	v58 =	vadd.f32 v26, v57;
	_ =	sdelay $0x1  }
0x45b: {  	v19 =	vadd.f32 v58, v19;
	_ =	sdelay $0x1  }
0x45c: {  	v25 =	vand.u32 $0x7FFFFF, v19  }
0x45d: {  	v25 =	vor.u32 $0x3F800000, v25  }
0x45e: {  	v59 =	vmul.f32 v25, v25;
	v60 =	vmul.f32 $4.358618560e-01, v25;
	_ =	sdelay $0x1  }
0x45f: {  	v61 =	vmul.f32 $5.486285310e-02, v59;
	v27 =	vadd.f32 $-1.442481040e+00, v60;
	_ =	sdelay $0x1  }
0x460: {  	v19 =	vshra.s32 v19, $0x17;
	v25 =	vmul.f32 $2.792255160e+00, v25;
	v27 =	vsub.f32 v27, v61  }
0x461: {  	v19 =	vadd.s32 $0xFFFFFF81, v19  }
0x462: {  	v19 =	vcvt.s32.f32 v19;
	v25 =	vadd.f32 $-1.730631710e+00, v25;
	v26 =	vmul.f32 v27, v59;
	_ =	sdelay $0x1  }
0x463: {  	v19 =	vmul.f32 $6.931471820e-01, v19;
	v25 =	vadd.f32 v26, v25;
	_ =	sdelay $0x1  }
0x464: {  	v19 =	vadd.f32 v25, v19;
	_ =	sdelay $0x1  }
0x465: {  	v19 =	vadd.f32 v19, v29;
	_ =	sdelay $0x1  }
0x466: {  	[tilespmem:s31+$0x10420] =	vst v19  }
0x467: {  	v62 =	vld [tilespmem:s30+$0x8430]  }
0x468: {  	v63 =	vld [tilespmem:s30+$0x84B0]  }
0x469: {  	v33 =	vld [tilespmem:s30+$0x8530]  }
0x46a: {  	v34 =	vld [tilespmem:s30+$0x85B0];
	_ =	sdelay $0x1  }
0x46b: {  	v35 =	vperm.xlane v21, v3;
	v36 =	vld [tilespmem:s30+$0x8630]  }
0x46c: {  	v21 =	vmov v4;
	v4 =	vperm.xlane v23, v3;
	v37 =	vperm.xlane v24, v3  }
0x46d: {  	v38 =	vadd.f32 v62, v21;
	v39 =	vadd.f32 v63, v35  }
0x46e: {  	v40 =	vperm.xlane v6, v3;
	v4 =	vadd.f32 v33, v4;
	v23 =	vadd.f32 v34, v37;
	_ =	sdelay $0x1  }
0x46f: {  	v26 =	vadd.f32 v36, v40;
	v41 =	vmax.f32 v38, v39;
	v28 =	vmax.f32 v4, v23  }
0x470: {  	v27 =	vmax.f32 v41, v28  }
0x471: {  	v27 =	vmax.f32 v27, v26  }
0x472: {  	v24 =	vsub.f32 v38, v27  }
0x473: {  	v25 =	vsub.f32 v39, v27  }
0x474: {  	v4 =	vsub.f32 v4, v27;
	v24 =	vmul.f32 $1.442695020e+00, v24  }
0x475: {  	v23 =	vsub.f32 v23, v27;
	v25 =	vmul.f32 $1.442695020e+00, v25  }
0x476: {  	v4 =	vmul.f32 $1.442695020e+00, v4;
	(erf) = vpow2.f32 v24  }
0x477: {  	v42 =	vsub.f32 v26, v27;
	v23 =	vmul.f32 $1.442695020e+00, v23;
	(erf) = vpow2.f32 v25  }
0x478: {  	(erf) = vpow2.f32 v4  }
0x479: {  	v4 =	vmul.f32 $1.442695020e+00, v42;
	(erf) = vpow2.f32 v23;
	_ =	sdelay $0x1  }
0x47a: {  	(erf) = vpow2.f32 v4;
	_ =	sdelay $0x3  }
0x47b: {  	v4 =	vpop (erf)  }
0x47c: {  	v43 =	vpop (erf)  }
0x47d: {  	v44 =	vpop (erf)  }
0x47e: {  	v45 =	vpop (erf)  }
0x47f: {  	v24 =	vadd.f32 v45, v44  }
0x480: {  	v46 =	vpop (erf)  }
0x481: {  	v4 =	vadd.f32 v43, v4;
	v47 =	vadd.f32 v24, v46;
	_ =	sdelay $0x1  }
0x482: {  	v4 =	vadd.f32 v47, v4;
	_ =	sdelay $0x1  }
0x483: {  	v23 =	vand.u32 $0x7FFFFF, v4  }
0x484: {  	v23 =	vor.u32 $0x3F800000, v23  }
0x485: {  	v48 =	vmul.f32 v23, v23;
	v49 =	vmul.f32 $4.358618560e-01, v23;
	_ =	sdelay $0x1  }
0x486: {  	v50 =	vmul.f32 $5.486285310e-02, v48;
	v25 =	vadd.f32 $-1.442481040e+00, v49;
	_ =	sdelay $0x1  }
0x487: {  	v4 =	vshra.s32 v4, $0x17;
	v23 =	vmul.f32 $2.792255160e+00, v23;
	v25 =	vsub.f32 v25, v50  }
0x488: {  	v4 =	vadd.s32 $0xFFFFFF81, v4  }
0x489: {  	v4 =	vcvt.s32.f32 v4;
	v23 =	vadd.f32 $-1.730631710e+00, v23;
	v24 =	vmul.f32 v25, v48;
	_ =	sdelay $0x1  }
0x48a: {  	v4 =	vmul.f32 $6.931471820e-01, v4;
	v23 =	vadd.f32 v24, v23;
	_ =	sdelay $0x1  }
0x48b: {  	v4 =	vadd.f32 v23, v4;
	_ =	sdelay $0x1  }
0x48c: {  	v4 =	vadd.f32 v4, v27;
	_ =	sdelay $0x1  }
0x48d: {  	[tilespmem:s31+$0x10430] =	vst v4  }
0x48e: {  	v51 =	vld [tilespmem:s30+$0x8440]  }
0x48f: {  	v52 =	vld [tilespmem:s30+$0x84C0]  }
0x490: {  	v53 =	vld [tilespmem:s30+$0x8540]  }
0x491: {  	v54 =	vld [tilespmem:s30+$0x85C0];
	_ =	sdelay $0x1  }
0x492: {  	v55 =	vperm.xlane v20, v0;
	v56 =	vld [tilespmem:s30+$0x8640]  }
0x493: {  	v57 =	vperm.xlane v22, v0;
	v58 =	vperm.xlane v21, v0  }
0x494: {  	v8 =	vadd.f32 v51, v8;
	v59 =	vadd.f32 v52, v55  }
0x495: {  	v62 =	vperm.xlane v5, v0;
	v60 =	vadd.f32 v53, v57;
	v61 =	vadd.f32 v54, v58;
	_ =	sdelay $0x1  }
0x496: {  	v26 =	vadd.f32 v56, v62;
	v27 =	vmax.f32 v8, v59;
	v63 =	vmax.f32 v60, v61  }
0x497: {  	v27 =	vmax.f32 v27, v63  }
0x498: {  	v27 =	vmax.f32 v27, v26  }
0x499: {  	v8 =	vsub.f32 v8, v27  }
0x49a: {  	v23 =	vsub.f32 v59, v27  }
0x49b: {  	v24 =	vsub.f32 v60, v27;
	v8 =	vmul.f32 $1.442695020e+00, v8  }
0x49c: {  	v25 =	vsub.f32 v61, v27;
	v23 =	vmul.f32 $1.442695020e+00, v23  }
0x49d: {  	(erf) = vpow2.f32 v8;
	v8 =	vmul.f32 $1.442695020e+00, v24  }
0x49e: {  	v29 =	vsub.f32 v26, v27;
	v28 =	vmul.f32 $1.442695020e+00, v25;
	(erf) = vpow2.f32 v23  }
0x49f: {  	(erf) = vpow2.f32 v8  }
0x4a0: {  	v8 =	vmul.f32 $1.442695020e+00, v29;
	(erf) = vpow2.f32 v28;
	_ =	sdelay $0x1  }
0x4a1: {  	(erf) = vpow2.f32 v8;
	_ =	sdelay $0x3  }
0x4a2: {  	v8 =	vpop (erf)  }
0x4a3: {  	v30 =	vpop (erf)  }
0x4a4: {  	v31 =	vpop (erf)  }
0x4a5: {  	v32 =	vpop (erf)  }
0x4a6: {  	v24 =	vadd.f32 v32, v31  }
0x4a7: {  	v33 =	vpop (erf)  }
0x4a8: {  	v8 =	vadd.f32 v30, v8;
	v34 =	vadd.f32 v24, v33;
	_ =	sdelay $0x1  }
0x4a9: {  	v8 =	vadd.f32 v34, v8;
	_ =	sdelay $0x1  }
0x4aa: {  	v23 =	vand.u32 $0x7FFFFF, v8  }
0x4ab: {  	v23 =	vor.u32 $0x3F800000, v23  }
0x4ac: {  	v35 =	vmul.f32 v23, v23;
	v36 =	vmul.f32 $4.358618560e-01, v23;
	_ =	sdelay $0x1  }
0x4ad: {  	v37 =	vmul.f32 $5.486285310e-02, v35;
	v25 =	vadd.f32 $-1.442481040e+00, v36;
	_ =	sdelay $0x1  }
0x4ae: {  	v8 =	vshra.s32 v8, $0x17;
	v23 =	vmul.f32 $2.792255160e+00, v23;
	v25 =	vsub.f32 v25, v37  }
0x4af: {  	v8 =	vadd.s32 $0xFFFFFF81, v8  }
0x4b0: {  	v8 =	vcvt.s32.f32 v8;
	v23 =	vadd.f32 $-1.730631710e+00, v23;
	v24 =	vmul.f32 v25, v35;
	_ =	sdelay $0x1  }
0x4b1: {  	v8 =	vmul.f32 $6.931471820e-01, v8;
	v23 =	vadd.f32 v24, v23;
	_ =	sdelay $0x1  }
0x4b2: {  	v8 =	vadd.f32 v23, v8;
	_ =	sdelay $0x1  }
0x4b3: {  	v8 =	vadd.f32 v8, v27;
	_ =	sdelay $0x1  }
0x4b4: {  	[tilespmem:s31+$0x10440] =	vst v8  }
0x4b5: {  	v38 =	vld [tilespmem:s30+$0x8450]  }
0x4b6: {  	v39 =	vld [tilespmem:s30+$0x84D0]  }
0x4b7: {  	v40 =	vld [tilespmem:s30+$0x8550]  }
0x4b8: {  	v41 =	vld [tilespmem:s30+$0x85D0];
	_ =	sdelay $0x1  }
0x4b9: {  	v42 =	vperm.xlane v20, v1;
	v43 =	vld [tilespmem:s30+$0x8650]  }
0x4ba: {  	v44 =	vperm.xlane v22, v1;
	v45 =	vperm.xlane v21, v1  }
0x4bb: {  	v7 =	vadd.f32 v38, v7;
	v46 =	vadd.f32 v39, v42  }
0x4bc: {  	v49 =	vperm.xlane v5, v1;
	v47 =	vadd.f32 v40, v44;
	v48 =	vadd.f32 v41, v45;
	_ =	sdelay $0x1  }
0x4bd: {  	v26 =	vadd.f32 v43, v49;
	v27 =	vmax.f32 v7, v46;
	v50 =	vmax.f32 v47, v48  }
0x4be: {  	v27 =	vmax.f32 v27, v50  }
0x4bf: {  	v27 =	vmax.f32 v27, v26  }
0x4c0: {  	v7 =	vsub.f32 v7, v27  }
0x4c1: {  	v23 =	vsub.f32 v46, v27  }
0x4c2: {  	v24 =	vsub.f32 v47, v27;
	v7 =	vmul.f32 $1.442695020e+00, v7  }
0x4c3: {  	v25 =	vsub.f32 v48, v27;
	v23 =	vmul.f32 $1.442695020e+00, v23  }
0x4c4: {  	(erf) = vpow2.f32 v7;
	v7 =	vmul.f32 $1.442695020e+00, v24  }
0x4c5: {  	v52 =	vsub.f32 v26, v27;
	v51 =	vmul.f32 $1.442695020e+00, v25;
	(erf) = vpow2.f32 v23  }
0x4c6: {  	(erf) = vpow2.f32 v7  }
0x4c7: {  	v7 =	vmul.f32 $1.442695020e+00, v52;
	(erf) = vpow2.f32 v51;
	_ =	sdelay $0x1  }
0x4c8: {  	(erf) = vpow2.f32 v7;
	_ =	sdelay $0x3  }
0x4c9: {  	v7 =	vpop (erf)  }
0x4ca: {  	v53 =	vpop (erf)  }
0x4cb: {  	v54 =	vpop (erf)  }
0x4cc: {  	v55 =	vpop (erf)  }
0x4cd: {  	v24 =	vadd.f32 v55, v54  }
0x4ce: {  	v56 =	vpop (erf)  }
0x4cf: {  	v7 =	vadd.f32 v53, v7;
	v57 =	vadd.f32 v24, v56;
	_ =	sdelay $0x1  }
0x4d0: {  	v7 =	vadd.f32 v57, v7;
	_ =	sdelay $0x1  }
0x4d1: {  	v23 =	vand.u32 $0x7FFFFF, v7  }
0x4d2: {  	v23 =	vor.u32 $0x3F800000, v23  }
0x4d3: {  	v58 =	vmul.f32 v23, v23;
	v59 =	vmul.f32 $4.358618560e-01, v23;
	_ =	sdelay $0x1  }
0x4d4: {  	v60 =	vmul.f32 $5.486285310e-02, v58;
	v25 =	vadd.f32 $-1.442481040e+00, v59;
	_ =	sdelay $0x1  }
0x4d5: {  	v7 =	vshra.s32 v7, $0x17;
	v23 =	vmul.f32 $2.792255160e+00, v23;
	v25 =	vsub.f32 v25, v60  }
0x4d6: {  	v7 =	vadd.s32 $0xFFFFFF81, v7  }
0x4d7: {  	v7 =	vcvt.s32.f32 v7;
	v23 =	vadd.f32 $-1.730631710e+00, v23;
	v24 =	vmul.f32 v25, v58;
	_ =	sdelay $0x1  }
0x4d8: {  	v7 =	vmul.f32 $6.931471820e-01, v7;
	v23 =	vadd.f32 v24, v23;
	_ =	sdelay $0x1  }
0x4d9: {  	v7 =	vadd.f32 v23, v7;
	_ =	sdelay $0x1  }
0x4da: {  	v7 =	vadd.f32 v7, v27;
	_ =	sdelay $0x1  }
0x4db: {  	[tilespmem:s31+$0x10450] =	vst v7  }
0x4dc: {  	v61 =	vld [tilespmem:s30+$0x8460]  }
0x4dd: {  	v62 =	vld [tilespmem:s30+$0x84E0]  }
0x4de: {  	v63 =	vld [tilespmem:s30+$0x8560]  }
0x4df: {  	v33 =	vld [tilespmem:s30+$0x85E0];
	_ =	sdelay $0x1  }
0x4e0: {  	v34 =	vperm.xlane v20, v2;
	v35 =	vld [tilespmem:s30+$0x8660]  }
0x4e1: {  	v36 =	vperm.xlane v22, v2;
	v37 =	vperm.xlane v21, v2  }
0x4e2: {  	v6 =	vadd.f32 v61, v6;
	v38 =	vadd.f32 v62, v34  }
0x4e3: {  	v41 =	vperm.xlane v5, v2;
	v39 =	vadd.f32 v63, v36;
	v40 =	vadd.f32 v33, v37;
	_ =	sdelay $0x1  }
0x4e4: {  	v26 =	vadd.f32 v35, v41;
	v27 =	vmax.f32 v6, v38;
	v42 =	vmax.f32 v39, v40  }
0x4e5: {  	v27 =	vmax.f32 v27, v42  }
0x4e6: {  	v27 =	vmax.f32 v27, v26  }
0x4e7: {  	v6 =	vsub.f32 v6, v27  }
0x4e8: {  	v23 =	vsub.f32 v38, v27  }
0x4e9: {  	v24 =	vsub.f32 v39, v27;
	v6 =	vmul.f32 $1.442695020e+00, v6  }
0x4ea: {  	v25 =	vsub.f32 v40, v27;
	v23 =	vmul.f32 $1.442695020e+00, v23  }
0x4eb: {  	(erf) = vpow2.f32 v6;
	v6 =	vmul.f32 $1.442695020e+00, v24  }
0x4ec: {  	v44 =	vsub.f32 v26, v27;
	v43 =	vmul.f32 $1.442695020e+00, v25;
	(erf) = vpow2.f32 v23  }
0x4ed: {  	(erf) = vpow2.f32 v6  }
0x4ee: {  	v6 =	vmul.f32 $1.442695020e+00, v44;
	(erf) = vpow2.f32 v43;
	_ =	sdelay $0x1  }
0x4ef: {  	(erf) = vpow2.f32 v6;
	_ =	sdelay $0x3  }
0x4f0: {  	v6 =	vpop (erf)  }
0x4f1: {  	v45 =	vpop (erf)  }
0x4f2: {  	v46 =	vpop (erf)  }
0x4f3: {  	v47 =	vpop (erf)  }
0x4f4: {  	v24 =	vadd.f32 v47, v46  }
0x4f5: {  	v48 =	vpop (erf)  }
0x4f6: {  	v6 =	vadd.f32 v45, v6;
	v49 =	vadd.f32 v24, v48;
	_ =	sdelay $0x1  }
0x4f7: {  	v6 =	vadd.f32 v49, v6;
	_ =	sdelay $0x1  }
0x4f8: {  	v23 =	vand.u32 $0x7FFFFF, v6  }
0x4f9: {  	v23 =	vor.u32 $0x3F800000, v23  }
0x4fa: {  	v50 =	vmul.f32 v23, v23;
	v51 =	vmul.f32 $4.358618560e-01, v23;
	_ =	sdelay $0x1  }
0x4fb: {  	v52 =	vmul.f32 $5.486285310e-02, v50;
	v25 =	vadd.f32 $-1.442481040e+00, v51;
	_ =	sdelay $0x1  }
0x4fc: {  	v6 =	vshra.s32 v6, $0x17;
	v23 =	vmul.f32 $2.792255160e+00, v23;
	v25 =	vsub.f32 v25, v52  }
0x4fd: {  	v6 =	vadd.s32 $0xFFFFFF81, v6  }
0x4fe: {  	v6 =	vcvt.s32.f32 v6;
	v23 =	vadd.f32 $-1.730631710e+00, v23;
	v24 =	vmul.f32 v25, v50;
	_ =	sdelay $0x1  }
0x4ff: {  	v6 =	vmul.f32 $6.931471820e-01, v6;
	v23 =	vadd.f32 v24, v23;
	_ =	sdelay $0x1  }
0x500: {  	v6 =	vadd.f32 v23, v6;
	_ =	sdelay $0x1  }
0x501: {  	v6 =	vadd.f32 v6, v27;
	_ =	sdelay $0x1  }
0x502: {  	[tilespmem:s31+$0x10460] =	vst v6  }
0x503: {  	v53 =	vld [tilespmem:s30+$0x8470]  }
0x504: {  	v54 =	vld [tilespmem:s30+$0x84F0]  }
0x505: {  	v55 =	vld [tilespmem:s30+$0x8570]  }
0x506: {  	v56 =	vld [tilespmem:s30+$0x85F0];
	_ =	sdelay $0x1  }
0x507: {  	v20 =	vperm.xlane v20, v3;
	v57 =	vld [tilespmem:s30+$0x8670]  }
0x508: {  	v22 =	vperm.xlane v22, v3;
	v21 =	vperm.xlane v21, v3  }
0x509: {  	v23 =	vadd.f32 v53, v5;
	v20 =	vadd.f32 v54, v20  }
0x50a: {  	v22 =	vadd.f32 v55, v22;
	v21 =	vadd.f32 v56, v21;
	v5 =	vperm.xlane v5, v3;
	_ =	sdelay $0x1  }
0x50b: {  	v5 =	vadd.f32 v57, v5;
	v24 =	vmax.f32 v23, v20;
	v25 =	vmax.f32 v22, v21  }
0x50c: {  	v24 =	vmax.f32 v24, v25  }
0x50d: {  	v24 =	vmax.f32 v24, v5  }
0x50e: {  	v23 =	vsub.f32 v23, v24  }
0x50f: {  	v20 =	vsub.f32 v20, v24  }
0x510: {  	v22 =	vsub.f32 v22, v24;
	v23 =	vmul.f32 $1.442695020e+00, v23  }
0x511: {  	v21 =	vsub.f32 v21, v24;
	v20 =	vmul.f32 $1.442695020e+00, v20  }
0x512: {  	v22 =	vmul.f32 $1.442695020e+00, v22;
	(erf) = vpow2.f32 v23  }
0x513: {  	v5 =	vsub.f32 v5, v24;
	(erf) = vpow2.f32 v20;
	v20 =	vmul.f32 $1.442695020e+00, v21  }
0x514: {  	(erf) = vpow2.f32 v22  }
0x515: {  	v5 =	vmul.f32 $1.442695020e+00, v5;
	(erf) = vpow2.f32 v20;
	_ =	sdelay $0x1  }
0x516: {  	(erf) = vpow2.f32 v5;
	_ =	sdelay $0x3  }
0x517: {  	v5 =	vpop (erf)  }
0x518: {  	v20 =	vpop (erf)  }
0x519: {  	v58 =	vpop (erf)  }
0x51a: {  	v59 =	vpop (erf)  }
0x51b: {  	v21 =	vadd.f32 v59, v58  }
0x51c: {  	v60 =	vpop (erf)  }
0x51d: {  	v5 =	vadd.f32 v20, v5;
	v20 =	vadd.f32 v21, v60;
	_ =	sdelay $0x1  }
0x51e: {  	v5 =	vadd.f32 v20, v5;
	_ =	sdelay $0x1  }
0x51f: {  	v20 =	vand.u32 $0x7FFFFF, v5  }
0x520: {  	v20 =	vor.u32 $0x3F800000, v20  }
0x521: {  	v61 =	vmul.f32 v20, v20;
	v62 =	vmul.f32 $4.358618560e-01, v20;
	_ =	sdelay $0x1  }
0x522: {  	v63 =	vmul.f32 $5.486285310e-02, v61;
	v22 =	vadd.f32 $-1.442481040e+00, v62;
	_ =	sdelay $0x1  }
0x523: {  	v5 =	vshra.s32 v5, $0x17;
	v20 =	vmul.f32 $2.792255160e+00, v20;
	v22 =	vsub.f32 v22, v63  }
0x524: {  	v5 =	vadd.s32 $0xFFFFFF81, v5  }
0x525: {  	v5 =	vcvt.s32.f32 v5;
	v20 =	vadd.f32 $-1.730631710e+00, v20;
	v21 =	vmul.f32 v22, v61;
	_ =	sdelay $0x1  }
0x526: {  	v5 =	vmul.f32 $6.931471820e-01, v5;
	v20 =	vadd.f32 v21, v20  }
0x527: {  	p0 =	sne.s32 s29, $0x1E000  }
.Ltmp2:
0x528: {  	v5 =	vadd.f32 v20, v5;
	(pc) =	sbr.rel @p0 .LBB2_6-.Ltmp2, $3  }
0x529: {  	_ = 	snop  }
0x52a: {  	v5 =	vadd.f32 v5, v24;
	_ =	sdelay $0x1  }
0x52b: {  	s28 =	sadd.s32 $0x80, s28;
	s25 =	sadd.s32 $0x100, s25;
	s29 =	sadd.s32 $0x2000, s29;
	[tilespmem:s31+$0x10470] =	vst v5  }
0x52c: {  	s0 =	sadd.s32 s26, s10  }
0x52d: {  	[hbm4b:s0+s20] =	stream.strided.scatter [tilespmem:s14], [sflag:$0x2], $0x400, s21, s20, $0x38;
	[tilespmem:$0x11000] =	vst v63  }
0x52e: {  	s24 =	sadd.s32 $0x1, s24;
	s25 =	sadd.s32 $0x80, s0  }
0x52f: {  	[hbm4b:s25+s20] =	stream.strided.scatter [tilespmem:s15], [sflag:$0x2], $0x400, s21, s20, $0x38;
	[tilespmem:$0x11000] =	vst v63  }
0x530: {  	s31 =	sadd.s32 $0x1000, s0;
	p0 =	sne.s32 s24, $0x20  }
0x531: {  	[hbm4b:s31+s20] =	stream.strided.scatter [tilespmem:s22], [sflag:$0x2], $0x400, s21, s20, $0x38;
	[tilespmem:$0x11000] =	vst v63  }
.Ltmp3:
0x532: {  	s0 =	sadd.s32 $0x1080, s0;
	(pc) =	sbr.rel @p0 .LBB2_3-.Ltmp3, $4  }
0x533: {  	[hbm4b:s0+s20] =	stream.strided.scatter [tilespmem:s23], [sflag:$0x2], $0x400, s21, s20, $0x38;
	[tilespmem:$0x11000] =	vst v63  }
0x534: {  	_ =	swait.ge [sflag:s16], $0x1000  }
0x535: {  	[sflag:s16] =	ssyncset.done $0x0  }
0x536: {  	[sflag:s16] =	ssyncadd.s32 $0xFFFFF000  }
0x537: {  	s2 =	sadd.s32 $0x1, s2  }
0x538: {  	p0 =	sne.s32 s2, s12  }
.Ltmp4:
0x539: {  	_ = 	snop;
	(pc) =	sbr.rel @p0 .LBB2_2-.Ltmp4, $1  }
0x53a: {  	_ =	sdelay $0x3  }
.LBB2_9:
0x53b: {  	_ =	sfence.sel $0x180000  }
0x53c: {  	[bflag:$0x0] =	sbarrier.arrive $0xFFFF  }
0x53d: {  	_ =	strace $0x9000004A  }
0x53e: {  	[bflag:$0x2] =	sbarrier.arrive $0xFFFF  }
0x53f: {  	p0 =	sne.s32 s1, $0x0;
	s0 =	rddreg [dreg:$0x2]  }
0x540: {  	s0 =	sadd.s32 @!p0 $0x100000, s0  }
0x541: {  	[sflag:s0] =	ssyncadd.tile.s32 @!p0 $0x1;
	_ =	shalt  }
.Lfunc_end2:
_tile_overlayer_lowered:
.L_overlay_start_2:
0x542: {  	(tag) =	ssettag $0x2  }
0x543: {  	s0 =	rddreg [dreg:$0x0];
	s2 =	stileid.u32  }
0x544: {  	s1 =	rddreg [dreg:$0x1];
	p0 =	sne.s32 s2, $0x0  }
0x545: {  	s3 =	rddreg [dreg:$0x2];
	[bflag:$0x3] =	sbarrier.arrive $0xFFFF;
	s2 =	simm.s32 @!p0 $0x1C02  }
0x546: {  	[timem:s3], [sflag:s2] =	dma.local @!p0 [hbm:s0], s1  }
0x547: {  	s0 =	simm.s32 @!p0 $0x2  }
0x548: {  	_ =	swait.ge @!p0 [sflag:s0], s1  }
0x549: {  	s1 =	ssub.s32 @!p0 $0x0, s1;
	[sflag:s0] =	ssyncset.done @!p0 $0x0  }
0x54a: {  	[sflag:s0] =	ssyncadd.s32 @!p0 s1  }
0x54b: {  	[bflag:$0x3] =	sbarrier.arrive $0xFFFF  }
0x54c: {  	_ =	shalt  }

// kernel: sparse-core-data-format-call.cloned.1.call-start
scs
called_computation_lowered:
.L_overlay_start_0:
0x0: {  	s1 =	sld [smem:$0x3FD9]  }
0x1: {  	s2 =	sld [smem:$0x3FFE];
	_ =	sdelay $0x1  }
0x2: {  	s3 =	srdreg.scid  }
0x3: {  	s0 =	sand.u32 $0x1, s3  }
0x4: {  	s17 =	sshll.u32 s0, $0xA;
	s1 =	sadd.s32 s2, s1  }
0x5: {  	s1 =	sadd.s32 s1, s17  }
0x6: {  	[smem:$0x3FC7] =	sst s1  }
0x7: {  	_ = 	snop  }
0x8: {  	(tm) =	ssettm $0x1  }
0x9: {  	s18 =	sld [smem:$0x3FFB];
	_ =	sdelay $0x3  }
0xa: {  	_ =	strace s18  }
0xb: {  	s1 =	sld [smem:$0x3FFC];
	_ =	sdelay $0x3  }
0xc: {  	_ =	strace s1  }
0xd: {  	s1 =	sld [smem:$0x3FFD];
	_ =	sdelay $0x3  }
0xe: {  	_ =	strace s1  }
0xf: {  	_ =	strace $0x8FFFFFFF  }
0x10: {  	s19 =	sld [smem:$0x3FDB];
	_ =	sdelay $0x1  }
0x11: {  	s20 =	simm.s32 $_scs_section_size  }
0x12: {  	s4 =	simm.s32 $_size__tile_overlayer_lowered;
	s5 =	simm.s32 $_tile_overlayer_lowered  }
0x13: {  	s23 =	simm.s32 $0x1BFF;
	s22 =	sshll.u32 s5, $0x1;
	s1 =	sadd.s32 s20, s19  }
0x14: {  	s6 =	simm.s32 $0x0;
	s21 =	sshll.u32 s4, $0x1;
	s4 =	sadd.s32 s22, s1  }
0x15: {  	[timem:s6], [sflag:s23] =	dma.local [hbm:s4], s21  }
0x16: {  	_ =	swait.ge [sflag:s23], s21  }
0x17: {  	s2 =	ssub.s32 $0x0, s21;
	[sflag:s23] =	ssyncset.done $0x0  }
0x18: {  	[sflag:s23] =	ssyncadd.s32 s2;
	_ =	sdelay $0x1  }
0x19: {  	s24 =	simm.s32 $0x1B8B  }
0x1a: {  	_ =	swait.ge [sflag:s24], $0x1  }
0x1b: {  	[sflag:s24] =	ssyncset.done $0x0  }
0x1c: {  	s26 =	simm.s32 $0x1B8E;
	s25 =	sld [smem:$0x3FFE];
	[sflag:s24] =	ssyncadd.s32 $0xFFFFFFFF  }
0x1d: {  	s27 =	simm.s32 $execute0_lowered;
	[smem:$0x3FD2] =	sst s26  }
0x1e: {  	s4 =	sshll.u32 s27, $0x1;
	_ =	strace $0x80000046;
	[dreg:$0x1] =	wrdreg $0xFFFFFFFF  }
0x1f: {  	s28 =	simm.s32 $_size_execute0_lowered;
	s1 =	sadd.s32 s1, s4;
	[dreg:$0x0] =	wrdreg $0x0  }
0x20: {  	s4 =	sshll.u32 s28, $0x1;
	[dreg:$0x2] =	wrdreg s1  }
0x21: {  	[dreg:$0x3] =	wrdreg s4  }
0x22: {  	[dreg:$0x4] =	wrdreg $0xC0  }
0x23: {  	_ =	task [dreg:s6], $0x5FFFF  }
0x24: {  	[dreg:$0x1] =	wrdreg $0xFFFFFFFF  }
0x25: {  	[dreg:$0x0] =	wrdreg $0x60  }
0x26: {  	[dreg:$0x2] =	wrdreg s25  }
0x27: {  	[dreg:$0x3] =	wrdreg $0x9  }
0x28: {  	_ =	task.clear_ibuf [dreg:s6], $0x4FFFF;
	_ =	strace $0x90000046  }
0x29: {  	s29 =	simm.s32 $0x9;
	_ =	strace $0x80000048  }
0x2a: {  	_ =	swait.ge [sflag:s29], $0x1  }
0x2b: {  	[sflag:s29] =	ssyncadd.s32 $0xFFFFFFFF  }
0x2c: {  	_ =	strace $0x90000048  }
0x2d: {  	_ =	sfence  }
0x2e: {  	s30 =	sld [smem:$0x0];
	_ =	sdelay $0x2  }
0x2f: {  	s31 =	sshll.u32 s3, $0xD;
	s3 =	sshrl.u32 s3, $0x2  }
0x30: {  	s2 =	sand.u32 $0x4000, s31;
	s1 =	sadd.s32 s3, s30  }
0x31: {  	s0 =	sor.u32 s2, s0;
	s1 =	sshll.u32 s1, $0x11  }
0x32: {  	s0 =	sor.u32 s1, s0  }
0x33: {  	s0 =	sadd.s32 $0x8F2B, s0  }
0x34: {  	[sflag:s0] =	ssyncadd.remote.s32 $0x1  }
0x35: {  	_ =	sfence.sel $0xFFFF  }
0x36: {  	[dreg:$0x0] =	wrdreg $0xFFFFFFFF;
	(pc) =	sbr.abs _section_cstart, $3  }
0x37: {  	[dreg:$0x1] =	wrdreg $0xFFFFFFFF  }
0x38: {  	_ =	task.clear_ibuf [dreg:s6], $0x2FFFF;
	_ =	strace $0x9FFFFFFF  }
0x39: {  	(tm) =	ssettm $0x7FFFFFFF  }
tec
execute0_lowered:
.L_overlay_start_1:
0x0: {  	(tag) =	ssettag $0x1  }
0x1: {  	s0 =	stileid.u32  }
0x2: {  	s4 =	rddreg [dreg:$0x0];
	s7 =	srdreg.scid  }
0x3: {  	s8 =	simm.s32 $0x2;
	s15 =	simm.s32 $0x0;
	p0 =	por $0x0, $0x0  }
0x4: {  	s9 =	simm.s32 $0x8000;
	s17 =	simm.s32 $0x0;
	s18 =	simm.s32 $0x0  }
0x5: {  	s16 =	simm.s32 $0x0;
	s10 =	simm.s32 $0x0;
	s1 =	sshll.u32 s0, $0x7  }
0x6: {  	s12 =	simm.s32 $0x0;
	s14 =	simm.s32 $0x0;
	s2 =	sand.u32 $0x80, s1  }
0x7: {  	s3 =	sadd.s32 $0x800, s4;
	s4 =	sadd.s32 $0x280800, s4;
	s5 =	ssub.s32 $0x100, s2  }
0x8: {  	s7 =	sshll.u32 s7, $0x4;
	s1 =	rddreg [dreg:$0x1];
	s6 =	sshrl.u32 s5, $0x7  }
.Ltmp0:
0x9: {  	s5 =	sshrl.u32 s5, $0x8;
	s6 =	sand.u32 $0x1, s6;
	(pc) =	sbr.rel .LBB1_1-.Ltmp0, $4  }
0xa: {  	_ =	strace $0x80000047;
	s7 =	sand.u32 $0x10, s7;
	s6 =	sadd.s32 s5, s6  }
0xb: {  	s7 =	sor.u32 s0, s7;
	s5 =	simm.s32 $0x1;
	s6 =	smul.u32 $0x28, s6  }
0xc: {  	s13 =	smov.u32 s2;
	s7 =	sshrl.u32 s7, $0x1;
	[sflag:s5] =	ssyncpa.u1 $0x0  }
0xd: {  	s11 =	smov.u32 s7;
	[sflag:s8] =	ssyncpa.u1 $0x0;
	s8 =	sor.u32 $0x1, s6  }
.LBB1_4:
0xe: {  	v5 =	vld [tilespmem:s22+$0xFFFFFFD0];
	[tilespmem:s21+$0x2040 ss:$0x81] =	vst.msk $0xffff, v1  }
0xf: {  	v58 =	vld [tilespmem:s22+$0xFFFFFFE0];
	[tilespmem:s21+$0x2850 ss:$0x81] =	vst.msk $0xffff, v2  }
0x10: {  	s23 =	sshra.s32 s23, $0x2;
	v59 =	vld [tilespmem:s22+$0xFFFFFFF0];
	[tilespmem:s21+$0x3060 ss:$0x81] =	vst.msk $0xffff, v3  }
0x11: {  	v60 =	vld [tilespmem:s22+$0x0];
	[tilespmem:s21+$0x0 ss:$0x81] =	vst.msk $0xffff, v0;
	s20 =	sadd.s32 s23, s20  }
0x12: {  	v61 =	vld [tilespmem:s22+$0x10];
	[tilespmem:s20+$0x3870 ss:$0x81] =	vst.msk $0xffff, v4  }
0x13: {  	v62 =	vld [tilespmem:s22+$0x20];
	[tilespmem:s20+$0x810 ss:$0x81] =	vst.msk $0xffff, v5  }
0x14: {  	v63 =	vld [tilespmem:s22+$0xFFFFFFC0];
	s29 =	sand.u32 $0x78, s16;
	s30 =	sshll.u32 s16, $0x3;
	[tilespmem:s20+$0x1020 ss:$0x81] =	vst.msk $0xffff, v58  }
0x15: {  	s18 =	sshll.u32 s18, $0x7;
	s15 =	sshll.u32 s15, $0xC;
	s22 =	sand.u32 $0x400, s30;
	[tilespmem:s20+$0x1830 ss:$0x81] =	vst.msk $0xffff, v59  }
0x16: {  	s17 =	sshll.u32 s17, $0x8;
	s18 =	sand.u32 $0x380, s18;
	s21 =	sor.u32 s29, s22;
	[tilespmem:s20+$0x2040 ss:$0x81] =	vst.msk $0xffff, v60  }
0x17: {  	s31 =	sand.u32 $0x7, s16;
	s17 =	sadd.s32 s4, s17;
	s18 =	sor.u32 s18, s21;
	[tilespmem:s20+$0x2850 ss:$0x81] =	vst.msk $0xffff, v61  }
0x18: {  	s16 =	sshll.u32 s31, $0x12;
	s15 =	sadd.s32 s15, s17;
	s18 =	sshrl.u32 s18, $0x3;
	[tilespmem:s20+$0x3060 ss:$0x81] =	vst.msk $0xffff, v62  }
0x19: {  	s16 =	sor.u32 $0x80, s16;
	[tilespmem:s20+$0x0 ss:$0x81] =	vst.msk $0xffff, v63;
	s15 =	sadd.s32 s18, s15  }
0x1a: {  	[hbm4b:s15+s16] =	stream.strided.scatter [tilespmem:s19], [sflag:$0x2], $0x4000, s9, s16, $0x20;
	[tilespmem:$0x10100] =	vst v63  }
.LBB1_5:
0x1b: {  	s19 =	sadd.s32 $0x80, s10  }
0x1c: {  	s15 =	sadd.s32 $0x10, s11;
	s20 =	smov.u32 s11;
	p2 =	sgt.s32 s19, $0x3FF  }
0x1d: {  	s20 =	smov.u32 @p2 s15  }
0x1e: {  	s15 =	simm.s32 $0x1;
	p3 =	sgt.s32 s20, $0xF  }
0x1f: {  	s15 =	simm.s32 @!p3 $0x0  }
0x20: {  	s21 =	sadd.s32 s15, s12  }
0x21: {  	s22 =	smov.u32 s13;
	s15 =	sadd.s32 $0x100, s13;
	p4 =	sgt.s32 s21, $0x4  }
0x22: {  	p1 =	slt.u32 s14, $0x2;
	s22 =	smov.u32 @p4 s15  }
0x23: {  	s17 =	smov.u32 s11;
	s19 =	simm.s32 @p2 $0x0;
	p2 =	sgt.s32 s22, $0xFF  }
0x24: {  	s23 =	simm.s32 @!p1 $0x2;
	s22 =	smov.u32 @p2 s2;
	p2 =	sne.s32 s14, s8  }
.Ltmp1:
0x25: {  	s18 =	smov.u32 s12;
	_ =	swait.ge @!p1 [sflag:s23], $0x4000;
	(pc) =	sbr.rel @!p2 .LBB1_6-.Ltmp1, $4  }
0x26: {  	s16 =	smov.u32 s13;
	[sflag:s23] =	ssyncset.done @!p1 $0x0;
	s20 =	smov.u32 @p3 s7  }
0x27: {  	p0 =	por !p0, !p0;
	[sflag:s23] =	ssyncadd.s32 @!p1 $0xFFFFC000;
	s11 =	smov.u32 s20  }
0x28: {  	s21 =	simm.s32 @p4 $0x0;
	s15 =	smov.u32 s10;
	s10 =	smov.u32 s19  }
0x29: {  	s12 =	smov.u32 s21;
	s14 =	sadd.s32 $0x1, s14;
	s13 =	smov.u32 s22  }
.LBB1_1:
0x2a: {  	p1 =	sge.u32 s14, s6;
	s31 =	sadd.s32 $0xFFFFFFFF, s14  }
0x2b: {  	s19 =	sxor.u32 @!p1 $0xFFFFFFFF, s14;
	s20 =	sshll.u32 @!p1 s11, $0x7;
	s21 =	sand.u32 @!p1 $0x78, s10  }
0x2c: {  	s23 =	smul.u32 @!p1 $0x2800, s13;
	s19 =	sshll.u32 @!p1 s19, $0xE;
	s22 =	sand.u32 @!p1 $0x380, s20  }
0x2d: {  	s20 =	sand.u32 @!p1 $0x400, s20;
	s19 =	sand.u32 @!p1 $0x4000, s19;
	s21 =	sor.u32 @!p1 s21, s22  }
0x2e: {  	s20 =	sadd.s32 @!p1 s10, s20;
	s22 =	sshll.u32 @!p1 s12, $0xB;
	s23 =	sadd.s32 @!p1 s3, s23  }
0x2f: {  	s21 =	sshrl.u32 @!p1 s21, $0x3;
	s22 =	sadd.s32 @!p1 s22, s23;
	s23 =	sand.u32 @!p1 $0x7, s10  }
0x30: {  	s20 =	sand.u32 @!p1 $0x780, s20;
	s21 =	sadd.s32 @!p1 s21, s22;
	s22 =	sshll.u32 @!p1 s23, $0x12  }
0x31: {  	s20 =	sadd.s32 @!p1 s20, s21;
	s21 =	sor.u32 @!p1 $0x80, s22;
	s22 =	simm.s32 @!p1 $0x14000  }
0x32: {  	[tilespmem:s19], [sflag:$0x1] =	stream.strided.gather @!p1 [hbm4b:s20+s21], $0x4000, s22, s21, $0x38;
	[tilespmem:$0x10100] =	vst v63  }
0x33: {  	p1 =	sge.u32 s31, s6  }
.Ltmp2:
0x34: {  	_ = 	snop;
	(pc) =	sbr.rel @p1 .LBB1_5-.Ltmp2, $1  }
0x35: {  	_ =	sdelay $0x3  }
0x36: {  	s19 =	simm.s32 $0x1  }
0x37: {  	_ =	swait.ge [sflag:s5], $0x4000;
	s19 =	simm.s32 @!p0 $0x0  }
0x38: {  	[sflag:s5] =	ssyncset.done $0x0;
	s20 =	sshll.u32 s19, $0xE  }
0x39: {  	[sflag:s5] =	ssyncadd.s32 $0xFFFFC000;
	s22 =	sor.u32 $0x40, s20  }
0x3a: {  	s19 =	smul.u32 $0x10200, s19;
	v0 =	vld [tilespmem:s22+$0x30]  }
0x3b: {  	v3 =	vld [tilespmem:s22+$0xFFFFFFD0]  }
0x3c: {  	s19 =	sshrl.u32 s19, $0x2;
	v4 =	vld [tilespmem:s22+$0xFFFFFFE0]  }
0x3d: {  	v5 =	vld [tilespmem:s22+$0xFFFFFFF0];
	s20 =	sor.u32 $0x8000, s19  }
0x3e: {  	s31 =	sand.u32 $0x1, s14;
	v1 =	vld [tilespmem:s22+$0x0];
	s21 =	sadd.s32 $0x0, s20  }
0x3f: {  	v2 =	vld [tilespmem:s22+$0x10];
	s19 =	smul.u32 $0x10200, s31;
	[tilespmem:s21+$0x3870 ss:$0x81] =	vst.msk $0xffff, v0  }
0x40: {  	[tilespmem:s21+$0x810 ss:$0x81] =	vst.msk $0xffff, v3;
	v3 =	vld [tilespmem:s22+$0x20]  }
0x41: {  	s19 =	sshrl.u32 s19, $0x2;
	v0 =	vld [tilespmem:s22+$0xFFFFFFC0];
	[tilespmem:s21+$0x1020 ss:$0x81] =	vst.msk $0xffff, v4;
	s22 =	sadd.s32 $0x80, s22  }
0x42: {  	s23 =	simm.s32 $0x4;
	s24 =	simm.s32 $0x8;
	s19 =	sor.u32 $0x8000, s19;
	[tilespmem:s21+$0x1830 ss:$0x81] =	vst.msk $0xffff, v5;
	v4 =	vld [tilespmem:s22+$0x30]  }
.LBB1_3:
0x43: {  	p1 =	sne.s32 s24, $0x1FC;
	v5 =	vld [tilespmem:s22+$0xFFFFFFD0];
	[tilespmem:s21+$0x2040 ss:$0x81] =	vst.msk $0xffff, v1  }
0x44: {  	v6 =	vld [tilespmem:s22+$0xFFFFFFE0];
	[tilespmem:s21+$0x2850 ss:$0x81] =	vst.msk $0xffff, v2  }
0x45: {  	s25 =	sshra.s32 s23, $0x2;
	s23 =	smov.u32 s24;
	v7 =	vld [tilespmem:s22+$0xFFFFFFF0];
	[tilespmem:s21+$0x3060 ss:$0x81] =	vst.msk $0xffff, v3  }
.Ltmp3:
0x46: {  	v1 =	vld [tilespmem:s22+$0x0];
	[tilespmem:s21+$0x0 ss:$0x81] =	vst.msk $0xffff, v0;
	s21 =	sadd.s32 s25, s20;
	(pc) =	sbr.rel @p1 .LBB1_3-.Ltmp3, $4  }
0x47: {  	v2 =	vld [tilespmem:s22+$0x10];
	[tilespmem:s21+$0x3870 ss:$0x81] =	vst.msk $0xffff, v4  }
0x48: {  	[tilespmem:s21+$0x810 ss:$0x81] =	vst.msk $0xffff, v5;
	v3 =	vld [tilespmem:s22+$0x20]  }
0x49: {  	v0 =	vld [tilespmem:s22+$0xFFFFFFC0];
	[tilespmem:s21+$0x1020 ss:$0x81] =	vst.msk $0xffff, v6;
	s22 =	sadd.s32 $0x80, s22  }
0x4a: {  	s24 =	sadd.s32 $0x4, s24;
	v4 =	vld [tilespmem:s22+$0x30];
	[tilespmem:s21+$0x1830 ss:$0x81] =	vst.msk $0xffff, v7  }
.Ltmp4:
0x4b: {  	_ = 	snop;
	(pc) =	sbr.rel .LBB1_4-.Ltmp4, $1  }
0x4c: {  	_ =	sdelay $0x3  }
.LBB1_6:
0x4d: {  	_ =	sfence.sel $0x180000  }
0x4e: {  	s2 =	simm.s32 $0x1;
	[bflag:$0x0] =	sbarrier.arrive $0xFFFF  }
0x4f: {  	s31 =	simm.s32 $0x2;
	[sflag:s2] =	ssyncpa.u1 $0x1  }
0x50: {  	[sflag:s31] =	ssyncpa.u1 $0x1  }
0x51: {  	p0 =	sne.s32 s0, $0x0;
	_ =	strace $0x90000047  }
0x52: {  	s0 =	sadd.s32 @!p0 $0x100000, s1;
	[bflag:$0x2] =	sbarrier.arrive $0xFFFF  }
0x53: {  	[sflag:s0] =	ssyncadd.tile.s32 @!p0 $0x1;
	_ =	shalt  }
.Lfunc_end1:
_tile_overlayer_lowered:
.L_overlay_start_2:
0x54: {  	(tag) =	ssettag $0x2  }
0x55: {  	s0 =	rddreg [dreg:$0x0];
	s2 =	stileid.u32  }
0x56: {  	s1 =	rddreg [dreg:$0x1];
	p0 =	sne.s32 s2, $0x0  }
0x57: {  	s3 =	rddreg [dreg:$0x2];
	[bflag:$0x3] =	sbarrier.arrive $0xFFFF;
	s2 =	simm.s32 @!p0 $0x1C01  }
0x58: {  	[timem:s3], [sflag:s2] =	dma.local @!p0 [hbm:s0], s1  }
0x59: {  	s0 =	simm.s32 @!p0 $0x1  }
0x5a: {  	_ =	swait.ge @!p0 [sflag:s0], s1  }
0x5b: {  	s1 =	ssub.s32 @!p0 $0x0, s1;
	[sflag:s0] =	ssyncset.done @!p0 $0x0  }
0x5c: {  	[sflag:s0] =	ssyncadd.s32 @!p0 s1  }
0x5d: {  	[bflag:$0x3] =	sbarrier.arrive $0xFFFF  }
0x5e: {  	_ =	shalt  }

</sc_bundles>
